<compile_context>
chip_gen: v7x
topology: tpu7x:2x2x1
jax: 0.10.2.dev20260603
libtpu: 0.0.44.dev20260713+nightly
codegen_flags: <defaults>
</compile_context>

<pallas_src>
import functools

import jax
import jax.numpy as jnp
from jax import lax
from jax.experimental import pallas as pl
from jax.experimental.pallas import tpu as pltpu
from jax.experimental.pallas import tpu_sc as plsc

F32 = jnp.float32

NC = 2
NS = 16
NW = NC * NS
LANES = 16

T_EDGE = 128
T_NODE = 80



def _k1_body(x_ref, b16_ref, u_ref, wxr_ref, wxc_ref, wu_ref, eb1_ref,
             a_ref, c_ref):
    x = x_ref[...]
    u2 = jnp.dot(u_ref[...], wu_ref[...], preferred_element_type=F32)
    tn = b16_ref.shape[0]
    iota = lax.broadcasted_iota(jnp.int32, (tn, 16), 1)
    oh = (b16_ref[...] == iota).astype(F32)
    a_ref[...] = (jnp.dot(x, wxr_ref[...], preferred_element_type=F32)
                  + jnp.dot(oh, u2, preferred_element_type=F32)
                  + eb1_ref[...])
    c_ref[...] = jnp.dot(x, wxc_ref[...], preferred_element_type=F32)


def _run_k1(x, b16, u, wxr, wxc, wu, eb1, n, dn, tn):
    nblk = n // tn
    full = lambda *shape: pl.BlockSpec(shape, lambda i: tuple(0 for _ in shape))
    return pl.pallas_call(
        _k1_body,
        grid=(nblk,),
        in_specs=[
            pl.BlockSpec((tn, dn), lambda i: (i, 0)),
            pl.BlockSpec((tn, 16), lambda i: (i, 0)),
            full(16, 32),
            full(dn, 128),
            full(dn, 128),
            full(32, 128),
            full(1, 128),
        ],
        out_specs=[
            pl.BlockSpec((tn, 128), lambda i: (i, 0)),
            pl.BlockSpec((tn, 128), lambda i: (i, 0)),
        ],
        out_shape=[
            jax.ShapeDtypeStruct((n, 128), F32),
            jax.ShapeDtypeStruct((n, 128), F32),
        ],
    )(x, b16, u, wxr, wxc, wu, eb1)



def _k2_body(n, e, a_hbm, c_hbm, row_hbm, col_hbm, g_hbm,
             idx_r, idx_c, buf_a, buf_c,
             sa0, sa1, sc0, sc1, sg0, sg1):
    cid = lax.axis_index("c")
    sid = lax.axis_index("s")
    wid = sid * NC + cid
    nchunks_tot = e // T_EDGE
    sa = (sa0, sa1)
    sc = (sc0, sc1)
    sg = (sg0, sg1)

    def load_idx(cc, slot):
        base = pl.multiple_of(cc * T_EDGE, T_EDGE)
        pltpu.sync_copy(row_hbm.at[pl.ds(base, T_EDGE)], idx_r.at[slot])
        pltpu.sync_copy(col_hbm.at[pl.ds(base, T_EDGE)], idx_c.at[slot])

    def fire_gathers(slot):
        pltpu.async_copy(a_hbm.at[idx_r.at[slot]], buf_a.at[slot], sa[slot])
        pltpu.async_copy(c_hbm.at[idx_c.at[slot]], buf_c.at[slot], sc[slot])

    def wait_gathers(slot):
        pltpu.make_async_copy(a_hbm.at[idx_r.at[slot]], buf_a.at[slot],
                              sa[slot]).wait()
        pltpu.make_async_copy(c_hbm.at[idx_c.at[slot]], buf_c.at[slot],
                              sc[slot]).wait()

    def wait_gwrite(cc, slot):
        base = pl.multiple_of(cc * T_EDGE, T_EDGE)
        pltpu.make_async_copy(buf_a.at[slot], g_hbm.at[pl.ds(base, T_EDGE)],
                              sg[slot]).wait()

    load_idx(wid, 0)
    fire_gathers(0)

    kmax = (nchunks_tot + NW - 1) // NW
    niter = (kmax + 1) // 2

    def step(ci, carry):
        for b in (0, 1):
            k = ci * 2 + b
            c = wid + k * NW
            cn = c + NW
            nb = 1 - b

            @pl.when(cn < nchunks_tot)
            def _():
                @pl.when(k >= 1)
                def _():
                    wait_gwrite(c - NW, nb)

                load_idx(cn, nb)
                fire_gathers(nb)

            @pl.when(c < nchunks_tot)
            def _():
                wait_gathers(b)
                base = pl.multiple_of(c * T_EDGE, T_EDGE)

                def addrow(i, cy):
                    for j in range(128 // LANES):
                        sl = pl.ds(j * LANES, LANES)
                        buf_a[b, i, sl] = buf_a[b, i, sl] + buf_c[b, i, sl]
                    return cy

                lax.fori_loop(0, T_EDGE, addrow, 0)
                pltpu.async_copy(buf_a.at[b], g_hbm.at[pl.ds(base, T_EDGE)],
                                 sg[b])
        return carry

    lax.fori_loop(0, niter, step, 0)
    nchunks_w = (nchunks_tot - wid + NW - 1) // NW
    for b in (0, 1):
        kb = nchunks_w - 1 - ((nchunks_w - 1 - b) % 2)
        wait_gwrite(wid + kb * NW, b)


def _run_k2(a, c, row, col, n, e):
    mesh = plsc.VectorSubcoreMesh(core_axis_name="c", subcore_axis_name="s",
                                  num_cores=NC, num_subcores=NS)
    k = functools.partial(
        pl.kernel,
        out_type=jax.ShapeDtypeStruct((e, 128), F32),
        mesh=mesh,
        scratch_types=[
            pltpu.VMEM((2, T_EDGE), jnp.int32),
            pltpu.VMEM((2, T_EDGE), jnp.int32),
            pltpu.VMEM((2, T_EDGE, 128), F32),
            pltpu.VMEM((2, T_EDGE, 128), F32),
            pltpu.SemaphoreType.DMA,
            pltpu.SemaphoreType.DMA,
            pltpu.SemaphoreType.DMA,
            pltpu.SemaphoreType.DMA,
            pltpu.SemaphoreType.DMA,
            pltpu.SemaphoreType.DMA,
        ],
    )(functools.partial(_k2_body, n, e))
    return k(a, c, row, col)



def _k3_body(g_ref, ea_ref, we_ref, ew2_ref, eb2_ref, e_ref):
    eh = jnp.maximum(
        g_ref[...] + jnp.dot(ea_ref[...], we_ref[...],
                             preferred_element_type=F32), 0.0)
    e_ref[...] = (jnp.dot(eh, ew2_ref[...], preferred_element_type=F32)
                  + eb2_ref[...])


def _run_k3(g, ea, we, ew2, eb2, e, de, te):
    nblk = e // te
    full = lambda *shape: pl.BlockSpec(shape, lambda i: tuple(0 for _ in shape))
    return pl.pallas_call(
        _k3_body,
        grid=(nblk,),
        in_specs=[
            pl.BlockSpec((te, 128), lambda i: (i, 0)),
            pl.BlockSpec((te, de), lambda i: (i, 0)),
            full(de, 128),
            full(128, de),
            full(1, de),
        ],
        out_specs=pl.BlockSpec((te, de), lambda i: (i, 0)),
        out_shape=jax.ShapeDtypeStruct((e, de), F32),
    )(g, ea, we, ew2, eb2)



def _k4a_body(n, e, x_hbm, row_hbm, col_hbm, aggx_hbm,
              idxa, idxb, buf_s, zbuf, acc_sh,
              si0, si1, ss0, ss1):
    cid = lax.axis_index("c")
    sid = lax.axis_index("s")
    wid = sid * NC + cid
    nchunks_tot = e // T_EDGE
    nchunks_n = n // T_NODE
    si = (si0, si1)
    ss = (ss0, ss1)

    zv = jnp.zeros((LANES,), F32)
    nz_w = (nchunks_n - sid + NS - 1) // NS
    kmax = (nchunks_tot + NW - 1) // NW
    niter = (kmax + 1) // 2

    def z0(i, carry):
        for j in range(128 // LANES):
            zbuf[i, pl.ds(j * LANES, LANES)] = zv
        return carry

    lax.fori_loop(0, T_NODE, z0, 0)

    def zchunk(ci, carry):
        b = pl.multiple_of((sid + ci * NS) * T_NODE, T_NODE)
        pltpu.sync_copy(zbuf, acc_sh.at[pl.ds(b, T_NODE)])
        return carry

    lax.fori_loop(0, nz_w, zchunk, 0)
    plsc.subcore_barrier()

    def wait_scatter(slot):
        pltpu.make_async_copy(buf_s.at[slot], acc_sh.at[idxb.at[slot]],
                              ss[slot]).wait()

    def load_idx_x(cc, slot):
        base = pl.multiple_of(cc * T_EDGE, T_EDGE)
        pltpu.sync_copy(row_hbm.at[pl.ds(base, T_EDGE)], idxa.at[slot])
        pltpu.sync_copy(col_hbm.at[pl.ds(base, T_EDGE)], idxb.at[slot])

    load_idx_x(wid, 0)
    pltpu.async_copy(x_hbm.at[idxa.at[0]], buf_s.at[0], si[0])

    def step_x(ci, carry):
        for b in (0, 1):
            k = ci * 2 + b
            c = wid + k * NW
            cn = c + NW
            nb = 1 - b

            @pl.when(cn < nchunks_tot)
            def _():
                @pl.when(k >= 1)
                def _():
                    wait_scatter(nb)

                load_idx_x(cn, nb)
                pltpu.async_copy(x_hbm.at[idxa.at[nb]], buf_s.at[nb],
                                 si[nb])

            @pl.when(c < nchunks_tot)
            def _():
                pltpu.make_async_copy(x_hbm.at[idxa.at[b]], buf_s.at[b],
                                      si[b]).wait()
                pltpu.async_copy(buf_s.at[b], acc_sh.at[idxb.at[b]],
                                 ss[b], add=True)
        return carry

    lax.fori_loop(0, niter, step_x, 0)
    for b in (0, 1):
        wait_scatter(b)
    plsc.subcore_barrier()

    def ochunk(ci, carry):
        b = pl.multiple_of((sid + ci * NS) * T_NODE, T_NODE)
        ob = pl.multiple_of(cid * n + (sid + ci * NS) * T_NODE, T_NODE)
        pltpu.sync_copy(acc_sh.at[pl.ds(b, T_NODE)],
                        aggx_hbm.at[pl.ds(ob, T_NODE)])
        return carry

    lax.fori_loop(0, nz_w, ochunk, 0)


def _run_k4a(x, row, col, n, e):
    mesh = plsc.VectorSubcoreMesh(core_axis_name="c", subcore_axis_name="s",
                                  num_cores=NC, num_subcores=NS)
    k = functools.partial(
        pl.kernel,
        out_type=jax.ShapeDtypeStruct((NC * n, 128), F32),
        mesh=mesh,
        scratch_types=[
            pltpu.VMEM((2, T_EDGE), jnp.int32),
            pltpu.VMEM((2, T_EDGE), jnp.int32),
            pltpu.VMEM((2, T_EDGE, 128), F32),
            pltpu.VMEM((T_NODE, 128), F32),
            pltpu.VMEM_SHARED((n, 128), F32),
            pltpu.SemaphoreType.DMA,
            pltpu.SemaphoreType.DMA,
            pltpu.SemaphoreType.DMA,
            pltpu.SemaphoreType.DMA,
        ],
    )(functools.partial(_k4a_body, n, e))
    return k(x, row, col)


def _k4_body(n, e, ev_hbm, row_hbm, col_hbm,
             acc_ce_hbm, acc_re_hbm,
             idxa, buf_e, buf_s, zbuf, acc_sh,
             si0, si1, ss0, ss1):
    cid = lax.axis_index("c")
    sid = lax.axis_index("s")
    wid = sid * NC + cid
    nchunks_tot = e // T_EDGE
    nchunks_n = n // T_NODE
    erows = T_EDGE // 8
    si = (si0, si1)
    ss = (ss0, ss1)

    zv = jnp.zeros((LANES,), F32)
    lane = lax.iota(jnp.int32, LANES)
    onev = jnp.where(lane == 0, 1.0, 0.0).astype(F32)

    nz_w = (nchunks_n - sid + NS - 1) // NS
    kmax = (nchunks_tot + NW - 1) // NW
    niter = (kmax + 1) // 2
    nchunks_w = (nchunks_tot - wid + NW - 1) // NW

    def z0(i, carry):
        for j in range(128 // LANES):
            zbuf[i, pl.ds(j * LANES, LANES)] = zv
        return carry

    lax.fori_loop(0, T_NODE, z0, 0)

    def z1(i, carry):
        for b in (0, 1):
            for j in range(128 // LANES):
                buf_s[b, i, pl.ds(j * LANES, LANES)] = zv
        return carry

    lax.fori_loop(0, T_EDGE, z1, 0)

    def zero_acc():
        def zchunk(ci, carry):
            b = pl.multiple_of((sid + ci * NS) * T_NODE, T_NODE)
            pltpu.sync_copy(zbuf, acc_sh.at[pl.ds(b, T_NODE)])
            return carry

        lax.fori_loop(0, nz_w, zchunk, 0)

    def copy_out(out_hbm):
        def ochunk(ci, carry):
            b = pl.multiple_of((sid + ci * NS) * T_NODE, T_NODE)
            ob = pl.multiple_of(cid * n + (sid + ci * NS) * T_NODE, T_NODE)
            pltpu.sync_copy(acc_sh.at[pl.ds(b, T_NODE)],
                            out_hbm.at[pl.ds(ob, T_NODE)])
            return carry

        lax.fori_loop(0, nz_w, ochunk, 0)

    def wait_scatter(slot, sidx_ref):
        pltpu.make_async_copy(buf_s.at[slot], acc_sh.at[sidx_ref.at[slot]],
                              ss[slot]).wait()

    def drain_tail(sidx_ref):
        for b in (0, 1):
            wait_scatter(b, sidx_ref)

    for phase, (idx_hbm, out_hbm, markv) in enumerate(
            ((col_hbm, acc_ce_hbm, zv), (row_hbm, acc_re_hbm, onev))):
        zero_acc()
        plsc.subcore_barrier()

        def fire_reads(cc, slot):
            base = pl.multiple_of(cc * T_EDGE, T_EDGE)
            vbase = pl.multiple_of(cc * erows, erows)
            pltpu.async_copy(idx_hbm.at[pl.ds(base, T_EDGE)],
                             idxa.at[slot], si[slot])
            pltpu.async_copy(ev_hbm.at[pl.ds(vbase, erows)],
                             buf_e.at[slot], si[slot])

        def wait_reads(cc, slot):
            base = pl.multiple_of(cc * T_EDGE, T_EDGE)
            vbase = pl.multiple_of(cc * erows, erows)
            pltpu.make_async_copy(idx_hbm.at[pl.ds(base, T_EDGE)],
                                  idxa.at[slot], si[slot]).wait()
            pltpu.make_async_copy(ev_hbm.at[pl.ds(vbase, erows)],
                                  buf_e.at[slot], si[slot]).wait()

        fire_reads(wid, 0)

        def step(ci, carry):
            for b in (0, 1):
                k = ci * 2 + b
                c = wid + k * NW
                cn = c + NW
                nb = 1 - b

                @pl.when(cn < nchunks_tot)
                def _():
                    @pl.when(k >= 1)
                    def _():
                        wait_scatter(nb, idxa)

                    fire_reads(cn, nb)

                @pl.when(c < nchunks_tot)
                def _():
                    wait_reads(c, b)

                    def build(i, cy):
                        for j in range(8):
                            v = buf_e[b, i, pl.ds(j * LANES, LANES)]
                            buf_s[b, i * 8 + j, pl.ds(0, LANES)] = v
                            buf_s[b, i * 8 + j, pl.ds(LANES, LANES)] = markv
                        return cy

                    lax.fori_loop(0, erows, build, 0)
                    pltpu.async_copy(buf_s.at[b], acc_sh.at[idxa.at[b]],
                                     ss[b], add=True)
            return carry

        lax.fori_loop(0, niter, step, 0)
        drain_tail(idxa)
        plsc.subcore_barrier()
        copy_out(out_hbm)
        if phase == 0:
            plsc.subcore_barrier()


def _run_k4(e_view, row, col, n, e):
    mesh = plsc.VectorSubcoreMesh(core_axis_name="c", subcore_axis_name="s",
                                  num_cores=NC, num_subcores=NS)
    sds = jax.ShapeDtypeStruct((NC * n, 128), F32)
    k = functools.partial(
        pl.kernel,
        out_type=(sds, sds),
        mesh=mesh,
        scratch_types=[
            pltpu.VMEM((2, T_EDGE), jnp.int32),
            pltpu.VMEM((2, T_EDGE // 8, 128), F32),
            pltpu.VMEM((2, T_EDGE, 128), F32),
            pltpu.VMEM((T_NODE, 128), F32),
            pltpu.VMEM_SHARED((n, 128), F32),
            pltpu.SemaphoreType.DMA,
            pltpu.SemaphoreType.DMA,
            pltpu.SemaphoreType.DMA,
            pltpu.SemaphoreType.DMA,
        ],
    )(functools.partial(_k4_body, n, e))
    return k(e_view, row, col)



def _k5_body(nblk,
             x_ref, b16_ref, u_ref,
             aggx0, aggx1, ce0, ce1, re0, re1,
             n1w1x, n1w1e, n1b1, n1w2, n1b2,
             n2w1x, n2w1h, n2w1u, n2b1, n2w2, n2b2,
             gw1u, gw1n, gw1e, gb1, gw2, gb2,
             xn_ref, un_ref,
             s_nsum, s_esum, s_ecnt, s_ncnt):
    i = pl.program_id(0)
    tn = x_ref.shape[0]
    iota = lax.broadcasted_iota(jnp.int32, (tn, 16), 1)
    oh = (b16_ref[...] == iota).astype(F32)

    aggx = aggx0[...] + aggx1[...]
    acc_ce = ce0[...] + ce1[...]
    acc_re = re0[...] + re1[...]
    aggec = acc_ce[:, 0:16]
    agger = acc_re[:, 0:16]
    cntcol = acc_re[:, 16:32]

    s = (jnp.dot(aggx, n1w1x[...], preferred_element_type=F32)
         + jnp.dot(aggec, n1w1e[...], preferred_element_type=F32)
         + n1b1[...])
    h = (jnp.dot(jnp.maximum(s, 0.0), n1w2[...], preferred_element_type=F32)
         + n1b2[...])
    u3 = jnp.dot(u_ref[...], n2w1u[...], preferred_element_type=F32)
    pre = (jnp.dot(x_ref[...], n2w1x[...], preferred_element_type=F32)
           + jnp.dot(h, n2w1h[...], preferred_element_type=F32)
           + jnp.dot(oh, u3, preferred_element_type=F32)
           + n2b1[...])
    xn = (jnp.dot(jnp.maximum(pre, 0.0), n2w2[...],
                  preferred_element_type=F32) + n2b2[...])
    xn_ref[...] = xn

    @pl.when(i == 0)
    def _():
        s_nsum[...] = jnp.zeros_like(s_nsum)
        s_esum[...] = jnp.zeros_like(s_esum)
        s_ecnt[...] = jnp.zeros_like(s_ecnt)
        s_ncnt[...] = jnp.zeros_like(s_ncnt)

    dnums = (((0,), (0,)), ((), ()))
    s_nsum[...] += lax.dot_general(oh, xn, dnums, preferred_element_type=F32)
    s_esum[...] += lax.dot_general(oh, agger, dnums,
                                   preferred_element_type=F32)
    s_ecnt[...] += lax.dot_general(oh, cntcol, dnums,
                                   preferred_element_type=F32)
    s_ncnt[...] += lax.dot_general(oh, jnp.ones_like(oh), dnums,
                                   preferred_element_type=F32)

    @pl.when(i == nblk - 1)
    def _():
        ncnt = jnp.maximum(s_ncnt[:, 0:1], 1.0)
        node_info = s_nsum[...] / ncnt
        ecnt = jnp.maximum(s_ecnt[:, 0:1], 1.0)
        edge_info = s_esum[...] / ecnt
        g1 = (jnp.dot(u_ref[...], gw1u[...], preferred_element_type=F32)
              + jnp.dot(node_info, gw1n[...], preferred_element_type=F32)
              + jnp.dot(edge_info, gw1e[...], preferred_element_type=F32)
              + gb1[...])
        un_ref[...] = (jnp.dot(jnp.maximum(g1, 0.0), gw2[...],
                               preferred_element_type=F32) + gb2[...])


def _run_k5(x, b16, u, aggx_pp, acc_ce_pp, acc_re_pp,
            n1w1x, n1w1e, n1b1, n1w2, n1b2,
            n2w1x, n2w1h, n2w1u, n2b1, n2w2, n2b2,
            gw1u, gw1n, gw1e, gb1, gw2, gb2,
            n, dn, dg, de, tn):
    nblk = n // tn
    full = lambda *shape: pl.BlockSpec(shape, lambda i: tuple(0 for _ in shape))
    p0 = pl.BlockSpec((tn, 128), lambda i: (i, 0))
    p1 = pl.BlockSpec((tn, 128), lambda i: (i + nblk, 0))
    return pl.pallas_call(
        functools.partial(_k5_body, nblk),
        grid=(nblk,),
        in_specs=[
            pl.BlockSpec((tn, dn), lambda i: (i, 0)),
            pl.BlockSpec((tn, 16), lambda i: (i, 0)),
            full(16, dg),
            p0, p1, p0, p1, p0, p1,
            full(dn, 128), full(de, 128), full(1, 128),
            full(128, 128), full(1, 128),
            full(dn, 128), full(128, 128), full(dg, 128), full(1, 128),
            full(128, dn), full(1, dn),
            full(dg, 128), full(dn, 128), full(de, 128), full(1, 128),
            full(128, dg), full(1, dg),
        ],
        out_specs=[
            pl.BlockSpec((tn, dn), lambda i: (i, 0)),
            pl.BlockSpec((16, dg), lambda i: (0, 0)),
        ],
        out_shape=[
            jax.ShapeDtypeStruct((n, dn), F32),
            jax.ShapeDtypeStruct((16, dg), F32),
        ],
        scratch_shapes=[
            pltpu.VMEM((16, 128), F32),
            pltpu.VMEM((16, de), F32),
            pltpu.VMEM((16, 16), F32),
            pltpu.VMEM((16, 16), F32),
        ],
    )(x, b16, u, aggx_pp, aggx_pp, acc_ce_pp, acc_ce_pp,
      acc_re_pp, acc_re_pp,
      n1w1x, n1w1e, n1b1, n1w2, n1b2,
      n2w1x, n2w1h, n2w1u, n2b1, n2w2, n2b2,
      gw1u, gw1n, gw1e, gb1, gw2, gb2)



def kernel(x, edge_index, edge_attr, u, batch,
           ew1, eb1, ew2, eb2,
           n1w1, n1b1, n1w2, n1b2,
           n2w1, n2b1, n2w2, n2b2,
           gw1, gb1, gw2, gb2):
    n, dn = x.shape
    e, de = edge_attr.shape
    dg = u.shape[1]
    tn = 1000

    row = edge_index[0]
    col = edge_index[1]
    b16 = jnp.broadcast_to(batch[:, None], (n, 16))

    wxr = ew1[0:dn]
    wxc = ew1[dn:2 * dn]
    we = ew1[2 * dn:2 * dn + de]
    wu = ew1[2 * dn + de:]
    eb1r = eb1[None, :]
    eb2r = eb2[None, :]
    n1w1x = n1w1[0:dn]
    n1w1e = n1w1[dn:]
    n2w1x = n2w1[0:dn]
    n2w1h = n2w1[dn:dn + 128]
    n2w1u = n2w1[dn + 128:]
    gw1u = gw1[0:dg]
    gw1n = gw1[dg:dg + dn]
    gw1e = gw1[dg + dn:]

    aggx_pp = _run_k4a(x, row, col, n, e)
    a, c = _run_k1(x, b16, u, wxr, wxc, wu, eb1r, n, dn, tn)
    g = _run_k2(a, c, row, col, n, e)
    e_new = _run_k3(g, edge_attr, we, ew2, eb2r, e, de, 2000)
    e_view = jnp.reshape(e_new, (e // 8, 128))
    acc_ce_pp, acc_re_pp = _run_k4(e_view, row, col, n, e)
    x_new, u_new = _run_k5(
        x, b16, u, aggx_pp, acc_ce_pp, acc_re_pp,
        n1w1x, n1w1e, n1b1[None, :], n1w2, n1b2[None, :],
        n2w1x, n2w1h, n2w1u, n2b1[None, :], n2w2, n2b2[None, :],
        gw1u, gw1n, gw1e, gb1[None, :], gw2, gb2[None, :],
        n, dn, dg, de, tn)
    return (x_new, e_new, u_new)

# --- scband reference (transcript-rebuilt; emitter-appended) ---
"""Pipeline reference for scband-meta-layer-ml3-31284541784582 (READ-ONLY COPY).

The authoritative reference and input builder live on the scoring server;
editing this copy changes nothing except your own understanding.
"""

import jax, jax.numpy as jnp
import numpy as np

N = 10000
E = 320000
G = 16
DN = 128
DE = 16
DG = 32
H = 128


def _mlp(x, w1, b1, w2, b2):
    # dropout p=0.0 / eval mode -> identity
    h = jnp.maximum(x @ w1 + b1, 0.0)
    return h @ w2 + b2


def setup_inputs(seed: int = 0) -> dict:
    key = jax.random.key(seed)
    ks = [jax.random.fold_in(key, i) for i in range(32)]
    inp = {}
    inp['x'] = jax.random.normal(ks[0], (N, DN), dtype=jnp.float32)
    inp['edge_index'] = jax.random.randint(ks[1], (2, E), 0, N, dtype=jnp.int32)
    inp['edge_attr'] = jax.random.normal(ks[2], (E, DE), dtype=jnp.float32)
    inp['u'] = jax.random.normal(ks[3], (G, DG), dtype=jnp.float32)
    inp['batch'] = jnp.sort(jax.random.randint(ks[4], (N,), 0, G, dtype=jnp.int32))
    s = 0.05
    # edge MLP: in = 2*DN + DE + DG = 304
    inp['ew1'] = s * jax.random.normal(ks[5], (2 * DN + DE + DG, H), dtype=jnp.float32)
    inp['eb1'] = jnp.zeros((H,), dtype=jnp.float32)
    inp['ew2'] = s * jax.random.normal(ks[6], (H, DE), dtype=jnp.float32)
    inp['eb2'] = jnp.zeros((DE,), dtype=jnp.float32)
    # node MLP1: in = DN + DE = 144, out = H
    inp['n1w1'] = s * jax.random.normal(ks[7], (DN + DE, H), dtype=jnp.float32)
    inp['n1b1'] = jnp.zeros((H,), dtype=jnp.float32)
    inp['n1w2'] = s * jax.random.normal(ks[8], (H, H), dtype=jnp.float32)
    inp['n1b2'] = jnp.zeros((H,), dtype=jnp.float32)
    # node MLP2: in = H + DN + DG = 288, out = DN
    inp['n2w1'] = s * jax.random.normal(ks[9], (H + DN + DG, H), dtype=jnp.float32)
    inp['n2b1'] = jnp.zeros((H,), dtype=jnp.float32)
    inp['n2w2'] = s * jax.random.normal(ks[10], (H, DN), dtype=jnp.float32)
    inp['n2b2'] = jnp.zeros((DN,), dtype=jnp.float32)
    # global MLP: in = DG + DN + DE = 176, out = DG
    inp['gw1'] = s * jax.random.normal(ks[11], (DG + DN + DE, H), dtype=jnp.float32)
    inp['gb1'] = jnp.zeros((H,), dtype=jnp.float32)
    inp['gw2'] = s * jax.random.normal(ks[12], (H, DG), dtype=jnp.float32)
    inp['gb2'] = jnp.zeros((DG,), dtype=jnp.float32)
    return inp


def reference(x, edge_index, edge_attr, u, batch,
              ew1, eb1, ew2, eb2,
              n1w1, n1b1, n1w2, n1b2,
              n2w1, n2b1, n2w2, n2b2,
              gw1, gb1, gw2, gb2):
    row = edge_index[0]
    col = edge_index[1]
    # --- EdgeModel ---
    e_in = jnp.concatenate([x[row], x[col], edge_attr, u[batch[row]]], axis=1)
    e_new = _mlp(e_in, ew1, eb1, ew2, eb2)
    # --- NodeModel ---
    m = jnp.concatenate([x[row], e_new], axis=1)
    agg = jax.ops.segment_sum(m, col, num_segments=N)
    h = _mlp(agg, n1w1, n1b1, n1w2, n1b2)
    n_in = jnp.concatenate([x, h, u[batch]], axis=1)
    x_new = _mlp(n_in, n2w1, n2b1, n2w2, n2b2)
    # --- GlobalModel ---
    eb = batch[row]
    e_sum = jax.ops.segment_sum(e_new, eb, num_segments=G)
    e_cnt = jax.ops.segment_sum(jnp.ones((E,), dtype=jnp.float32), eb, num_segments=G)
    edge_info = e_sum / jnp.maximum(e_cnt, 1.0)[:, None]
    n_sum = jax.ops.segment_sum(x_new, batch, num_segments=G)
    n_cnt = jax.ops.segment_sum(jnp.ones((N,), dtype=jnp.float32), batch, num_segments=G)
    node_info = n_sum / jnp.maximum(n_cnt, 1.0)[:, None]
    g_in = jnp.concatenate([u, node_info, edge_info], axis=1)
    u_new = _mlp(g_in, gw1, gb1, gw2, gb2)
    return (x_new, e_new, u_new)

if __name__ == "__main__":
    import jax
    _d = setup_inputs()
    print(jax.jit(kernel)(*tuple(_d.values())))

</pallas_src>

<mosaic_0001>
#map = affine_map<(d0, d1) -> (0, 0)>
#map1 = affine_map<(d0, d1) -> (0)>
module attributes {stable_mosaic.version = 14 : i64} {
  func.func @_k2_body(%arg0: i32, %arg1: i32, %arg2: memref<10000x128xf32, #tpu.memory_space<hbm>>, %arg3: memref<10000x128xf32, #tpu.memory_space<hbm>>, %arg4: memref<320000xi32, #tpu.memory_space<hbm>>, %arg5: memref<320000xi32, #tpu.memory_space<hbm>>, %arg6: memref<320000x128xf32, #tpu.memory_space<hbm>>, %arg7: memref<2x128xi32, #tpu.memory_space<vmem>>, %arg8: memref<2x128xi32, #tpu.memory_space<vmem>>, %arg9: memref<2x128x128xf32, #tpu.memory_space<vmem>>, %arg10: memref<2x128x128xf32, #tpu.memory_space<vmem>>, %arg11: memref<!tpu.dma_semaphore, #tpu.memory_space<semaphore_mem>>, %arg12: memref<!tpu.dma_semaphore, #tpu.memory_space<semaphore_mem>>, %arg13: memref<!tpu.dma_semaphore, #tpu.memory_space<semaphore_mem>>, %arg14: memref<!tpu.dma_semaphore, #tpu.memory_space<semaphore_mem>>, %arg15: memref<!tpu.dma_semaphore, #tpu.memory_space<semaphore_mem>>, %arg16: memref<!tpu.dma_semaphore, #tpu.memory_space<semaphore_mem>>) attributes {dimension_semantics = [#tpu.dimension_semantics<core_parallel>, #tpu.dimension_semantics<subcore_parallel>], iteration_bounds = array<i64: 2, 16>, scalar_prefetch = 0 : i64, scratch_operands = 10 : i64, tpu.core_type = #tpu.core_type<sc_vector_subcore>, window_params = [{transform_indices = #map}, {transform_indices = #map}, {transform_indices = #map1}, {transform_indices = #map1}, {transform_indices = #map}]} {
    %mul3A = arith.constant 2 : i32
    %mul3A_0 = arith.muli %arg1, %mul3A : i32
    %add3A = arith.addi %mul3A_0, %arg0 : i32
    %mul3A_1 = arith.constant 128 : i32
    %mul3A_2 = arith.muli %add3A, %mul3A_1 : i32
    %multiple_of3A = tpu.assume_multiple %mul3A_2, 128 : i32
    %run_scoped3A = arith.constant 0 : i32
    "tpu.region"() ({
      %run_scoped3A_135 = tpu.sem_alloc : memref<!tpu.dma_semaphore, #tpu.memory_space<semaphore_mem>>
      %dma_start3A_136 = arith.constant 0 : i32
      %dma_start3A_137 = tpu.memref_slice %arg7[%run_scoped3A, %dma_start3A_136] : memref<2x128xi32, #tpu.memory_space<vmem>> -> memref<1x128xi32, #tpu.memory_space<vmem>>
      %dma_start3A_138 = tpu.memref_squeeze %dma_start3A_137 : memref<1x128xi32, #tpu.memory_space<vmem>> -> memref<128xi32, #tpu.memory_space<vmem>>
      %dma_start3A_139 = tpu.memref_slice %arg4[%multiple_of3A] : memref<320000xi32, #tpu.memory_space<hbm>> -> memref<128xi32, #tpu.memory_space<hbm>>
      %dma_start3A_140 = arith.constant 0 : i32
      %dma_start3A_141 = tpu.memref_slice %arg7[%run_scoped3A, %dma_start3A_140] : memref<2x128xi32, #tpu.memory_space<vmem>> -> memref<1x128xi32, #tpu.memory_space<vmem>>
      %dma_start3A_142 = tpu.memref_squeeze %dma_start3A_141 : memref<1x128xi32, #tpu.memory_space<vmem>> -> memref<128xi32, #tpu.memory_space<vmem>>
      %dma_start3A_143 = tpu.memref_slice %arg4[%multiple_of3A] : memref<320000xi32, #tpu.memory_space<hbm>> -> memref<128xi32, #tpu.memory_space<hbm>>
      tpu.enqueue_dma source(%dma_start3A_143 : memref<128xi32, #tpu.memory_space<hbm>>) target(%dma_start3A_142 : memref<128xi32, #tpu.memory_space<vmem>>) target_semaphore(%run_scoped3A_135 : memref<!tpu.dma_semaphore, #tpu.memory_space<semaphore_mem>>)
      %dma_wait3A_144 = arith.constant 0 : i32
      %dma_wait3A_145 = tpu.memref_slice %arg7[%run_scoped3A, %dma_wait3A_144] : memref<2x128xi32, #tpu.memory_space<vmem>> -> memref<1x128xi32, #tpu.memory_space<vmem>>
      %dma_wait3A_146 = tpu.memref_squeeze %dma_wait3A_145 : memref<1x128xi32, #tpu.memory_space<vmem>> -> memref<128xi32, #tpu.memory_space<vmem>>
      %dma_wait3A_147 = tpu.memref_slice %arg4[%multiple_of3A] : memref<320000xi32, #tpu.memory_space<hbm>> -> memref<128xi32, #tpu.memory_space<hbm>>
      %dma_wait3A_148 = arith.constant 0 : i32
      %dma_wait3A_149 = tpu.memref_slice %arg7[%run_scoped3A, %dma_wait3A_148] : memref<2x128xi32, #tpu.memory_space<vmem>> -> memref<1x128xi32, #tpu.memory_space<vmem>>
      %dma_wait3A_150 = tpu.memref_squeeze %dma_wait3A_149 : memref<1x128xi32, #tpu.memory_space<vmem>> -> memref<128xi32, #tpu.memory_space<vmem>>
      %dma_wait3A_151 = tpu.memref_slice %arg4[%multiple_of3A] : memref<320000xi32, #tpu.memory_space<hbm>> -> memref<128xi32, #tpu.memory_space<hbm>>
      tpu.wait_dma2 semaphore(%run_scoped3A_135 : memref<!tpu.dma_semaphore, #tpu.memory_space<semaphore_mem>>) src(%dma_wait3A_151 : memref<128xi32, #tpu.memory_space<hbm>>) dst(%dma_wait3A_150 : memref<128xi32, #tpu.memory_space<vmem>>)
      tpu.yield
    }) : () -> ()
    %run_scoped3A_3 = arith.constant 0 : i32
    "tpu.region"() ({
      %run_scoped3A_135 = tpu.sem_alloc : memref<!tpu.dma_semaphore, #tpu.memory_space<semaphore_mem>>
      %dma_start3A_136 = arith.constant 0 : i32
      %dma_start3A_137 = tpu.memref_slice %arg8[%run_scoped3A_3, %dma_start3A_136] : memref<2x128xi32, #tpu.memory_space<vmem>> -> memref<1x128xi32, #tpu.memory_space<vmem>>
      %dma_start3A_138 = tpu.memref_squeeze %dma_start3A_137 : memref<1x128xi32, #tpu.memory_space<vmem>> -> memref<128xi32, #tpu.memory_space<vmem>>
      %dma_start3A_139 = tpu.memref_slice %arg5[%multiple_of3A] : memref<320000xi32, #tpu.memory_space<hbm>> -> memref<128xi32, #tpu.memory_space<hbm>>
      %dma_start3A_140 = arith.constant 0 : i32
      %dma_start3A_141 = tpu.memref_slice %arg8[%run_scoped3A_3, %dma_start3A_140] : memref<2x128xi32, #tpu.memory_space<vmem>> -> memref<1x128xi32, #tpu.memory_space<vmem>>
      %dma_start3A_142 = tpu.memref_squeeze %dma_start3A_141 : memref<1x128xi32, #tpu.memory_space<vmem>> -> memref<128xi32, #tpu.memory_space<vmem>>
      %dma_start3A_143 = tpu.memref_slice %arg5[%multiple_of3A] : memref<320000xi32, #tpu.memory_space<hbm>> -> memref<128xi32, #tpu.memory_space<hbm>>
      tpu.enqueue_dma source(%dma_start3A_143 : memref<128xi32, #tpu.memory_space<hbm>>) target(%dma_start3A_142 : memref<128xi32, #tpu.memory_space<vmem>>) target_semaphore(%run_scoped3A_135 : memref<!tpu.dma_semaphore, #tpu.memory_space<semaphore_mem>>)
      %dma_wait3A_144 = arith.constant 0 : i32
      %dma_wait3A_145 = tpu.memref_slice %arg8[%run_scoped3A_3, %dma_wait3A_144] : memref<2x128xi32, #tpu.memory_space<vmem>> -> memref<1x128xi32, #tpu.memory_space<vmem>>
      %dma_wait3A_146 = tpu.memref_squeeze %dma_wait3A_145 : memref<1x128xi32, #tpu.memory_space<vmem>> -> memref<128xi32, #tpu.memory_space<vmem>>
      %dma_wait3A_147 = tpu.memref_slice %arg5[%multiple_of3A] : memref<320000xi32, #tpu.memory_space<hbm>> -> memref<128xi32, #tpu.memory_space<hbm>>
      %dma_wait3A_148 = arith.constant 0 : i32
      %dma_wait3A_149 = tpu.memref_slice %arg8[%run_scoped3A_3, %dma_wait3A_148] : memref<2x128xi32, #tpu.memory_space<vmem>> -> memref<1x128xi32, #tpu.memory_space<vmem>>
      %dma_wait3A_150 = tpu.memref_squeeze %dma_wait3A_149 : memref<1x128xi32, #tpu.memory_space<vmem>> -> memref<128xi32, #tpu.memory_space<vmem>>
      %dma_wait3A_151 = tpu.memref_slice %arg5[%multiple_of3A] : memref<320000xi32, #tpu.memory_space<hbm>> -> memref<128xi32, #tpu.memory_space<hbm>>
      tpu.wait_dma2 semaphore(%run_scoped3A_135 : memref<!tpu.dma_semaphore, #tpu.memory_space<semaphore_mem>>) src(%dma_wait3A_151 : memref<128xi32, #tpu.memory_space<hbm>>) dst(%dma_wait3A_150 : memref<128xi32, #tpu.memory_space<vmem>>)
      tpu.yield
    }) : () -> ()
    %dma_start3A = arith.constant 0 : i32
    %dma_start3A_4 = arith.constant 0 : i32
    %dma_start3A_5 = arith.constant 0 : i32
    %dma_start3A_6 = arith.constant 0 : i32
    %dma_start3A_7 = tpu.memref_slice %arg9[%dma_start3A_4, %dma_start3A_5, %dma_start3A_6] : memref<2x128x128xf32, #tpu.memory_space<vmem>> -> memref<1x128x128xf32, #tpu.memory_space<vmem>>
    %dma_start3A_8 = tpu.memref_squeeze %dma_start3A_7 : memref<1x128x128xf32, #tpu.memory_space<vmem>> -> memref<128x128xf32, #tpu.memory_space<vmem>>
    %dma_start3A_9 = arith.constant 0 : i32
    %dma_start3A_10 = tpu.memref_slice %arg7[%dma_start3A, %dma_start3A_9] : memref<2x128xi32, #tpu.memory_space<vmem>> -> memref<1x128xi32, #tpu.memory_space<vmem>>
    %dma_start3A_11 = tpu.memref_squeeze %dma_start3A_10 : memref<1x128xi32, #tpu.memory_space<vmem>> -> memref<128xi32, #tpu.memory_space<vmem>>
    %dma_start3A_12 = arith.constant 0 : i32
    %dma_start3A_13 = arith.constant 0 : i32
    %dma_start3A_14 = tpu.memref_slice %arg2[%dma_start3A_12, %dma_start3A_13] : memref<10000x128xf32, #tpu.memory_space<hbm>> -> memref<10000x128xf32, #tpu.memory_space<hbm>>
    tpu.enqueue_indirect_dma source(%dma_start3A_14 : memref<10000x128xf32, #tpu.memory_space<hbm>>) target(%dma_start3A_8 : memref<128x128xf32, #tpu.memory_space<vmem>>) offsets(%dma_start3A_11 : memref<128xi32, #tpu.memory_space<vmem>>) semaphore(%arg11 : memref<!tpu.dma_semaphore, #tpu.memory_space<semaphore_mem>>)
    %dma_start3A_15 = arith.constant 0 : i32
    %dma_start3A_16 = arith.constant 0 : i32
    %dma_start3A_17 = arith.constant 0 : i32
    %dma_start3A_18 = arith.constant 0 : i32
    %dma_start3A_19 = tpu.memref_slice %arg10[%dma_start3A_16, %dma_start3A_17, %dma_start3A_18] : memref<2x128x128xf32, #tpu.memory_space<vmem>> -> memref<1x128x128xf32, #tpu.memory_space<vmem>>
    %dma_start3A_20 = tpu.memref_squeeze %dma_start3A_19 : memref<1x128x128xf32, #tpu.memory_space<vmem>> -> memref<128x128xf32, #tpu.memory_space<vmem>>
    %dma_start3A_21 = arith.constant 0 : i32
    %dma_start3A_22 = tpu.memref_slice %arg8[%dma_start3A_15, %dma_start3A_21] : memref<2x128xi32, #tpu.memory_space<vmem>> -> memref<1x128xi32, #tpu.memory_space<vmem>>
    %dma_start3A_23 = tpu.memref_squeeze %dma_start3A_22 : memref<1x128xi32, #tpu.memory_space<vmem>> -> memref<128xi32, #tpu.memory_space<vmem>>
    %dma_start3A_24 = arith.constant 0 : i32
    %dma_start3A_25 = arith.constant 0 : i32
    %dma_start3A_26 = tpu.memref_slice %arg3[%dma_start3A_24, %dma_start3A_25] : memref<10000x128xf32, #tpu.memory_space<hbm>> -> memref<10000x128xf32, #tpu.memory_space<hbm>>
    tpu.enqueue_indirect_dma source(%dma_start3A_26 : memref<10000x128xf32, #tpu.memory_space<hbm>>) target(%dma_start3A_20 : memref<128x128xf32, #tpu.memory_space<vmem>>) offsets(%dma_start3A_23 : memref<128xi32, #tpu.memory_space<vmem>>) semaphore(%arg13 : memref<!tpu.dma_semaphore, #tpu.memory_space<semaphore_mem>>)
    %scan3A = arith.constant 0 : i32
    %scan3A_27 = arith.constant 0 : i32
    %scan3A_28 = arith.constant 40 : i32
    %scan3A_29 = arith.addi %scan3A_27, %scan3A_28 : i32
    %scan3A_30 = arith.constant 1 : i32
    scf.for %scan3A_135 = %scan3A_27 to %scan3A_29 step %scan3A_30  : i32 {
      %mul3A_136 = arith.constant 2 : i32
      %mul3A_137 = arith.muli %scan3A_135, %mul3A_136 : i32
      %add3A_138 = arith.constant 0 : i32
      %add3A_139 = arith.addi %mul3A_137, %add3A_138 : i32
      %mul3A_140 = arith.constant 32 : i32
      %mul3A_141 = arith.muli %add3A_139, %mul3A_140 : i32
      %add3A_142 = arith.addi %add3A, %mul3A_141 : i32
      %add3A_143 = arith.constant 32 : i32
      %add3A_144 = arith.addi %add3A_142, %add3A_143 : i32
      %lt3A_145 = arith.constant 2500 : i32
      %lt3A_146 = arith.cmpi slt, %add3A_144, %lt3A_145 : i32
      %convert_element_type3A = arith.extui %lt3A_146 : i1 to i32
      %cond3A = arith.constant 0 : i32
      %cond3A_147 = arith.cmpi ne, %convert_element_type3A, %cond3A : i32
      scf.if %cond3A_147 {
        %ge3A = arith.constant 1 : i32
        %ge3A_172 = arith.cmpi sge, %add3A_139, %ge3A : i32
        %convert_element_type3A_173 = arith.extui %ge3A_172 : i1 to i32
        %cond3A_174 = arith.constant 0 : i32
        %cond3A_175 = arith.cmpi ne, %convert_element_type3A_173, %cond3A_174 : i32
        scf.if %cond3A_175 {
          %sub3A_205 = arith.constant 32 : i32
          %sub3A_206 = arith.subi %add3A_142, %sub3A_205 : i32
          %mul3A_207 = arith.constant 128 : i32
          %mul3A_208 = arith.muli %sub3A_206, %mul3A_207 : i32
          %multiple_of3A_209 = tpu.assume_multiple %mul3A_208, 128 : i32
          %dma_wait3A_210 = arith.constant 1 : i32
          %dma_wait3A_211 = arith.constant 0 : i32
          %dma_wait3A_212 = arith.constant 0 : i32
          %dma_wait3A_213 = tpu.memref_slice %arg9[%dma_wait3A_210, %dma_wait3A_211, %dma_wait3A_212] : memref<2x128x128xf32, #tpu.memory_space<vmem>> -> memref<1x128x128xf32, #tpu.memory_space<vmem>>
          %dma_wait3A_214 = tpu.memref_squeeze %dma_wait3A_213 : memref<1x128x128xf32, #tpu.memory_space<vmem>> -> memref<128x128xf32, #tpu.memory_space<vmem>>
          %dma_wait3A_215 = arith.constant 0 : i32
          %dma_wait3A_216 = tpu.memref_slice %arg6[%multiple_of3A_209, %dma_wait3A_215] : memref<320000x128xf32, #tpu.memory_space<hbm>> -> memref<128x128xf32, #tpu.memory_space<hbm>>
          %dma_wait3A_217 = arith.constant 0 : i32
          %dma_wait3A_218 = tpu.memref_slice %arg6[%multiple_of3A_209, %dma_wait3A_217] : memref<320000x128xf32, #tpu.memory_space<hbm>> -> memref<128x128xf32, #tpu.memory_space<hbm>>
          %dma_wait3A_219 = arith.constant 0 : i32
          %dma_wait3A_220 = arith.constant 0 : i32
          %dma_wait3A_221 = tpu.memref_slice %arg9[%dma_wait3A_210, %dma_wait3A_219, %dma_wait3A_220] : memref<2x128x128xf32, #tpu.memory_space<vmem>> -> memref<1x128x128xf32, #tpu.memory_space<vmem>>
          %dma_wait3A_222 = tpu.memref_squeeze %dma_wait3A_221 : memref<1x128x128xf32, #tpu.memory_space<vmem>> -> memref<128x128xf32, #tpu.memory_space<vmem>>
          tpu.wait_dma2 semaphore(%arg16 : memref<!tpu.dma_semaphore, #tpu.memory_space<semaphore_mem>>) src(%dma_wait3A_222 : memref<128x128xf32, #tpu.memory_space<vmem>>) dst(%dma_wait3A_218 : memref<128x128xf32, #tpu.memory_space<hbm>>)
        } else {
        }
        %mul3A_176 = arith.constant 128 : i32
        %mul3A_177 = arith.muli %add3A_144, %mul3A_176 : i32
        %multiple_of3A_178 = tpu.assume_multiple %mul3A_177, 128 : i32
        %run_scoped3A_179 = arith.constant 1 : i32
        "tpu.region"() ({
          %run_scoped3A_205 = tpu.sem_alloc : memref<!tpu.dma_semaphore, #tpu.memory_space<semaphore_mem>>
          %dma_start3A_206 = arith.constant 0 : i32
          %dma_start3A_207 = tpu.memref_slice %arg7[%run_scoped3A_179, %dma_start3A_206] : memref<2x128xi32, #tpu.memory_space<vmem>> -> memref<1x128xi32, #tpu.memory_space<vmem>>
          %dma_start3A_208 = tpu.memref_squeeze %dma_start3A_207 : memref<1x128xi32, #tpu.memory_space<vmem>> -> memref<128xi32, #tpu.memory_space<vmem>>
          %dma_start3A_209 = tpu.memref_slice %arg4[%multiple_of3A_178] : memref<320000xi32, #tpu.memory_space<hbm>> -> memref<128xi32, #tpu.memory_space<hbm>>
          %dma_start3A_210 = arith.constant 0 : i32
          %dma_start3A_211 = tpu.memref_slice %arg7[%run_scoped3A_179, %dma_start3A_210] : memref<2x128xi32, #tpu.memory_space<vmem>> -> memref<1x128xi32, #tpu.memory_space<vmem>>
          %dma_start3A_212 = tpu.memref_squeeze %dma_start3A_211 : memref<1x128xi32, #tpu.memory_space<vmem>> -> memref<128xi32, #tpu.memory_space<vmem>>
          %dma_start3A_213 = tpu.memref_slice %arg4[%multiple_of3A_178] : memref<320000xi32, #tpu.memory_space<hbm>> -> memref<128xi32, #tpu.memory_space<hbm>>
          tpu.enqueue_dma source(%dma_start3A_213 : memref<128xi32, #tpu.memory_space<hbm>>) target(%dma_start3A_212 : memref<128xi32, #tpu.memory_space<vmem>>) target_semaphore(%run_scoped3A_205 : memref<!tpu.dma_semaphore, #tpu.memory_space<semaphore_mem>>)
          %dma_wait3A_214 = arith.constant 0 : i32
          %dma_wait3A_215 = tpu.memref_slice %arg7[%run_scoped3A_179, %dma_wait3A_214] : memref<2x128xi32, #tpu.memory_space<vmem>> -> memref<1x128xi32, #tpu.memory_space<vmem>>
          %dma_wait3A_216 = tpu.memref_squeeze %dma_wait3A_215 : memref<1x128xi32, #tpu.memory_space<vmem>> -> memref<128xi32, #tpu.memory_space<vmem>>
          %dma_wait3A_217 = tpu.memref_slice %arg4[%multiple_of3A_178] : memref<320000xi32, #tpu.memory_space<hbm>> -> memref<128xi32, #tpu.memory_space<hbm>>
          %dma_wait3A_218 = arith.constant 0 : i32
          %dma_wait3A_219 = tpu.memref_slice %arg7[%run_scoped3A_179, %dma_wait3A_218] : memref<2x128xi32, #tpu.memory_space<vmem>> -> memref<1x128xi32, #tpu.memory_space<vmem>>
          %dma_wait3A_220 = tpu.memref_squeeze %dma_wait3A_219 : memref<1x128xi32, #tpu.memory_space<vmem>> -> memref<128xi32, #tpu.memory_space<vmem>>
          %dma_wait3A_221 = tpu.memref_slice %arg4[%multiple_of3A_178] : memref<320000xi32, #tpu.memory_space<hbm>> -> memref<128xi32, #tpu.memory_space<hbm>>
          tpu.wait_dma2 semaphore(%run_scoped3A_205 : memref<!tpu.dma_semaphore, #tpu.memory_space<semaphore_mem>>) src(%dma_wait3A_221 : memref<128xi32, #tpu.memory_space<hbm>>) dst(%dma_wait3A_220 : memref<128xi32, #tpu.memory_space<vmem>>)
          tpu.yield
        }) : () -> ()
        %run_scoped3A_180 = arith.constant 1 : i32
        "tpu.region"() ({
          %run_scoped3A_205 = tpu.sem_alloc : memref<!tpu.dma_semaphore, #tpu.memory_space<semaphore_mem>>
          %dma_start3A_206 = arith.constant 0 : i32
          %dma_start3A_207 = tpu.memref_slice %arg8[%run_scoped3A_180, %dma_start3A_206] : memref<2x128xi32, #tpu.memory_space<vmem>> -> memref<1x128xi32, #tpu.memory_space<vmem>>
          %dma_start3A_208 = tpu.memref_squeeze %dma_start3A_207 : memref<1x128xi32, #tpu.memory_space<vmem>> -> memref<128xi32, #tpu.memory_space<vmem>>
          %dma_start3A_209 = tpu.memref_slice %arg5[%multiple_of3A_178] : memref<320000xi32, #tpu.memory_space<hbm>> -> memref<128xi32, #tpu.memory_space<hbm>>
          %dma_start3A_210 = arith.constant 0 : i32
          %dma_start3A_211 = tpu.memref_slice %arg8[%run_scoped3A_180, %dma_start3A_210] : memref<2x128xi32, #tpu.memory_space<vmem>> -> memref<1x128xi32, #tpu.memory_space<vmem>>
          %dma_start3A_212 = tpu.memref_squeeze %dma_start3A_211 : memref<1x128xi32, #tpu.memory_space<vmem>> -> memref<128xi32, #tpu.memory_space<vmem>>
          %dma_start3A_213 = tpu.memref_slice %arg5[%multiple_of3A_178] : memref<320000xi32, #tpu.memory_space<hbm>> -> memref<128xi32, #tpu.memory_space<hbm>>
          tpu.enqueue_dma source(%dma_start3A_213 : memref<128xi32, #tpu.memory_space<hbm>>) target(%dma_start3A_212 : memref<128xi32, #tpu.memory_space<vmem>>) target_semaphore(%run_scoped3A_205 : memref<!tpu.dma_semaphore, #tpu.memory_space<semaphore_mem>>)
          %dma_wait3A_214 = arith.constant 0 : i32
          %dma_wait3A_215 = tpu.memref_slice %arg8[%run_scoped3A_180, %dma_wait3A_214] : memref<2x128xi32, #tpu.memory_space<vmem>> -> memref<1x128xi32, #tpu.memory_space<vmem>>
          %dma_wait3A_216 = tpu.memref_squeeze %dma_wait3A_215 : memref<1x128xi32, #tpu.memory_space<vmem>> -> memref<128xi32, #tpu.memory_space<vmem>>
          %dma_wait3A_217 = tpu.memref_slice %arg5[%multiple_of3A_178] : memref<320000xi32, #tpu.memory_space<hbm>> -> memref<128xi32, #tpu.memory_space<hbm>>
          %dma_wait3A_218 = arith.constant 0 : i32
          %dma_wait3A_219 = tpu.memref_slice %arg8[%run_scoped3A_180, %dma_wait3A_218] : memref<2x128xi32, #tpu.memory_space<vmem>> -> memref<1x128xi32, #tpu.memory_space<vmem>>
          %dma_wait3A_220 = tpu.memref_squeeze %dma_wait3A_219 : memref<1x128xi32, #tpu.memory_space<vmem>> -> memref<128xi32, #tpu.memory_space<vmem>>
          %dma_wait3A_221 = tpu.memref_slice %arg5[%multiple_of3A_178] : memref<320000xi32, #tpu.memory_space<hbm>> -> memref<128xi32, #tpu.memory_space<hbm>>
          tpu.wait_dma2 semaphore(%run_scoped3A_205 : memref<!tpu.dma_semaphore, #tpu.memory_space<semaphore_mem>>) src(%dma_wait3A_221 : memref<128xi32, #tpu.memory_space<hbm>>) dst(%dma_wait3A_220 : memref<128xi32, #tpu.memory_space<vmem>>)
          tpu.yield
        }) : () -> ()
        %dma_start3A_181 = arith.constant 1 : i32
        %dma_start3A_182 = arith.constant 1 : i32
        %dma_start3A_183 = arith.constant 0 : i32
        %dma_start3A_184 = arith.constant 0 : i32
        %dma_start3A_185 = tpu.memref_slice %arg9[%dma_start3A_182, %dma_start3A_183, %dma_start3A_184] : memref<2x128x128xf32, #tpu.memory_space<vmem>> -> memref<1x128x128xf32, #tpu.memory_space<vmem>>
        %dma_start3A_186 = tpu.memref_squeeze %dma_start3A_185 : memref<1x128x128xf32, #tpu.memory_space<vmem>> -> memref<128x128xf32, #tpu.memory_space<vmem>>
        %dma_start3A_187 = arith.constant 0 : i32
        %dma_start3A_188 = tpu.memref_slice %arg7[%dma_start3A_181, %dma_start3A_187] : memref<2x128xi32, #tpu.memory_space<vmem>> -> memref<1x128xi32, #tpu.memory_space<vmem>>
        %dma_start3A_189 = tpu.memref_squeeze %dma_start3A_188 : memref<1x128xi32, #tpu.memory_space<vmem>> -> memref<128xi32, #tpu.memory_space<vmem>>
        %dma_start3A_190 = arith.constant 0 : i32
        %dma_start3A_191 = arith.constant 0 : i32
        %dma_start3A_192 = tpu.memref_slice %arg2[%dma_start3A_190, %dma_start3A_191] : memref<10000x128xf32, #tpu.memory_space<hbm>> -> memref<10000x128xf32, #tpu.memory_space<hbm>>
        tpu.enqueue_indirect_dma source(%dma_start3A_192 : memref<10000x128xf32, #tpu.memory_space<hbm>>) target(%dma_start3A_186 : memref<128x128xf32, #tpu.memory_space<vmem>>) offsets(%dma_start3A_189 : memref<128xi32, #tpu.memory_space<vmem>>) semaphore(%arg12 : memref<!tpu.dma_semaphore, #tpu.memory_space<semaphore_mem>>)
        %dma_start3A_193 = arith.constant 1 : i32
        %dma_start3A_194 = arith.constant 1 : i32
        %dma_start3A_195 = arith.constant 0 : i32
        %dma_start3A_196 = arith.constant 0 : i32
        %dma_start3A_197 = tpu.memref_slice %arg10[%dma_start3A_194, %dma_start3A_195, %dma_start3A_196] : memref<2x128x128xf32, #tpu.memory_space<vmem>> -> memref<1x128x128xf32, #tpu.memory_space<vmem>>
        %dma_start3A_198 = tpu.memref_squeeze %dma_start3A_197 : memref<1x128x128xf32, #tpu.memory_space<vmem>> -> memref<128x128xf32, #tpu.memory_space<vmem>>
        %dma_start3A_199 = arith.constant 0 : i32
        %dma_start3A_200 = tpu.memref_slice %arg8[%dma_start3A_193, %dma_start3A_199] : memref<2x128xi32, #tpu.memory_space<vmem>> -> memref<1x128xi32, #tpu.memory_space<vmem>>
        %dma_start3A_201 = tpu.memref_squeeze %dma_start3A_200 : memref<1x128xi32, #tpu.memory_space<vmem>> -> memref<128xi32, #tpu.memory_space<vmem>>
        %dma_start3A_202 = arith.constant 0 : i32
        %dma_start3A_203 = arith.constant 0 : i32
        %dma_start3A_204 = tpu.memref_slice %arg3[%dma_start3A_202, %dma_start3A_203] : memref<10000x128xf32, #tpu.memory_space<hbm>> -> memref<10000x128xf32, #tpu.memory_space<hbm>>
        tpu.enqueue_indirect_dma source(%dma_start3A_204 : memref<10000x128xf32, #tpu.memory_space<hbm>>) target(%dma_start3A_198 : memref<128x128xf32, #tpu.memory_space<vmem>>) offsets(%dma_start3A_201 : memref<128xi32, #tpu.memory_space<vmem>>) semaphore(%arg14 : memref<!tpu.dma_semaphore, #tpu.memory_space<semaphore_mem>>)
      } else {
      }
      %lt3A_148 = arith.constant 2500 : i32
      %lt3A_149 = arith.cmpi slt, %add3A_142, %lt3A_148 : i32
      %convert_element_type3A_150 = arith.extui %lt3A_149 : i1 to i32
      %cond3A_151 = arith.constant 0 : i32
      %cond3A_152 = arith.cmpi ne, %convert_element_type3A_150, %cond3A_151 : i32
      scf.if %cond3A_152 {
        %dma_wait3A_172 = arith.constant 0 : i32
        %dma_wait3A_173 = arith.constant 0 : i32
        %dma_wait3A_174 = arith.constant 0 : i32
        %dma_wait3A_175 = arith.constant 0 : i32
        %dma_wait3A_176 = tpu.memref_slice %arg9[%dma_wait3A_173, %dma_wait3A_174, %dma_wait3A_175] : memref<2x128x128xf32, #tpu.memory_space<vmem>> -> memref<1x128x128xf32, #tpu.memory_space<vmem>>
        %dma_wait3A_177 = tpu.memref_squeeze %dma_wait3A_176 : memref<1x128x128xf32, #tpu.memory_space<vmem>> -> memref<128x128xf32, #tpu.memory_space<vmem>>
        %dma_wait3A_178 = arith.constant 0 : i32
        %dma_wait3A_179 = tpu.memref_slice %arg7[%dma_wait3A_172, %dma_wait3A_178] : memref<2x128xi32, #tpu.memory_space<vmem>> -> memref<1x128xi32, #tpu.memory_space<vmem>>
        %dma_wait3A_180 = tpu.memref_squeeze %dma_wait3A_179 : memref<1x128xi32, #tpu.memory_space<vmem>> -> memref<128xi32, #tpu.memory_space<vmem>>
        %dma_wait3A_181 = arith.constant 0 : i32
        %dma_wait3A_182 = arith.constant 0 : i32
        %dma_wait3A_183 = tpu.memref_slice %arg2[%dma_wait3A_181, %dma_wait3A_182] : memref<10000x128xf32, #tpu.memory_space<hbm>> -> memref<10000x128xf32, #tpu.memory_space<hbm>>
        tpu.wait_indirect_dma semaphore(%arg11 : memref<!tpu.dma_semaphore, #tpu.memory_space<semaphore_mem>>) src(%dma_wait3A_183 : memref<10000x128xf32, #tpu.memory_space<hbm>>) dst(%dma_wait3A_177 : memref<128x128xf32, #tpu.memory_space<vmem>>)
        %dma_wait3A_184 = arith.constant 0 : i32
        %dma_wait3A_185 = arith.constant 0 : i32
        %dma_wait3A_186 = arith.constant 0 : i32
        %dma_wait3A_187 = arith.constant 0 : i32
        %dma_wait3A_188 = tpu.memref_slice %arg10[%dma_wait3A_185, %dma_wait3A_186, %dma_wait3A_187] : memref<2x128x128xf32, #tpu.memory_space<vmem>> -> memref<1x128x128xf32, #tpu.memory_space<vmem>>
        %dma_wait3A_189 = tpu.memref_squeeze %dma_wait3A_188 : memref<1x128x128xf32, #tpu.memory_space<vmem>> -> memref<128x128xf32, #tpu.memory_space<vmem>>
        %dma_wait3A_190 = arith.constant 0 : i32
        %dma_wait3A_191 = tpu.memref_slice %arg8[%dma_wait3A_184, %dma_wait3A_190] : memref<2x128xi32, #tpu.memory_space<vmem>> -> memref<1x128xi32, #tpu.memory_space<vmem>>
        %dma_wait3A_192 = tpu.memref_squeeze %dma_wait3A_191 : memref<1x128xi32, #tpu.memory_space<vmem>> -> memref<128xi32, #tpu.memory_space<vmem>>
        %dma_wait3A_193 = arith.constant 0 : i32
        %dma_wait3A_194 = arith.constant 0 : i32
        %dma_wait3A_195 = tpu.memref_slice %arg3[%dma_wait3A_193, %dma_wait3A_194] : memref<10000x128xf32, #tpu.memory_space<hbm>> -> memref<10000x128xf32, #tpu.memory_space<hbm>>
        tpu.wait_indirect_dma semaphore(%arg13 : memref<!tpu.dma_semaphore, #tpu.memory_space<semaphore_mem>>) src(%dma_wait3A_195 : memref<10000x128xf32, #tpu.memory_space<hbm>>) dst(%dma_wait3A_189 : memref<128x128xf32, #tpu.memory_space<vmem>>)
        %mul3A_196 = arith.constant 128 : i32
        %mul3A_197 = arith.muli %add3A_142, %mul3A_196 : i32
        %multiple_of3A_198 = tpu.assume_multiple %mul3A_197, 128 : i32
        %scan3A_199 = arith.constant 0 : i32
        %scan3A_200 = arith.constant 0 : i32
        %scan3A_201 = arith.constant 128 : i32
        %scan3A_202 = arith.addi %scan3A_200, %scan3A_201 : i32
        %scan3A_203 = arith.constant 1 : i32
        scf.for %scan3A_218 = %scan3A_200 to %scan3A_202 step %scan3A_203  : i32 {
          %get3A = arith.constant 0 : i32
          %get3A_219 = arith.index_cast %get3A : i32 to index
          %get3A_220 = arith.index_cast %scan3A_218 : i32 to index
          %get3A_221 = arith.constant 0 : index
          %get3A_222 = tpu.vector_load %arg9[%get3A_219, %get3A_220, %get3A_221] {strides = array<i32>} : memref<2x128x128xf32, #tpu.memory_space<vmem>>, vector<1x1x16xf32>,
          %get3A_223 = vector.shape_cast %get3A_222 : vector<1x1x16xf32> to vector<16xf32>
          %get3A_224 = arith.constant 0 : i32
          %get3A_225 = arith.index_cast %get3A_224 : i32 to index
          %get3A_226 = arith.index_cast %scan3A_218 : i32 to index
          %get3A_227 = arith.constant 0 : index
          %get3A_228 = tpu.vector_load %arg10[%get3A_225, %get3A_226, %get3A_227] {strides = array<i32>} : memref<2x128x128xf32, #tpu.memory_space<vmem>>, vector<1x1x16xf32>,
          %get3A_229 = vector.shape_cast %get3A_228 : vector<1x1x16xf32> to vector<16xf32>
          %add3A_230 = arith.addf %get3A_223, %get3A_229 : vector<16xf32>
          %swap3A = arith.constant 0 : i32
          %swap3A_231 = arith.index_cast %swap3A : i32 to index
          %swap3A_232 = arith.index_cast %scan3A_218 : i32 to index
          %swap3A_233 = arith.constant 0 : index
          %swap3A_234 = tpu.vector_load %arg9[%swap3A_231, %swap3A_232, %swap3A_233] {strides = array<i32>} : memref<2x128x128xf32, #tpu.memory_space<vmem>>, vector<1x1x16xf32>,
          %swap3A_235 = vector.shape_cast %swap3A_234 : vector<1x1x16xf32> to vector<16xf32>
          %swap3A_236 = vector.shape_cast %add3A_230 : vector<16xf32> to vector<1x1x16xf32>
          tpu.vector_store %arg9[%swap3A_231, %swap3A_232, %swap3A_233], %swap3A_236 {strides = array<i32>} : memref<2x128x128xf32, #tpu.memory_space<vmem>>, vector<1x1x16xf32>,
          %get3A_237 = arith.constant 0 : i32
          %get3A_238 = arith.index_cast %get3A_237 : i32 to index
          %get3A_239 = arith.index_cast %scan3A_218 : i32 to index
          %get3A_240 = arith.constant 16 : index
          %get3A_241 = tpu.vector_load %arg9[%get3A_238, %get3A_239, %get3A_240] {strides = array<i32>} : memref<2x128x128xf32, #tpu.memory_space<vmem>>, vector<1x1x16xf32>,
          %get3A_242 = vector.shape_cast %get3A_241 : vector<1x1x16xf32> to vector<16xf32>
          %get3A_243 = arith.constant 0 : i32
          %get3A_244 = arith.index_cast %get3A_243 : i32 to index
          %get3A_245 = arith.index_cast %scan3A_218 : i32 to index
          %get3A_246 = arith.constant 16 : index
          %get3A_247 = tpu.vector_load %arg10[%get3A_244, %get3A_245, %get3A_246] {strides = array<i32>} : memref<2x128x128xf32, #tpu.memory_space<vmem>>, vector<1x1x16xf32>,
          %get3A_248 = vector.shape_cast %get3A_247 : vector<1x1x16xf32> to vector<16xf32>
          %add3A_249 = arith.addf %get3A_242, %get3A_248 : vector<16xf32>
          %swap3A_250 = arith.constant 0 : i32
          %swap3A_251 = arith.index_cast %swap3A_250 : i32 to index
          %swap3A_252 = arith.index_cast %scan3A_218 : i32 to index
          %swap3A_253 = arith.constant 16 : index
          %swap3A_254 = tpu.vector_load %arg9[%swap3A_251, %swap3A_252, %swap3A_253] {strides = array<i32>} : memref<2x128x128xf32, #tpu.memory_space<vmem>>, vector<1x1x16xf32>,
          %swap3A_255 = vector.shape_cast %swap3A_254 : vector<1x1x16xf32> to vector<16xf32>
          %swap3A_256 = vector.shape_cast %add3A_249 : vector<16xf32> to vector<1x1x16xf32>
          tpu.vector_store %arg9[%swap3A_251, %swap3A_252, %swap3A_253], %swap3A_256 {strides = array<i32>} : memref<2x128x128xf32, #tpu.memory_space<vmem>>, vector<1x1x16xf32>,
          %get3A_257 = arith.constant 0 : i32
          %get3A_258 = arith.index_cast %get3A_257 : i32 to index
          %get3A_259 = arith.index_cast %scan3A_218 : i32 to index
          %get3A_260 = arith.constant 32 : index
          %get3A_261 = tpu.vector_load %arg9[%get3A_258, %get3A_259, %get3A_260] {strides = array<i32>} : memref<2x128x128xf32, #tpu.memory_space<vmem>>, vector<1x1x16xf32>,
          %get3A_262 = vector.shape_cast %get3A_261 : vector<1x1x16xf32> to vector<16xf32>
          %get3A_263 = arith.constant 0 : i32
          %get3A_264 = arith.index_cast %get3A_263 : i32 to index
          %get3A_265 = arith.index_cast %scan3A_218 : i32 to index
          %get3A_266 = arith.constant 32 : index
          %get3A_267 = tpu.vector_load %arg10[%get3A_264, %get3A_265, %get3A_266] {strides = array<i32>} : memref<2x128x128xf32, #tpu.memory_space<vmem>>, vector<1x1x16xf32>,
          %get3A_268 = vector.shape_cast %get3A_267 : vector<1x1x16xf32> to vector<16xf32>
          %add3A_269 = arith.addf %get3A_262, %get3A_268 : vector<16xf32>
          %swap3A_270 = arith.constant 0 : i32
          %swap3A_271 = arith.index_cast %swap3A_270 : i32 to index
          %swap3A_272 = arith.index_cast %scan3A_218 : i32 to index
          %swap3A_273 = arith.constant 32 : index
          %swap3A_274 = tpu.vector_load %arg9[%swap3A_271, %swap3A_272, %swap3A_273] {strides = array<i32>} : memref<2x128x128xf32, #tpu.memory_space<vmem>>, vector<1x1x16xf32>,
          %swap3A_275 = vector.shape_cast %swap3A_274 : vector<1x1x16xf32> to vector<16xf32>
          %swap3A_276 = vector.shape_cast %add3A_269 : vector<16xf32> to vector<1x1x16xf32>
          tpu.vector_store %arg9[%swap3A_271, %swap3A_272, %swap3A_273], %swap3A_276 {strides = array<i32>} : memref<2x128x128xf32, #tpu.memory_space<vmem>>, vector<1x1x16xf32>,
          %get3A_277 = arith.constant 0 : i32
          %get3A_278 = arith.index_cast %get3A_277 : i32 to index
          %get3A_279 = arith.index_cast %scan3A_218 : i32 to index
          %get3A_280 = arith.constant 48 : index
          %get3A_281 = tpu.vector_load %arg9[%get3A_278, %get3A_279, %get3A_280] {strides = array<i32>} : memref<2x128x128xf32, #tpu.memory_space<vmem>>, vector<1x1x16xf32>,
          %get3A_282 = vector.shape_cast %get3A_281 : vector<1x1x16xf32> to vector<16xf32>
          %get3A_283 = arith.constant 0 : i32
          %get3A_284 = arith.index_cast %get3A_283 : i32 to index
          %get3A_285 = arith.index_cast %scan3A_218 : i32 to index
          %get3A_286 = arith.constant 48 : index
          %get3A_287 = tpu.vector_load %arg10[%get3A_284, %get3A_285, %get3A_286] {strides = array<i32>} : memref<2x128x128xf32, #tpu.memory_space<vmem>>, vector<1x1x16xf32>,
          %get3A_288 = vector.shape_cast %get3A_287 : vector<1x1x16xf32> to vector<16xf32>
          %add3A_289 = arith.addf %get3A_282, %get3A_288 : vector<16xf32>
          %swap3A_290 = arith.constant 0 : i32
          %swap3A_291 = arith.index_cast %swap3A_290 : i32 to index
          %swap3A_292 = arith.index_cast %scan3A_218 : i32 to index
          %swap3A_293 = arith.constant 48 : index
          %swap3A_294 = tpu.vector_load %arg9[%swap3A_291, %swap3A_292, %swap3A_293] {strides = array<i32>} : memref<2x128x128xf32, #tpu.memory_space<vmem>>, vector<1x1x16xf32>,
          %swap3A_295 = vector.shape_cast %swap3A_294 : vector<1x1x16xf32> to vector<16xf32>
          %swap3A_296 = vector.shape_cast %add3A_289 : vector<16xf32> to vector<1x1x16xf32>
          tpu.vector_store %arg9[%swap3A_291, %swap3A_292, %swap3A_293], %swap3A_296 {strides = array<i32>} : memref<2x128x128xf32, #tpu.memory_space<vmem>>, vector<1x1x16xf32>,
          %get3A_297 = arith.constant 0 : i32
          %get3A_298 = arith.index_cast %get3A_297 : i32 to index
          %get3A_299 = arith.index_cast %scan3A_218 : i32 to index
          %get3A_300 = arith.constant 64 : index
          %get3A_301 = tpu.vector_load %arg9[%get3A_298, %get3A_299, %get3A_300] {strides = array<i32>} : memref<2x128x128xf32, #tpu.memory_space<vmem>>, vector<1x1x16xf32>,
          %get3A_302 = vector.shape_cast %get3A_301 : vector<1x1x16xf32> to vector<16xf32>
          %get3A_303 = arith.constant 0 : i32
          %get3A_304 = arith.index_cast %get3A_303 : i32 to index
          %get3A_305 = arith.index_cast %scan3A_218 : i32 to index
          %get3A_306 = arith.constant 64 : index
          %get3A_307 = tpu.vector_load %arg10[%get3A_304, %get3A_305, %get3A_306] {strides = array<i32>} : memref<2x128x128xf32, #tpu.memory_space<vmem>>, vector<1x1x16xf32>,
          %get3A_308 = vector.shape_cast %get3A_307 : vector<1x1x16xf32> to vector<16xf32>
          %add3A_309 = arith.addf %get3A_302, %get3A_308 : vector<16xf32>
          %swap3A_310 = arith.constant 0 : i32
          %swap3A_311 = arith.index_cast %swap3A_310 : i32 to index
          %swap3A_312 = arith.index_cast %scan3A_218 : i32 to index
          %swap3A_313 = arith.constant 64 : index
          %swap3A_314 = tpu.vector_load %arg9[%swap3A_311, %swap3A_312, %swap3A_313] {strides = array<i32>} : memref<2x128x128xf32, #tpu.memory_space<vmem>>, vector<1x1x16xf32>,
          %swap3A_315 = vector.shape_cast %swap3A_314 : vector<1x1x16xf32> to vector<16xf32>
          %swap3A_316 = vector.shape_cast %add3A_309 : vector<16xf32> to vector<1x1x16xf32>
          tpu.vector_store %arg9[%swap3A_311, %swap3A_312, %swap3A_313], %swap3A_316 {strides = array<i32>} : memref<2x128x128xf32, #tpu.memory_space<vmem>>, vector<1x1x16xf32>,
          %get3A_317 = arith.constant 0 : i32
          %get3A_318 = arith.index_cast %get3A_317 : i32 to index
          %get3A_319 = arith.index_cast %scan3A_218 : i32 to index
          %get3A_320 = arith.constant 80 : index
          %get3A_321 = tpu.vector_load %arg9[%get3A_318, %get3A_319, %get3A_320] {strides = array<i32>} : memref<2x128x128xf32, #tpu.memory_space<vmem>>, vector<1x1x16xf32>,
          %get3A_322 = vector.shape_cast %get3A_321 : vector<1x1x16xf32> to vector<16xf32>
          %get3A_323 = arith.constant 0 : i32
          %get3A_324 = arith.index_cast %get3A_323 : i32 to index
          %get3A_325 = arith.index_cast %scan3A_218 : i32 to index
          %get3A_326 = arith.constant 80 : index
          %get3A_327 = tpu.vector_load %arg10[%get3A_324, %get3A_325, %get3A_326] {strides = array<i32>} : memref<2x128x128xf32, #tpu.memory_space<vmem>>, vector<1x1x16xf32>,
          %get3A_328 = vector.shape_cast %get3A_327 : vector<1x1x16xf32> to vector<16xf32>
          %add3A_329 = arith.addf %get3A_322, %get3A_328 : vector<16xf32>
          %swap3A_330 = arith.constant 0 : i32
          %swap3A_331 = arith.index_cast %swap3A_330 : i32 to index
          %swap3A_332 = arith.index_cast %scan3A_218 : i32 to index
          %swap3A_333 = arith.constant 80 : index
          %swap3A_334 = tpu.vector_load %arg9[%swap3A_331, %swap3A_332, %swap3A_333] {strides = array<i32>} : memref<2x128x128xf32, #tpu.memory_space<vmem>>, vector<1x1x16xf32>,
          %swap3A_335 = vector.shape_cast %swap3A_334 : vector<1x1x16xf32> to vector<16xf32>
          %swap3A_336 = vector.shape_cast %add3A_329 : vector<16xf32> to vector<1x1x16xf32>
          tpu.vector_store %arg9[%swap3A_331, %swap3A_332, %swap3A_333], %swap3A_336 {strides = array<i32>} : memref<2x128x128xf32, #tpu.memory_space<vmem>>, vector<1x1x16xf32>,
          %get3A_337 = arith.constant 0 : i32
          %get3A_338 = arith.index_cast %get3A_337 : i32 to index
          %get3A_339 = arith.index_cast %scan3A_218 : i32 to index
          %get3A_340 = arith.constant 96 : index
          %get3A_341 = tpu.vector_load %arg9[%get3A_338, %get3A_339, %get3A_340] {strides = array<i32>} : memref<2x128x128xf32, #tpu.memory_space<vmem>>, vector<1x1x16xf32>,
          %get3A_342 = vector.shape_cast %get3A_341 : vector<1x1x16xf32> to vector<16xf32>
          %get3A_343 = arith.constant 0 : i32
          %get3A_344 = arith.index_cast %get3A_343 : i32 to index
          %get3A_345 = arith.index_cast %scan3A_218 : i32 to index
          %get3A_346 = arith.constant 96 : index
          %get3A_347 = tpu.vector_load %arg10[%get3A_344, %get3A_345, %get3A_346] {strides = array<i32>} : memref<2x128x128xf32, #tpu.memory_space<vmem>>, vector<1x1x16xf32>,
          %get3A_348 = vector.shape_cast %get3A_347 : vector<1x1x16xf32> to vector<16xf32>
          %add3A_349 = arith.addf %get3A_342, %get3A_348 : vector<16xf32>
          %swap3A_350 = arith.constant 0 : i32
          %swap3A_351 = arith.index_cast %swap3A_350 : i32 to index
          %swap3A_352 = arith.index_cast %scan3A_218 : i32 to index
          %swap3A_353 = arith.constant 96 : index
          %swap3A_354 = tpu.vector_load %arg9[%swap3A_351, %swap3A_352, %swap3A_353] {strides = array<i32>} : memref<2x128x128xf32, #tpu.memory_space<vmem>>, vector<1x1x16xf32>,
          %swap3A_355 = vector.shape_cast %swap3A_354 : vector<1x1x16xf32> to vector<16xf32>
          %swap3A_356 = vector.shape_cast %add3A_349 : vector<16xf32> to vector<1x1x16xf32>
          tpu.vector_store %arg9[%swap3A_351, %swap3A_352, %swap3A_353], %swap3A_356 {strides = array<i32>} : memref<2x128x128xf32, #tpu.memory_space<vmem>>, vector<1x1x16xf32>,
          %get3A_357 = arith.constant 0 : i32
          %get3A_358 = arith.index_cast %get3A_357 : i32 to index
          %get3A_359 = arith.index_cast %scan3A_218 : i32 to index
          %get3A_360 = arith.constant 112 : index
          %get3A_361 = tpu.vector_load %arg9[%get3A_358, %get3A_359, %get3A_360] {strides = array<i32>} : memref<2x128x128xf32, #tpu.memory_space<vmem>>, vector<1x1x16xf32>,
          %get3A_362 = vector.shape_cast %get3A_361 : vector<1x1x16xf32> to vector<16xf32>
          %get3A_363 = arith.constant 0 : i32
          %get3A_364 = arith.index_cast %get3A_363 : i32 to index
          %get3A_365 = arith.index_cast %scan3A_218 : i32 to index
          %get3A_366 = arith.constant 112 : index
          %get3A_367 = tpu.vector_load %arg10[%get3A_364, %get3A_365, %get3A_366] {strides = array<i32>} : memref<2x128x128xf32, #tpu.memory_space<vmem>>, vector<1x1x16xf32>,
          %get3A_368 = vector.shape_cast %get3A_367 : vector<1x1x16xf32> to vector<16xf32>
          %add3A_369 = arith.addf %get3A_362, %get3A_368 : vector<16xf32>
          %swap3A_370 = arith.constant 0 : i32
          %swap3A_371 = arith.index_cast %swap3A_370 : i32 to index
          %swap3A_372 = arith.index_cast %scan3A_218 : i32 to index
          %swap3A_373 = arith.constant 112 : index
          %swap3A_374 = tpu.vector_load %arg9[%swap3A_371, %swap3A_372, %swap3A_373] {strides = array<i32>} : memref<2x128x128xf32, #tpu.memory_space<vmem>>, vector<1x1x16xf32>,
          %swap3A_375 = vector.shape_cast %swap3A_374 : vector<1x1x16xf32> to vector<16xf32>
          %swap3A_376 = vector.shape_cast %add3A_369 : vector<16xf32> to vector<1x1x16xf32>
          tpu.vector_store %arg9[%swap3A_371, %swap3A_372, %swap3A_373], %swap3A_376 {strides = array<i32>} : memref<2x128x128xf32, #tpu.memory_space<vmem>>, vector<1x1x16xf32>,
        }
        %scan3A_204 = arith.constant 128 : i32
        %dma_start3A_205 = arith.constant 0 : i32
        %dma_start3A_206 = arith.constant 0 : i32
        %dma_start3A_207 = arith.constant 0 : i32
        %dma_start3A_208 = tpu.memref_slice %arg9[%dma_start3A_205, %dma_start3A_206, %dma_start3A_207] : memref<2x128x128xf32, #tpu.memory_space<vmem>> -> memref<1x128x128xf32, #tpu.memory_space<vmem>>
        %dma_start3A_209 = tpu.memref_squeeze %dma_start3A_208 : memref<1x128x128xf32, #tpu.memory_space<vmem>> -> memref<128x128xf32, #tpu.memory_space<vmem>>
        %dma_start3A_210 = arith.constant 0 : i32
        %dma_start3A_211 = tpu.memref_slice %arg6[%multiple_of3A_198, %dma_start3A_210] : memref<320000x128xf32, #tpu.memory_space<hbm>> -> memref<128x128xf32, #tpu.memory_space<hbm>>
        %dma_start3A_212 = arith.constant 0 : i32
        %dma_start3A_213 = tpu.memref_slice %arg6[%multiple_of3A_198, %dma_start3A_212] : memref<320000x128xf32, #tpu.memory_space<hbm>> -> memref<128x128xf32, #tpu.memory_space<hbm>>
        %dma_start3A_214 = arith.constant 0 : i32
        %dma_start3A_215 = arith.constant 0 : i32
        %dma_start3A_216 = tpu.memref_slice %arg9[%dma_start3A_205, %dma_start3A_214, %dma_start3A_215] : memref<2x128x128xf32, #tpu.memory_space<vmem>> -> memref<1x128x128xf32, #tpu.memory_space<vmem>>
        %dma_start3A_217 = tpu.memref_squeeze %dma_start3A_216 : memref<1x128x128xf32, #tpu.memory_space<vmem>> -> memref<128x128xf32, #tpu.memory_space<vmem>>
        tpu.enqueue_dma source(%dma_start3A_217 : memref<128x128xf32, #tpu.memory_space<vmem>>) target(%dma_start3A_213 : memref<128x128xf32, #tpu.memory_space<hbm>>) target_semaphore(%arg15 : memref<!tpu.dma_semaphore, #tpu.memory_space<semaphore_mem>>)
      } else {
      }
      %mul3A_153 = arith.constant 2 : i32
      %mul3A_154 = arith.muli %scan3A_135, %mul3A_153 : i32
      %add3A_155 = arith.constant 1 : i32
      %add3A_156 = arith.addi %mul3A_154, %add3A_155 : i32
      %mul3A_157 = arith.constant 32 : i32
      %mul3A_158 = arith.muli %add3A_156, %mul3A_157 : i32
      %add3A_159 = arith.addi %add3A, %mul3A_158 : i32
      %add3A_160 = arith.constant 32 : i32
      %add3A_161 = arith.addi %add3A_159, %add3A_160 : i32
      %lt3A_162 = arith.constant 2500 : i32
      %lt3A_163 = arith.cmpi slt, %add3A_161, %lt3A_162 : i32
      %convert_element_type3A_164 = arith.extui %lt3A_163 : i1 to i32
      %cond3A_165 = arith.constant 0 : i32
      %cond3A_166 = arith.cmpi ne, %convert_element_type3A_164, %cond3A_165 : i32
      scf.if %cond3A_166 {
        %ge3A = arith.constant 1 : i32
        %ge3A_172 = arith.cmpi sge, %add3A_156, %ge3A : i32
        %convert_element_type3A_173 = arith.extui %ge3A_172 : i1 to i32
        %cond3A_174 = arith.constant 0 : i32
        %cond3A_175 = arith.cmpi ne, %convert_element_type3A_173, %cond3A_174 : i32
        scf.if %cond3A_175 {
          %sub3A_205 = arith.constant 32 : i32
          %sub3A_206 = arith.subi %add3A_159, %sub3A_205 : i32
          %mul3A_207 = arith.constant 128 : i32
          %mul3A_208 = arith.muli %sub3A_206, %mul3A_207 : i32
          %multiple_of3A_209 = tpu.assume_multiple %mul3A_208, 128 : i32
          %dma_wait3A_210 = arith.constant 0 : i32
          %dma_wait3A_211 = arith.constant 0 : i32
          %dma_wait3A_212 = arith.constant 0 : i32
          %dma_wait3A_213 = tpu.memref_slice %arg9[%dma_wait3A_210, %dma_wait3A_211, %dma_wait3A_212] : memref<2x128x128xf32, #tpu.memory_space<vmem>> -> memref<1x128x128xf32, #tpu.memory_space<vmem>>
          %dma_wait3A_214 = tpu.memref_squeeze %dma_wait3A_213 : memref<1x128x128xf32, #tpu.memory_space<vmem>> -> memref<128x128xf32, #tpu.memory_space<vmem>>
          %dma_wait3A_215 = arith.constant 0 : i32
          %dma_wait3A_216 = tpu.memref_slice %arg6[%multiple_of3A_209, %dma_wait3A_215] : memref<320000x128xf32, #tpu.memory_space<hbm>> -> memref<128x128xf32, #tpu.memory_space<hbm>>
          %dma_wait3A_217 = arith.constant 0 : i32
          %dma_wait3A_218 = tpu.memref_slice %arg6[%multiple_of3A_209, %dma_wait3A_217] : memref<320000x128xf32, #tpu.memory_space<hbm>> -> memref<128x128xf32, #tpu.memory_space<hbm>>
          %dma_wait3A_219 = arith.constant 0 : i32
          %dma_wait3A_220 = arith.constant 0 : i32
          %dma_wait3A_221 = tpu.memref_slice %arg9[%dma_wait3A_210, %dma_wait3A_219, %dma_wait3A_220] : memref<2x128x128xf32, #tpu.memory_space<vmem>> -> memref<1x128x128xf32, #tpu.memory_space<vmem>>
          %dma_wait3A_222 = tpu.memref_squeeze %dma_wait3A_221 : memref<1x128x128xf32, #tpu.memory_space<vmem>> -> memref<128x128xf32, #tpu.memory_space<vmem>>
          tpu.wait_dma2 semaphore(%arg15 : memref<!tpu.dma_semaphore, #tpu.memory_space<semaphore_mem>>) src(%dma_wait3A_222 : memref<128x128xf32, #tpu.memory_space<vmem>>) dst(%dma_wait3A_218 : memref<128x128xf32, #tpu.memory_space<hbm>>)
        } else {
        }
        %mul3A_176 = arith.constant 128 : i32
        %mul3A_177 = arith.muli %add3A_161, %mul3A_176 : i32
        %multiple_of3A_178 = tpu.assume_multiple %mul3A_177, 128 : i32
        %run_scoped3A_179 = arith.constant 0 : i32
        "tpu.region"() ({
          %run_scoped3A_205 = tpu.sem_alloc : memref<!tpu.dma_semaphore, #tpu.memory_space<semaphore_mem>>
          %dma_start3A_206 = arith.constant 0 : i32
          %dma_start3A_207 = tpu.memref_slice %arg7[%run_scoped3A_179, %dma_start3A_206] : memref<2x128xi32, #tpu.memory_space<vmem>> -> memref<1x128xi32, #tpu.memory_space<vmem>>
          %dma_start3A_208 = tpu.memref_squeeze %dma_start3A_207 : memref<1x128xi32, #tpu.memory_space<vmem>> -> memref<128xi32, #tpu.memory_space<vmem>>
          %dma_start3A_209 = tpu.memref_slice %arg4[%multiple_of3A_178] : memref<320000xi32, #tpu.memory_space<hbm>> -> memref<128xi32, #tpu.memory_space<hbm>>
          %dma_start3A_210 = arith.constant 0 : i32
          %dma_start3A_211 = tpu.memref_slice %arg7[%run_scoped3A_179, %dma_start3A_210] : memref<2x128xi32, #tpu.memory_space<vmem>> -> memref<1x128xi32, #tpu.memory_space<vmem>>
          %dma_start3A_212 = tpu.memref_squeeze %dma_start3A_211 : memref<1x128xi32, #tpu.memory_space<vmem>> -> memref<128xi32, #tpu.memory_space<vmem>>
          %dma_start3A_213 = tpu.memref_slice %arg4[%multiple_of3A_178] : memref<320000xi32, #tpu.memory_space<hbm>> -> memref<128xi32, #tpu.memory_space<hbm>>
          tpu.enqueue_dma source(%dma_start3A_213 : memref<128xi32, #tpu.memory_space<hbm>>) target(%dma_start3A_212 : memref<128xi32, #tpu.memory_space<vmem>>) target_semaphore(%run_scoped3A_205 : memref<!tpu.dma_semaphore, #tpu.memory_space<semaphore_mem>>)
          %dma_wait3A_214 = arith.constant 0 : i32
          %dma_wait3A_215 = tpu.memref_slice %arg7[%run_scoped3A_179, %dma_wait3A_214] : memref<2x128xi32, #tpu.memory_space<vmem>> -> memref<1x128xi32, #tpu.memory_space<vmem>>
          %dma_wait3A_216 = tpu.memref_squeeze %dma_wait3A_215 : memref<1x128xi32, #tpu.memory_space<vmem>> -> memref<128xi32, #tpu.memory_space<vmem>>
          %dma_wait3A_217 = tpu.memref_slice %arg4[%multiple_of3A_178] : memref<320000xi32, #tpu.memory_space<hbm>> -> memref<128xi32, #tpu.memory_space<hbm>>
          %dma_wait3A_218 = arith.constant 0 : i32
          %dma_wait3A_219 = tpu.memref_slice %arg7[%run_scoped3A_179, %dma_wait3A_218] : memref<2x128xi32, #tpu.memory_space<vmem>> -> memref<1x128xi32, #tpu.memory_space<vmem>>
          %dma_wait3A_220 = tpu.memref_squeeze %dma_wait3A_219 : memref<1x128xi32, #tpu.memory_space<vmem>> -> memref<128xi32, #tpu.memory_space<vmem>>
          %dma_wait3A_221 = tpu.memref_slice %arg4[%multiple_of3A_178] : memref<320000xi32, #tpu.memory_space<hbm>> -> memref<128xi32, #tpu.memory_space<hbm>>
          tpu.wait_dma2 semaphore(%run_scoped3A_205 : memref<!tpu.dma_semaphore, #tpu.memory_space<semaphore_mem>>) src(%dma_wait3A_221 : memref<128xi32, #tpu.memory_space<hbm>>) dst(%dma_wait3A_220 : memref<128xi32, #tpu.memory_space<vmem>>)
          tpu.yield
        }) : () -> ()
        %run_scoped3A_180 = arith.constant 0 : i32
        "tpu.region"() ({
          %run_scoped3A_205 = tpu.sem_alloc : memref<!tpu.dma_semaphore, #tpu.memory_space<semaphore_mem>>
          %dma_start3A_206 = arith.constant 0 : i32
          %dma_start3A_207 = tpu.memref_slice %arg8[%run_scoped3A_180, %dma_start3A_206] : memref<2x128xi32, #tpu.memory_space<vmem>> -> memref<1x128xi32, #tpu.memory_space<vmem>>
          %dma_start3A_208 = tpu.memref_squeeze %dma_start3A_207 : memref<1x128xi32, #tpu.memory_space<vmem>> -> memref<128xi32, #tpu.memory_space<vmem>>
          %dma_start3A_209 = tpu.memref_slice %arg5[%multiple_of3A_178] : memref<320000xi32, #tpu.memory_space<hbm>> -> memref<128xi32, #tpu.memory_space<hbm>>
          %dma_start3A_210 = arith.constant 0 : i32
          %dma_start3A_211 = tpu.memref_slice %arg8[%run_scoped3A_180, %dma_start3A_210] : memref<2x128xi32, #tpu.memory_space<vmem>> -> memref<1x128xi32, #tpu.memory_space<vmem>>
          %dma_start3A_212 = tpu.memref_squeeze %dma_start3A_211 : memref<1x128xi32, #tpu.memory_space<vmem>> -> memref<128xi32, #tpu.memory_space<vmem>>
          %dma_start3A_213 = tpu.memref_slice %arg5[%multiple_of3A_178] : memref<320000xi32, #tpu.memory_space<hbm>> -> memref<128xi32, #tpu.memory_space<hbm>>
          tpu.enqueue_dma source(%dma_start3A_213 : memref<128xi32, #tpu.memory_space<hbm>>) target(%dma_start3A_212 : memref<128xi32, #tpu.memory_space<vmem>>) target_semaphore(%run_scoped3A_205 : memref<!tpu.dma_semaphore, #tpu.memory_space<semaphore_mem>>)
          %dma_wait3A_214 = arith.constant 0 : i32
          %dma_wait3A_215 = tpu.memref_slice %arg8[%run_scoped3A_180, %dma_wait3A_214] : memref<2x128xi32, #tpu.memory_space<vmem>> -> memref<1x128xi32, #tpu.memory_space<vmem>>
          %dma_wait3A_216 = tpu.memref_squeeze %dma_wait3A_215 : memref<1x128xi32, #tpu.memory_space<vmem>> -> memref<128xi32, #tpu.memory_space<vmem>>
          %dma_wait3A_217 = tpu.memref_slice %arg5[%multiple_of3A_178] : memref<320000xi32, #tpu.memory_space<hbm>> -> memref<128xi32, #tpu.memory_space<hbm>>
          %dma_wait3A_218 = arith.constant 0 : i32
          %dma_wait3A_219 = tpu.memref_slice %arg8[%run_scoped3A_180, %dma_wait3A_218] : memref<2x128xi32, #tpu.memory_space<vmem>> -> memref<1x128xi32, #tpu.memory_space<vmem>>
          %dma_wait3A_220 = tpu.memref_squeeze %dma_wait3A_219 : memref<1x128xi32, #tpu.memory_space<vmem>> -> memref<128xi32, #tpu.memory_space<vmem>>
          %dma_wait3A_221 = tpu.memref_slice %arg5[%multiple_of3A_178] : memref<320000xi32, #tpu.memory_space<hbm>> -> memref<128xi32, #tpu.memory_space<hbm>>
          tpu.wait_dma2 semaphore(%run_scoped3A_205 : memref<!tpu.dma_semaphore, #tpu.memory_space<semaphore_mem>>) src(%dma_wait3A_221 : memref<128xi32, #tpu.memory_space<hbm>>) dst(%dma_wait3A_220 : memref<128xi32, #tpu.memory_space<vmem>>)
          tpu.yield
        }) : () -> ()
        %dma_start3A_181 = arith.constant 0 : i32
        %dma_start3A_182 = arith.constant 0 : i32
        %dma_start3A_183 = arith.constant 0 : i32
        %dma_start3A_184 = arith.constant 0 : i32
        %dma_start3A_185 = tpu.memref_slice %arg9[%dma_start3A_182, %dma_start3A_183, %dma_start3A_184] : memref<2x128x128xf32, #tpu.memory_space<vmem>> -> memref<1x128x128xf32, #tpu.memory_space<vmem>>
        %dma_start3A_186 = tpu.memref_squeeze %dma_start3A_185 : memref<1x128x128xf32, #tpu.memory_space<vmem>> -> memref<128x128xf32, #tpu.memory_space<vmem>>
        %dma_start3A_187 = arith.constant 0 : i32
        %dma_start3A_188 = tpu.memref_slice %arg7[%dma_start3A_181, %dma_start3A_187] : memref<2x128xi32, #tpu.memory_space<vmem>> -> memref<1x128xi32, #tpu.memory_space<vmem>>
        %dma_start3A_189 = tpu.memref_squeeze %dma_start3A_188 : memref<1x128xi32, #tpu.memory_space<vmem>> -> memref<128xi32, #tpu.memory_space<vmem>>
        %dma_start3A_190 = arith.constant 0 : i32
        %dma_start3A_191 = arith.constant 0 : i32
        %dma_start3A_192 = tpu.memref_slice %arg2[%dma_start3A_190, %dma_start3A_191] : memref<10000x128xf32, #tpu.memory_space<hbm>> -> memref<10000x128xf32, #tpu.memory_space<hbm>>
        tpu.enqueue_indirect_dma source(%dma_start3A_192 : memref<10000x128xf32, #tpu.memory_space<hbm>>) target(%dma_start3A_186 : memref<128x128xf32, #tpu.memory_space<vmem>>) offsets(%dma_start3A_189 : memref<128xi32, #tpu.memory_space<vmem>>) semaphore(%arg11 : memref<!tpu.dma_semaphore, #tpu.memory_space<semaphore_mem>>)
        %dma_start3A_193 = arith.constant 0 : i32
        %dma_start3A_194 = arith.constant 0 : i32
        %dma_start3A_195 = arith.constant 0 : i32
        %dma_start3A_196 = arith.constant 0 : i32
        %dma_start3A_197 = tpu.memref_slice %arg10[%dma_start3A_194, %dma_start3A_195, %dma_start3A_196] : memref<2x128x128xf32, #tpu.memory_space<vmem>> -> memref<1x128x128xf32, #tpu.memory_space<vmem>>
        %dma_start3A_198 = tpu.memref_squeeze %dma_start3A_197 : memref<1x128x128xf32, #tpu.memory_space<vmem>> -> memref<128x128xf32, #tpu.memory_space<vmem>>
        %dma_start3A_199 = arith.constant 0 : i32
        %dma_start3A_200 = tpu.memref_slice %arg8[%dma_start3A_193, %dma_start3A_199] : memref<2x128xi32, #tpu.memory_space<vmem>> -> memref<1x128xi32, #tpu.memory_space<vmem>>
        %dma_start3A_201 = tpu.memref_squeeze %dma_start3A_200 : memref<1x128xi32, #tpu.memory_space<vmem>> -> memref<128xi32, #tpu.memory_space<vmem>>
        %dma_start3A_202 = arith.constant 0 : i32
        %dma_start3A_203 = arith.constant 0 : i32
        %dma_start3A_204 = tpu.memref_slice %arg3[%dma_start3A_202, %dma_start3A_203] : memref<10000x128xf32, #tpu.memory_space<hbm>> -> memref<10000x128xf32, #tpu.memory_space<hbm>>
        tpu.enqueue_indirect_dma source(%dma_start3A_204 : memref<10000x128xf32, #tpu.memory_space<hbm>>) target(%dma_start3A_198 : memref<128x128xf32, #tpu.memory_space<vmem>>) offsets(%dma_start3A_201 : memref<128xi32, #tpu.memory_space<vmem>>) semaphore(%arg13 : memref<!tpu.dma_semaphore, #tpu.memory_space<semaphore_mem>>)
      } else {
      }
      %lt3A_167 = arith.constant 2500 : i32
      %lt3A_168 = arith.cmpi slt, %add3A_159, %lt3A_167 : i32
      %convert_element_type3A_169 = arith.extui %lt3A_168 : i1 to i32
      %cond3A_170 = arith.constant 0 : i32
      %cond3A_171 = arith.cmpi ne, %convert_element_type3A_169, %cond3A_170 : i32
      scf.if %cond3A_171 {
        %dma_wait3A_172 = arith.constant 1 : i32
        %dma_wait3A_173 = arith.constant 1 : i32
        %dma_wait3A_174 = arith.constant 0 : i32
        %dma_wait3A_175 = arith.constant 0 : i32
        %dma_wait3A_176 = tpu.memref_slice %arg9[%dma_wait3A_173, %dma_wait3A_174, %dma_wait3A_175] : memref<2x128x128xf32, #tpu.memory_space<vmem>> -> memref<1x128x128xf32, #tpu.memory_space<vmem>>
        %dma_wait3A_177 = tpu.memref_squeeze %dma_wait3A_176 : memref<1x128x128xf32, #tpu.memory_space<vmem>> -> memref<128x128xf32, #tpu.memory_space<vmem>>
        %dma_wait3A_178 = arith.constant 0 : i32
        %dma_wait3A_179 = tpu.memref_slice %arg7[%dma_wait3A_172, %dma_wait3A_178] : memref<2x128xi32, #tpu.memory_space<vmem>> -> memref<1x128xi32, #tpu.memory_space<vmem>>
        %dma_wait3A_180 = tpu.memref_squeeze %dma_wait3A_179 : memref<1x128xi32, #tpu.memory_space<vmem>> -> memref<128xi32, #tpu.memory_space<vmem>>
        %dma_wait3A_181 = arith.constant 0 : i32
        %dma_wait3A_182 = arith.constant 0 : i32
        %dma_wait3A_183 = tpu.memref_slice %arg2[%dma_wait3A_181, %dma_wait3A_182] : memref<10000x128xf32, #tpu.memory_space<hbm>> -> memref<10000x128xf32, #tpu.memory_space<hbm>>
        tpu.wait_indirect_dma semaphore(%arg12 : memref<!tpu.dma_semaphore, #tpu.memory_space<semaphore_mem>>) src(%dma_wait3A_183 : memref<10000x128xf32, #tpu.memory_space<hbm>>) dst(%dma_wait3A_177 : memref<128x128xf32, #tpu.memory_space<vmem>>)
        %dma_wait3A_184 = arith.constant 1 : i32
        %dma_wait3A_185 = arith.constant 1 : i32
        %dma_wait3A_186 = arith.constant 0 : i32
        %dma_wait3A_187 = arith.constant 0 : i32
        %dma_wait3A_188 = tpu.memref_slice %arg10[%dma_wait3A_185, %dma_wait3A_186, %dma_wait3A_187] : memref<2x128x128xf32, #tpu.memory_space<vmem>> -> memref<1x128x128xf32, #tpu.memory_space<vmem>>
        %dma_wait3A_189 = tpu.memref_squeeze %dma_wait3A_188 : memref<1x128x128xf32, #tpu.memory_space<vmem>> -> memref<128x128xf32, #tpu.memory_space<vmem>>
        %dma_wait3A_190 = arith.constant 0 : i32
        %dma_wait3A_191 = tpu.memref_slice %arg8[%dma_wait3A_184, %dma_wait3A_190] : memref<2x128xi32, #tpu.memory_space<vmem>> -> memref<1x128xi32, #tpu.memory_space<vmem>>
        %dma_wait3A_192 = tpu.memref_squeeze %dma_wait3A_191 : memref<1x128xi32, #tpu.memory_space<vmem>> -> memref<128xi32, #tpu.memory_space<vmem>>
        %dma_wait3A_193 = arith.constant 0 : i32
        %dma_wait3A_194 = arith.constant 0 : i32
        %dma_wait3A_195 = tpu.memref_slice %arg3[%dma_wait3A_193, %dma_wait3A_194] : memref<10000x128xf32, #tpu.memory_space<hbm>> -> memref<10000x128xf32, #tpu.memory_space<hbm>>
        tpu.wait_indirect_dma semaphore(%arg14 : memref<!tpu.dma_semaphore, #tpu.memory_space<semaphore_mem>>) src(%dma_wait3A_195 : memref<10000x128xf32, #tpu.memory_space<hbm>>) dst(%dma_wait3A_189 : memref<128x128xf32, #tpu.memory_space<vmem>>)
        %mul3A_196 = arith.constant 128 : i32
        %mul3A_197 = arith.muli %add3A_159, %mul3A_196 : i32
        %multiple_of3A_198 = tpu.assume_multiple %mul3A_197, 128 : i32
        %scan3A_199 = arith.constant 0 : i32
        %scan3A_200 = arith.constant 0 : i32
        %scan3A_201 = arith.constant 128 : i32
        %scan3A_202 = arith.addi %scan3A_200, %scan3A_201 : i32
        %scan3A_203 = arith.constant 1 : i32
        scf.for %scan3A_218 = %scan3A_200 to %scan3A_202 step %scan3A_203  : i32 {
          %get3A = arith.constant 1 : i32
          %get3A_219 = arith.index_cast %get3A : i32 to index
          %get3A_220 = arith.index_cast %scan3A_218 : i32 to index
          %get3A_221 = arith.constant 0 : index
          %get3A_222 = tpu.vector_load %arg9[%get3A_219, %get3A_220, %get3A_221] {strides = array<i32>} : memref<2x128x128xf32, #tpu.memory_space<vmem>>, vector<1x1x16xf32>,
          %get3A_223 = vector.shape_cast %get3A_222 : vector<1x1x16xf32> to vector<16xf32>
          %get3A_224 = arith.constant 1 : i32
          %get3A_225 = arith.index_cast %get3A_224 : i32 to index
          %get3A_226 = arith.index_cast %scan3A_218 : i32 to index
          %get3A_227 = arith.constant 0 : index
          %get3A_228 = tpu.vector_load %arg10[%get3A_225, %get3A_226, %get3A_227] {strides = array<i32>} : memref<2x128x128xf32, #tpu.memory_space<vmem>>, vector<1x1x16xf32>,
          %get3A_229 = vector.shape_cast %get3A_228 : vector<1x1x16xf32> to vector<16xf32>
          %add3A_230 = arith.addf %get3A_223, %get3A_229 : vector<16xf32>
          %swap3A = arith.constant 1 : i32
          %swap3A_231 = arith.index_cast %swap3A : i32 to index
          %swap3A_232 = arith.index_cast %scan3A_218 : i32 to index
          %swap3A_233 = arith.constant 0 : index
          %swap3A_234 = tpu.vector_load %arg9[%swap3A_231, %swap3A_232, %swap3A_233] {strides = array<i32>} : memref<2x128x128xf32, #tpu.memory_space<vmem>>, vector<1x1x16xf32>,
          %swap3A_235 = vector.shape_cast %swap3A_234 : vector<1x1x16xf32> to vector<16xf32>
          %swap3A_236 = vector.shape_cast %add3A_230 : vector<16xf32> to vector<1x1x16xf32>
          tpu.vector_store %arg9[%swap3A_231, %swap3A_232, %swap3A_233], %swap3A_236 {strides = array<i32>} : memref<2x128x128xf32, #tpu.memory_space<vmem>>, vector<1x1x16xf32>,
          %get3A_237 = arith.constant 1 : i32
          %get3A_238 = arith.index_cast %get3A_237 : i32 to index
          %get3A_239 = arith.index_cast %scan3A_218 : i32 to index
          %get3A_240 = arith.constant 16 : index
          %get3A_241 = tpu.vector_load %arg9[%get3A_238, %get3A_239, %get3A_240] {strides = array<i32>} : memref<2x128x128xf32, #tpu.memory_space<vmem>>, vector<1x1x16xf32>,
          %get3A_242 = vector.shape_cast %get3A_241 : vector<1x1x16xf32> to vector<16xf32>
          %get3A_243 = arith.constant 1 : i32
          %get3A_244 = arith.index_cast %get3A_243 : i32 to index
          %get3A_245 = arith.index_cast %scan3A_218 : i32 to index
          %get3A_246 = arith.constant 16 : index
          %get3A_247 = tpu.vector_load %arg10[%get3A_244, %get3A_245, %get3A_246] {strides = array<i32>} : memref<2x128x128xf32, #tpu.memory_space<vmem>>, vector<1x1x16xf32>,
          %get3A_248 = vector.shape_cast %get3A_247 : vector<1x1x16xf32> to vector<16xf32>
          %add3A_249 = arith.addf %get3A_242, %get3A_248 : vector<16xf32>
          %swap3A_250 = arith.constant 1 : i32
          %swap3A_251 = arith.index_cast %swap3A_250 : i32 to index
          %swap3A_252 = arith.index_cast %scan3A_218 : i32 to index
          %swap3A_253 = arith.constant 16 : index
          %swap3A_254 = tpu.vector_load %arg9[%swap3A_251, %swap3A_252, %swap3A_253] {strides = array<i32>} : memref<2x128x128xf32, #tpu.memory_space<vmem>>, vector<1x1x16xf32>,
          %swap3A_255 = vector.shape_cast %swap3A_254 : vector<1x1x16xf32> to vector<16xf32>
          %swap3A_256 = vector.shape_cast %add3A_249 : vector<16xf32> to vector<1x1x16xf32>
          tpu.vector_store %arg9[%swap3A_251, %swap3A_252, %swap3A_253], %swap3A_256 {strides = array<i32>} : memref<2x128x128xf32, #tpu.memory_space<vmem>>, vector<1x1x16xf32>,
          %get3A_257 = arith.constant 1 : i32
          %get3A_258 = arith.index_cast %get3A_257 : i32 to index
          %get3A_259 = arith.index_cast %scan3A_218 : i32 to index
          %get3A_260 = arith.constant 32 : index
          %get3A_261 = tpu.vector_load %arg9[%get3A_258, %get3A_259, %get3A_260] {strides = array<i32>} : memref<2x128x128xf32, #tpu.memory_space<vmem>>, vector<1x1x16xf32>,
          %get3A_262 = vector.shape_cast %get3A_261 : vector<1x1x16xf32> to vector<16xf32>
          %get3A_263 = arith.constant 1 : i32
          %get3A_264 = arith.index_cast %get3A_263 : i32 to index
          %get3A_265 = arith.index_cast %scan3A_218 : i32 to index
          %get3A_266 = arith.constant 32 : index
          %get3A_267 = tpu.vector_load %arg10[%get3A_264, %get3A_265, %get3A_266] {strides = array<i32>} : memref<2x128x128xf32, #tpu.memory_space<vmem>>, vector<1x1x16xf32>,
          %get3A_268 = vector.shape_cast %get3A_267 : vector<1x1x16xf32> to vector<16xf32>
          %add3A_269 = arith.addf %get3A_262, %get3A_268 : vector<16xf32>
          %swap3A_270 = arith.constant 1 : i32
          %swap3A_271 = arith.index_cast %swap3A_270 : i32 to index
          %swap3A_272 = arith.index_cast %scan3A_218 : i32 to index
          %swap3A_273 = arith.constant 32 : index
          %swap3A_274 = tpu.vector_load %arg9[%swap3A_271, %swap3A_272, %swap3A_273] {strides = array<i32>} : memref<2x128x128xf32, #tpu.memory_space<vmem>>, vector<1x1x16xf32>,
          %swap3A_275 = vector.shape_cast %swap3A_274 : vector<1x1x16xf32> to vector<16xf32>
          %swap3A_276 = vector.shape_cast %add3A_269 : vector<16xf32> to vector<1x1x16xf32>
          tpu.vector_store %arg9[%swap3A_271, %swap3A_272, %swap3A_273], %swap3A_276 {strides = array<i32>} : memref<2x128x128xf32, #tpu.memory_space<vmem>>, vector<1x1x16xf32>,
          %get3A_277 = arith.constant 1 : i32
          %get3A_278 = arith.index_cast %get3A_277 : i32 to index
          %get3A_279 = arith.index_cast %scan3A_218 : i32 to index
          %get3A_280 = arith.constant 48 : index
          %get3A_281 = tpu.vector_load %arg9[%get3A_278, %get3A_279, %get3A_280] {strides = array<i32>} : memref<2x128x128xf32, #tpu.memory_space<vmem>>, vector<1x1x16xf32>,
          %get3A_282 = vector.shape_cast %get3A_281 : vector<1x1x16xf32> to vector<16xf32>
          %get3A_283 = arith.constant 1 : i32
          %get3A_284 = arith.index_cast %get3A_283 : i32 to index
          %get3A_285 = arith.index_cast %scan3A_218 : i32 to index
          %get3A_286 = arith.constant 48 : index
          %get3A_287 = tpu.vector_load %arg10[%get3A_284, %get3A_285, %get3A_286] {strides = array<i32>} : memref<2x128x128xf32, #tpu.memory_space<vmem>>, vector<1x1x16xf32>,
          %get3A_288 = vector.shape_cast %get3A_287 : vector<1x1x16xf32> to vector<16xf32>
          %add3A_289 = arith.addf %get3A_282, %get3A_288 : vector<16xf32>
          %swap3A_290 = arith.constant 1 : i32
          %swap3A_291 = arith.index_cast %swap3A_290 : i32 to index
          %swap3A_292 = arith.index_cast %scan3A_218 : i32 to index
          %swap3A_293 = arith.constant 48 : index
          %swap3A_294 = tpu.vector_load %arg9[%swap3A_291, %swap3A_292, %swap3A_293] {strides = array<i32>} : memref<2x128x128xf32, #tpu.memory_space<vmem>>, vector<1x1x16xf32>,
          %swap3A_295 = vector.shape_cast %swap3A_294 : vector<1x1x16xf32> to vector<16xf32>
          %swap3A_296 = vector.shape_cast %add3A_289 : vector<16xf32> to vector<1x1x16xf32>
          tpu.vector_store %arg9[%swap3A_291, %swap3A_292, %swap3A_293], %swap3A_296 {strides = array<i32>} : memref<2x128x128xf32, #tpu.memory_space<vmem>>, vector<1x1x16xf32>,
          %get3A_297 = arith.constant 1 : i32
          %get3A_298 = arith.index_cast %get3A_297 : i32 to index
          %get3A_299 = arith.index_cast %scan3A_218 : i32 to index
          %get3A_300 = arith.constant 64 : index
          %get3A_301 = tpu.vector_load %arg9[%get3A_298, %get3A_299, %get3A_300] {strides = array<i32>} : memref<2x128x128xf32, #tpu.memory_space<vmem>>, vector<1x1x16xf32>,
          %get3A_302 = vector.shape_cast %get3A_301 : vector<1x1x16xf32> to vector<16xf32>
          %get3A_303 = arith.constant 1 : i32
          %get3A_304 = arith.index_cast %get3A_303 : i32 to index
          %get3A_305 = arith.index_cast %scan3A_218 : i32 to index
          %get3A_306 = arith.constant 64 : index
          %get3A_307 = tpu.vector_load %arg10[%get3A_304, %get3A_305, %get3A_306] {strides = array<i32>} : memref<2x128x128xf32, #tpu.memory_space<vmem>>, vector<1x1x16xf32>,
          %get3A_308 = vector.shape_cast %get3A_307 : vector<1x1x16xf32> to vector<16xf32>
          %add3A_309 = arith.addf %get3A_302, %get3A_308 : vector<16xf32>
          %swap3A_310 = arith.constant 1 : i32
          %swap3A_311 = arith.index_cast %swap3A_310 : i32 to index
          %swap3A_312 = arith.index_cast %scan3A_218 : i32 to index
          %swap3A_313 = arith.constant 64 : index
          %swap3A_314 = tpu.vector_load %arg9[%swap3A_311, %swap3A_312, %swap3A_313] {strides = array<i32>} : memref<2x128x128xf32, #tpu.memory_space<vmem>>, vector<1x1x16xf32>,
          %swap3A_315 = vector.shape_cast %swap3A_314 : vector<1x1x16xf32> to vector<16xf32>
          %swap3A_316 = vector.shape_cast %add3A_309 : vector<16xf32> to vector<1x1x16xf32>
          tpu.vector_store %arg9[%swap3A_311, %swap3A_312, %swap3A_313], %swap3A_316 {strides = array<i32>} : memref<2x128x128xf32, #tpu.memory_space<vmem>>, vector<1x1x16xf32>,
          %get3A_317 = arith.constant 1 : i32
          %get3A_318 = arith.index_cast %get3A_317 : i32 to index
          %get3A_319 = arith.index_cast %scan3A_218 : i32 to index
          %get3A_320 = arith.constant 80 : index
          %get3A_321 = tpu.vector_load %arg9[%get3A_318, %get3A_319, %get3A_320] {strides = array<i32>} : memref<2x128x128xf32, #tpu.memory_space<vmem>>, vector<1x1x16xf32>,
          %get3A_322 = vector.shape_cast %get3A_321 : vector<1x1x16xf32> to vector<16xf32>
          %get3A_323 = arith.constant 1 : i32
          %get3A_324 = arith.index_cast %get3A_323 : i32 to index
          %get3A_325 = arith.index_cast %scan3A_218 : i32 to index
          %get3A_326 = arith.constant 80 : index
          %get3A_327 = tpu.vector_load %arg10[%get3A_324, %get3A_325, %get3A_326] {strides = array<i32>} : memref<2x128x128xf32, #tpu.memory_space<vmem>>, vector<1x1x16xf32>,
          %get3A_328 = vector.shape_cast %get3A_327 : vector<1x1x16xf32> to vector<16xf32>
          %add3A_329 = arith.addf %get3A_322, %get3A_328 : vector<16xf32>
          %swap3A_330 = arith.constant 1 : i32
          %swap3A_331 = arith.index_cast %swap3A_330 : i32 to index
          %swap3A_332 = arith.index_cast %scan3A_218 : i32 to index
          %swap3A_333 = arith.constant 80 : index
          %swap3A_334 = tpu.vector_load %arg9[%swap3A_331, %swap3A_332, %swap3A_333] {strides = array<i32>} : memref<2x128x128xf32, #tpu.memory_space<vmem>>, vector<1x1x16xf32>,
          %swap3A_335 = vector.shape_cast %swap3A_334 : vector<1x1x16xf32> to vector<16xf32>
          %swap3A_336 = vector.shape_cast %add3A_329 : vector<16xf32> to vector<1x1x16xf32>
          tpu.vector_store %arg9[%swap3A_331, %swap3A_332, %swap3A_333], %swap3A_336 {strides = array<i32>} : memref<2x128x128xf32, #tpu.memory_space<vmem>>, vector<1x1x16xf32>,
          %get3A_337 = arith.constant 1 : i32
          %get3A_338 = arith.index_cast %get3A_337 : i32 to index
          %get3A_339 = arith.index_cast %scan3A_218 : i32 to index
          %get3A_340 = arith.constant 96 : index
          %get3A_341 = tpu.vector_load %arg9[%get3A_338, %get3A_339, %get3A_340] {strides = array<i32>} : memref<2x128x128xf32, #tpu.memory_space<vmem>>, vector<1x1x16xf32>,
          %get3A_342 = vector.shape_cast %get3A_341 : vector<1x1x16xf32> to vector<16xf32>
          %get3A_343 = arith.constant 1 : i32
          %get3A_344 = arith.index_cast %get3A_343 : i32 to index
          %get3A_345 = arith.index_cast %scan3A_218 : i32 to index
          %get3A_346 = arith.constant 96 : index
          %get3A_347 = tpu.vector_load %arg10[%get3A_344, %get3A_345, %get3A_346] {strides = array<i32>} : memref<2x128x128xf32, #tpu.memory_space<vmem>>, vector<1x1x16xf32>,
          %get3A_348 = vector.shape_cast %get3A_347 : vector<1x1x16xf32> to vector<16xf32>
          %add3A_349 = arith.addf %get3A_342, %get3A_348 : vector<16xf32>
          %swap3A_350 = arith.constant 1 : i32
          %swap3A_351 = arith.index_cast %swap3A_350 : i32 to index
          %swap3A_352 = arith.index_cast %scan3A_218 : i32 to index
          %swap3A_353 = arith.constant 96 : index
          %swap3A_354 = tpu.vector_load %arg9[%swap3A_351, %swap3A_352, %swap3A_353] {strides = array<i32>} : memref<2x128x128xf32, #tpu.memory_space<vmem>>, vector<1x1x16xf32>,
          %swap3A_355 = vector.shape_cast %swap3A_354 : vector<1x1x16xf32> to vector<16xf32>
          %swap3A_356 = vector.shape_cast %add3A_349 : vector<16xf32> to vector<1x1x16xf32>
          tpu.vector_store %arg9[%swap3A_351, %swap3A_352, %swap3A_353], %swap3A_356 {strides = array<i32>} : memref<2x128x128xf32, #tpu.memory_space<vmem>>, vector<1x1x16xf32>,
          %get3A_357 = arith.constant 1 : i32
          %get3A_358 = arith.index_cast %get3A_357 : i32 to index
          %get3A_359 = arith.index_cast %scan3A_218 : i32 to index
          %get3A_360 = arith.constant 112 : index
          %get3A_361 = tpu.vector_load %arg9[%get3A_358, %get3A_359, %get3A_360] {strides = array<i32>} : memref<2x128x128xf32, #tpu.memory_space<vmem>>, vector<1x1x16xf32>,
          %get3A_362 = vector.shape_cast %get3A_361 : vector<1x1x16xf32> to vector<16xf32>
          %get3A_363 = arith.constant 1 : i32
          %get3A_364 = arith.index_cast %get3A_363 : i32 to index
          %get3A_365 = arith.index_cast %scan3A_218 : i32 to index
          %get3A_366 = arith.constant 112 : index
          %get3A_367 = tpu.vector_load %arg10[%get3A_364, %get3A_365, %get3A_366] {strides = array<i32>} : memref<2x128x128xf32, #tpu.memory_space<vmem>>, vector<1x1x16xf32>,
          %get3A_368 = vector.shape_cast %get3A_367 : vector<1x1x16xf32> to vector<16xf32>
          %add3A_369 = arith.addf %get3A_362, %get3A_368 : vector<16xf32>
          %swap3A_370 = arith.constant 1 : i32
          %swap3A_371 = arith.index_cast %swap3A_370 : i32 to index
          %swap3A_372 = arith.index_cast %scan3A_218 : i32 to index
          %swap3A_373 = arith.constant 112 : index
          %swap3A_374 = tpu.vector_load %arg9[%swap3A_371, %swap3A_372, %swap3A_373] {strides = array<i32>} : memref<2x128x128xf32, #tpu.memory_space<vmem>>, vector<1x1x16xf32>,
          %swap3A_375 = vector.shape_cast %swap3A_374 : vector<1x1x16xf32> to vector<16xf32>
          %swap3A_376 = vector.shape_cast %add3A_369 : vector<16xf32> to vector<1x1x16xf32>
          tpu.vector_store %arg9[%swap3A_371, %swap3A_372, %swap3A_373], %swap3A_376 {strides = array<i32>} : memref<2x128x128xf32, #tpu.memory_space<vmem>>, vector<1x1x16xf32>,
        }
        %scan3A_204 = arith.constant 128 : i32
        %dma_start3A_205 = arith.constant 1 : i32
        %dma_start3A_206 = arith.constant 0 : i32
        %dma_start3A_207 = arith.constant 0 : i32
        %dma_start3A_208 = tpu.memref_slice %arg9[%dma_start3A_205, %dma_start3A_206, %dma_start3A_207] : memref<2x128x128xf32, #tpu.memory_space<vmem>> -> memref<1x128x128xf32, #tpu.memory_space<vmem>>
        %dma_start3A_209 = tpu.memref_squeeze %dma_start3A_208 : memref<1x128x128xf32, #tpu.memory_space<vmem>> -> memref<128x128xf32, #tpu.memory_space<vmem>>
        %dma_start3A_210 = arith.constant 0 : i32
        %dma_start3A_211 = tpu.memref_slice %arg6[%multiple_of3A_198, %dma_start3A_210] : memref<320000x128xf32, #tpu.memory_space<hbm>> -> memref<128x128xf32, #tpu.memory_space<hbm>>
        %dma_start3A_212 = arith.constant 0 : i32
        %dma_start3A_213 = tpu.memref_slice %arg6[%multiple_of3A_198, %dma_start3A_212] : memref<320000x128xf32, #tpu.memory_space<hbm>> -> memref<128x128xf32, #tpu.memory_space<hbm>>
        %dma_start3A_214 = arith.constant 0 : i32
        %dma_start3A_215 = arith.constant 0 : i32
        %dma_start3A_216 = tpu.memref_slice %arg9[%dma_start3A_205, %dma_start3A_214, %dma_start3A_215] : memref<2x128x128xf32, #tpu.memory_space<vmem>> -> memref<1x128x128xf32, #tpu.memory_space<vmem>>
        %dma_start3A_217 = tpu.memref_squeeze %dma_start3A_216 : memref<1x128x128xf32, #tpu.memory_space<vmem>> -> memref<128x128xf32, #tpu.memory_space<vmem>>
        tpu.enqueue_dma source(%dma_start3A_217 : memref<128x128xf32, #tpu.memory_space<vmem>>) target(%dma_start3A_213 : memref<128x128xf32, #tpu.memory_space<hbm>>) target_semaphore(%arg16 : memref<!tpu.dma_semaphore, #tpu.memory_space<semaphore_mem>>)
      } else {
      }
    }
    %scan3A_31 = arith.constant 40 : i32
    %sub3A = arith.constant 2500 : i32
    %sub3A_32 = arith.subi %sub3A, %add3A : i32
    %add3A_33 = arith.constant 32 : i32
    %add3A_34 = arith.addi %sub3A_32, %add3A_33 : i32
    %sub3A_35 = arith.constant 1 : i32
    %sub3A_36 = arith.subi %add3A_34, %sub3A_35 : i32
    %jit3A = arith.constant 32 : i32
    %div3A = arith.divsi %sub3A_36, %jit3A : i32
    %sign3A = arith.constant 0 : i32
    %sign3A_37 = arith.cmpi sgt, %sub3A_36, %sign3A : i32
    %sign3A_38 = arith.extui %sign3A_37 : i1 to i32
    %sign3A_39 = arith.constant 0 : i32
    %sign3A_40 = arith.cmpi slt, %sub3A_36, %sign3A_39 : i32
    %sign3A_41 = arith.extui %sign3A_40 : i1 to i32
    %sign3A_42 = arith.subi %sign3A_38, %sign3A_41 : i32
    %sign3A_43 = arith.constant 0 : i32
    %sign3A_44 = arith.cmpi sgt, %jit3A, %sign3A_43 : i32
    %sign3A_45 = arith.extui %sign3A_44 : i1 to i32
    %sign3A_46 = arith.constant 0 : i32
    %sign3A_47 = arith.cmpi slt, %jit3A, %sign3A_46 : i32
    %sign3A_48 = arith.extui %sign3A_47 : i1 to i32
    %sign3A_49 = arith.subi %sign3A_45, %sign3A_48 : i32
    %ne3A = arith.cmpi ne, %sign3A_42, %sign3A_49 : i32
    %rem3A = arith.remsi %sub3A_36, %jit3A : i32
    %ne3A_50 = arith.constant 0 : i32
    %ne3A_51 = arith.cmpi ne, %rem3A, %ne3A_50 : i32
    %and3A = arith.andi %ne3A, %ne3A_51 : i1
    %sub3A_52 = arith.constant 1 : i32
    %sub3A_53 = arith.subi %div3A, %sub3A_52 : i32
    %select_n3A = arith.select %and3A, %sub3A_53, %div3A : i32
    %sub3A_54 = arith.constant 1 : i32
    %sub3A_55 = arith.subi %select_n3A, %sub3A_54 : i32
    %sub3A_56 = arith.constant 1 : i32
    %sub3A_57 = arith.subi %select_n3A, %sub3A_56 : i32
    %sub3A_58 = arith.constant 0 : i32
    %sub3A_59 = arith.subi %sub3A_57, %sub3A_58 : i32
    %jit3A_60 = arith.constant 2 : i32
    %eq3A = arith.constant 0 : i32
    %eq3A_61 = arith.cmpi eq, %jit3A_60, %eq3A : i32
    %jit3A_62 = arith.constant 1 : i32
    %select_n3A_63 = arith.select %eq3A_61, %jit3A_62, %jit3A_60 : i32
    %rem3A_64 = arith.remsi %sub3A_59, %select_n3A_63 : i32
    %ne3A_65 = arith.constant 0 : i32
    %ne3A_66 = arith.cmpi ne, %rem3A_64, %ne3A_65 : i32
    %lt3A = arith.constant 0 : i32
    %lt3A_67 = arith.cmpi slt, %rem3A_64, %lt3A : i32
    %lt3A_68 = arith.constant 0 : i32
    %lt3A_69 = arith.cmpi slt, %select_n3A_63, %lt3A_68 : i32
    %ne3A_70 = arith.xori %lt3A_67, %lt3A_69 : i1
    %and3A_71 = arith.andi %ne3A_70, %ne3A_66 : i1
    %add3A_72 = arith.addi %rem3A_64, %select_n3A_63 : i32
    %select_n3A_73 = arith.select %and3A_71, %add3A_72, %rem3A_64 : i32
    %sub3A_74 = arith.subi %sub3A_55, %select_n3A_73 : i32
    %mul3A_75 = arith.constant 32 : i32
    %mul3A_76 = arith.muli %sub3A_74, %mul3A_75 : i32
    %add3A_77 = arith.addi %add3A, %mul3A_76 : i32
    %mul3A_78 = arith.constant 128 : i32
    %mul3A_79 = arith.muli %add3A_77, %mul3A_78 : i32
    %multiple_of3A_80 = tpu.assume_multiple %mul3A_79, 128 : i32
    %dma_wait3A = arith.constant 0 : i32
    %dma_wait3A_81 = arith.constant 0 : i32
    %dma_wait3A_82 = arith.constant 0 : i32
    %dma_wait3A_83 = tpu.memref_slice %arg9[%dma_wait3A, %dma_wait3A_81, %dma_wait3A_82] : memref<2x128x128xf32, #tpu.memory_space<vmem>> -> memref<1x128x128xf32, #tpu.memory_space<vmem>>
    %dma_wait3A_84 = tpu.memref_squeeze %dma_wait3A_83 : memref<1x128x128xf32, #tpu.memory_space<vmem>> -> memref<128x128xf32, #tpu.memory_space<vmem>>
    %dma_wait3A_85 = arith.constant 0 : i32
    %dma_wait3A_86 = tpu.memref_slice %arg6[%multiple_of3A_80, %dma_wait3A_85] : memref<320000x128xf32, #tpu.memory_space<hbm>> -> memref<128x128xf32, #tpu.memory_space<hbm>>
    %dma_wait3A_87 = arith.constant 0 : i32
    %dma_wait3A_88 = tpu.memref_slice %arg6[%multiple_of3A_80, %dma_wait3A_87] : memref<320000x128xf32, #tpu.memory_space<hbm>> -> memref<128x128xf32, #tpu.memory_space<hbm>>
    %dma_wait3A_89 = arith.constant 0 : i32
    %dma_wait3A_90 = arith.constant 0 : i32
    %dma_wait3A_91 = tpu.memref_slice %arg9[%dma_wait3A, %dma_wait3A_89, %dma_wait3A_90] : memref<2x128x128xf32, #tpu.memory_space<vmem>> -> memref<1x128x128xf32, #tpu.memory_space<vmem>>
    %dma_wait3A_92 = tpu.memref_squeeze %dma_wait3A_91 : memref<1x128x128xf32, #tpu.memory_space<vmem>> -> memref<128x128xf32, #tpu.memory_space<vmem>>
    tpu.wait_dma2 semaphore(%arg15 : memref<!tpu.dma_semaphore, #tpu.memory_space<semaphore_mem>>) src(%dma_wait3A_92 : memref<128x128xf32, #tpu.memory_space<vmem>>) dst(%dma_wait3A_88 : memref<128x128xf32, #tpu.memory_space<hbm>>)
    %sub3A_93 = arith.constant 1 : i32
    %sub3A_94 = arith.subi %select_n3A, %sub3A_93 : i32
    %sub3A_95 = arith.constant 1 : i32
    %sub3A_96 = arith.subi %select_n3A, %sub3A_95 : i32
    %sub3A_97 = arith.constant 1 : i32
    %sub3A_98 = arith.subi %sub3A_96, %sub3A_97 : i32
    %jit3A_99 = arith.constant 2 : i32
    %eq3A_100 = arith.constant 0 : i32
    %eq3A_101 = arith.cmpi eq, %jit3A_99, %eq3A_100 : i32
    %jit3A_102 = arith.constant 1 : i32
    %select_n3A_103 = arith.select %eq3A_101, %jit3A_102, %jit3A_99 : i32
    %rem3A_104 = arith.remsi %sub3A_98, %select_n3A_103 : i32
    %ne3A_105 = arith.constant 0 : i32
    %ne3A_106 = arith.cmpi ne, %rem3A_104, %ne3A_105 : i32
    %lt3A_107 = arith.constant 0 : i32
    %lt3A_108 = arith.cmpi slt, %rem3A_104, %lt3A_107 : i32
    %lt3A_109 = arith.constant 0 : i32
    %lt3A_110 = arith.cmpi slt, %select_n3A_103, %lt3A_109 : i32
    %ne3A_111 = arith.xori %lt3A_108, %lt3A_110 : i1
    %and3A_112 = arith.andi %ne3A_111, %ne3A_106 : i1
    %add3A_113 = arith.addi %rem3A_104, %select_n3A_103 : i32
    %select_n3A_114 = arith.select %and3A_112, %add3A_113, %rem3A_104 : i32
    %sub3A_115 = arith.subi %sub3A_94, %select_n3A_114 : i32
    %mul3A_116 = arith.constant 32 : i32
    %mul3A_117 = arith.muli %sub3A_115, %mul3A_116 : i32
    %add3A_118 = arith.addi %add3A, %mul3A_117 : i32
    %mul3A_119 = arith.constant 128 : i32
    %mul3A_120 = arith.muli %add3A_118, %mul3A_119 : i32
    %multiple_of3A_121 = tpu.assume_multiple %mul3A_120, 128 : i32
    %dma_wait3A_122 = arith.constant 1 : i32
    %dma_wait3A_123 = arith.constant 0 : i32
    %dma_wait3A_124 = arith.constant 0 : i32
    %dma_wait3A_125 = tpu.memref_slice %arg9[%dma_wait3A_122, %dma_wait3A_123, %dma_wait3A_124] : memref<2x128x128xf32, #tpu.memory_space<vmem>> -> memref<1x128x128xf32, #tpu.memory_space<vmem>>
    %dma_wait3A_126 = tpu.memref_squeeze %dma_wait3A_125 : memref<1x128x128xf32, #tpu.memory_space<vmem>> -> memref<128x128xf32, #tpu.memory_space<vmem>>
    %dma_wait3A_127 = arith.constant 0 : i32
    %dma_wait3A_128 = tpu.memref_slice %arg6[%multiple_of3A_121, %dma_wait3A_127] : memref<320000x128xf32, #tpu.memory_space<hbm>> -> memref<128x128xf32, #tpu.memory_space<hbm>>
    %dma_wait3A_129 = arith.constant 0 : i32
    %dma_wait3A_130 = tpu.memref_slice %arg6[%multiple_of3A_121, %dma_wait3A_129] : memref<320000x128xf32, #tpu.memory_space<hbm>> -> memref<128x128xf32, #tpu.memory_space<hbm>>
    %dma_wait3A_131 = arith.constant 0 : i32
    %dma_wait3A_132 = arith.constant 0 : i32
    %dma_wait3A_133 = tpu.memref_slice %arg9[%dma_wait3A_122, %dma_wait3A_131, %dma_wait3A_132] : memref<2x128x128xf32, #tpu.memory_space<vmem>> -> memref<1x128x128xf32, #tpu.memory_space<vmem>>
    %dma_wait3A_134 = tpu.memref_squeeze %dma_wait3A_133 : memref<1x128x128xf32, #tpu.memory_space<vmem>> -> memref<128x128xf32, #tpu.memory_space<vmem>>
    tpu.wait_dma2 semaphore(%arg16 : memref<!tpu.dma_semaphore, #tpu.memory_space<semaphore_mem>>) src(%dma_wait3A_134 : memref<128x128xf32, #tpu.memory_space<vmem>>) dst(%dma_wait3A_130 : memref<128x128xf32, #tpu.memory_space<hbm>>)
    return
  }
}

#map = affine_map<(d0, d1) -> (0, 0)>
#map1 = affine_map<(d0, d1) -> (0)>
module attributes {stable_mosaic.version = 14 : i64} {
  func.func @_k4_body(%arg0: i32, %arg1: i32, %arg2: memref<40000x128xf32, #tpu.memory_space<hbm>>, %arg3: memref<320000xi32, #tpu.memory_space<hbm>>, %arg4: memref<320000xi32, #tpu.memory_space<hbm>>, %arg5: memref<20000x128xf32, #tpu.memory_space<hbm>>, %arg6: memref<20000x128xf32, #tpu.memory_space<hbm>>, %arg7: memref<2x128xi32, #tpu.memory_space<vmem>>, %arg8: memref<2x16x128xf32, #tpu.memory_space<vmem>>, %arg9: memref<2x128x128xf32, #tpu.memory_space<vmem>>, %arg10: memref<80x128xf32, #tpu.memory_space<vmem>>, %arg11: memref<10000x128xf32, #tpu.memory_space<vmem_shared>>, %arg12: memref<!tpu.dma_semaphore, #tpu.memory_space<semaphore_mem>>, %arg13: memref<!tpu.dma_semaphore, #tpu.memory_space<semaphore_mem>>, %arg14: memref<!tpu.dma_semaphore, #tpu.memory_space<semaphore_mem>>, %arg15: memref<!tpu.dma_semaphore, #tpu.memory_space<semaphore_mem>>) attributes {dimension_semantics = [#tpu.dimension_semantics<core_parallel>, #tpu.dimension_semantics<subcore_parallel>], iteration_bounds = array<i64: 2, 16>, scalar_prefetch = 0 : i64, scratch_operands = 9 : i64, tpu.core_type = #tpu.core_type<sc_vector_subcore>, window_params = [{transform_indices = #map}, {transform_indices = #map1}, {transform_indices = #map1}, {transform_indices = #map}, {transform_indices = #map}]} {
    %mul3A = arith.constant 2 : i32
    %mul3A_0 = arith.muli %arg1, %mul3A : i32
    %add3A = arith.addi %mul3A_0, %arg0 : i32
    %broadcast_in_dim3A = arith.constant 0.000000e+00 : f32
    %broadcast_in_dim3A_1 = vector.broadcast %broadcast_in_dim3A : f32 to vector<16xf32>
    %iota3A = tpu.iota {dimensions = array<i32: 0>} : vector<16xi32>
    %eq3A = arith.constant 0 : i32
    %eq3A_2 = vector.broadcast %eq3A : i32 to vector<16xi32>
    %eq3A_3 = arith.cmpi eq, %iota3A, %eq3A_2 : vector<16xi32>
    %jit3A = arith.constant 1.000000e+00 : f32
    %jit3A_4 = arith.constant 0.000000e+00 : f32
    %broadcast_in_dim3A_5 = vector.broadcast %jit3A : f32 to vector<16xf32>
    %broadcast_in_dim3A_6 = vector.broadcast %jit3A_4 : f32 to vector<16xf32>
    %select_n3A = arith.select %eq3A_3, %broadcast_in_dim3A_5, %broadcast_in_dim3A_6 : vector<16xi1>, vector<16xf32>
    %sub3A = arith.constant 125 : i32
    %sub3A_7 = arith.subi %sub3A, %arg1 : i32
    %add3A_8 = arith.constant 16 : i32
    %add3A_9 = arith.addi %sub3A_7, %add3A_8 : i32
    %sub3A_10 = arith.constant 1 : i32
    %sub3A_11 = arith.subi %add3A_9, %sub3A_10 : i32
    %jit3A_12 = arith.constant 16 : i32
    %div3A = arith.divsi %sub3A_11, %jit3A_12 : i32
    %sign3A = arith.constant 0 : i32
    %sign3A_13 = arith.cmpi sgt, %sub3A_11, %sign3A : i32
    %sign3A_14 = arith.extui %sign3A_13 : i1 to i32
    %sign3A_15 = arith.constant 0 : i32
    %sign3A_16 = arith.cmpi slt, %sub3A_11, %sign3A_15 : i32
    %sign3A_17 = arith.extui %sign3A_16 : i1 to i32
    %sign3A_18 = arith.subi %sign3A_14, %sign3A_17 : i32
    %sign3A_19 = arith.constant 0 : i32
    %sign3A_20 = arith.cmpi sgt, %jit3A_12, %sign3A_19 : i32
    %sign3A_21 = arith.extui %sign3A_20 : i1 to i32
    %sign3A_22 = arith.constant 0 : i32
    %sign3A_23 = arith.cmpi slt, %jit3A_12, %sign3A_22 : i32
    %sign3A_24 = arith.extui %sign3A_23 : i1 to i32
    %sign3A_25 = arith.subi %sign3A_21, %sign3A_24 : i32
    %ne3A = arith.cmpi ne, %sign3A_18, %sign3A_25 : i32
    %rem3A = arith.remsi %sub3A_11, %jit3A_12 : i32
    %ne3A_26 = arith.constant 0 : i32
    %ne3A_27 = arith.cmpi ne, %rem3A, %ne3A_26 : i32
    %and3A = arith.andi %ne3A, %ne3A_27 : i1
    %sub3A_28 = arith.constant 1 : i32
    %sub3A_29 = arith.subi %div3A, %sub3A_28 : i32
    %select_n3A_30 = arith.select %and3A, %sub3A_29, %div3A : i32
    %sub3A_31 = arith.constant 2500 : i32
    %sub3A_32 = arith.subi %sub3A_31, %add3A : i32
    %add3A_33 = arith.constant 32 : i32
    %add3A_34 = arith.addi %sub3A_32, %add3A_33 : i32
    %sub3A_35 = arith.constant 1 : i32
    %sub3A_36 = arith.subi %add3A_34, %sub3A_35 : i32
    %jit3A_37 = arith.constant 32 : i32
    %div3A_38 = arith.divsi %sub3A_36, %jit3A_37 : i32
    %sign3A_39 = arith.constant 0 : i32
    %sign3A_40 = arith.cmpi sgt, %sub3A_36, %sign3A_39 : i32
    %sign3A_41 = arith.extui %sign3A_40 : i1 to i32
    %sign3A_42 = arith.constant 0 : i32
    %sign3A_43 = arith.cmpi slt, %sub3A_36, %sign3A_42 : i32
    %sign3A_44 = arith.extui %sign3A_43 : i1 to i32
    %sign3A_45 = arith.subi %sign3A_41, %sign3A_44 : i32
    %sign3A_46 = arith.constant 0 : i32
    %sign3A_47 = arith.cmpi sgt, %jit3A_37, %sign3A_46 : i32
    %sign3A_48 = arith.extui %sign3A_47 : i1 to i32
    %sign3A_49 = arith.constant 0 : i32
    %sign3A_50 = arith.cmpi slt, %jit3A_37, %sign3A_49 : i32
    %sign3A_51 = arith.extui %sign3A_50 : i1 to i32
    %sign3A_52 = arith.subi %sign3A_48, %sign3A_51 : i32
    %ne3A_53 = arith.cmpi ne, %sign3A_45, %sign3A_52 : i32
    %rem3A_54 = arith.remsi %sub3A_36, %jit3A_37 : i32
    %ne3A_55 = arith.constant 0 : i32
    %ne3A_56 = arith.cmpi ne, %rem3A_54, %ne3A_55 : i32
    %and3A_57 = arith.andi %ne3A_53, %ne3A_56 : i1
    %sub3A_58 = arith.constant 1 : i32
    %sub3A_59 = arith.subi %div3A_38, %sub3A_58 : i32
    %select_n3A_60 = arith.select %and3A_57, %sub3A_59, %div3A_38 : i32
    %scan3A = arith.constant 0 : i32
    %scan3A_61 = arith.constant 0 : i32
    %scan3A_62 = arith.constant 80 : i32
    %scan3A_63 = arith.addi %scan3A_61, %scan3A_62 : i32
    %scan3A_64 = arith.constant 1 : i32
    scf.for %scan3A_228 = %scan3A_61 to %scan3A_63 step %scan3A_64  : i32 {
      %swap3A = arith.index_cast %scan3A_228 : i32 to index
      %swap3A_229 = arith.constant 0 : index
      %swap3A_230 = tpu.vector_load %arg10[%swap3A, %swap3A_229] {strides = array<i32>} : memref<80x128xf32, #tpu.memory_space<vmem>>, vector<1x16xf32>,
      %swap3A_231 = vector.shape_cast %swap3A_230 : vector<1x16xf32> to vector<16xf32>
      %swap3A_232 = vector.shape_cast %broadcast_in_dim3A_1 : vector<16xf32> to vector<1x16xf32>
      tpu.vector_store %arg10[%swap3A, %swap3A_229], %swap3A_232 {strides = array<i32>} : memref<80x128xf32, #tpu.memory_space<vmem>>, vector<1x16xf32>,
      %swap3A_233 = arith.index_cast %scan3A_228 : i32 to index
      %swap3A_234 = arith.constant 16 : index
      %swap3A_235 = tpu.vector_load %arg10[%swap3A_233, %swap3A_234] {strides = array<i32>} : memref<80x128xf32, #tpu.memory_space<vmem>>, vector<1x16xf32>,
      %swap3A_236 = vector.shape_cast %swap3A_235 : vector<1x16xf32> to vector<16xf32>
      %swap3A_237 = vector.shape_cast %broadcast_in_dim3A_1 : vector<16xf32> to vector<1x16xf32>
      tpu.vector_store %arg10[%swap3A_233, %swap3A_234], %swap3A_237 {strides = array<i32>} : memref<80x128xf32, #tpu.memory_space<vmem>>, vector<1x16xf32>,
      %swap3A_238 = arith.index_cast %scan3A_228 : i32 to index
      %swap3A_239 = arith.constant 32 : index
      %swap3A_240 = tpu.vector_load %arg10[%swap3A_238, %swap3A_239] {strides = array<i32>} : memref<80x128xf32, #tpu.memory_space<vmem>>, vector<1x16xf32>,
      %swap3A_241 = vector.shape_cast %swap3A_240 : vector<1x16xf32> to vector<16xf32>
      %swap3A_242 = vector.shape_cast %broadcast_in_dim3A_1 : vector<16xf32> to vector<1x16xf32>
      tpu.vector_store %arg10[%swap3A_238, %swap3A_239], %swap3A_242 {strides = array<i32>} : memref<80x128xf32, #tpu.memory_space<vmem>>, vector<1x16xf32>,
      %swap3A_243 = arith.index_cast %scan3A_228 : i32 to index
      %swap3A_244 = arith.constant 48 : index
      %swap3A_245 = tpu.vector_load %arg10[%swap3A_243, %swap3A_244] {strides = array<i32>} : memref<80x128xf32, #tpu.memory_space<vmem>>, vector<1x16xf32>,
      %swap3A_246 = vector.shape_cast %swap3A_245 : vector<1x16xf32> to vector<16xf32>
      %swap3A_247 = vector.shape_cast %broadcast_in_dim3A_1 : vector<16xf32> to vector<1x16xf32>
      tpu.vector_store %arg10[%swap3A_243, %swap3A_244], %swap3A_247 {strides = array<i32>} : memref<80x128xf32, #tpu.memory_space<vmem>>, vector<1x16xf32>,
      %swap3A_248 = arith.index_cast %scan3A_228 : i32 to index
      %swap3A_249 = arith.constant 64 : index
      %swap3A_250 = tpu.vector_load %arg10[%swap3A_248, %swap3A_249] {strides = array<i32>} : memref<80x128xf32, #tpu.memory_space<vmem>>, vector<1x16xf32>,
      %swap3A_251 = vector.shape_cast %swap3A_250 : vector<1x16xf32> to vector<16xf32>
      %swap3A_252 = vector.shape_cast %broadcast_in_dim3A_1 : vector<16xf32> to vector<1x16xf32>
      tpu.vector_store %arg10[%swap3A_248, %swap3A_249], %swap3A_252 {strides = array<i32>} : memref<80x128xf32, #tpu.memory_space<vmem>>, vector<1x16xf32>,
      %swap3A_253 = arith.index_cast %scan3A_228 : i32 to index
      %swap3A_254 = arith.constant 80 : index
      %swap3A_255 = tpu.vector_load %arg10[%swap3A_253, %swap3A_254] {strides = array<i32>} : memref<80x128xf32, #tpu.memory_space<vmem>>, vector<1x16xf32>,
      %swap3A_256 = vector.shape_cast %swap3A_255 : vector<1x16xf32> to vector<16xf32>
      %swap3A_257 = vector.shape_cast %broadcast_in_dim3A_1 : vector<16xf32> to vector<1x16xf32>
      tpu.vector_store %arg10[%swap3A_253, %swap3A_254], %swap3A_257 {strides = array<i32>} : memref<80x128xf32, #tpu.memory_space<vmem>>, vector<1x16xf32>,
      %swap3A_258 = arith.index_cast %scan3A_228 : i32 to index
      %swap3A_259 = arith.constant 96 : index
      %swap3A_260 = tpu.vector_load %arg10[%swap3A_258, %swap3A_259] {strides = array<i32>} : memref<80x128xf32, #tpu.memory_space<vmem>>, vector<1x16xf32>,
      %swap3A_261 = vector.shape_cast %swap3A_260 : vector<1x16xf32> to vector<16xf32>
      %swap3A_262 = vector.shape_cast %broadcast_in_dim3A_1 : vector<16xf32> to vector<1x16xf32>
      tpu.vector_store %arg10[%swap3A_258, %swap3A_259], %swap3A_262 {strides = array<i32>} : memref<80x128xf32, #tpu.memory_space<vmem>>, vector<1x16xf32>,
      %swap3A_263 = arith.index_cast %scan3A_228 : i32 to index
      %swap3A_264 = arith.constant 112 : index
      %swap3A_265 = tpu.vector_load %arg10[%swap3A_263, %swap3A_264] {strides = array<i32>} : memref<80x128xf32, #tpu.memory_space<vmem>>, vector<1x16xf32>,
      %swap3A_266 = vector.shape_cast %swap3A_265 : vector<1x16xf32> to vector<16xf32>
      %swap3A_267 = vector.shape_cast %broadcast_in_dim3A_1 : vector<16xf32> to vector<1x16xf32>
      tpu.vector_store %arg10[%swap3A_263, %swap3A_264], %swap3A_267 {strides = array<i32>} : memref<80x128xf32, #tpu.memory_space<vmem>>, vector<1x16xf32>,
    }
    %scan3A_65 = arith.constant 80 : i32
    %scan3A_66 = arith.constant 0 : i32
    %scan3A_67 = arith.constant 0 : i32
    %scan3A_68 = arith.constant 128 : i32
    %scan3A_69 = arith.addi %scan3A_67, %scan3A_68 : i32
    %scan3A_70 = arith.constant 1 : i32
    scf.for %scan3A_228 = %scan3A_67 to %scan3A_69 step %scan3A_70  : i32 {
      %swap3A = arith.constant 0 : i32
      %swap3A_229 = arith.index_cast %swap3A : i32 to index
      %swap3A_230 = arith.index_cast %scan3A_228 : i32 to index
      %swap3A_231 = arith.constant 0 : index
      %swap3A_232 = tpu.vector_load %arg9[%swap3A_229, %swap3A_230, %swap3A_231] {strides = array<i32>} : memref<2x128x128xf32, #tpu.memory_space<vmem>>, vector<1x1x16xf32>,
      %swap3A_233 = vector.shape_cast %swap3A_232 : vector<1x1x16xf32> to vector<16xf32>
      %swap3A_234 = vector.shape_cast %broadcast_in_dim3A_1 : vector<16xf32> to vector<1x1x16xf32>
      tpu.vector_store %arg9[%swap3A_229, %swap3A_230, %swap3A_231], %swap3A_234 {strides = array<i32>} : memref<2x128x128xf32, #tpu.memory_space<vmem>>, vector<1x1x16xf32>,
      %swap3A_235 = arith.constant 0 : i32
      %swap3A_236 = arith.index_cast %swap3A_235 : i32 to index
      %swap3A_237 = arith.index_cast %scan3A_228 : i32 to index
      %swap3A_238 = arith.constant 16 : index
      %swap3A_239 = tpu.vector_load %arg9[%swap3A_236, %swap3A_237, %swap3A_238] {strides = array<i32>} : memref<2x128x128xf32, #tpu.memory_space<vmem>>, vector<1x1x16xf32>,
      %swap3A_240 = vector.shape_cast %swap3A_239 : vector<1x1x16xf32> to vector<16xf32>
      %swap3A_241 = vector.shape_cast %broadcast_in_dim3A_1 : vector<16xf32> to vector<1x1x16xf32>
      tpu.vector_store %arg9[%swap3A_236, %swap3A_237, %swap3A_238], %swap3A_241 {strides = array<i32>} : memref<2x128x128xf32, #tpu.memory_space<vmem>>, vector<1x1x16xf32>,
      %swap3A_242 = arith.constant 0 : i32
      %swap3A_243 = arith.index_cast %swap3A_242 : i32 to index
      %swap3A_244 = arith.index_cast %scan3A_228 : i32 to index
      %swap3A_245 = arith.constant 32 : index
      %swap3A_246 = tpu.vector_load %arg9[%swap3A_243, %swap3A_244, %swap3A_245] {strides = array<i32>} : memref<2x128x128xf32, #tpu.memory_space<vmem>>, vector<1x1x16xf32>,
      %swap3A_247 = vector.shape_cast %swap3A_246 : vector<1x1x16xf32> to vector<16xf32>
      %swap3A_248 = vector.shape_cast %broadcast_in_dim3A_1 : vector<16xf32> to vector<1x1x16xf32>
      tpu.vector_store %arg9[%swap3A_243, %swap3A_244, %swap3A_245], %swap3A_248 {strides = array<i32>} : memref<2x128x128xf32, #tpu.memory_space<vmem>>, vector<1x1x16xf32>,
      %swap3A_249 = arith.constant 0 : i32
      %swap3A_250 = arith.index_cast %swap3A_249 : i32 to index
      %swap3A_251 = arith.index_cast %scan3A_228 : i32 to index
      %swap3A_252 = arith.constant 48 : index
      %swap3A_253 = tpu.vector_load %arg9[%swap3A_250, %swap3A_251, %swap3A_252] {strides = array<i32>} : memref<2x128x128xf32, #tpu.memory_space<vmem>>, vector<1x1x16xf32>,
      %swap3A_254 = vector.shape_cast %swap3A_253 : vector<1x1x16xf32> to vector<16xf32>
      %swap3A_255 = vector.shape_cast %broadcast_in_dim3A_1 : vector<16xf32> to vector<1x1x16xf32>
      tpu.vector_store %arg9[%swap3A_250, %swap3A_251, %swap3A_252], %swap3A_255 {strides = array<i32>} : memref<2x128x128xf32, #tpu.memory_space<vmem>>, vector<1x1x16xf32>,
      %swap3A_256 = arith.constant 0 : i32
      %swap3A_257 = arith.index_cast %swap3A_256 : i32 to index
      %swap3A_258 = arith.index_cast %scan3A_228 : i32 to index
      %swap3A_259 = arith.constant 64 : index
      %swap3A_260 = tpu.vector_load %arg9[%swap3A_257, %swap3A_258, %swap3A_259] {strides = array<i32>} : memref<2x128x128xf32, #tpu.memory_space<vmem>>, vector<1x1x16xf32>,
      %swap3A_261 = vector.shape_cast %swap3A_260 : vector<1x1x16xf32> to vector<16xf32>
      %swap3A_262 = vector.shape_cast %broadcast_in_dim3A_1 : vector<16xf32> to vector<1x1x16xf32>
      tpu.vector_store %arg9[%swap3A_257, %swap3A_258, %swap3A_259], %swap3A_262 {strides = array<i32>} : memref<2x128x128xf32, #tpu.memory_space<vmem>>, vector<1x1x16xf32>,
      %swap3A_263 = arith.constant 0 : i32
      %swap3A_264 = arith.index_cast %swap3A_263 : i32 to index
      %swap3A_265 = arith.index_cast %scan3A_228 : i32 to index
      %swap3A_266 = arith.constant 80 : index
      %swap3A_267 = tpu.vector_load %arg9[%swap3A_264, %swap3A_265, %swap3A_266] {strides = array<i32>} : memref<2x128x128xf32, #tpu.memory_space<vmem>>, vector<1x1x16xf32>,
      %swap3A_268 = vector.shape_cast %swap3A_267 : vector<1x1x16xf32> to vector<16xf32>
      %swap3A_269 = vector.shape_cast %broadcast_in_dim3A_1 : vector<16xf32> to vector<1x1x16xf32>
      tpu.vector_store %arg9[%swap3A_264, %swap3A_265, %swap3A_266], %swap3A_269 {strides = array<i32>} : memref<2x128x128xf32, #tpu.memory_space<vmem>>, vector<1x1x16xf32>,
      %swap3A_270 = arith.constant 0 : i32
      %swap3A_271 = arith.index_cast %swap3A_270 : i32 to index
      %swap3A_272 = arith.index_cast %scan3A_228 : i32 to index
      %swap3A_273 = arith.constant 96 : index
      %swap3A_274 = tpu.vector_load %arg9[%swap3A_271, %swap3A_272, %swap3A_273] {strides = array<i32>} : memref<2x128x128xf32, #tpu.memory_space<vmem>>, vector<1x1x16xf32>,
      %swap3A_275 = vector.shape_cast %swap3A_274 : vector<1x1x16xf32> to vector<16xf32>
      %swap3A_276 = vector.shape_cast %broadcast_in_dim3A_1 : vector<16xf32> to vector<1x1x16xf32>
      tpu.vector_store %arg9[%swap3A_271, %swap3A_272, %swap3A_273], %swap3A_276 {strides = array<i32>} : memref<2x128x128xf32, #tpu.memory_space<vmem>>, vector<1x1x16xf32>,
      %swap3A_277 = arith.constant 0 : i32
      %swap3A_278 = arith.index_cast %swap3A_277 : i32 to index
      %swap3A_279 = arith.index_cast %scan3A_228 : i32 to index
      %swap3A_280 = arith.constant 112 : index
      %swap3A_281 = tpu.vector_load %arg9[%swap3A_278, %swap3A_279, %swap3A_280] {strides = array<i32>} : memref<2x128x128xf32, #tpu.memory_space<vmem>>, vector<1x1x16xf32>,
      %swap3A_282 = vector.shape_cast %swap3A_281 : vector<1x1x16xf32> to vector<16xf32>
      %swap3A_283 = vector.shape_cast %broadcast_in_dim3A_1 : vector<16xf32> to vector<1x1x16xf32>
      tpu.vector_store %arg9[%swap3A_278, %swap3A_279, %swap3A_280], %swap3A_283 {strides = array<i32>} : memref<2x128x128xf32, #tpu.memory_space<vmem>>, vector<1x1x16xf32>,
      %swap3A_284 = arith.constant 1 : i32
      %swap3A_285 = arith.index_cast %swap3A_284 : i32 to index
      %swap3A_286 = arith.index_cast %scan3A_228 : i32 to index
      %swap3A_287 = arith.constant 0 : index
      %swap3A_288 = tpu.vector_load %arg9[%swap3A_285, %swap3A_286, %swap3A_287] {strides = array<i32>} : memref<2x128x128xf32, #tpu.memory_space<vmem>>, vector<1x1x16xf32>,
      %swap3A_289 = vector.shape_cast %swap3A_288 : vector<1x1x16xf32> to vector<16xf32>
      %swap3A_290 = vector.shape_cast %broadcast_in_dim3A_1 : vector<16xf32> to vector<1x1x16xf32>
      tpu.vector_store %arg9[%swap3A_285, %swap3A_286, %swap3A_287], %swap3A_290 {strides = array<i32>} : memref<2x128x128xf32, #tpu.memory_space<vmem>>, vector<1x1x16xf32>,
      %swap3A_291 = arith.constant 1 : i32
      %swap3A_292 = arith.index_cast %swap3A_291 : i32 to index
      %swap3A_293 = arith.index_cast %scan3A_228 : i32 to index
      %swap3A_294 = arith.constant 16 : index
      %swap3A_295 = tpu.vector_load %arg9[%swap3A_292, %swap3A_293, %swap3A_294] {strides = array<i32>} : memref<2x128x128xf32, #tpu.memory_space<vmem>>, vector<1x1x16xf32>,
      %swap3A_296 = vector.shape_cast %swap3A_295 : vector<1x1x16xf32> to vector<16xf32>
      %swap3A_297 = vector.shape_cast %broadcast_in_dim3A_1 : vector<16xf32> to vector<1x1x16xf32>
      tpu.vector_store %arg9[%swap3A_292, %swap3A_293, %swap3A_294], %swap3A_297 {strides = array<i32>} : memref<2x128x128xf32, #tpu.memory_space<vmem>>, vector<1x1x16xf32>,
      %swap3A_298 = arith.constant 1 : i32
      %swap3A_299 = arith.index_cast %swap3A_298 : i32 to index
      %swap3A_300 = arith.index_cast %scan3A_228 : i32 to index
      %swap3A_301 = arith.constant 32 : index
      %swap3A_302 = tpu.vector_load %arg9[%swap3A_299, %swap3A_300, %swap3A_301] {strides = array<i32>} : memref<2x128x128xf32, #tpu.memory_space<vmem>>, vector<1x1x16xf32>,
      %swap3A_303 = vector.shape_cast %swap3A_302 : vector<1x1x16xf32> to vector<16xf32>
      %swap3A_304 = vector.shape_cast %broadcast_in_dim3A_1 : vector<16xf32> to vector<1x1x16xf32>
      tpu.vector_store %arg9[%swap3A_299, %swap3A_300, %swap3A_301], %swap3A_304 {strides = array<i32>} : memref<2x128x128xf32, #tpu.memory_space<vmem>>, vector<1x1x16xf32>,
      %swap3A_305 = arith.constant 1 : i32
      %swap3A_306 = arith.index_cast %swap3A_305 : i32 to index
      %swap3A_307 = arith.index_cast %scan3A_228 : i32 to index
      %swap3A_308 = arith.constant 48 : index
      %swap3A_309 = tpu.vector_load %arg9[%swap3A_306, %swap3A_307, %swap3A_308] {strides = array<i32>} : memref<2x128x128xf32, #tpu.memory_space<vmem>>, vector<1x1x16xf32>,
      %swap3A_310 = vector.shape_cast %swap3A_309 : vector<1x1x16xf32> to vector<16xf32>
      %swap3A_311 = vector.shape_cast %broadcast_in_dim3A_1 : vector<16xf32> to vector<1x1x16xf32>
      tpu.vector_store %arg9[%swap3A_306, %swap3A_307, %swap3A_308], %swap3A_311 {strides = array<i32>} : memref<2x128x128xf32, #tpu.memory_space<vmem>>, vector<1x1x16xf32>,
      %swap3A_312 = arith.constant 1 : i32
      %swap3A_313 = arith.index_cast %swap3A_312 : i32 to index
      %swap3A_314 = arith.index_cast %scan3A_228 : i32 to index
      %swap3A_315 = arith.constant 64 : index
      %swap3A_316 = tpu.vector_load %arg9[%swap3A_313, %swap3A_314, %swap3A_315] {strides = array<i32>} : memref<2x128x128xf32, #tpu.memory_space<vmem>>, vector<1x1x16xf32>,
      %swap3A_317 = vector.shape_cast %swap3A_316 : vector<1x1x16xf32> to vector<16xf32>
      %swap3A_318 = vector.shape_cast %broadcast_in_dim3A_1 : vector<16xf32> to vector<1x1x16xf32>
      tpu.vector_store %arg9[%swap3A_313, %swap3A_314, %swap3A_315], %swap3A_318 {strides = array<i32>} : memref<2x128x128xf32, #tpu.memory_space<vmem>>, vector<1x1x16xf32>,
      %swap3A_319 = arith.constant 1 : i32
      %swap3A_320 = arith.index_cast %swap3A_319 : i32 to index
      %swap3A_321 = arith.index_cast %scan3A_228 : i32 to index
      %swap3A_322 = arith.constant 80 : index
      %swap3A_323 = tpu.vector_load %arg9[%swap3A_320, %swap3A_321, %swap3A_322] {strides = array<i32>} : memref<2x128x128xf32, #tpu.memory_space<vmem>>, vector<1x1x16xf32>,
      %swap3A_324 = vector.shape_cast %swap3A_323 : vector<1x1x16xf32> to vector<16xf32>
      %swap3A_325 = vector.shape_cast %broadcast_in_dim3A_1 : vector<16xf32> to vector<1x1x16xf32>
      tpu.vector_store %arg9[%swap3A_320, %swap3A_321, %swap3A_322], %swap3A_325 {strides = array<i32>} : memref<2x128x128xf32, #tpu.memory_space<vmem>>, vector<1x1x16xf32>,
      %swap3A_326 = arith.constant 1 : i32
      %swap3A_327 = arith.index_cast %swap3A_326 : i32 to index
      %swap3A_328 = arith.index_cast %scan3A_228 : i32 to index
      %swap3A_329 = arith.constant 96 : index
      %swap3A_330 = tpu.vector_load %arg9[%swap3A_327, %swap3A_328, %swap3A_329] {strides = array<i32>} : memref<2x128x128xf32, #tpu.memory_space<vmem>>, vector<1x1x16xf32>,
      %swap3A_331 = vector.shape_cast %swap3A_330 : vector<1x1x16xf32> to vector<16xf32>
      %swap3A_332 = vector.shape_cast %broadcast_in_dim3A_1 : vector<16xf32> to vector<1x1x16xf32>
      tpu.vector_store %arg9[%swap3A_327, %swap3A_328, %swap3A_329], %swap3A_332 {strides = array<i32>} : memref<2x128x128xf32, #tpu.memory_space<vmem>>, vector<1x1x16xf32>,
      %swap3A_333 = arith.constant 1 : i32
      %swap3A_334 = arith.index_cast %swap3A_333 : i32 to index
      %swap3A_335 = arith.index_cast %scan3A_228 : i32 to index
      %swap3A_336 = arith.constant 112 : index
      %swap3A_337 = tpu.vector_load %arg9[%swap3A_334, %swap3A_335, %swap3A_336] {strides = array<i32>} : memref<2x128x128xf32, #tpu.memory_space<vmem>>, vector<1x1x16xf32>,
      %swap3A_338 = vector.shape_cast %swap3A_337 : vector<1x1x16xf32> to vector<16xf32>
      %swap3A_339 = vector.shape_cast %broadcast_in_dim3A_1 : vector<16xf32> to vector<1x1x16xf32>
      tpu.vector_store %arg9[%swap3A_334, %swap3A_335, %swap3A_336], %swap3A_339 {strides = array<i32>} : memref<2x128x128xf32, #tpu.memory_space<vmem>>, vector<1x1x16xf32>,
    }
    %scan3A_71 = arith.constant 128 : i32
    %while3A = arith.constant 0 : i32
    %while3A_72 = arith.constant 0 : i32
    %while3A_73 = arith.subi %select_n3A_30, %while3A_72 : i32
    %while3A_74 = arith.addi %while3A_72, %while3A_73 : i32
    %while3A_75 = arith.constant 1 : i32
    %while3A_76 = arith.divsi %while3A_73, %while3A_75 : i32
    %while3A_77 = arith.muli %while3A_76, %while3A_75 : i32
    %while3A_78 = arith.addi %while3A_72, %while3A_77 : i32
    %while3A_79 = arith.constant 1 : i32
    scf.for %while3A_228 = %while3A_72 to %while3A_78 step %while3A_79  : i32 {
      %mul3A_229 = arith.constant 16 : i32
      %mul3A_230 = arith.muli %while3A_228, %mul3A_229 : i32
      %add3A_231 = arith.addi %arg1, %mul3A_230 : i32
      %mul3A_232 = arith.constant 80 : i32
      %mul3A_233 = arith.muli %add3A_231, %mul3A_232 : i32
      %multiple_of3A_234 = tpu.assume_multiple %mul3A_233, 80 : i32
      "tpu.region"() ({
        %run_scoped3A = tpu.sem_alloc : memref<!tpu.dma_semaphore, #tpu.memory_space<semaphore_mem>>
        %dma_start3A_235 = arith.constant 0 : i32
        %dma_start3A_236 = tpu.memref_slice %arg11[%multiple_of3A_234, %dma_start3A_235] : memref<10000x128xf32, #tpu.memory_space<vmem_shared>> -> memref<80x128xf32, #tpu.memory_space<vmem_shared>>
        %dma_start3A_237 = arith.constant 0 : i32
        %dma_start3A_238 = tpu.memref_slice %arg11[%multiple_of3A_234, %dma_start3A_237] : memref<10000x128xf32, #tpu.memory_space<vmem_shared>> -> memref<80x128xf32, #tpu.memory_space<vmem_shared>>
        tpu.enqueue_dma source(%arg10 : memref<80x128xf32, #tpu.memory_space<vmem>>) target(%dma_start3A_238 : memref<80x128xf32, #tpu.memory_space<vmem_shared>>) target_semaphore(%run_scoped3A : memref<!tpu.dma_semaphore, #tpu.memory_space<semaphore_mem>>)
        %dma_wait3A_239 = arith.constant 0 : i32
        %dma_wait3A_240 = tpu.memref_slice %arg11[%multiple_of3A_234, %dma_wait3A_239] : memref<10000x128xf32, #tpu.memory_space<vmem_shared>> -> memref<80x128xf32, #tpu.memory_space<vmem_shared>>
        %dma_wait3A_241 = arith.constant 0 : i32
        %dma_wait3A_242 = tpu.memref_slice %arg11[%multiple_of3A_234, %dma_wait3A_241] : memref<10000x128xf32, #tpu.memory_space<vmem_shared>> -> memref<80x128xf32, #tpu.memory_space<vmem_shared>>
        tpu.wait_dma2 semaphore(%run_scoped3A : memref<!tpu.dma_semaphore, #tpu.memory_space<semaphore_mem>>) src(%arg10 : memref<80x128xf32, #tpu.memory_space<vmem>>) dst(%dma_wait3A_242 : memref<80x128xf32, #tpu.memory_space<vmem_shared>>)
        tpu.yield
      }) : () -> ()
    }
    %while3A_80 = arith.constant 1 : i32
    scf.for %while3A_228 = %while3A_78 to %while3A_74 step %while3A_80  : i32 {
      %mul3A_229 = arith.constant 16 : i32
      %mul3A_230 = arith.muli %while3A_228, %mul3A_229 : i32
      %add3A_231 = arith.addi %arg1, %mul3A_230 : i32
      %mul3A_232 = arith.constant 80 : i32
      %mul3A_233 = arith.muli %add3A_231, %mul3A_232 : i32
      %multiple_of3A_234 = tpu.assume_multiple %mul3A_233, 80 : i32
      "tpu.region"() ({
        %run_scoped3A = tpu.sem_alloc : memref<!tpu.dma_semaphore, #tpu.memory_space<semaphore_mem>>
        %dma_start3A_235 = arith.constant 0 : i32
        %dma_start3A_236 = tpu.memref_slice %arg11[%multiple_of3A_234, %dma_start3A_235] : memref<10000x128xf32, #tpu.memory_space<vmem_shared>> -> memref<80x128xf32, #tpu.memory_space<vmem_shared>>
        %dma_start3A_237 = arith.constant 0 : i32
        %dma_start3A_238 = tpu.memref_slice %arg11[%multiple_of3A_234, %dma_start3A_237] : memref<10000x128xf32, #tpu.memory_space<vmem_shared>> -> memref<80x128xf32, #tpu.memory_space<vmem_shared>>
        tpu.enqueue_dma source(%arg10 : memref<80x128xf32, #tpu.memory_space<vmem>>) target(%dma_start3A_238 : memref<80x128xf32, #tpu.memory_space<vmem_shared>>) target_semaphore(%run_scoped3A : memref<!tpu.dma_semaphore, #tpu.memory_space<semaphore_mem>>)
        %dma_wait3A_239 = arith.constant 0 : i32
        %dma_wait3A_240 = tpu.memref_slice %arg11[%multiple_of3A_234, %dma_wait3A_239] : memref<10000x128xf32, #tpu.memory_space<vmem_shared>> -> memref<80x128xf32, #tpu.memory_space<vmem_shared>>
        %dma_wait3A_241 = arith.constant 0 : i32
        %dma_wait3A_242 = tpu.memref_slice %arg11[%multiple_of3A_234, %dma_wait3A_241] : memref<10000x128xf32, #tpu.memory_space<vmem_shared>> -> memref<80x128xf32, #tpu.memory_space<vmem_shared>>
        tpu.wait_dma2 semaphore(%run_scoped3A : memref<!tpu.dma_semaphore, #tpu.memory_space<semaphore_mem>>) src(%arg10 : memref<80x128xf32, #tpu.memory_space<vmem>>) dst(%dma_wait3A_242 : memref<80x128xf32, #tpu.memory_space<vmem_shared>>)
        tpu.yield
      }) : () -> ()
    }
    %barrier3A = arith.constant 0 : index
    tpu.barrier barrier_id(%barrier3A)
    %mul3A_81 = arith.constant 128 : i32
    %mul3A_82 = arith.muli %add3A, %mul3A_81 : i32
    %multiple_of3A = tpu.assume_multiple %mul3A_82, 128 : i32
    %mul3A_83 = arith.constant 16 : i32
    %mul3A_84 = arith.muli %add3A, %mul3A_83 : i32
    %multiple_of3A_85 = tpu.assume_multiple %mul3A_84, 16 : i32
    %dma_start3A = arith.constant 0 : i32
    %dma_start3A_86 = arith.constant 0 : i32
    %dma_start3A_87 = tpu.memref_slice %arg7[%dma_start3A, %dma_start3A_86] : memref<2x128xi32, #tpu.memory_space<vmem>> -> memref<1x128xi32, #tpu.memory_space<vmem>>
    %dma_start3A_88 = tpu.memref_squeeze %dma_start3A_87 : memref<1x128xi32, #tpu.memory_space<vmem>> -> memref<128xi32, #tpu.memory_space<vmem>>
    %dma_start3A_89 = tpu.memref_slice %arg4[%multiple_of3A] : memref<320000xi32, #tpu.memory_space<hbm>> -> memref<128xi32, #tpu.memory_space<hbm>>
    %dma_start3A_90 = arith.constant 0 : i32
    %dma_start3A_91 = tpu.memref_slice %arg7[%dma_start3A, %dma_start3A_90] : memref<2x128xi32, #tpu.memory_space<vmem>> -> memref<1x128xi32, #tpu.memory_space<vmem>>
    %dma_start3A_92 = tpu.memref_squeeze %dma_start3A_91 : memref<1x128xi32, #tpu.memory_space<vmem>> -> memref<128xi32, #tpu.memory_space<vmem>>
    %dma_start3A_93 = tpu.memref_slice %arg4[%multiple_of3A] : memref<320000xi32, #tpu.memory_space<hbm>> -> memref<128xi32, #tpu.memory_space<hbm>>
    tpu.enqueue_dma source(%dma_start3A_93 : memref<128xi32, #tpu.memory_space<hbm>>) target(%dma_start3A_92 : memref<128xi32, #tpu.memory_space<vmem>>) target_semaphore(%arg12 : memref<!tpu.dma_semaphore, #tpu.memory_space<semaphore_mem>>)
    %dma_start3A_94 = arith.constant 0 : i32
    %dma_start3A_95 = arith.constant 0 : i32
    %dma_start3A_96 = arith.constant 0 : i32
    %dma_start3A_97 = tpu.memref_slice %arg8[%dma_start3A_94, %dma_start3A_95, %dma_start3A_96] : memref<2x16x128xf32, #tpu.memory_space<vmem>> -> memref<1x16x128xf32, #tpu.memory_space<vmem>>
    %dma_start3A_98 = tpu.memref_squeeze %dma_start3A_97 : memref<1x16x128xf32, #tpu.memory_space<vmem>> -> memref<16x128xf32, #tpu.memory_space<vmem>>
    %dma_start3A_99 = arith.constant 0 : i32
    %dma_start3A_100 = tpu.memref_slice %arg2[%multiple_of3A_85, %dma_start3A_99] : memref<40000x128xf32, #tpu.memory_space<hbm>> -> memref<16x128xf32, #tpu.memory_space<hbm>>
    %dma_start3A_101 = arith.constant 0 : i32
    %dma_start3A_102 = arith.constant 0 : i32
    %dma_start3A_103 = tpu.memref_slice %arg8[%dma_start3A_94, %dma_start3A_101, %dma_start3A_102] : memref<2x16x128xf32, #tpu.memory_space<vmem>> -> memref<1x16x128xf32, #tpu.memory_space<vmem>>
    %dma_start3A_104 = tpu.memref_squeeze %dma_start3A_103 : memref<1x16x128xf32, #tpu.memory_space<vmem>> -> memref<16x128xf32, #tpu.memory_space<vmem>>
    %dma_start3A_105 = arith.constant 0 : i32
    %dma_start3A_106 = tpu.memref_slice %arg2[%multiple_of3A_85, %dma_start3A_105] : memref<40000x128xf32, #tpu.memory_space<hbm>> -> memref<16x128xf32, #tpu.memory_space<hbm>>
    tpu.enqueue_dma source(%dma_start3A_106 : memref<16x128xf32, #tpu.memory_space<hbm>>) target(%dma_start3A_104 : memref<16x128xf32, #tpu.memory_space<vmem>>) target_semaphore(%arg12 : memref<!tpu.dma_semaphore, #tpu.memory_space<semaphore_mem>>)
    %scan3A_107 = arith.constant 0 : i32
    %scan3A_108 = arith.constant 0 : i32
    %scan3A_109 = arith.constant 40 : i32
    %scan3A_110 = arith.addi %scan3A_108, %scan3A_109 : i32
    %scan3A_111 = arith.constant 1 : i32
    scf.for %scan3A_228 = %scan3A_108 to %scan3A_110 step %scan3A_111  : i32 {
      %mul3A_229 = arith.constant 2 : i32
      %mul3A_230 = arith.muli %scan3A_228, %mul3A_229 : i32
      %add3A_231 = arith.constant 0 : i32
      %add3A_232 = arith.addi %mul3A_230, %add3A_231 : i32
      %mul3A_233 = arith.constant 32 : i32
      %mul3A_234 = arith.muli %add3A_232, %mul3A_233 : i32
      %add3A_235 = arith.addi %add3A, %mul3A_234 : i32
      %add3A_236 = arith.constant 32 : i32
      %add3A_237 = arith.addi %add3A_235, %add3A_236 : i32
      %lt3A = arith.constant 2500 : i32
      %lt3A_238 = arith.cmpi slt, %add3A_237, %lt3A : i32
      %convert_element_type3A = arith.extui %lt3A_238 : i1 to i32
      %cond3A = arith.constant 0 : i32
      %cond3A_239 = arith.cmpi ne, %convert_element_type3A, %cond3A : i32
      scf.if %cond3A_239 {
        %ge3A = arith.constant 1 : i32
        %ge3A_264 = arith.cmpi sge, %add3A_232, %ge3A : i32
        %convert_element_type3A_265 = arith.extui %ge3A_264 : i1 to i32
        %cond3A_266 = arith.constant 0 : i32
        %cond3A_267 = arith.cmpi ne, %convert_element_type3A_265, %cond3A_266 : i32
        scf.if %cond3A_267 {
          %dma_wait3A_296 = arith.constant 1 : i32
          %dma_wait3A_297 = arith.constant 1 : i32
          %dma_wait3A_298 = arith.constant 0 : i32
          %dma_wait3A_299 = arith.constant 0 : i32
          %dma_wait3A_300 = tpu.memref_slice %arg9[%dma_wait3A_296, %dma_wait3A_298, %dma_wait3A_299] : memref<2x128x128xf32, #tpu.memory_space<vmem>> -> memref<1x128x128xf32, #tpu.memory_space<vmem>>
          %dma_wait3A_301 = tpu.memref_squeeze %dma_wait3A_300 : memref<1x128x128xf32, #tpu.memory_space<vmem>> -> memref<128x128xf32, #tpu.memory_space<vmem>>
          %dma_wait3A_302 = arith.constant 0 : i32
          %dma_wait3A_303 = tpu.memref_slice %arg7[%dma_wait3A_297, %dma_wait3A_302] : memref<2x128xi32, #tpu.memory_space<vmem>> -> memref<1x128xi32, #tpu.memory_space<vmem>>
          %dma_wait3A_304 = tpu.memref_squeeze %dma_wait3A_303 : memref<1x128xi32, #tpu.memory_space<vmem>> -> memref<128xi32, #tpu.memory_space<vmem>>
          %dma_wait3A_305 = arith.constant 0 : i32
          %dma_wait3A_306 = arith.constant 0 : i32
          %dma_wait3A_307 = tpu.memref_slice %arg11[%dma_wait3A_305, %dma_wait3A_306] : memref<10000x128xf32, #tpu.memory_space<vmem_shared>> -> memref<10000x128xf32, #tpu.memory_space<vmem_shared>>
          tpu.wait_indirect_dma semaphore(%arg15 : memref<!tpu.dma_semaphore, #tpu.memory_space<semaphore_mem>>) src(%dma_wait3A_301 : memref<128x128xf32, #tpu.memory_space<vmem>>) dst(%dma_wait3A_307 : memref<10000x128xf32, #tpu.memory_space<vmem_shared>>)
        } else {
        }
        %mul3A_268 = arith.constant 128 : i32
        %mul3A_269 = arith.muli %add3A_237, %mul3A_268 : i32
        %multiple_of3A_270 = tpu.assume_multiple %mul3A_269, 128 : i32
        %mul3A_271 = arith.constant 16 : i32
        %mul3A_272 = arith.muli %add3A_237, %mul3A_271 : i32
        %multiple_of3A_273 = tpu.assume_multiple %mul3A_272, 16 : i32
        %dma_start3A_274 = arith.constant 1 : i32
        %dma_start3A_275 = arith.constant 0 : i32
        %dma_start3A_276 = tpu.memref_slice %arg7[%dma_start3A_274, %dma_start3A_275] : memref<2x128xi32, #tpu.memory_space<vmem>> -> memref<1x128xi32, #tpu.memory_space<vmem>>
        %dma_start3A_277 = tpu.memref_squeeze %dma_start3A_276 : memref<1x128xi32, #tpu.memory_space<vmem>> -> memref<128xi32, #tpu.memory_space<vmem>>
        %dma_start3A_278 = tpu.memref_slice %arg4[%multiple_of3A_270] : memref<320000xi32, #tpu.memory_space<hbm>> -> memref<128xi32, #tpu.memory_space<hbm>>
        %dma_start3A_279 = arith.constant 0 : i32
        %dma_start3A_280 = tpu.memref_slice %arg7[%dma_start3A_274, %dma_start3A_279] : memref<2x128xi32, #tpu.memory_space<vmem>> -> memref<1x128xi32, #tpu.memory_space<vmem>>
        %dma_start3A_281 = tpu.memref_squeeze %dma_start3A_280 : memref<1x128xi32, #tpu.memory_space<vmem>> -> memref<128xi32, #tpu.memory_space<vmem>>
        %dma_start3A_282 = tpu.memref_slice %arg4[%multiple_of3A_270] : memref<320000xi32, #tpu.memory_space<hbm>> -> memref<128xi32, #tpu.memory_space<hbm>>
        tpu.enqueue_dma source(%dma_start3A_282 : memref<128xi32, #tpu.memory_space<hbm>>) target(%dma_start3A_281 : memref<128xi32, #tpu.memory_space<vmem>>) target_semaphore(%arg13 : memref<!tpu.dma_semaphore, #tpu.memory_space<semaphore_mem>>)
        %dma_start3A_283 = arith.constant 1 : i32
        %dma_start3A_284 = arith.constant 0 : i32
        %dma_start3A_285 = arith.constant 0 : i32
        %dma_start3A_286 = tpu.memref_slice %arg8[%dma_start3A_283, %dma_start3A_284, %dma_start3A_285] : memref<2x16x128xf32, #tpu.memory_space<vmem>> -> memref<1x16x128xf32, #tpu.memory_space<vmem>>
        %dma_start3A_287 = tpu.memref_squeeze %dma_start3A_286 : memref<1x16x128xf32, #tpu.memory_space<vmem>> -> memref<16x128xf32, #tpu.memory_space<vmem>>
        %dma_start3A_288 = arith.constant 0 : i32
        %dma_start3A_289 = tpu.memref_slice %arg2[%multiple_of3A_273, %dma_start3A_288] : memref<40000x128xf32, #tpu.memory_space<hbm>> -> memref<16x128xf32, #tpu.memory_space<hbm>>
        %dma_start3A_290 = arith.constant 0 : i32
        %dma_start3A_291 = arith.constant 0 : i32
        %dma_start3A_292 = tpu.memref_slice %arg8[%dma_start3A_283, %dma_start3A_290, %dma_start3A_291] : memref<2x16x128xf32, #tpu.memory_space<vmem>> -> memref<1x16x128xf32, #tpu.memory_space<vmem>>
        %dma_start3A_293 = tpu.memref_squeeze %dma_start3A_292 : memref<1x16x128xf32, #tpu.memory_space<vmem>> -> memref<16x128xf32, #tpu.memory_space<vmem>>
        %dma_start3A_294 = arith.constant 0 : i32
        %dma_start3A_295 = tpu.memref_slice %arg2[%multiple_of3A_273, %dma_start3A_294] : memref<40000x128xf32, #tpu.memory_space<hbm>> -> memref<16x128xf32, #tpu.memory_space<hbm>>
        tpu.enqueue_dma source(%dma_start3A_295 : memref<16x128xf32, #tpu.memory_space<hbm>>) target(%dma_start3A_293 : memref<16x128xf32, #tpu.memory_space<vmem>>) target_semaphore(%arg13 : memref<!tpu.dma_semaphore, #tpu.memory_space<semaphore_mem>>)
      } else {
      }
      %lt3A_240 = arith.constant 2500 : i32
      %lt3A_241 = arith.cmpi slt, %add3A_235, %lt3A_240 : i32
      %convert_element_type3A_242 = arith.extui %lt3A_241 : i1 to i32
      %cond3A_243 = arith.constant 0 : i32
      %cond3A_244 = arith.cmpi ne, %convert_element_type3A_242, %cond3A_243 : i32
      scf.if %cond3A_244 {
        %mul3A_264 = arith.constant 128 : i32
        %mul3A_265 = arith.muli %add3A_235, %mul3A_264 : i32
        %multiple_of3A_266 = tpu.assume_multiple %mul3A_265, 128 : i32
        %mul3A_267 = arith.constant 16 : i32
        %mul3A_268 = arith.muli %add3A_235, %mul3A_267 : i32
        %multiple_of3A_269 = tpu.assume_multiple %mul3A_268, 16 : i32
        %dma_wait3A_270 = arith.constant 0 : i32
        %dma_wait3A_271 = arith.constant 0 : i32
        %dma_wait3A_272 = tpu.memref_slice %arg7[%dma_wait3A_270, %dma_wait3A_271] : memref<2x128xi32, #tpu.memory_space<vmem>> -> memref<1x128xi32, #tpu.memory_space<vmem>>
        %dma_wait3A_273 = tpu.memref_squeeze %dma_wait3A_272 : memref<1x128xi32, #tpu.memory_space<vmem>> -> memref<128xi32, #tpu.memory_space<vmem>>
        %dma_wait3A_274 = tpu.memref_slice %arg4[%multiple_of3A_266] : memref<320000xi32, #tpu.memory_space<hbm>> -> memref<128xi32, #tpu.memory_space<hbm>>
        %dma_wait3A_275 = arith.constant 0 : i32
        %dma_wait3A_276 = tpu.memref_slice %arg7[%dma_wait3A_270, %dma_wait3A_275] : memref<2x128xi32, #tpu.memory_space<vmem>> -> memref<1x128xi32, #tpu.memory_space<vmem>>
        %dma_wait3A_277 = tpu.memref_squeeze %dma_wait3A_276 : memref<1x128xi32, #tpu.memory_space<vmem>> -> memref<128xi32, #tpu.memory_space<vmem>>
        %dma_wait3A_278 = tpu.memref_slice %arg4[%multiple_of3A_266] : memref<320000xi32, #tpu.memory_space<hbm>> -> memref<128xi32, #tpu.memory_space<hbm>>
        tpu.wait_dma2 semaphore(%arg12 : memref<!tpu.dma_semaphore, #tpu.memory_space<semaphore_mem>>) src(%dma_wait3A_278 : memref<128xi32, #tpu.memory_space<hbm>>) dst(%dma_wait3A_277 : memref<128xi32, #tpu.memory_space<vmem>>)
        %dma_wait3A_279 = arith.constant 0 : i32
        %dma_wait3A_280 = arith.constant 0 : i32
        %dma_wait3A_281 = arith.constant 0 : i32
        %dma_wait3A_282 = tpu.memref_slice %arg8[%dma_wait3A_279, %dma_wait3A_280, %dma_wait3A_281] : memref<2x16x128xf32, #tpu.memory_space<vmem>> -> memref<1x16x128xf32, #tpu.memory_space<vmem>>
        %dma_wait3A_283 = tpu.memref_squeeze %dma_wait3A_282 : memref<1x16x128xf32, #tpu.memory_space<vmem>> -> memref<16x128xf32, #tpu.memory_space<vmem>>
        %dma_wait3A_284 = arith.constant 0 : i32
        %dma_wait3A_285 = tpu.memref_slice %arg2[%multiple_of3A_269, %dma_wait3A_284] : memref<40000x128xf32, #tpu.memory_space<hbm>> -> memref<16x128xf32, #tpu.memory_space<hbm>>
        %dma_wait3A_286 = arith.constant 0 : i32
        %dma_wait3A_287 = arith.constant 0 : i32
        %dma_wait3A_288 = tpu.memref_slice %arg8[%dma_wait3A_279, %dma_wait3A_286, %dma_wait3A_287] : memref<2x16x128xf32, #tpu.memory_space<vmem>> -> memref<1x16x128xf32, #tpu.memory_space<vmem>>
        %dma_wait3A_289 = tpu.memref_squeeze %dma_wait3A_288 : memref<1x16x128xf32, #tpu.memory_space<vmem>> -> memref<16x128xf32, #tpu.memory_space<vmem>>
        %dma_wait3A_290 = arith.constant 0 : i32
        %dma_wait3A_291 = tpu.memref_slice %arg2[%multiple_of3A_269, %dma_wait3A_290] : memref<40000x128xf32, #tpu.memory_space<hbm>> -> memref<16x128xf32, #tpu.memory_space<hbm>>
        tpu.wait_dma2 semaphore(%arg12 : memref<!tpu.dma_semaphore, #tpu.memory_space<semaphore_mem>>) src(%dma_wait3A_291 : memref<16x128xf32, #tpu.memory_space<hbm>>) dst(%dma_wait3A_289 : memref<16x128xf32, #tpu.memory_space<vmem>>)
        %scan3A_292 = arith.constant 0 : i32
        %scan3A_293 = arith.constant 0 : i32
        %scan3A_294 = arith.constant 16 : i32
        %scan3A_295 = arith.addi %scan3A_293, %scan3A_294 : i32
        %scan3A_296 = arith.constant 1 : i32
        scf.for %scan3A_310 = %scan3A_293 to %scan3A_295 step %scan3A_296  : i32 {
          %get3A = arith.constant 0 : i32
          %get3A_311 = arith.index_cast %get3A : i32 to index
          %get3A_312 = arith.index_cast %scan3A_310 : i32 to index
          %get3A_313 = arith.constant 0 : index
          %get3A_314 = tpu.vector_load %arg8[%get3A_311, %get3A_312, %get3A_313] {strides = array<i32>} : memref<2x16x128xf32, #tpu.memory_space<vmem>>, vector<1x1x16xf32>,
          %get3A_315 = vector.shape_cast %get3A_314 : vector<1x1x16xf32> to vector<16xf32>
          %mul3A_316 = arith.constant 8 : i32
          %mul3A_317 = arith.muli %scan3A_310, %mul3A_316 : i32
          %add3A_318 = arith.constant 0 : i32
          %add3A_319 = arith.addi %mul3A_317, %add3A_318 : i32
          %swap3A = arith.constant 0 : i32
          %swap3A_320 = arith.index_cast %swap3A : i32 to index
          %swap3A_321 = arith.index_cast %add3A_319 : i32 to index
          %swap3A_322 = arith.constant 0 : index
          %swap3A_323 = tpu.vector_load %arg9[%swap3A_320, %swap3A_321, %swap3A_322] {strides = array<i32>} : memref<2x128x128xf32, #tpu.memory_space<vmem>>, vector<1x1x16xf32>,
          %swap3A_324 = vector.shape_cast %swap3A_323 : vector<1x1x16xf32> to vector<16xf32>
          %swap3A_325 = vector.shape_cast %get3A_315 : vector<16xf32> to vector<1x1x16xf32>
          tpu.vector_store %arg9[%swap3A_320, %swap3A_321, %swap3A_322], %swap3A_325 {strides = array<i32>} : memref<2x128x128xf32, #tpu.memory_space<vmem>>, vector<1x1x16xf32>,
          %mul3A_326 = arith.constant 8 : i32
          %mul3A_327 = arith.muli %scan3A_310, %mul3A_326 : i32
          %add3A_328 = arith.constant 0 : i32
          %add3A_329 = arith.addi %mul3A_327, %add3A_328 : i32
          %swap3A_330 = arith.constant 0 : i32
          %swap3A_331 = arith.index_cast %swap3A_330 : i32 to index
          %swap3A_332 = arith.index_cast %add3A_329 : i32 to index
          %swap3A_333 = arith.constant 16 : index
          %swap3A_334 = tpu.vector_load %arg9[%swap3A_331, %swap3A_332, %swap3A_333] {strides = array<i32>} : memref<2x128x128xf32, #tpu.memory_space<vmem>>, vector<1x1x16xf32>,
          %swap3A_335 = vector.shape_cast %swap3A_334 : vector<1x1x16xf32> to vector<16xf32>
          %swap3A_336 = vector.shape_cast %broadcast_in_dim3A_1 : vector<16xf32> to vector<1x1x16xf32>
          tpu.vector_store %arg9[%swap3A_331, %swap3A_332, %swap3A_333], %swap3A_336 {strides = array<i32>} : memref<2x128x128xf32, #tpu.memory_space<vmem>>, vector<1x1x16xf32>,
          %get3A_337 = arith.constant 0 : i32
          %get3A_338 = arith.index_cast %get3A_337 : i32 to index
          %get3A_339 = arith.index_cast %scan3A_310 : i32 to index
          %get3A_340 = arith.constant 16 : index
          %get3A_341 = tpu.vector_load %arg8[%get3A_338, %get3A_339, %get3A_340] {strides = array<i32>} : memref<2x16x128xf32, #tpu.memory_space<vmem>>, vector<1x1x16xf32>,
          %get3A_342 = vector.shape_cast %get3A_341 : vector<1x1x16xf32> to vector<16xf32>
          %mul3A_343 = arith.constant 8 : i32
          %mul3A_344 = arith.muli %scan3A_310, %mul3A_343 : i32
          %add3A_345 = arith.constant 1 : i32
          %add3A_346 = arith.addi %mul3A_344, %add3A_345 : i32
          %swap3A_347 = arith.constant 0 : i32
          %swap3A_348 = arith.index_cast %swap3A_347 : i32 to index
          %swap3A_349 = arith.index_cast %add3A_346 : i32 to index
          %swap3A_350 = arith.constant 0 : index
          %swap3A_351 = tpu.vector_load %arg9[%swap3A_348, %swap3A_349, %swap3A_350] {strides = array<i32>} : memref<2x128x128xf32, #tpu.memory_space<vmem>>, vector<1x1x16xf32>,
          %swap3A_352 = vector.shape_cast %swap3A_351 : vector<1x1x16xf32> to vector<16xf32>
          %swap3A_353 = vector.shape_cast %get3A_342 : vector<16xf32> to vector<1x1x16xf32>
          tpu.vector_store %arg9[%swap3A_348, %swap3A_349, %swap3A_350], %swap3A_353 {strides = array<i32>} : memref<2x128x128xf32, #tpu.memory_space<vmem>>, vector<1x1x16xf32>,
          %mul3A_354 = arith.constant 8 : i32
          %mul3A_355 = arith.muli %scan3A_310, %mul3A_354 : i32
          %add3A_356 = arith.constant 1 : i32
          %add3A_357 = arith.addi %mul3A_355, %add3A_356 : i32
          %swap3A_358 = arith.constant 0 : i32
          %swap3A_359 = arith.index_cast %swap3A_358 : i32 to index
          %swap3A_360 = arith.index_cast %add3A_357 : i32 to index
          %swap3A_361 = arith.constant 16 : index
          %swap3A_362 = tpu.vector_load %arg9[%swap3A_359, %swap3A_360, %swap3A_361] {strides = array<i32>} : memref<2x128x128xf32, #tpu.memory_space<vmem>>, vector<1x1x16xf32>,
          %swap3A_363 = vector.shape_cast %swap3A_362 : vector<1x1x16xf32> to vector<16xf32>
          %swap3A_364 = vector.shape_cast %broadcast_in_dim3A_1 : vector<16xf32> to vector<1x1x16xf32>
          tpu.vector_store %arg9[%swap3A_359, %swap3A_360, %swap3A_361], %swap3A_364 {strides = array<i32>} : memref<2x128x128xf32, #tpu.memory_space<vmem>>, vector<1x1x16xf32>,
          %get3A_365 = arith.constant 0 : i32
          %get3A_366 = arith.index_cast %get3A_365 : i32 to index
          %get3A_367 = arith.index_cast %scan3A_310 : i32 to index
          %get3A_368 = arith.constant 32 : index
          %get3A_369 = tpu.vector_load %arg8[%get3A_366, %get3A_367, %get3A_368] {strides = array<i32>} : memref<2x16x128xf32, #tpu.memory_space<vmem>>, vector<1x1x16xf32>,
          %get3A_370 = vector.shape_cast %get3A_369 : vector<1x1x16xf32> to vector<16xf32>
          %mul3A_371 = arith.constant 8 : i32
          %mul3A_372 = arith.muli %scan3A_310, %mul3A_371 : i32
          %add3A_373 = arith.constant 2 : i32
          %add3A_374 = arith.addi %mul3A_372, %add3A_373 : i32
          %swap3A_375 = arith.constant 0 : i32
          %swap3A_376 = arith.index_cast %swap3A_375 : i32 to index
          %swap3A_377 = arith.index_cast %add3A_374 : i32 to index
          %swap3A_378 = arith.constant 0 : index
          %swap3A_379 = tpu.vector_load %arg9[%swap3A_376, %swap3A_377, %swap3A_378] {strides = array<i32>} : memref<2x128x128xf32, #tpu.memory_space<vmem>>, vector<1x1x16xf32>,
          %swap3A_380 = vector.shape_cast %swap3A_379 : vector<1x1x16xf32> to vector<16xf32>
          %swap3A_381 = vector.shape_cast %get3A_370 : vector<16xf32> to vector<1x1x16xf32>
          tpu.vector_store %arg9[%swap3A_376, %swap3A_377, %swap3A_378], %swap3A_381 {strides = array<i32>} : memref<2x128x128xf32, #tpu.memory_space<vmem>>, vector<1x1x16xf32>,
          %mul3A_382 = arith.constant 8 : i32
          %mul3A_383 = arith.muli %scan3A_310, %mul3A_382 : i32
          %add3A_384 = arith.constant 2 : i32
          %add3A_385 = arith.addi %mul3A_383, %add3A_384 : i32
          %swap3A_386 = arith.constant 0 : i32
          %swap3A_387 = arith.index_cast %swap3A_386 : i32 to index
          %swap3A_388 = arith.index_cast %add3A_385 : i32 to index
          %swap3A_389 = arith.constant 16 : index
          %swap3A_390 = tpu.vector_load %arg9[%swap3A_387, %swap3A_388, %swap3A_389] {strides = array<i32>} : memref<2x128x128xf32, #tpu.memory_space<vmem>>, vector<1x1x16xf32>,
          %swap3A_391 = vector.shape_cast %swap3A_390 : vector<1x1x16xf32> to vector<16xf32>
          %swap3A_392 = vector.shape_cast %broadcast_in_dim3A_1 : vector<16xf32> to vector<1x1x16xf32>
          tpu.vector_store %arg9[%swap3A_387, %swap3A_388, %swap3A_389], %swap3A_392 {strides = array<i32>} : memref<2x128x128xf32, #tpu.memory_space<vmem>>, vector<1x1x16xf32>,
          %get3A_393 = arith.constant 0 : i32
          %get3A_394 = arith.index_cast %get3A_393 : i32 to index
          %get3A_395 = arith.index_cast %scan3A_310 : i32 to index
          %get3A_396 = arith.constant 48 : index
          %get3A_397 = tpu.vector_load %arg8[%get3A_394, %get3A_395, %get3A_396] {strides = array<i32>} : memref<2x16x128xf32, #tpu.memory_space<vmem>>, vector<1x1x16xf32>,
          %get3A_398 = vector.shape_cast %get3A_397 : vector<1x1x16xf32> to vector<16xf32>
          %mul3A_399 = arith.constant 8 : i32
          %mul3A_400 = arith.muli %scan3A_310, %mul3A_399 : i32
          %add3A_401 = arith.constant 3 : i32
          %add3A_402 = arith.addi %mul3A_400, %add3A_401 : i32
          %swap3A_403 = arith.constant 0 : i32
          %swap3A_404 = arith.index_cast %swap3A_403 : i32 to index
          %swap3A_405 = arith.index_cast %add3A_402 : i32 to index
          %swap3A_406 = arith.constant 0 : index
          %swap3A_407 = tpu.vector_load %arg9[%swap3A_404, %swap3A_405, %swap3A_406] {strides = array<i32>} : memref<2x128x128xf32, #tpu.memory_space<vmem>>, vector<1x1x16xf32>,
          %swap3A_408 = vector.shape_cast %swap3A_407 : vector<1x1x16xf32> to vector<16xf32>
          %swap3A_409 = vector.shape_cast %get3A_398 : vector<16xf32> to vector<1x1x16xf32>
          tpu.vector_store %arg9[%swap3A_404, %swap3A_405, %swap3A_406], %swap3A_409 {strides = array<i32>} : memref<2x128x128xf32, #tpu.memory_space<vmem>>, vector<1x1x16xf32>,
          %mul3A_410 = arith.constant 8 : i32
          %mul3A_411 = arith.muli %scan3A_310, %mul3A_410 : i32
          %add3A_412 = arith.constant 3 : i32
          %add3A_413 = arith.addi %mul3A_411, %add3A_412 : i32
          %swap3A_414 = arith.constant 0 : i32
          %swap3A_415 = arith.index_cast %swap3A_414 : i32 to index
          %swap3A_416 = arith.index_cast %add3A_413 : i32 to index
          %swap3A_417 = arith.constant 16 : index
          %swap3A_418 = tpu.vector_load %arg9[%swap3A_415, %swap3A_416, %swap3A_417] {strides = array<i32>} : memref<2x128x128xf32, #tpu.memory_space<vmem>>, vector<1x1x16xf32>,
          %swap3A_419 = vector.shape_cast %swap3A_418 : vector<1x1x16xf32> to vector<16xf32>
          %swap3A_420 = vector.shape_cast %broadcast_in_dim3A_1 : vector<16xf32> to vector<1x1x16xf32>
          tpu.vector_store %arg9[%swap3A_415, %swap3A_416, %swap3A_417], %swap3A_420 {strides = array<i32>} : memref<2x128x128xf32, #tpu.memory_space<vmem>>, vector<1x1x16xf32>,
          %get3A_421 = arith.constant 0 : i32
          %get3A_422 = arith.index_cast %get3A_421 : i32 to index
          %get3A_423 = arith.index_cast %scan3A_310 : i32 to index
          %get3A_424 = arith.constant 64 : index
          %get3A_425 = tpu.vector_load %arg8[%get3A_422, %get3A_423, %get3A_424] {strides = array<i32>} : memref<2x16x128xf32, #tpu.memory_space<vmem>>, vector<1x1x16xf32>,
          %get3A_426 = vector.shape_cast %get3A_425 : vector<1x1x16xf32> to vector<16xf32>
          %mul3A_427 = arith.constant 8 : i32
          %mul3A_428 = arith.muli %scan3A_310, %mul3A_427 : i32
          %add3A_429 = arith.constant 4 : i32
          %add3A_430 = arith.addi %mul3A_428, %add3A_429 : i32
          %swap3A_431 = arith.constant 0 : i32
          %swap3A_432 = arith.index_cast %swap3A_431 : i32 to index
          %swap3A_433 = arith.index_cast %add3A_430 : i32 to index
          %swap3A_434 = arith.constant 0 : index
          %swap3A_435 = tpu.vector_load %arg9[%swap3A_432, %swap3A_433, %swap3A_434] {strides = array<i32>} : memref<2x128x128xf32, #tpu.memory_space<vmem>>, vector<1x1x16xf32>,
          %swap3A_436 = vector.shape_cast %swap3A_435 : vector<1x1x16xf32> to vector<16xf32>
          %swap3A_437 = vector.shape_cast %get3A_426 : vector<16xf32> to vector<1x1x16xf32>
          tpu.vector_store %arg9[%swap3A_432, %swap3A_433, %swap3A_434], %swap3A_437 {strides = array<i32>} : memref<2x128x128xf32, #tpu.memory_space<vmem>>, vector<1x1x16xf32>,
          %mul3A_438 = arith.constant 8 : i32
          %mul3A_439 = arith.muli %scan3A_310, %mul3A_438 : i32
          %add3A_440 = arith.constant 4 : i32
          %add3A_441 = arith.addi %mul3A_439, %add3A_440 : i32
          %swap3A_442 = arith.constant 0 : i32
          %swap3A_443 = arith.index_cast %swap3A_442 : i32 to index
          %swap3A_444 = arith.index_cast %add3A_441 : i32 to index
          %swap3A_445 = arith.constant 16 : index
          %swap3A_446 = tpu.vector_load %arg9[%swap3A_443, %swap3A_444, %swap3A_445] {strides = array<i32>} : memref<2x128x128xf32, #tpu.memory_space<vmem>>, vector<1x1x16xf32>,
          %swap3A_447 = vector.shape_cast %swap3A_446 : vector<1x1x16xf32> to vector<16xf32>
          %swap3A_448 = vector.shape_cast %broadcast_in_dim3A_1 : vector<16xf32> to vector<1x1x16xf32>
          tpu.vector_store %arg9[%swap3A_443, %swap3A_444, %swap3A_445], %swap3A_448 {strides = array<i32>} : memref<2x128x128xf32, #tpu.memory_space<vmem>>, vector<1x1x16xf32>,
          %get3A_449 = arith.constant 0 : i32
          %get3A_450 = arith.index_cast %get3A_449 : i32 to index
          %get3A_451 = arith.index_cast %scan3A_310 : i32 to index
          %get3A_452 = arith.constant 80 : index
          %get3A_453 = tpu.vector_load %arg8[%get3A_450, %get3A_451, %get3A_452] {strides = array<i32>} : memref<2x16x128xf32, #tpu.memory_space<vmem>>, vector<1x1x16xf32>,
          %get3A_454 = vector.shape_cast %get3A_453 : vector<1x1x16xf32> to vector<16xf32>
          %mul3A_455 = arith.constant 8 : i32
          %mul3A_456 = arith.muli %scan3A_310, %mul3A_455 : i32
          %add3A_457 = arith.constant 5 : i32
          %add3A_458 = arith.addi %mul3A_456, %add3A_457 : i32
          %swap3A_459 = arith.constant 0 : i32
          %swap3A_460 = arith.index_cast %swap3A_459 : i32 to index
          %swap3A_461 = arith.index_cast %add3A_458 : i32 to index
          %swap3A_462 = arith.constant 0 : index
          %swap3A_463 = tpu.vector_load %arg9[%swap3A_460, %swap3A_461, %swap3A_462] {strides = array<i32>} : memref<2x128x128xf32, #tpu.memory_space<vmem>>, vector<1x1x16xf32>,
          %swap3A_464 = vector.shape_cast %swap3A_463 : vector<1x1x16xf32> to vector<16xf32>
          %swap3A_465 = vector.shape_cast %get3A_454 : vector<16xf32> to vector<1x1x16xf32>
          tpu.vector_store %arg9[%swap3A_460, %swap3A_461, %swap3A_462], %swap3A_465 {strides = array<i32>} : memref<2x128x128xf32, #tpu.memory_space<vmem>>, vector<1x1x16xf32>,
          %mul3A_466 = arith.constant 8 : i32
          %mul3A_467 = arith.muli %scan3A_310, %mul3A_466 : i32
          %add3A_468 = arith.constant 5 : i32
          %add3A_469 = arith.addi %mul3A_467, %add3A_468 : i32
          %swap3A_470 = arith.constant 0 : i32
          %swap3A_471 = arith.index_cast %swap3A_470 : i32 to index
          %swap3A_472 = arith.index_cast %add3A_469 : i32 to index
          %swap3A_473 = arith.constant 16 : index
          %swap3A_474 = tpu.vector_load %arg9[%swap3A_471, %swap3A_472, %swap3A_473] {strides = array<i32>} : memref<2x128x128xf32, #tpu.memory_space<vmem>>, vector<1x1x16xf32>,
          %swap3A_475 = vector.shape_cast %swap3A_474 : vector<1x1x16xf32> to vector<16xf32>
          %swap3A_476 = vector.shape_cast %broadcast_in_dim3A_1 : vector<16xf32> to vector<1x1x16xf32>
          tpu.vector_store %arg9[%swap3A_471, %swap3A_472, %swap3A_473], %swap3A_476 {strides = array<i32>} : memref<2x128x128xf32, #tpu.memory_space<vmem>>, vector<1x1x16xf32>,
          %get3A_477 = arith.constant 0 : i32
          %get3A_478 = arith.index_cast %get3A_477 : i32 to index
          %get3A_479 = arith.index_cast %scan3A_310 : i32 to index
          %get3A_480 = arith.constant 96 : index
          %get3A_481 = tpu.vector_load %arg8[%get3A_478, %get3A_479, %get3A_480] {strides = array<i32>} : memref<2x16x128xf32, #tpu.memory_space<vmem>>, vector<1x1x16xf32>,
          %get3A_482 = vector.shape_cast %get3A_481 : vector<1x1x16xf32> to vector<16xf32>
          %mul3A_483 = arith.constant 8 : i32
          %mul3A_484 = arith.muli %scan3A_310, %mul3A_483 : i32
          %add3A_485 = arith.constant 6 : i32
          %add3A_486 = arith.addi %mul3A_484, %add3A_485 : i32
          %swap3A_487 = arith.constant 0 : i32
          %swap3A_488 = arith.index_cast %swap3A_487 : i32 to index
          %swap3A_489 = arith.index_cast %add3A_486 : i32 to index
          %swap3A_490 = arith.constant 0 : index
          %swap3A_491 = tpu.vector_load %arg9[%swap3A_488, %swap3A_489, %swap3A_490] {strides = array<i32>} : memref<2x128x128xf32, #tpu.memory_space<vmem>>, vector<1x1x16xf32>,
          %swap3A_492 = vector.shape_cast %swap3A_491 : vector<1x1x16xf32> to vector<16xf32>
          %swap3A_493 = vector.shape_cast %get3A_482 : vector<16xf32> to vector<1x1x16xf32>
          tpu.vector_store %arg9[%swap3A_488, %swap3A_489, %swap3A_490], %swap3A_493 {strides = array<i32>} : memref<2x128x128xf32, #tpu.memory_space<vmem>>, vector<1x1x16xf32>,
          %mul3A_494 = arith.constant 8 : i32
          %mul3A_495 = arith.muli %scan3A_310, %mul3A_494 : i32
          %add3A_496 = arith.constant 6 : i32
          %add3A_497 = arith.addi %mul3A_495, %add3A_496 : i32
          %swap3A_498 = arith.constant 0 : i32
          %swap3A_499 = arith.index_cast %swap3A_498 : i32 to index
          %swap3A_500 = arith.index_cast %add3A_497 : i32 to index
          %swap3A_501 = arith.constant 16 : index
          %swap3A_502 = tpu.vector_load %arg9[%swap3A_499, %swap3A_500, %swap3A_501] {strides = array<i32>} : memref<2x128x128xf32, #tpu.memory_space<vmem>>, vector<1x1x16xf32>,
          %swap3A_503 = vector.shape_cast %swap3A_502 : vector<1x1x16xf32> to vector<16xf32>
          %swap3A_504 = vector.shape_cast %broadcast_in_dim3A_1 : vector<16xf32> to vector<1x1x16xf32>
          tpu.vector_store %arg9[%swap3A_499, %swap3A_500, %swap3A_501], %swap3A_504 {strides = array<i32>} : memref<2x128x128xf32, #tpu.memory_space<vmem>>, vector<1x1x16xf32>,
          %get3A_505 = arith.constant 0 : i32
          %get3A_506 = arith.index_cast %get3A_505 : i32 to index
          %get3A_507 = arith.index_cast %scan3A_310 : i32 to index
          %get3A_508 = arith.constant 112 : index
          %get3A_509 = tpu.vector_load %arg8[%get3A_506, %get3A_507, %get3A_508] {strides = array<i32>} : memref<2x16x128xf32, #tpu.memory_space<vmem>>, vector<1x1x16xf32>,
          %get3A_510 = vector.shape_cast %get3A_509 : vector<1x1x16xf32> to vector<16xf32>
          %mul3A_511 = arith.constant 8 : i32
          %mul3A_512 = arith.muli %scan3A_310, %mul3A_511 : i32
          %add3A_513 = arith.constant 7 : i32
          %add3A_514 = arith.addi %mul3A_512, %add3A_513 : i32
          %swap3A_515 = arith.constant 0 : i32
          %swap3A_516 = arith.index_cast %swap3A_515 : i32 to index
          %swap3A_517 = arith.index_cast %add3A_514 : i32 to index
          %swap3A_518 = arith.constant 0 : index
          %swap3A_519 = tpu.vector_load %arg9[%swap3A_516, %swap3A_517, %swap3A_518] {strides = array<i32>} : memref<2x128x128xf32, #tpu.memory_space<vmem>>, vector<1x1x16xf32>,
          %swap3A_520 = vector.shape_cast %swap3A_519 : vector<1x1x16xf32> to vector<16xf32>
          %swap3A_521 = vector.shape_cast %get3A_510 : vector<16xf32> to vector<1x1x16xf32>
          tpu.vector_store %arg9[%swap3A_516, %swap3A_517, %swap3A_518], %swap3A_521 {strides = array<i32>} : memref<2x128x128xf32, #tpu.memory_space<vmem>>, vector<1x1x16xf32>,
          %mul3A_522 = arith.constant 8 : i32
          %mul3A_523 = arith.muli %scan3A_310, %mul3A_522 : i32
          %add3A_524 = arith.constant 7 : i32
          %add3A_525 = arith.addi %mul3A_523, %add3A_524 : i32
          %swap3A_526 = arith.constant 0 : i32
          %swap3A_527 = arith.index_cast %swap3A_526 : i32 to index
          %swap3A_528 = arith.index_cast %add3A_525 : i32 to index
          %swap3A_529 = arith.constant 16 : index
          %swap3A_530 = tpu.vector_load %arg9[%swap3A_527, %swap3A_528, %swap3A_529] {strides = array<i32>} : memref<2x128x128xf32, #tpu.memory_space<vmem>>, vector<1x1x16xf32>,
          %swap3A_531 = vector.shape_cast %swap3A_530 : vector<1x1x16xf32> to vector<16xf32>
          %swap3A_532 = vector.shape_cast %broadcast_in_dim3A_1 : vector<16xf32> to vector<1x1x16xf32>
          tpu.vector_store %arg9[%swap3A_527, %swap3A_528, %swap3A_529], %swap3A_532 {strides = array<i32>} : memref<2x128x128xf32, #tpu.memory_space<vmem>>, vector<1x1x16xf32>,
        }
        %scan3A_297 = arith.constant 16 : i32
        %dma_start3A_298 = arith.constant 0 : i32
        %dma_start3A_299 = arith.constant 0 : i32
        %dma_start3A_300 = arith.constant 0 : i32
        %dma_start3A_301 = arith.constant 0 : i32
        %dma_start3A_302 = tpu.memref_slice %arg9[%dma_start3A_298, %dma_start3A_300, %dma_start3A_301] : memref<2x128x128xf32, #tpu.memory_space<vmem>> -> memref<1x128x128xf32, #tpu.memory_space<vmem>>
        %dma_start3A_303 = tpu.memref_squeeze %dma_start3A_302 : memref<1x128x128xf32, #tpu.memory_space<vmem>> -> memref<128x128xf32, #tpu.memory_space<vmem>>
        %dma_start3A_304 = arith.constant 0 : i32
        %dma_start3A_305 = tpu.memref_slice %arg7[%dma_start3A_299, %dma_start3A_304] : memref<2x128xi32, #tpu.memory_space<vmem>> -> memref<1x128xi32, #tpu.memory_space<vmem>>
        %dma_start3A_306 = tpu.memref_squeeze %dma_start3A_305 : memref<1x128xi32, #tpu.memory_space<vmem>> -> memref<128xi32, #tpu.memory_space<vmem>>
        %dma_start3A_307 = arith.constant 0 : i32
        %dma_start3A_308 = arith.constant 0 : i32
        %dma_start3A_309 = tpu.memref_slice %arg11[%dma_start3A_307, %dma_start3A_308] : memref<10000x128xf32, #tpu.memory_space<vmem_shared>> -> memref<10000x128xf32, #tpu.memory_space<vmem_shared>>
        tpu.enqueue_indirect_dma source(%dma_start3A_303 : memref<128x128xf32, #tpu.memory_space<vmem>>) target(%dma_start3A_309 : memref<10000x128xf32, #tpu.memory_space<vmem_shared>>) offsets(%dma_start3A_306 : memref<128xi32, #tpu.memory_space<vmem>>) semaphore(%arg14 : memref<!tpu.dma_semaphore, #tpu.memory_space<semaphore_mem>>) {add = true}
      } else {
      }
      %mul3A_245 = arith.constant 2 : i32
      %mul3A_246 = arith.muli %scan3A_228, %mul3A_245 : i32
      %add3A_247 = arith.constant 1 : i32
      %add3A_248 = arith.addi %mul3A_246, %add3A_247 : i32
      %mul3A_249 = arith.constant 32 : i32
      %mul3A_250 = arith.muli %add3A_248, %mul3A_249 : i32
      %add3A_251 = arith.addi %add3A, %mul3A_250 : i32
      %add3A_252 = arith.constant 32 : i32
      %add3A_253 = arith.addi %add3A_251, %add3A_252 : i32
      %lt3A_254 = arith.constant 2500 : i32
      %lt3A_255 = arith.cmpi slt, %add3A_253, %lt3A_254 : i32
      %convert_element_type3A_256 = arith.extui %lt3A_255 : i1 to i32
      %cond3A_257 = arith.constant 0 : i32
      %cond3A_258 = arith.cmpi ne, %convert_element_type3A_256, %cond3A_257 : i32
      scf.if %cond3A_258 {
        %ge3A = arith.constant 1 : i32
        %ge3A_264 = arith.cmpi sge, %add3A_248, %ge3A : i32
        %convert_element_type3A_265 = arith.extui %ge3A_264 : i1 to i32
        %cond3A_266 = arith.constant 0 : i32
        %cond3A_267 = arith.cmpi ne, %convert_element_type3A_265, %cond3A_266 : i32
        scf.if %cond3A_267 {
          %dma_wait3A_296 = arith.constant 0 : i32
          %dma_wait3A_297 = arith.constant 0 : i32
          %dma_wait3A_298 = arith.constant 0 : i32
          %dma_wait3A_299 = arith.constant 0 : i32
          %dma_wait3A_300 = tpu.memref_slice %arg9[%dma_wait3A_296, %dma_wait3A_298, %dma_wait3A_299] : memref<2x128x128xf32, #tpu.memory_space<vmem>> -> memref<1x128x128xf32, #tpu.memory_space<vmem>>
          %dma_wait3A_301 = tpu.memref_squeeze %dma_wait3A_300 : memref<1x128x128xf32, #tpu.memory_space<vmem>> -> memref<128x128xf32, #tpu.memory_space<vmem>>
          %dma_wait3A_302 = arith.constant 0 : i32
          %dma_wait3A_303 = tpu.memref_slice %arg7[%dma_wait3A_297, %dma_wait3A_302] : memref<2x128xi32, #tpu.memory_space<vmem>> -> memref<1x128xi32, #tpu.memory_space<vmem>>
          %dma_wait3A_304 = tpu.memref_squeeze %dma_wait3A_303 : memref<1x128xi32, #tpu.memory_space<vmem>> -> memref<128xi32, #tpu.memory_space<vmem>>
          %dma_wait3A_305 = arith.constant 0 : i32
          %dma_wait3A_306 = arith.constant 0 : i32
          %dma_wait3A_307 = tpu.memref_slice %arg11[%dma_wait3A_305, %dma_wait3A_306] : memref<10000x128xf32, #tpu.memory_space<vmem_shared>> -> memref<10000x128xf32, #tpu.memory_space<vmem_shared>>
          tpu.wait_indirect_dma semaphore(%arg14 : memref<!tpu.dma_semaphore, #tpu.memory_space<semaphore_mem>>) src(%dma_wait3A_301 : memref<128x128xf32, #tpu.memory_space<vmem>>) dst(%dma_wait3A_307 : memref<10000x128xf32, #tpu.memory_space<vmem_shared>>)
        } else {
        }
        %mul3A_268 = arith.constant 128 : i32
        %mul3A_269 = arith.muli %add3A_253, %mul3A_268 : i32
        %multiple_of3A_270 = tpu.assume_multiple %mul3A_269, 128 : i32
        %mul3A_271 = arith.constant 16 : i32
        %mul3A_272 = arith.muli %add3A_253, %mul3A_271 : i32
        %multiple_of3A_273 = tpu.assume_multiple %mul3A_272, 16 : i32
        %dma_start3A_274 = arith.constant 0 : i32
        %dma_start3A_275 = arith.constant 0 : i32
        %dma_start3A_276 = tpu.memref_slice %arg7[%dma_start3A_274, %dma_start3A_275] : memref<2x128xi32, #tpu.memory_space<vmem>> -> memref<1x128xi32, #tpu.memory_space<vmem>>
        %dma_start3A_277 = tpu.memref_squeeze %dma_start3A_276 : memref<1x128xi32, #tpu.memory_space<vmem>> -> memref<128xi32, #tpu.memory_space<vmem>>
        %dma_start3A_278 = tpu.memref_slice %arg4[%multiple_of3A_270] : memref<320000xi32, #tpu.memory_space<hbm>> -> memref<128xi32, #tpu.memory_space<hbm>>
        %dma_start3A_279 = arith.constant 0 : i32
        %dma_start3A_280 = tpu.memref_slice %arg7[%dma_start3A_274, %dma_start3A_279] : memref<2x128xi32, #tpu.memory_space<vmem>> -> memref<1x128xi32, #tpu.memory_space<vmem>>
        %dma_start3A_281 = tpu.memref_squeeze %dma_start3A_280 : memref<1x128xi32, #tpu.memory_space<vmem>> -> memref<128xi32, #tpu.memory_space<vmem>>
        %dma_start3A_282 = tpu.memref_slice %arg4[%multiple_of3A_270] : memref<320000xi32, #tpu.memory_space<hbm>> -> memref<128xi32, #tpu.memory_space<hbm>>
        tpu.enqueue_dma source(%dma_start3A_282 : memref<128xi32, #tpu.memory_space<hbm>>) target(%dma_start3A_281 : memref<128xi32, #tpu.memory_space<vmem>>) target_semaphore(%arg12 : memref<!tpu.dma_semaphore, #tpu.memory_space<semaphore_mem>>)
        %dma_start3A_283 = arith.constant 0 : i32
        %dma_start3A_284 = arith.constant 0 : i32
        %dma_start3A_285 = arith.constant 0 : i32
        %dma_start3A_286 = tpu.memref_slice %arg8[%dma_start3A_283, %dma_start3A_284, %dma_start3A_285] : memref<2x16x128xf32, #tpu.memory_space<vmem>> -> memref<1x16x128xf32, #tpu.memory_space<vmem>>
        %dma_start3A_287 = tpu.memref_squeeze %dma_start3A_286 : memref<1x16x128xf32, #tpu.memory_space<vmem>> -> memref<16x128xf32, #tpu.memory_space<vmem>>
        %dma_start3A_288 = arith.constant 0 : i32
        %dma_start3A_289 = tpu.memref_slice %arg2[%multiple_of3A_273, %dma_start3A_288] : memref<40000x128xf32, #tpu.memory_space<hbm>> -> memref<16x128xf32, #tpu.memory_space<hbm>>
        %dma_start3A_290 = arith.constant 0 : i32
        %dma_start3A_291 = arith.constant 0 : i32
        %dma_start3A_292 = tpu.memref_slice %arg8[%dma_start3A_283, %dma_start3A_290, %dma_start3A_291] : memref<2x16x128xf32, #tpu.memory_space<vmem>> -> memref<1x16x128xf32, #tpu.memory_space<vmem>>
        %dma_start3A_293 = tpu.memref_squeeze %dma_start3A_292 : memref<1x16x128xf32, #tpu.memory_space<vmem>> -> memref<16x128xf32, #tpu.memory_space<vmem>>
        %dma_start3A_294 = arith.constant 0 : i32
        %dma_start3A_295 = tpu.memref_slice %arg2[%multiple_of3A_273, %dma_start3A_294] : memref<40000x128xf32, #tpu.memory_space<hbm>> -> memref<16x128xf32, #tpu.memory_space<hbm>>
        tpu.enqueue_dma source(%dma_start3A_295 : memref<16x128xf32, #tpu.memory_space<hbm>>) target(%dma_start3A_293 : memref<16x128xf32, #tpu.memory_space<vmem>>) target_semaphore(%arg12 : memref<!tpu.dma_semaphore, #tpu.memory_space<semaphore_mem>>)
      } else {
      }
      %lt3A_259 = arith.constant 2500 : i32
      %lt3A_260 = arith.cmpi slt, %add3A_251, %lt3A_259 : i32
      %convert_element_type3A_261 = arith.extui %lt3A_260 : i1 to i32
      %cond3A_262 = arith.constant 0 : i32
      %cond3A_263 = arith.cmpi ne, %convert_element_type3A_261, %cond3A_262 : i32
      scf.if %cond3A_263 {
        %mul3A_264 = arith.constant 128 : i32
        %mul3A_265 = arith.muli %add3A_251, %mul3A_264 : i32
        %multiple_of3A_266 = tpu.assume_multiple %mul3A_265, 128 : i32
        %mul3A_267 = arith.constant 16 : i32
        %mul3A_268 = arith.muli %add3A_251, %mul3A_267 : i32
        %multiple_of3A_269 = tpu.assume_multiple %mul3A_268, 16 : i32
        %dma_wait3A_270 = arith.constant 1 : i32
        %dma_wait3A_271 = arith.constant 0 : i32
        %dma_wait3A_272 = tpu.memref_slice %arg7[%dma_wait3A_270, %dma_wait3A_271] : memref<2x128xi32, #tpu.memory_space<vmem>> -> memref<1x128xi32, #tpu.memory_space<vmem>>
        %dma_wait3A_273 = tpu.memref_squeeze %dma_wait3A_272 : memref<1x128xi32, #tpu.memory_space<vmem>> -> memref<128xi32, #tpu.memory_space<vmem>>
        %dma_wait3A_274 = tpu.memref_slice %arg4[%multiple_of3A_266] : memref<320000xi32, #tpu.memory_space<hbm>> -> memref<128xi32, #tpu.memory_space<hbm>>
        %dma_wait3A_275 = arith.constant 0 : i32
        %dma_wait3A_276 = tpu.memref_slice %arg7[%dma_wait3A_270, %dma_wait3A_275] : memref<2x128xi32, #tpu.memory_space<vmem>> -> memref<1x128xi32, #tpu.memory_space<vmem>>
        %dma_wait3A_277 = tpu.memref_squeeze %dma_wait3A_276 : memref<1x128xi32, #tpu.memory_space<vmem>> -> memref<128xi32, #tpu.memory_space<vmem>>
        %dma_wait3A_278 = tpu.memref_slice %arg4[%multiple_of3A_266] : memref<320000xi32, #tpu.memory_space<hbm>> -> memref<128xi32, #tpu.memory_space<hbm>>
        tpu.wait_dma2 semaphore(%arg13 : memref<!tpu.dma_semaphore, #tpu.memory_space<semaphore_mem>>) src(%dma_wait3A_278 : memref<128xi32, #tpu.memory_space<hbm>>) dst(%dma_wait3A_277 : memref<128xi32, #tpu.memory_space<vmem>>)
        %dma_wait3A_279 = arith.constant 1 : i32
        %dma_wait3A_280 = arith.constant 0 : i32
        %dma_wait3A_281 = arith.constant 0 : i32
        %dma_wait3A_282 = tpu.memref_slice %arg8[%dma_wait3A_279, %dma_wait3A_280, %dma_wait3A_281] : memref<2x16x128xf32, #tpu.memory_space<vmem>> -> memref<1x16x128xf32, #tpu.memory_space<vmem>>
        %dma_wait3A_283 = tpu.memref_squeeze %dma_wait3A_282 : memref<1x16x128xf32, #tpu.memory_space<vmem>> -> memref<16x128xf32, #tpu.memory_space<vmem>>
        %dma_wait3A_284 = arith.constant 0 : i32
        %dma_wait3A_285 = tpu.memref_slice %arg2[%multiple_of3A_269, %dma_wait3A_284] : memref<40000x128xf32, #tpu.memory_space<hbm>> -> memref<16x128xf32, #tpu.memory_space<hbm>>
        %dma_wait3A_286 = arith.constant 0 : i32
        %dma_wait3A_287 = arith.constant 0 : i32
        %dma_wait3A_288 = tpu.memref_slice %arg8[%dma_wait3A_279, %dma_wait3A_286, %dma_wait3A_287] : memref<2x16x128xf32, #tpu.memory_space<vmem>> -> memref<1x16x128xf32, #tpu.memory_space<vmem>>
        %dma_wait3A_289 = tpu.memref_squeeze %dma_wait3A_288 : memref<1x16x128xf32, #tpu.memory_space<vmem>> -> memref<16x128xf32, #tpu.memory_space<vmem>>
        %dma_wait3A_290 = arith.constant 0 : i32
        %dma_wait3A_291 = tpu.memref_slice %arg2[%multiple_of3A_269, %dma_wait3A_290] : memref<40000x128xf32, #tpu.memory_space<hbm>> -> memref<16x128xf32, #tpu.memory_space<hbm>>
        tpu.wait_dma2 semaphore(%arg13 : memref<!tpu.dma_semaphore, #tpu.memory_space<semaphore_mem>>) src(%dma_wait3A_291 : memref<16x128xf32, #tpu.memory_space<hbm>>) dst(%dma_wait3A_289 : memref<16x128xf32, #tpu.memory_space<vmem>>)
        %scan3A_292 = arith.constant 0 : i32
        %scan3A_293 = arith.constant 0 : i32
        %scan3A_294 = arith.constant 16 : i32
        %scan3A_295 = arith.addi %scan3A_293, %scan3A_294 : i32
        %scan3A_296 = arith.constant 1 : i32
        scf.for %scan3A_310 = %scan3A_293 to %scan3A_295 step %scan3A_296  : i32 {
          %get3A = arith.constant 1 : i32
          %get3A_311 = arith.index_cast %get3A : i32 to index
          %get3A_312 = arith.index_cast %scan3A_310 : i32 to index
          %get3A_313 = arith.constant 0 : index
          %get3A_314 = tpu.vector_load %arg8[%get3A_311, %get3A_312, %get3A_313] {strides = array<i32>} : memref<2x16x128xf32, #tpu.memory_space<vmem>>, vector<1x1x16xf32>,
          %get3A_315 = vector.shape_cast %get3A_314 : vector<1x1x16xf32> to vector<16xf32>
          %mul3A_316 = arith.constant 8 : i32
          %mul3A_317 = arith.muli %scan3A_310, %mul3A_316 : i32
          %add3A_318 = arith.constant 0 : i32
          %add3A_319 = arith.addi %mul3A_317, %add3A_318 : i32
          %swap3A = arith.constant 1 : i32
          %swap3A_320 = arith.index_cast %swap3A : i32 to index
          %swap3A_321 = arith.index_cast %add3A_319 : i32 to index
          %swap3A_322 = arith.constant 0 : index
          %swap3A_323 = tpu.vector_load %arg9[%swap3A_320, %swap3A_321, %swap3A_322] {strides = array<i32>} : memref<2x128x128xf32, #tpu.memory_space<vmem>>, vector<1x1x16xf32>,
          %swap3A_324 = vector.shape_cast %swap3A_323 : vector<1x1x16xf32> to vector<16xf32>
          %swap3A_325 = vector.shape_cast %get3A_315 : vector<16xf32> to vector<1x1x16xf32>
          tpu.vector_store %arg9[%swap3A_320, %swap3A_321, %swap3A_322], %swap3A_325 {strides = array<i32>} : memref<2x128x128xf32, #tpu.memory_space<vmem>>, vector<1x1x16xf32>,
          %mul3A_326 = arith.constant 8 : i32
          %mul3A_327 = arith.muli %scan3A_310, %mul3A_326 : i32
          %add3A_328 = arith.constant 0 : i32
          %add3A_329 = arith.addi %mul3A_327, %add3A_328 : i32
          %swap3A_330 = arith.constant 1 : i32
          %swap3A_331 = arith.index_cast %swap3A_330 : i32 to index
          %swap3A_332 = arith.index_cast %add3A_329 : i32 to index
          %swap3A_333 = arith.constant 16 : index
          %swap3A_334 = tpu.vector_load %arg9[%swap3A_331, %swap3A_332, %swap3A_333] {strides = array<i32>} : memref<2x128x128xf32, #tpu.memory_space<vmem>>, vector<1x1x16xf32>,
          %swap3A_335 = vector.shape_cast %swap3A_334 : vector<1x1x16xf32> to vector<16xf32>
          %swap3A_336 = vector.shape_cast %broadcast_in_dim3A_1 : vector<16xf32> to vector<1x1x16xf32>
          tpu.vector_store %arg9[%swap3A_331, %swap3A_332, %swap3A_333], %swap3A_336 {strides = array<i32>} : memref<2x128x128xf32, #tpu.memory_space<vmem>>, vector<1x1x16xf32>,
          %get3A_337 = arith.constant 1 : i32
          %get3A_338 = arith.index_cast %get3A_337 : i32 to index
          %get3A_339 = arith.index_cast %scan3A_310 : i32 to index
          %get3A_340 = arith.constant 16 : index
          %get3A_341 = tpu.vector_load %arg8[%get3A_338, %get3A_339, %get3A_340] {strides = array<i32>} : memref<2x16x128xf32, #tpu.memory_space<vmem>>, vector<1x1x16xf32>,
          %get3A_342 = vector.shape_cast %get3A_341 : vector<1x1x16xf32> to vector<16xf32>
          %mul3A_343 = arith.constant 8 : i32
          %mul3A_344 = arith.muli %scan3A_310, %mul3A_343 : i32
          %add3A_345 = arith.constant 1 : i32
          %add3A_346 = arith.addi %mul3A_344, %add3A_345 : i32
          %swap3A_347 = arith.constant 1 : i32
          %swap3A_348 = arith.index_cast %swap3A_347 : i32 to index
          %swap3A_349 = arith.index_cast %add3A_346 : i32 to index
          %swap3A_350 = arith.constant 0 : index
          %swap3A_351 = tpu.vector_load %arg9[%swap3A_348, %swap3A_349, %swap3A_350] {strides = array<i32>} : memref<2x128x128xf32, #tpu.memory_space<vmem>>, vector<1x1x16xf32>,
          %swap3A_352 = vector.shape_cast %swap3A_351 : vector<1x1x16xf32> to vector<16xf32>
          %swap3A_353 = vector.shape_cast %get3A_342 : vector<16xf32> to vector<1x1x16xf32>
          tpu.vector_store %arg9[%swap3A_348, %swap3A_349, %swap3A_350], %swap3A_353 {strides = array<i32>} : memref<2x128x128xf32, #tpu.memory_space<vmem>>, vector<1x1x16xf32>,
          %mul3A_354 = arith.constant 8 : i32
          %mul3A_355 = arith.muli %scan3A_310, %mul3A_354 : i32
          %add3A_356 = arith.constant 1 : i32
          %add3A_357 = arith.addi %mul3A_355, %add3A_356 : i32
          %swap3A_358 = arith.constant 1 : i32
          %swap3A_359 = arith.index_cast %swap3A_358 : i32 to index
          %swap3A_360 = arith.index_cast %add3A_357 : i32 to index
          %swap3A_361 = arith.constant 16 : index
          %swap3A_362 = tpu.vector_load %arg9[%swap3A_359, %swap3A_360, %swap3A_361] {strides = array<i32>} : memref<2x128x128xf32, #tpu.memory_space<vmem>>, vector<1x1x16xf32>,
          %swap3A_363 = vector.shape_cast %swap3A_362 : vector<1x1x16xf32> to vector<16xf32>
          %swap3A_364 = vector.shape_cast %broadcast_in_dim3A_1 : vector<16xf32> to vector<1x1x16xf32>
          tpu.vector_store %arg9[%swap3A_359, %swap3A_360, %swap3A_361], %swap3A_364 {strides = array<i32>} : memref<2x128x128xf32, #tpu.memory_space<vmem>>, vector<1x1x16xf32>,
          %get3A_365 = arith.constant 1 : i32
          %get3A_366 = arith.index_cast %get3A_365 : i32 to index
          %get3A_367 = arith.index_cast %scan3A_310 : i32 to index
          %get3A_368 = arith.constant 32 : index
          %get3A_369 = tpu.vector_load %arg8[%get3A_366, %get3A_367, %get3A_368] {strides = array<i32>} : memref<2x16x128xf32, #tpu.memory_space<vmem>>, vector<1x1x16xf32>,
          %get3A_370 = vector.shape_cast %get3A_369 : vector<1x1x16xf32> to vector<16xf32>
          %mul3A_371 = arith.constant 8 : i32
          %mul3A_372 = arith.muli %scan3A_310, %mul3A_371 : i32
          %add3A_373 = arith.constant 2 : i32
          %add3A_374 = arith.addi %mul3A_372, %add3A_373 : i32
          %swap3A_375 = arith.constant 1 : i32
          %swap3A_376 = arith.index_cast %swap3A_375 : i32 to index
          %swap3A_377 = arith.index_cast %add3A_374 : i32 to index
          %swap3A_378 = arith.constant 0 : index
          %swap3A_379 = tpu.vector_load %arg9[%swap3A_376, %swap3A_377, %swap3A_378] {strides = array<i32>} : memref<2x128x128xf32, #tpu.memory_space<vmem>>, vector<1x1x16xf32>,
          %swap3A_380 = vector.shape_cast %swap3A_379 : vector<1x1x16xf32> to vector<16xf32>
          %swap3A_381 = vector.shape_cast %get3A_370 : vector<16xf32> to vector<1x1x16xf32>
          tpu.vector_store %arg9[%swap3A_376, %swap3A_377, %swap3A_378], %swap3A_381 {strides = array<i32>} : memref<2x128x128xf32, #tpu.memory_space<vmem>>, vector<1x1x16xf32>,
          %mul3A_382 = arith.constant 8 : i32
          %mul3A_383 = arith.muli %scan3A_310, %mul3A_382 : i32
          %add3A_384 = arith.constant 2 : i32
          %add3A_385 = arith.addi %mul3A_383, %add3A_384 : i32
          %swap3A_386 = arith.constant 1 : i32
          %swap3A_387 = arith.index_cast %swap3A_386 : i32 to index
          %swap3A_388 = arith.index_cast %add3A_385 : i32 to index
          %swap3A_389 = arith.constant 16 : index
          %swap3A_390 = tpu.vector_load %arg9[%swap3A_387, %swap3A_388, %swap3A_389] {strides = array<i32>} : memref<2x128x128xf32, #tpu.memory_space<vmem>>, vector<1x1x16xf32>,
          %swap3A_391 = vector.shape_cast %swap3A_390 : vector<1x1x16xf32> to vector<16xf32>
          %swap3A_392 = vector.shape_cast %broadcast_in_dim3A_1 : vector<16xf32> to vector<1x1x16xf32>
          tpu.vector_store %arg9[%swap3A_387, %swap3A_388, %swap3A_389], %swap3A_392 {strides = array<i32>} : memref<2x128x128xf32, #tpu.memory_space<vmem>>, vector<1x1x16xf32>,
          %get3A_393 = arith.constant 1 : i32
          %get3A_394 = arith.index_cast %get3A_393 : i32 to index
          %get3A_395 = arith.index_cast %scan3A_310 : i32 to index
          %get3A_396 = arith.constant 48 : index
          %get3A_397 = tpu.vector_load %arg8[%get3A_394, %get3A_395, %get3A_396] {strides = array<i32>} : memref<2x16x128xf32, #tpu.memory_space<vmem>>, vector<1x1x16xf32>,
          %get3A_398 = vector.shape_cast %get3A_397 : vector<1x1x16xf32> to vector<16xf32>
          %mul3A_399 = arith.constant 8 : i32
          %mul3A_400 = arith.muli %scan3A_310, %mul3A_399 : i32
          %add3A_401 = arith.constant 3 : i32
          %add3A_402 = arith.addi %mul3A_400, %add3A_401 : i32
          %swap3A_403 = arith.constant 1 : i32
          %swap3A_404 = arith.index_cast %swap3A_403 : i32 to index
          %swap3A_405 = arith.index_cast %add3A_402 : i32 to index
          %swap3A_406 = arith.constant 0 : index
          %swap3A_407 = tpu.vector_load %arg9[%swap3A_404, %swap3A_405, %swap3A_406] {strides = array<i32>} : memref<2x128x128xf32, #tpu.memory_space<vmem>>, vector<1x1x16xf32>,
          %swap3A_408 = vector.shape_cast %swap3A_407 : vector<1x1x16xf32> to vector<16xf32>
          %swap3A_409 = vector.shape_cast %get3A_398 : vector<16xf32> to vector<1x1x16xf32>
          tpu.vector_store %arg9[%swap3A_404, %swap3A_405, %swap3A_406], %swap3A_409 {strides = array<i32>} : memref<2x128x128xf32, #tpu.memory_space<vmem>>, vector<1x1x16xf32>,
          %mul3A_410 = arith.constant 8 : i32
          %mul3A_411 = arith.muli %scan3A_310, %mul3A_410 : i32
          %add3A_412 = arith.constant 3 : i32
          %add3A_413 = arith.addi %mul3A_411, %add3A_412 : i32
          %swap3A_414 = arith.constant 1 : i32
          %swap3A_415 = arith.index_cast %swap3A_414 : i32 to index
          %swap3A_416 = arith.index_cast %add3A_413 : i32 to index
          %swap3A_417 = arith.constant 16 : index
          %swap3A_418 = tpu.vector_load %arg9[%swap3A_415, %swap3A_416, %swap3A_417] {strides = array<i32>} : memref<2x128x128xf32, #tpu.memory_space<vmem>>, vector<1x1x16xf32>,
          %swap3A_419 = vector.shape_cast %swap3A_418 : vector<1x1x16xf32> to vector<16xf32>
          %swap3A_420 = vector.shape_cast %broadcast_in_dim3A_1 : vector<16xf32> to vector<1x1x16xf32>
          tpu.vector_store %arg9[%swap3A_415, %swap3A_416, %swap3A_417], %swap3A_420 {strides = array<i32>} : memref<2x128x128xf32, #tpu.memory_space<vmem>>, vector<1x1x16xf32>,
          %get3A_421 = arith.constant 1 : i32
          %get3A_422 = arith.index_cast %get3A_421 : i32 to index
          %get3A_423 = arith.index_cast %scan3A_310 : i32 to index
          %get3A_424 = arith.constant 64 : index
          %get3A_425 = tpu.vector_load %arg8[%get3A_422, %get3A_423, %get3A_424] {strides = array<i32>} : memref<2x16x128xf32, #tpu.memory_space<vmem>>, vector<1x1x16xf32>,
          %get3A_426 = vector.shape_cast %get3A_425 : vector<1x1x16xf32> to vector<16xf32>
          %mul3A_427 = arith.constant 8 : i32
          %mul3A_428 = arith.muli %scan3A_310, %mul3A_427 : i32
          %add3A_429 = arith.constant 4 : i32
          %add3A_430 = arith.addi %mul3A_428, %add3A_429 : i32
          %swap3A_431 = arith.constant 1 : i32
          %swap3A_432 = arith.index_cast %swap3A_431 : i32 to index
          %swap3A_433 = arith.index_cast %add3A_430 : i32 to index
          %swap3A_434 = arith.constant 0 : index
          %swap3A_435 = tpu.vector_load %arg9[%swap3A_432, %swap3A_433, %swap3A_434] {strides = array<i32>} : memref<2x128x128xf32, #tpu.memory_space<vmem>>, vector<1x1x16xf32>,
          %swap3A_436 = vector.shape_cast %swap3A_435 : vector<1x1x16xf32> to vector<16xf32>
          %swap3A_437 = vector.shape_cast %get3A_426 : vector<16xf32> to vector<1x1x16xf32>
          tpu.vector_store %arg9[%swap3A_432, %swap3A_433, %swap3A_434], %swap3A_437 {strides = array<i32>} : memref<2x128x128xf32, #tpu.memory_space<vmem>>, vector<1x1x16xf32>,
          %mul3A_438 = arith.constant 8 : i32
          %mul3A_439 = arith.muli %scan3A_310, %mul3A_438 : i32
          %add3A_440 = arith.constant 4 : i32
          %add3A_441 = arith.addi %mul3A_439, %add3A_440 : i32
          %swap3A_442 = arith.constant 1 : i32
          %swap3A_443 = arith.index_cast %swap3A_442 : i32 to index
          %swap3A_444 = arith.index_cast %add3A_441 : i32 to index
          %swap3A_445 = arith.constant 16 : index
          %swap3A_446 = tpu.vector_load %arg9[%swap3A_443, %swap3A_444, %swap3A_445] {strides = array<i32>} : memref<2x128x128xf32, #tpu.memory_space<vmem>>, vector<1x1x16xf32>,
          %swap3A_447 = vector.shape_cast %swap3A_446 : vector<1x1x16xf32> to vector<16xf32>
          %swap3A_448 = vector.shape_cast %broadcast_in_dim3A_1 : vector<16xf32> to vector<1x1x16xf32>
          tpu.vector_store %arg9[%swap3A_443, %swap3A_444, %swap3A_445], %swap3A_448 {strides = array<i32>} : memref<2x128x128xf32, #tpu.memory_space<vmem>>, vector<1x1x16xf32>,
          %get3A_449 = arith.constant 1 : i32
          %get3A_450 = arith.index_cast %get3A_449 : i32 to index
          %get3A_451 = arith.index_cast %scan3A_310 : i32 to index
          %get3A_452 = arith.constant 80 : index
          %get3A_453 = tpu.vector_load %arg8[%get3A_450, %get3A_451, %get3A_452] {strides = array<i32>} : memref<2x16x128xf32, #tpu.memory_space<vmem>>, vector<1x1x16xf32>,
          %get3A_454 = vector.shape_cast %get3A_453 : vector<1x1x16xf32> to vector<16xf32>
          %mul3A_455 = arith.constant 8 : i32
          %mul3A_456 = arith.muli %scan3A_310, %mul3A_455 : i32
          %add3A_457 = arith.constant 5 : i32
          %add3A_458 = arith.addi %mul3A_456, %add3A_457 : i32
          %swap3A_459 = arith.constant 1 : i32
          %swap3A_460 = arith.index_cast %swap3A_459 : i32 to index
          %swap3A_461 = arith.index_cast %add3A_458 : i32 to index
          %swap3A_462 = arith.constant 0 : index
          %swap3A_463 = tpu.vector_load %arg9[%swap3A_460, %swap3A_461, %swap3A_462] {strides = array<i32>} : memref<2x128x128xf32, #tpu.memory_space<vmem>>, vector<1x1x16xf32>,
          %swap3A_464 = vector.shape_cast %swap3A_463 : vector<1x1x16xf32> to vector<16xf32>
          %swap3A_465 = vector.shape_cast %get3A_454 : vector<16xf32> to vector<1x1x16xf32>
          tpu.vector_store %arg9[%swap3A_460, %swap3A_461, %swap3A_462], %swap3A_465 {strides = array<i32>} : memref<2x128x128xf32, #tpu.memory_space<vmem>>, vector<1x1x16xf32>,
          %mul3A_466 = arith.constant 8 : i32
          %mul3A_467 = arith.muli %scan3A_310, %mul3A_466 : i32
          %add3A_468 = arith.constant 5 : i32
          %add3A_469 = arith.addi %mul3A_467, %add3A_468 : i32
          %swap3A_470 = arith.constant 1 : i32
          %swap3A_471 = arith.index_cast %swap3A_470 : i32 to index
          %swap3A_472 = arith.index_cast %add3A_469 : i32 to index
          %swap3A_473 = arith.constant 16 : index
          %swap3A_474 = tpu.vector_load %arg9[%swap3A_471, %swap3A_472, %swap3A_473] {strides = array<i32>} : memref<2x128x128xf32, #tpu.memory_space<vmem>>, vector<1x1x16xf32>,
          %swap3A_475 = vector.shape_cast %swap3A_474 : vector<1x1x16xf32> to vector<16xf32>
          %swap3A_476 = vector.shape_cast %broadcast_in_dim3A_1 : vector<16xf32> to vector<1x1x16xf32>
          tpu.vector_store %arg9[%swap3A_471, %swap3A_472, %swap3A_473], %swap3A_476 {strides = array<i32>} : memref<2x128x128xf32, #tpu.memory_space<vmem>>, vector<1x1x16xf32>,
          %get3A_477 = arith.constant 1 : i32
          %get3A_478 = arith.index_cast %get3A_477 : i32 to index
          %get3A_479 = arith.index_cast %scan3A_310 : i32 to index
          %get3A_480 = arith.constant 96 : index
          %get3A_481 = tpu.vector_load %arg8[%get3A_478, %get3A_479, %get3A_480] {strides = array<i32>} : memref<2x16x128xf32, #tpu.memory_space<vmem>>, vector<1x1x16xf32>,
          %get3A_482 = vector.shape_cast %get3A_481 : vector<1x1x16xf32> to vector<16xf32>
          %mul3A_483 = arith.constant 8 : i32
          %mul3A_484 = arith.muli %scan3A_310, %mul3A_483 : i32
          %add3A_485 = arith.constant 6 : i32
          %add3A_486 = arith.addi %mul3A_484, %add3A_485 : i32
          %swap3A_487 = arith.constant 1 : i32
          %swap3A_488 = arith.index_cast %swap3A_487 : i32 to index
          %swap3A_489 = arith.index_cast %add3A_486 : i32 to index
          %swap3A_490 = arith.constant 0 : index
          %swap3A_491 = tpu.vector_load %arg9[%swap3A_488, %swap3A_489, %swap3A_490] {strides = array<i32>} : memref<2x128x128xf32, #tpu.memory_space<vmem>>, vector<1x1x16xf32>,
          %swap3A_492 = vector.shape_cast %swap3A_491 : vector<1x1x16xf32> to vector<16xf32>
          %swap3A_493 = vector.shape_cast %get3A_482 : vector<16xf32> to vector<1x1x16xf32>
          tpu.vector_store %arg9[%swap3A_488, %swap3A_489, %swap3A_490], %swap3A_493 {strides = array<i32>} : memref<2x128x128xf32, #tpu.memory_space<vmem>>, vector<1x1x16xf32>,
          %mul3A_494 = arith.constant 8 : i32
          %mul3A_495 = arith.muli %scan3A_310, %mul3A_494 : i32
          %add3A_496 = arith.constant 6 : i32
          %add3A_497 = arith.addi %mul3A_495, %add3A_496 : i32
          %swap3A_498 = arith.constant 1 : i32
          %swap3A_499 = arith.index_cast %swap3A_498 : i32 to index
          %swap3A_500 = arith.index_cast %add3A_497 : i32 to index
          %swap3A_501 = arith.constant 16 : index
          %swap3A_502 = tpu.vector_load %arg9[%swap3A_499, %swap3A_500, %swap3A_501] {strides = array<i32>} : memref<2x128x128xf32, #tpu.memory_space<vmem>>, vector<1x1x16xf32>,
          %swap3A_503 = vector.shape_cast %swap3A_502 : vector<1x1x16xf32> to vector<16xf32>
          %swap3A_504 = vector.shape_cast %broadcast_in_dim3A_1 : vector<16xf32> to vector<1x1x16xf32>
          tpu.vector_store %arg9[%swap3A_499, %swap3A_500, %swap3A_501], %swap3A_504 {strides = array<i32>} : memref<2x128x128xf32, #tpu.memory_space<vmem>>, vector<1x1x16xf32>,
          %get3A_505 = arith.constant 1 : i32
          %get3A_506 = arith.index_cast %get3A_505 : i32 to index
          %get3A_507 = arith.index_cast %scan3A_310 : i32 to index
          %get3A_508 = arith.constant 112 : index
          %get3A_509 = tpu.vector_load %arg8[%get3A_506, %get3A_507, %get3A_508] {strides = array<i32>} : memref<2x16x128xf32, #tpu.memory_space<vmem>>, vector<1x1x16xf32>,
          %get3A_510 = vector.shape_cast %get3A_509 : vector<1x1x16xf32> to vector<16xf32>
          %mul3A_511 = arith.constant 8 : i32
          %mul3A_512 = arith.muli %scan3A_310, %mul3A_511 : i32
          %add3A_513 = arith.constant 7 : i32
          %add3A_514 = arith.addi %mul3A_512, %add3A_513 : i32
          %swap3A_515 = arith.constant 1 : i32
          %swap3A_516 = arith.index_cast %swap3A_515 : i32 to index
          %swap3A_517 = arith.index_cast %add3A_514 : i32 to index
          %swap3A_518 = arith.constant 0 : index
          %swap3A_519 = tpu.vector_load %arg9[%swap3A_516, %swap3A_517, %swap3A_518] {strides = array<i32>} : memref<2x128x128xf32, #tpu.memory_space<vmem>>, vector<1x1x16xf32>,
          %swap3A_520 = vector.shape_cast %swap3A_519 : vector<1x1x16xf32> to vector<16xf32>
          %swap3A_521 = vector.shape_cast %get3A_510 : vector<16xf32> to vector<1x1x16xf32>
          tpu.vector_store %arg9[%swap3A_516, %swap3A_517, %swap3A_518], %swap3A_521 {strides = array<i32>} : memref<2x128x128xf32, #tpu.memory_space<vmem>>, vector<1x1x16xf32>,
          %mul3A_522 = arith.constant 8 : i32
          %mul3A_523 = arith.muli %scan3A_310, %mul3A_522 : i32
          %add3A_524 = arith.constant 7 : i32
          %add3A_525 = arith.addi %mul3A_523, %add3A_524 : i32
          %swap3A_526 = arith.constant 1 : i32
          %swap3A_527 = arith.index_cast %swap3A_526 : i32 to index
          %swap3A_528 = arith.index_cast %add3A_525 : i32 to index
          %swap3A_529 = arith.constant 16 : index
          %swap3A_530 = tpu.vector_load %arg9[%swap3A_527, %swap3A_528, %swap3A_529] {strides = array<i32>} : memref<2x128x128xf32, #tpu.memory_space<vmem>>, vector<1x1x16xf32>,
          %swap3A_531 = vector.shape_cast %swap3A_530 : vector<1x1x16xf32> to vector<16xf32>
          %swap3A_532 = vector.shape_cast %broadcast_in_dim3A_1 : vector<16xf32> to vector<1x1x16xf32>
          tpu.vector_store %arg9[%swap3A_527, %swap3A_528, %swap3A_529], %swap3A_532 {strides = array<i32>} : memref<2x128x128xf32, #tpu.memory_space<vmem>>, vector<1x1x16xf32>,
        }
        %scan3A_297 = arith.constant 16 : i32
        %dma_start3A_298 = arith.constant 1 : i32
        %dma_start3A_299 = arith.constant 1 : i32
        %dma_start3A_300 = arith.constant 0 : i32
        %dma_start3A_301 = arith.constant 0 : i32
        %dma_start3A_302 = tpu.memref_slice %arg9[%dma_start3A_298, %dma_start3A_300, %dma_start3A_301] : memref<2x128x128xf32, #tpu.memory_space<vmem>> -> memref<1x128x128xf32, #tpu.memory_space<vmem>>
        %dma_start3A_303 = tpu.memref_squeeze %dma_start3A_302 : memref<1x128x128xf32, #tpu.memory_space<vmem>> -> memref<128x128xf32, #tpu.memory_space<vmem>>
        %dma_start3A_304 = arith.constant 0 : i32
        %dma_start3A_305 = tpu.memref_slice %arg7[%dma_start3A_299, %dma_start3A_304] : memref<2x128xi32, #tpu.memory_space<vmem>> -> memref<1x128xi32, #tpu.memory_space<vmem>>
        %dma_start3A_306 = tpu.memref_squeeze %dma_start3A_305 : memref<1x128xi32, #tpu.memory_space<vmem>> -> memref<128xi32, #tpu.memory_space<vmem>>
        %dma_start3A_307 = arith.constant 0 : i32
        %dma_start3A_308 = arith.constant 0 : i32
        %dma_start3A_309 = tpu.memref_slice %arg11[%dma_start3A_307, %dma_start3A_308] : memref<10000x128xf32, #tpu.memory_space<vmem_shared>> -> memref<10000x128xf32, #tpu.memory_space<vmem_shared>>
        tpu.enqueue_indirect_dma source(%dma_start3A_303 : memref<128x128xf32, #tpu.memory_space<vmem>>) target(%dma_start3A_309 : memref<10000x128xf32, #tpu.memory_space<vmem_shared>>) offsets(%dma_start3A_306 : memref<128xi32, #tpu.memory_space<vmem>>) semaphore(%arg15 : memref<!tpu.dma_semaphore, #tpu.memory_space<semaphore_mem>>) {add = true}
      } else {
      }
    }
    %scan3A_112 = arith.constant 40 : i32
    %dma_wait3A = arith.constant 0 : i32
    %dma_wait3A_113 = arith.constant 0 : i32
    %dma_wait3A_114 = arith.constant 0 : i32
    %dma_wait3A_115 = arith.constant 0 : i32
    %dma_wait3A_116 = tpu.memref_slice %arg9[%dma_wait3A, %dma_wait3A_114, %dma_wait3A_115] : memref<2x128x128xf32, #tpu.memory_space<vmem>> -> memref<1x128x128xf32, #tpu.memory_space<vmem>>
    %dma_wait3A_117 = tpu.memref_squeeze %dma_wait3A_116 : memref<1x128x128xf32, #tpu.memory_space<vmem>> -> memref<128x128xf32, #tpu.memory_space<vmem>>
    %dma_wait3A_118 = arith.constant 0 : i32
    %dma_wait3A_119 = tpu.memref_slice %arg7[%dma_wait3A_113, %dma_wait3A_118] : memref<2x128xi32, #tpu.memory_space<vmem>> -> memref<1x128xi32, #tpu.memory_space<vmem>>
    %dma_wait3A_120 = tpu.memref_squeeze %dma_wait3A_119 : memref<1x128xi32, #tpu.memory_space<vmem>> -> memref<128xi32, #tpu.memory_space<vmem>>
    %dma_wait3A_121 = arith.constant 0 : i32
    %dma_wait3A_122 = arith.constant 0 : i32
    %dma_wait3A_123 = tpu.memref_slice %arg11[%dma_wait3A_121, %dma_wait3A_122] : memref<10000x128xf32, #tpu.memory_space<vmem_shared>> -> memref<10000x128xf32, #tpu.memory_space<vmem_shared>>
    tpu.wait_indirect_dma semaphore(%arg14 : memref<!tpu.dma_semaphore, #tpu.memory_space<semaphore_mem>>) src(%dma_wait3A_117 : memref<128x128xf32, #tpu.memory_space<vmem>>) dst(%dma_wait3A_123 : memref<10000x128xf32, #tpu.memory_space<vmem_shared>>)
    %dma_wait3A_124 = arith.constant 1 : i32
    %dma_wait3A_125 = arith.constant 1 : i32
    %dma_wait3A_126 = arith.constant 0 : i32
    %dma_wait3A_127 = arith.constant 0 : i32
    %dma_wait3A_128 = tpu.memref_slice %arg9[%dma_wait3A_124, %dma_wait3A_126, %dma_wait3A_127] : memref<2x128x128xf32, #tpu.memory_space<vmem>> -> memref<1x128x128xf32, #tpu.memory_space<vmem>>
    %dma_wait3A_129 = tpu.memref_squeeze %dma_wait3A_128 : memref<1x128x128xf32, #tpu.memory_space<vmem>> -> memref<128x128xf32, #tpu.memory_space<vmem>>
    %dma_wait3A_130 = arith.constant 0 : i32
    %dma_wait3A_131 = tpu.memref_slice %arg7[%dma_wait3A_125, %dma_wait3A_130] : memref<2x128xi32, #tpu.memory_space<vmem>> -> memref<1x128xi32, #tpu.memory_space<vmem>>
    %dma_wait3A_132 = tpu.memref_squeeze %dma_wait3A_131 : memref<1x128xi32, #tpu.memory_space<vmem>> -> memref<128xi32, #tpu.memory_space<vmem>>
    %dma_wait3A_133 = arith.constant 0 : i32
    %dma_wait3A_134 = arith.constant 0 : i32
    %dma_wait3A_135 = tpu.memref_slice %arg11[%dma_wait3A_133, %dma_wait3A_134] : memref<10000x128xf32, #tpu.memory_space<vmem_shared>> -> memref<10000x128xf32, #tpu.memory_space<vmem_shared>>
    tpu.wait_indirect_dma semaphore(%arg15 : memref<!tpu.dma_semaphore, #tpu.memory_space<semaphore_mem>>) src(%dma_wait3A_129 : memref<128x128xf32, #tpu.memory_space<vmem>>) dst(%dma_wait3A_135 : memref<10000x128xf32, #tpu.memory_space<vmem_shared>>)
    %barrier3A_136 = arith.constant 0 : index
    tpu.barrier barrier_id(%barrier3A_136)
    %while3A_137 = arith.constant 0 : i32
    %while3A_138 = arith.constant 0 : i32
    %while3A_139 = arith.subi %select_n3A_30, %while3A_138 : i32
    %while3A_140 = arith.addi %while3A_138, %while3A_139 : i32
    %while3A_141 = arith.constant 1 : i32
    %while3A_142 = arith.divsi %while3A_139, %while3A_141 : i32
    %while3A_143 = arith.muli %while3A_142, %while3A_141 : i32
    %while3A_144 = arith.addi %while3A_138, %while3A_143 : i32
    %while3A_145 = arith.constant 1 : i32
    scf.for %while3A_228 = %while3A_138 to %while3A_144 step %while3A_145  : i32 {
      %mul3A_229 = arith.constant 16 : i32
      %mul3A_230 = arith.muli %while3A_228, %mul3A_229 : i32
      %add3A_231 = arith.addi %arg1, %mul3A_230 : i32
      %mul3A_232 = arith.constant 80 : i32
      %mul3A_233 = arith.muli %add3A_231, %mul3A_232 : i32
      %multiple_of3A_234 = tpu.assume_multiple %mul3A_233, 80 : i32
      %mul3A_235 = arith.constant 10000 : i32
      %mul3A_236 = arith.muli %arg0, %mul3A_235 : i32
      %mul3A_237 = arith.constant 16 : i32
      %mul3A_238 = arith.muli %while3A_228, %mul3A_237 : i32
      %add3A_239 = arith.addi %arg1, %mul3A_238 : i32
      %mul3A_240 = arith.constant 80 : i32
      %mul3A_241 = arith.muli %add3A_239, %mul3A_240 : i32
      %add3A_242 = arith.addi %mul3A_236, %mul3A_241 : i32
      %multiple_of3A_243 = tpu.assume_multiple %add3A_242, 80 : i32
      "tpu.region"() ({
        %run_scoped3A = tpu.sem_alloc : memref<!tpu.dma_semaphore, #tpu.memory_space<semaphore_mem>>
        %dma_start3A_244 = arith.constant 0 : i32
        %dma_start3A_245 = tpu.memref_slice %arg5[%multiple_of3A_243, %dma_start3A_244] : memref<20000x128xf32, #tpu.memory_space<hbm>> -> memref<80x128xf32, #tpu.memory_space<hbm>>
        %dma_start3A_246 = arith.constant 0 : i32
        %dma_start3A_247 = tpu.memref_slice %arg11[%multiple_of3A_234, %dma_start3A_246] : memref<10000x128xf32, #tpu.memory_space<vmem_shared>> -> memref<80x128xf32, #tpu.memory_space<vmem_shared>>
        tpu.enqueue_dma source(%dma_start3A_247 : memref<80x128xf32, #tpu.memory_space<vmem_shared>>) target(%dma_start3A_245 : memref<80x128xf32, #tpu.memory_space<hbm>>) target_semaphore(%run_scoped3A : memref<!tpu.dma_semaphore, #tpu.memory_space<semaphore_mem>>)
        %dma_wait3A_248 = arith.constant 0 : i32
        %dma_wait3A_249 = tpu.memref_slice %arg5[%multiple_of3A_243, %dma_wait3A_248] : memref<20000x128xf32, #tpu.memory_space<hbm>> -> memref<80x128xf32, #tpu.memory_space<hbm>>
        %dma_wait3A_250 = arith.constant 0 : i32
        %dma_wait3A_251 = tpu.memref_slice %arg11[%multiple_of3A_234, %dma_wait3A_250] : memref<10000x128xf32, #tpu.memory_space<vmem_shared>> -> memref<80x128xf32, #tpu.memory_space<vmem_shared>>
        tpu.wait_dma2 semaphore(%run_scoped3A : memref<!tpu.dma_semaphore, #tpu.memory_space<semaphore_mem>>) src(%dma_wait3A_251 : memref<80x128xf32, #tpu.memory_space<vmem_shared>>) dst(%dma_wait3A_249 : memref<80x128xf32, #tpu.memory_space<hbm>>)
        tpu.yield
      }) : () -> ()
    }
    %while3A_146 = arith.constant 1 : i32
    scf.for %while3A_228 = %while3A_144 to %while3A_140 step %while3A_146  : i32 {
      %mul3A_229 = arith.constant 16 : i32
      %mul3A_230 = arith.muli %while3A_228, %mul3A_229 : i32
      %add3A_231 = arith.addi %arg1, %mul3A_230 : i32
      %mul3A_232 = arith.constant 80 : i32
      %mul3A_233 = arith.muli %add3A_231, %mul3A_232 : i32
      %multiple_of3A_234 = tpu.assume_multiple %mul3A_233, 80 : i32
      %mul3A_235 = arith.constant 10000 : i32
      %mul3A_236 = arith.muli %arg0, %mul3A_235 : i32
      %mul3A_237 = arith.constant 16 : i32
      %mul3A_238 = arith.muli %while3A_228, %mul3A_237 : i32
      %add3A_239 = arith.addi %arg1, %mul3A_238 : i32
      %mul3A_240 = arith.constant 80 : i32
      %mul3A_241 = arith.muli %add3A_239, %mul3A_240 : i32
      %add3A_242 = arith.addi %mul3A_236, %mul3A_241 : i32
      %multiple_of3A_243 = tpu.assume_multiple %add3A_242, 80 : i32
      "tpu.region"() ({
        %run_scoped3A = tpu.sem_alloc : memref<!tpu.dma_semaphore, #tpu.memory_space<semaphore_mem>>
        %dma_start3A_244 = arith.constant 0 : i32
        %dma_start3A_245 = tpu.memref_slice %arg5[%multiple_of3A_243, %dma_start3A_244] : memref<20000x128xf32, #tpu.memory_space<hbm>> -> memref<80x128xf32, #tpu.memory_space<hbm>>
        %dma_start3A_246 = arith.constant 0 : i32
        %dma_start3A_247 = tpu.memref_slice %arg11[%multiple_of3A_234, %dma_start3A_246] : memref<10000x128xf32, #tpu.memory_space<vmem_shared>> -> memref<80x128xf32, #tpu.memory_space<vmem_shared>>
        tpu.enqueue_dma source(%dma_start3A_247 : memref<80x128xf32, #tpu.memory_space<vmem_shared>>) target(%dma_start3A_245 : memref<80x128xf32, #tpu.memory_space<hbm>>) target_semaphore(%run_scoped3A : memref<!tpu.dma_semaphore, #tpu.memory_space<semaphore_mem>>)
        %dma_wait3A_248 = arith.constant 0 : i32
        %dma_wait3A_249 = tpu.memref_slice %arg5[%multiple_of3A_243, %dma_wait3A_248] : memref<20000x128xf32, #tpu.memory_space<hbm>> -> memref<80x128xf32, #tpu.memory_space<hbm>>
        %dma_wait3A_250 = arith.constant 0 : i32
        %dma_wait3A_251 = tpu.memref_slice %arg11[%multiple_of3A_234, %dma_wait3A_250] : memref<10000x128xf32, #tpu.memory_space<vmem_shared>> -> memref<80x128xf32, #tpu.memory_space<vmem_shared>>
        tpu.wait_dma2 semaphore(%run_scoped3A : memref<!tpu.dma_semaphore, #tpu.memory_space<semaphore_mem>>) src(%dma_wait3A_251 : memref<80x128xf32, #tpu.memory_space<vmem_shared>>) dst(%dma_wait3A_249 : memref<80x128xf32, #tpu.memory_space<hbm>>)
        tpu.yield
      }) : () -> ()
    }
    %barrier3A_147 = arith.constant 0 : index
    tpu.barrier barrier_id(%barrier3A_147)
    %while3A_148 = arith.constant 0 : i32
    %while3A_149 = arith.constant 0 : i32
    %while3A_150 = arith.subi %select_n3A_30, %while3A_149 : i32
    %while3A_151 = arith.addi %while3A_149, %while3A_150 : i32
    %while3A_152 = arith.constant 1 : i32
    %while3A_153 = arith.divsi %while3A_150, %while3A_152 : i32
    %while3A_154 = arith.muli %while3A_153, %while3A_152 : i32
    %while3A_155 = arith.addi %while3A_149, %while3A_154 : i32
    %while3A_156 = arith.constant 1 : i32
    scf.for %while3A_228 = %while3A_149 to %while3A_155 step %while3A_156  : i32 {
      %mul3A_229 = arith.constant 16 : i32
      %mul3A_230 = arith.muli %while3A_228, %mul3A_229 : i32
      %add3A_231 = arith.addi %arg1, %mul3A_230 : i32
      %mul3A_232 = arith.constant 80 : i32
      %mul3A_233 = arith.muli %add3A_231, %mul3A_232 : i32
      %multiple_of3A_234 = tpu.assume_multiple %mul3A_233, 80 : i32
      "tpu.region"() ({
        %run_scoped3A = tpu.sem_alloc : memref<!tpu.dma_semaphore, #tpu.memory_space<semaphore_mem>>
        %dma_start3A_235 = arith.constant 0 : i32
        %dma_start3A_236 = tpu.memref_slice %arg11[%multiple_of3A_234, %dma_start3A_235] : memref<10000x128xf32, #tpu.memory_space<vmem_shared>> -> memref<80x128xf32, #tpu.memory_space<vmem_shared>>
        %dma_start3A_237 = arith.constant 0 : i32
        %dma_start3A_238 = tpu.memref_slice %arg11[%multiple_of3A_234, %dma_start3A_237] : memref<10000x128xf32, #tpu.memory_space<vmem_shared>> -> memref<80x128xf32, #tpu.memory_space<vmem_shared>>
        tpu.enqueue_dma source(%arg10 : memref<80x128xf32, #tpu.memory_space<vmem>>) target(%dma_start3A_238 : memref<80x128xf32, #tpu.memory_space<vmem_shared>>) target_semaphore(%run_scoped3A : memref<!tpu.dma_semaphore, #tpu.memory_space<semaphore_mem>>)
        %dma_wait3A_239 = arith.constant 0 : i32
        %dma_wait3A_240 = tpu.memref_slice %arg11[%multiple_of3A_234, %dma_wait3A_239] : memref<10000x128xf32, #tpu.memory_space<vmem_shared>> -> memref<80x128xf32, #tpu.memory_space<vmem_shared>>
        %dma_wait3A_241 = arith.constant 0 : i32
        %dma_wait3A_242 = tpu.memref_slice %arg11[%multiple_of3A_234, %dma_wait3A_241] : memref<10000x128xf32, #tpu.memory_space<vmem_shared>> -> memref<80x128xf32, #tpu.memory_space<vmem_shared>>
        tpu.wait_dma2 semaphore(%run_scoped3A : memref<!tpu.dma_semaphore, #tpu.memory_space<semaphore_mem>>) src(%arg10 : memref<80x128xf32, #tpu.memory_space<vmem>>) dst(%dma_wait3A_242 : memref<80x128xf32, #tpu.memory_space<vmem_shared>>)
        tpu.yield
      }) : () -> ()
    }
    %while3A_157 = arith.constant 1 : i32
    scf.for %while3A_228 = %while3A_155 to %while3A_151 step %while3A_157  : i32 {
      %mul3A_229 = arith.constant 16 : i32
      %mul3A_230 = arith.muli %while3A_228, %mul3A_229 : i32
      %add3A_231 = arith.addi %arg1, %mul3A_230 : i32
      %mul3A_232 = arith.constant 80 : i32
      %mul3A_233 = arith.muli %add3A_231, %mul3A_232 : i32
      %multiple_of3A_234 = tpu.assume_multiple %mul3A_233, 80 : i32
      "tpu.region"() ({
        %run_scoped3A = tpu.sem_alloc : memref<!tpu.dma_semaphore, #tpu.memory_space<semaphore_mem>>
        %dma_start3A_235 = arith.constant 0 : i32
        %dma_start3A_236 = tpu.memref_slice %arg11[%multiple_of3A_234, %dma_start3A_235] : memref<10000x128xf32, #tpu.memory_space<vmem_shared>> -> memref<80x128xf32, #tpu.memory_space<vmem_shared>>
        %dma_start3A_237 = arith.constant 0 : i32
        %dma_start3A_238 = tpu.memref_slice %arg11[%multiple_of3A_234, %dma_start3A_237] : memref<10000x128xf32, #tpu.memory_space<vmem_shared>> -> memref<80x128xf32, #tpu.memory_space<vmem_shared>>
        tpu.enqueue_dma source(%arg10 : memref<80x128xf32, #tpu.memory_space<vmem>>) target(%dma_start3A_238 : memref<80x128xf32, #tpu.memory_space<vmem_shared>>) target_semaphore(%run_scoped3A : memref<!tpu.dma_semaphore, #tpu.memory_space<semaphore_mem>>)
        %dma_wait3A_239 = arith.constant 0 : i32
        %dma_wait3A_240 = tpu.memref_slice %arg11[%multiple_of3A_234, %dma_wait3A_239] : memref<10000x128xf32, #tpu.memory_space<vmem_shared>> -> memref<80x128xf32, #tpu.memory_space<vmem_shared>>
        %dma_wait3A_241 = arith.constant 0 : i32
        %dma_wait3A_242 = tpu.memref_slice %arg11[%multiple_of3A_234, %dma_wait3A_241] : memref<10000x128xf32, #tpu.memory_space<vmem_shared>> -> memref<80x128xf32, #tpu.memory_space<vmem_shared>>
        tpu.wait_dma2 semaphore(%run_scoped3A : memref<!tpu.dma_semaphore, #tpu.memory_space<semaphore_mem>>) src(%arg10 : memref<80x128xf32, #tpu.memory_space<vmem>>) dst(%dma_wait3A_242 : memref<80x128xf32, #tpu.memory_space<vmem_shared>>)
        tpu.yield
      }) : () -> ()
    }
    %barrier3A_158 = arith.constant 0 : index
    tpu.barrier barrier_id(%barrier3A_158)
    %mul3A_159 = arith.constant 128 : i32
    %mul3A_160 = arith.muli %add3A, %mul3A_159 : i32
    %multiple_of3A_161 = tpu.assume_multiple %mul3A_160, 128 : i32
    %mul3A_162 = arith.constant 16 : i32
    %mul3A_163 = arith.muli %add3A, %mul3A_162 : i32
    %multiple_of3A_164 = tpu.assume_multiple %mul3A_163, 16 : i32
    %dma_start3A_165 = arith.constant 0 : i32
    %dma_start3A_166 = arith.constant 0 : i32
    %dma_start3A_167 = tpu.memref_slice %arg7[%dma_start3A_165, %dma_start3A_166] : memref<2x128xi32, #tpu.memory_space<vmem>> -> memref<1x128xi32, #tpu.memory_space<vmem>>
    %dma_start3A_168 = tpu.memref_squeeze %dma_start3A_167 : memref<1x128xi32, #tpu.memory_space<vmem>> -> memref<128xi32, #tpu.memory_space<vmem>>
    %dma_start3A_169 = tpu.memref_slice %arg3[%multiple_of3A_161] : memref<320000xi32, #tpu.memory_space<hbm>> -> memref<128xi32, #tpu.memory_space<hbm>>
    %dma_start3A_170 = arith.constant 0 : i32
    %dma_start3A_171 = tpu.memref_slice %arg7[%dma_start3A_165, %dma_start3A_170] : memref<2x128xi32, #tpu.memory_space<vmem>> -> memref<1x128xi32, #tpu.memory_space<vmem>>
    %dma_start3A_172 = tpu.memref_squeeze %dma_start3A_171 : memref<1x128xi32, #tpu.memory_space<vmem>> -> memref<128xi32, #tpu.memory_space<vmem>>
    %dma_start3A_173 = tpu.memref_slice %arg3[%multiple_of3A_161] : memref<320000xi32, #tpu.memory_space<hbm>> -> memref<128xi32, #tpu.memory_space<hbm>>
    tpu.enqueue_dma source(%dma_start3A_173 : memref<128xi32, #tpu.memory_space<hbm>>) target(%dma_start3A_172 : memref<128xi32, #tpu.memory_space<vmem>>) target_semaphore(%arg12 : memref<!tpu.dma_semaphore, #tpu.memory_space<semaphore_mem>>)
    %dma_start3A_174 = arith.constant 0 : i32
    %dma_start3A_175 = arith.constant 0 : i32
    %dma_start3A_176 = arith.constant 0 : i32
    %dma_start3A_177 = tpu.memref_slice %arg8[%dma_start3A_174, %dma_start3A_175, %dma_start3A_176] : memref<2x16x128xf32, #tpu.memory_space<vmem>> -> memref<1x16x128xf32, #tpu.memory_space<vmem>>
    %dma_start3A_178 = tpu.memref_squeeze %dma_start3A_177 : memref<1x16x128xf32, #tpu.memory_space<vmem>> -> memref<16x128xf32, #tpu.memory_space<vmem>>
    %dma_start3A_179 = arith.constant 0 : i32
    %dma_start3A_180 = tpu.memref_slice %arg2[%multiple_of3A_164, %dma_start3A_179] : memref<40000x128xf32, #tpu.memory_space<hbm>> -> memref<16x128xf32, #tpu.memory_space<hbm>>
    %dma_start3A_181 = arith.constant 0 : i32
    %dma_start3A_182 = arith.constant 0 : i32
    %dma_start3A_183 = tpu.memref_slice %arg8[%dma_start3A_174, %dma_start3A_181, %dma_start3A_182] : memref<2x16x128xf32, #tpu.memory_space<vmem>> -> memref<1x16x128xf32, #tpu.memory_space<vmem>>
    %dma_start3A_184 = tpu.memref_squeeze %dma_start3A_183 : memref<1x16x128xf32, #tpu.memory_space<vmem>> -> memref<16x128xf32, #tpu.memory_space<vmem>>
    %dma_start3A_185 = arith.constant 0 : i32
    %dma_start3A_186 = tpu.memref_slice %arg2[%multiple_of3A_164, %dma_start3A_185] : memref<40000x128xf32, #tpu.memory_space<hbm>> -> memref<16x128xf32, #tpu.memory_space<hbm>>
    tpu.enqueue_dma source(%dma_start3A_186 : memref<16x128xf32, #tpu.memory_space<hbm>>) target(%dma_start3A_184 : memref<16x128xf32, #tpu.memory_space<vmem>>) target_semaphore(%arg12 : memref<!tpu.dma_semaphore, #tpu.memory_space<semaphore_mem>>)
    %scan3A_187 = arith.constant 0 : i32
    %scan3A_188 = arith.constant 0 : i32
    %scan3A_189 = arith.constant 40 : i32
    %scan3A_190 = arith.addi %scan3A_188, %scan3A_189 : i32
    %scan3A_191 = arith.constant 1 : i32
    scf.for %scan3A_228 = %scan3A_188 to %scan3A_190 step %scan3A_191  : i32 {
      %mul3A_229 = arith.constant 2 : i32
      %mul3A_230 = arith.muli %scan3A_228, %mul3A_229 : i32
      %add3A_231 = arith.constant 0 : i32
      %add3A_232 = arith.addi %mul3A_230, %add3A_231 : i32
      %mul3A_233 = arith.constant 32 : i32
      %mul3A_234 = arith.muli %add3A_232, %mul3A_233 : i32
      %add3A_235 = arith.addi %add3A, %mul3A_234 : i32
      %add3A_236 = arith.constant 32 : i32
      %add3A_237 = arith.addi %add3A_235, %add3A_236 : i32
      %lt3A = arith.constant 2500 : i32
      %lt3A_238 = arith.cmpi slt, %add3A_237, %lt3A : i32
      %convert_element_type3A = arith.extui %lt3A_238 : i1 to i32
      %cond3A = arith.constant 0 : i32
      %cond3A_239 = arith.cmpi ne, %convert_element_type3A, %cond3A : i32
      scf.if %cond3A_239 {
        %ge3A = arith.constant 1 : i32
        %ge3A_264 = arith.cmpi sge, %add3A_232, %ge3A : i32
        %convert_element_type3A_265 = arith.extui %ge3A_264 : i1 to i32
        %cond3A_266 = arith.constant 0 : i32
        %cond3A_267 = arith.cmpi ne, %convert_element_type3A_265, %cond3A_266 : i32
        scf.if %cond3A_267 {
          %dma_wait3A_296 = arith.constant 1 : i32
          %dma_wait3A_297 = arith.constant 1 : i32
          %dma_wait3A_298 = arith.constant 0 : i32
          %dma_wait3A_299 = arith.constant 0 : i32
          %dma_wait3A_300 = tpu.memref_slice %arg9[%dma_wait3A_296, %dma_wait3A_298, %dma_wait3A_299] : memref<2x128x128xf32, #tpu.memory_space<vmem>> -> memref<1x128x128xf32, #tpu.memory_space<vmem>>
          %dma_wait3A_301 = tpu.memref_squeeze %dma_wait3A_300 : memref<1x128x128xf32, #tpu.memory_space<vmem>> -> memref<128x128xf32, #tpu.memory_space<vmem>>
          %dma_wait3A_302 = arith.constant 0 : i32
          %dma_wait3A_303 = tpu.memref_slice %arg7[%dma_wait3A_297, %dma_wait3A_302] : memref<2x128xi32, #tpu.memory_space<vmem>> -> memref<1x128xi32, #tpu.memory_space<vmem>>
          %dma_wait3A_304 = tpu.memref_squeeze %dma_wait3A_303 : memref<1x128xi32, #tpu.memory_space<vmem>> -> memref<128xi32, #tpu.memory_space<vmem>>
          %dma_wait3A_305 = arith.constant 0 : i32
          %dma_wait3A_306 = arith.constant 0 : i32
          %dma_wait3A_307 = tpu.memref_slice %arg11[%dma_wait3A_305, %dma_wait3A_306] : memref<10000x128xf32, #tpu.memory_space<vmem_shared>> -> memref<10000x128xf32, #tpu.memory_space<vmem_shared>>
          tpu.wait_indirect_dma semaphore(%arg15 : memref<!tpu.dma_semaphore, #tpu.memory_space<semaphore_mem>>) src(%dma_wait3A_301 : memref<128x128xf32, #tpu.memory_space<vmem>>) dst(%dma_wait3A_307 : memref<10000x128xf32, #tpu.memory_space<vmem_shared>>)
        } else {
        }
        %mul3A_268 = arith.constant 128 : i32
        %mul3A_269 = arith.muli %add3A_237, %mul3A_268 : i32
        %multiple_of3A_270 = tpu.assume_multiple %mul3A_269, 128 : i32
        %mul3A_271 = arith.constant 16 : i32
        %mul3A_272 = arith.muli %add3A_237, %mul3A_271 : i32
        %multiple_of3A_273 = tpu.assume_multiple %mul3A_272, 16 : i32
        %dma_start3A_274 = arith.constant 1 : i32
        %dma_start3A_275 = arith.constant 0 : i32
        %dma_start3A_276 = tpu.memref_slice %arg7[%dma_start3A_274, %dma_start3A_275] : memref<2x128xi32, #tpu.memory_space<vmem>> -> memref<1x128xi32, #tpu.memory_space<vmem>>
        %dma_start3A_277 = tpu.memref_squeeze %dma_start3A_276 : memref<1x128xi32, #tpu.memory_space<vmem>> -> memref<128xi32, #tpu.memory_space<vmem>>
        %dma_start3A_278 = tpu.memref_slice %arg3[%multiple_of3A_270] : memref<320000xi32, #tpu.memory_space<hbm>> -> memref<128xi32, #tpu.memory_space<hbm>>
        %dma_start3A_279 = arith.constant 0 : i32
        %dma_start3A_280 = tpu.memref_slice %arg7[%dma_start3A_274, %dma_start3A_279] : memref<2x128xi32, #tpu.memory_space<vmem>> -> memref<1x128xi32, #tpu.memory_space<vmem>>
        %dma_start3A_281 = tpu.memref_squeeze %dma_start3A_280 : memref<1x128xi32, #tpu.memory_space<vmem>> -> memref<128xi32, #tpu.memory_space<vmem>>
        %dma_start3A_282 = tpu.memref_slice %arg3[%multiple_of3A_270] : memref<320000xi32, #tpu.memory_space<hbm>> -> memref<128xi32, #tpu.memory_space<hbm>>
        tpu.enqueue_dma source(%dma_start3A_282 : memref<128xi32, #tpu.memory_space<hbm>>) target(%dma_start3A_281 : memref<128xi32, #tpu.memory_space<vmem>>) target_semaphore(%arg13 : memref<!tpu.dma_semaphore, #tpu.memory_space<semaphore_mem>>)
        %dma_start3A_283 = arith.constant 1 : i32
        %dma_start3A_284 = arith.constant 0 : i32
        %dma_start3A_285 = arith.constant 0 : i32
        %dma_start3A_286 = tpu.memref_slice %arg8[%dma_start3A_283, %dma_start3A_284, %dma_start3A_285] : memref<2x16x128xf32, #tpu.memory_space<vmem>> -> memref<1x16x128xf32, #tpu.memory_space<vmem>>
        %dma_start3A_287 = tpu.memref_squeeze %dma_start3A_286 : memref<1x16x128xf32, #tpu.memory_space<vmem>> -> memref<16x128xf32, #tpu.memory_space<vmem>>
        %dma_start3A_288 = arith.constant 0 : i32
        %dma_start3A_289 = tpu.memref_slice %arg2[%multiple_of3A_273, %dma_start3A_288] : memref<40000x128xf32, #tpu.memory_space<hbm>> -> memref<16x128xf32, #tpu.memory_space<hbm>>
        %dma_start3A_290 = arith.constant 0 : i32
        %dma_start3A_291 = arith.constant 0 : i32
        %dma_start3A_292 = tpu.memref_slice %arg8[%dma_start3A_283, %dma_start3A_290, %dma_start3A_291] : memref<2x16x128xf32, #tpu.memory_space<vmem>> -> memref<1x16x128xf32, #tpu.memory_space<vmem>>
        %dma_start3A_293 = tpu.memref_squeeze %dma_start3A_292 : memref<1x16x128xf32, #tpu.memory_space<vmem>> -> memref<16x128xf32, #tpu.memory_space<vmem>>
        %dma_start3A_294 = arith.constant 0 : i32
        %dma_start3A_295 = tpu.memref_slice %arg2[%multiple_of3A_273, %dma_start3A_294] : memref<40000x128xf32, #tpu.memory_space<hbm>> -> memref<16x128xf32, #tpu.memory_space<hbm>>
        tpu.enqueue_dma source(%dma_start3A_295 : memref<16x128xf32, #tpu.memory_space<hbm>>) target(%dma_start3A_293 : memref<16x128xf32, #tpu.memory_space<vmem>>) target_semaphore(%arg13 : memref<!tpu.dma_semaphore, #tpu.memory_space<semaphore_mem>>)
      } else {
      }
      %lt3A_240 = arith.constant 2500 : i32
      %lt3A_241 = arith.cmpi slt, %add3A_235, %lt3A_240 : i32
      %convert_element_type3A_242 = arith.extui %lt3A_241 : i1 to i32
      %cond3A_243 = arith.constant 0 : i32
      %cond3A_244 = arith.cmpi ne, %convert_element_type3A_242, %cond3A_243 : i32
      scf.if %cond3A_244 {
        %mul3A_264 = arith.constant 128 : i32
        %mul3A_265 = arith.muli %add3A_235, %mul3A_264 : i32
        %multiple_of3A_266 = tpu.assume_multiple %mul3A_265, 128 : i32
        %mul3A_267 = arith.constant 16 : i32
        %mul3A_268 = arith.muli %add3A_235, %mul3A_267 : i32
        %multiple_of3A_269 = tpu.assume_multiple %mul3A_268, 16 : i32
        %dma_wait3A_270 = arith.constant 0 : i32
        %dma_wait3A_271 = arith.constant 0 : i32
        %dma_wait3A_272 = tpu.memref_slice %arg7[%dma_wait3A_270, %dma_wait3A_271] : memref<2x128xi32, #tpu.memory_space<vmem>> -> memref<1x128xi32, #tpu.memory_space<vmem>>
        %dma_wait3A_273 = tpu.memref_squeeze %dma_wait3A_272 : memref<1x128xi32, #tpu.memory_space<vmem>> -> memref<128xi32, #tpu.memory_space<vmem>>
        %dma_wait3A_274 = tpu.memref_slice %arg3[%multiple_of3A_266] : memref<320000xi32, #tpu.memory_space<hbm>> -> memref<128xi32, #tpu.memory_space<hbm>>
        %dma_wait3A_275 = arith.constant 0 : i32
        %dma_wait3A_276 = tpu.memref_slice %arg7[%dma_wait3A_270, %dma_wait3A_275] : memref<2x128xi32, #tpu.memory_space<vmem>> -> memref<1x128xi32, #tpu.memory_space<vmem>>
        %dma_wait3A_277 = tpu.memref_squeeze %dma_wait3A_276 : memref<1x128xi32, #tpu.memory_space<vmem>> -> memref<128xi32, #tpu.memory_space<vmem>>
        %dma_wait3A_278 = tpu.memref_slice %arg3[%multiple_of3A_266] : memref<320000xi32, #tpu.memory_space<hbm>> -> memref<128xi32, #tpu.memory_space<hbm>>
        tpu.wait_dma2 semaphore(%arg12 : memref<!tpu.dma_semaphore, #tpu.memory_space<semaphore_mem>>) src(%dma_wait3A_278 : memref<128xi32, #tpu.memory_space<hbm>>) dst(%dma_wait3A_277 : memref<128xi32, #tpu.memory_space<vmem>>)
        %dma_wait3A_279 = arith.constant 0 : i32
        %dma_wait3A_280 = arith.constant 0 : i32
        %dma_wait3A_281 = arith.constant 0 : i32
        %dma_wait3A_282 = tpu.memref_slice %arg8[%dma_wait3A_279, %dma_wait3A_280, %dma_wait3A_281] : memref<2x16x128xf32, #tpu.memory_space<vmem>> -> memref<1x16x128xf32, #tpu.memory_space<vmem>>
        %dma_wait3A_283 = tpu.memref_squeeze %dma_wait3A_282 : memref<1x16x128xf32, #tpu.memory_space<vmem>> -> memref<16x128xf32, #tpu.memory_space<vmem>>
        %dma_wait3A_284 = arith.constant 0 : i32
        %dma_wait3A_285 = tpu.memref_slice %arg2[%multiple_of3A_269, %dma_wait3A_284] : memref<40000x128xf32, #tpu.memory_space<hbm>> -> memref<16x128xf32, #tpu.memory_space<hbm>>
        %dma_wait3A_286 = arith.constant 0 : i32
        %dma_wait3A_287 = arith.constant 0 : i32
        %dma_wait3A_288 = tpu.memref_slice %arg8[%dma_wait3A_279, %dma_wait3A_286, %dma_wait3A_287] : memref<2x16x128xf32, #tpu.memory_space<vmem>> -> memref<1x16x128xf32, #tpu.memory_space<vmem>>
        %dma_wait3A_289 = tpu.memref_squeeze %dma_wait3A_288 : memref<1x16x128xf32, #tpu.memory_space<vmem>> -> memref<16x128xf32, #tpu.memory_space<vmem>>
        %dma_wait3A_290 = arith.constant 0 : i32
        %dma_wait3A_291 = tpu.memref_slice %arg2[%multiple_of3A_269, %dma_wait3A_290] : memref<40000x128xf32, #tpu.memory_space<hbm>> -> memref<16x128xf32, #tpu.memory_space<hbm>>
        tpu.wait_dma2 semaphore(%arg12 : memref<!tpu.dma_semaphore, #tpu.memory_space<semaphore_mem>>) src(%dma_wait3A_291 : memref<16x128xf32, #tpu.memory_space<hbm>>) dst(%dma_wait3A_289 : memref<16x128xf32, #tpu.memory_space<vmem>>)
        %scan3A_292 = arith.constant 0 : i32
        %scan3A_293 = arith.constant 0 : i32
        %scan3A_294 = arith.constant 16 : i32
        %scan3A_295 = arith.addi %scan3A_293, %scan3A_294 : i32
        %scan3A_296 = arith.constant 1 : i32
        scf.for %scan3A_310 = %scan3A_293 to %scan3A_295 step %scan3A_296  : i32 {
          %get3A = arith.constant 0 : i32
          %get3A_311 = arith.index_cast %get3A : i32 to index
          %get3A_312 = arith.index_cast %scan3A_310 : i32 to index
          %get3A_313 = arith.constant 0 : index
          %get3A_314 = tpu.vector_load %arg8[%get3A_311, %get3A_312, %get3A_313] {strides = array<i32>} : memref<2x16x128xf32, #tpu.memory_space<vmem>>, vector<1x1x16xf32>,
          %get3A_315 = vector.shape_cast %get3A_314 : vector<1x1x16xf32> to vector<16xf32>
          %mul3A_316 = arith.constant 8 : i32
          %mul3A_317 = arith.muli %scan3A_310, %mul3A_316 : i32
          %add3A_318 = arith.constant 0 : i32
          %add3A_319 = arith.addi %mul3A_317, %add3A_318 : i32
          %swap3A = arith.constant 0 : i32
          %swap3A_320 = arith.index_cast %swap3A : i32 to index
          %swap3A_321 = arith.index_cast %add3A_319 : i32 to index
          %swap3A_322 = arith.constant 0 : index
          %swap3A_323 = tpu.vector_load %arg9[%swap3A_320, %swap3A_321, %swap3A_322] {strides = array<i32>} : memref<2x128x128xf32, #tpu.memory_space<vmem>>, vector<1x1x16xf32>,
          %swap3A_324 = vector.shape_cast %swap3A_323 : vector<1x1x16xf32> to vector<16xf32>
          %swap3A_325 = vector.shape_cast %get3A_315 : vector<16xf32> to vector<1x1x16xf32>
          tpu.vector_store %arg9[%swap3A_320, %swap3A_321, %swap3A_322], %swap3A_325 {strides = array<i32>} : memref<2x128x128xf32, #tpu.memory_space<vmem>>, vector<1x1x16xf32>,
          %mul3A_326 = arith.constant 8 : i32
          %mul3A_327 = arith.muli %scan3A_310, %mul3A_326 : i32
          %add3A_328 = arith.constant 0 : i32
          %add3A_329 = arith.addi %mul3A_327, %add3A_328 : i32
          %swap3A_330 = arith.constant 0 : i32
          %swap3A_331 = arith.index_cast %swap3A_330 : i32 to index
          %swap3A_332 = arith.index_cast %add3A_329 : i32 to index
          %swap3A_333 = arith.constant 16 : index
          %swap3A_334 = tpu.vector_load %arg9[%swap3A_331, %swap3A_332, %swap3A_333] {strides = array<i32>} : memref<2x128x128xf32, #tpu.memory_space<vmem>>, vector<1x1x16xf32>,
          %swap3A_335 = vector.shape_cast %swap3A_334 : vector<1x1x16xf32> to vector<16xf32>
          %swap3A_336 = vector.shape_cast %select_n3A : vector<16xf32> to vector<1x1x16xf32>
          tpu.vector_store %arg9[%swap3A_331, %swap3A_332, %swap3A_333], %swap3A_336 {strides = array<i32>} : memref<2x128x128xf32, #tpu.memory_space<vmem>>, vector<1x1x16xf32>,
          %get3A_337 = arith.constant 0 : i32
          %get3A_338 = arith.index_cast %get3A_337 : i32 to index
          %get3A_339 = arith.index_cast %scan3A_310 : i32 to index
          %get3A_340 = arith.constant 16 : index
          %get3A_341 = tpu.vector_load %arg8[%get3A_338, %get3A_339, %get3A_340] {strides = array<i32>} : memref<2x16x128xf32, #tpu.memory_space<vmem>>, vector<1x1x16xf32>,
          %get3A_342 = vector.shape_cast %get3A_341 : vector<1x1x16xf32> to vector<16xf32>
          %mul3A_343 = arith.constant 8 : i32
          %mul3A_344 = arith.muli %scan3A_310, %mul3A_343 : i32
          %add3A_345 = arith.constant 1 : i32
          %add3A_346 = arith.addi %mul3A_344, %add3A_345 : i32
          %swap3A_347 = arith.constant 0 : i32
          %swap3A_348 = arith.index_cast %swap3A_347 : i32 to index
          %swap3A_349 = arith.index_cast %add3A_346 : i32 to index
          %swap3A_350 = arith.constant 0 : index
          %swap3A_351 = tpu.vector_load %arg9[%swap3A_348, %swap3A_349, %swap3A_350] {strides = array<i32>} : memref<2x128x128xf32, #tpu.memory_space<vmem>>, vector<1x1x16xf32>,
          %swap3A_352 = vector.shape_cast %swap3A_351 : vector<1x1x16xf32> to vector<16xf32>
          %swap3A_353 = vector.shape_cast %get3A_342 : vector<16xf32> to vector<1x1x16xf32>
          tpu.vector_store %arg9[%swap3A_348, %swap3A_349, %swap3A_350], %swap3A_353 {strides = array<i32>} : memref<2x128x128xf32, #tpu.memory_space<vmem>>, vector<1x1x16xf32>,
          %mul3A_354 = arith.constant 8 : i32
          %mul3A_355 = arith.muli %scan3A_310, %mul3A_354 : i32
          %add3A_356 = arith.constant 1 : i32
          %add3A_357 = arith.addi %mul3A_355, %add3A_356 : i32
          %swap3A_358 = arith.constant 0 : i32
          %swap3A_359 = arith.index_cast %swap3A_358 : i32 to index
          %swap3A_360 = arith.index_cast %add3A_357 : i32 to index
          %swap3A_361 = arith.constant 16 : index
          %swap3A_362 = tpu.vector_load %arg9[%swap3A_359, %swap3A_360, %swap3A_361] {strides = array<i32>} : memref<2x128x128xf32, #tpu.memory_space<vmem>>, vector<1x1x16xf32>,
          %swap3A_363 = vector.shape_cast %swap3A_362 : vector<1x1x16xf32> to vector<16xf32>
          %swap3A_364 = vector.shape_cast %select_n3A : vector<16xf32> to vector<1x1x16xf32>
          tpu.vector_store %arg9[%swap3A_359, %swap3A_360, %swap3A_361], %swap3A_364 {strides = array<i32>} : memref<2x128x128xf32, #tpu.memory_space<vmem>>, vector<1x1x16xf32>,
          %get3A_365 = arith.constant 0 : i32
          %get3A_366 = arith.index_cast %get3A_365 : i32 to index
          %get3A_367 = arith.index_cast %scan3A_310 : i32 to index
          %get3A_368 = arith.constant 32 : index
          %get3A_369 = tpu.vector_load %arg8[%get3A_366, %get3A_367, %get3A_368] {strides = array<i32>} : memref<2x16x128xf32, #tpu.memory_space<vmem>>, vector<1x1x16xf32>,
          %get3A_370 = vector.shape_cast %get3A_369 : vector<1x1x16xf32> to vector<16xf32>
          %mul3A_371 = arith.constant 8 : i32
          %mul3A_372 = arith.muli %scan3A_310, %mul3A_371 : i32
          %add3A_373 = arith.constant 2 : i32
          %add3A_374 = arith.addi %mul3A_372, %add3A_373 : i32
          %swap3A_375 = arith.constant 0 : i32
          %swap3A_376 = arith.index_cast %swap3A_375 : i32 to index
          %swap3A_377 = arith.index_cast %add3A_374 : i32 to index
          %swap3A_378 = arith.constant 0 : index
          %swap3A_379 = tpu.vector_load %arg9[%swap3A_376, %swap3A_377, %swap3A_378] {strides = array<i32>} : memref<2x128x128xf32, #tpu.memory_space<vmem>>, vector<1x1x16xf32>,
          %swap3A_380 = vector.shape_cast %swap3A_379 : vector<1x1x16xf32> to vector<16xf32>
          %swap3A_381 = vector.shape_cast %get3A_370 : vector<16xf32> to vector<1x1x16xf32>
          tpu.vector_store %arg9[%swap3A_376, %swap3A_377, %swap3A_378], %swap3A_381 {strides = array<i32>} : memref<2x128x128xf32, #tpu.memory_space<vmem>>, vector<1x1x16xf32>,
          %mul3A_382 = arith.constant 8 : i32
          %mul3A_383 = arith.muli %scan3A_310, %mul3A_382 : i32
          %add3A_384 = arith.constant 2 : i32
          %add3A_385 = arith.addi %mul3A_383, %add3A_384 : i32
          %swap3A_386 = arith.constant 0 : i32
          %swap3A_387 = arith.index_cast %swap3A_386 : i32 to index
          %swap3A_388 = arith.index_cast %add3A_385 : i32 to index
          %swap3A_389 = arith.constant 16 : index
          %swap3A_390 = tpu.vector_load %arg9[%swap3A_387, %swap3A_388, %swap3A_389] {strides = array<i32>} : memref<2x128x128xf32, #tpu.memory_space<vmem>>, vector<1x1x16xf32>,
          %swap3A_391 = vector.shape_cast %swap3A_390 : vector<1x1x16xf32> to vector<16xf32>
          %swap3A_392 = vector.shape_cast %select_n3A : vector<16xf32> to vector<1x1x16xf32>
          tpu.vector_store %arg9[%swap3A_387, %swap3A_388, %swap3A_389], %swap3A_392 {strides = array<i32>} : memref<2x128x128xf32, #tpu.memory_space<vmem>>, vector<1x1x16xf32>,
          %get3A_393 = arith.constant 0 : i32
          %get3A_394 = arith.index_cast %get3A_393 : i32 to index
          %get3A_395 = arith.index_cast %scan3A_310 : i32 to index
          %get3A_396 = arith.constant 48 : index
          %get3A_397 = tpu.vector_load %arg8[%get3A_394, %get3A_395, %get3A_396] {strides = array<i32>} : memref<2x16x128xf32, #tpu.memory_space<vmem>>, vector<1x1x16xf32>,
          %get3A_398 = vector.shape_cast %get3A_397 : vector<1x1x16xf32> to vector<16xf32>
          %mul3A_399 = arith.constant 8 : i32
          %mul3A_400 = arith.muli %scan3A_310, %mul3A_399 : i32
          %add3A_401 = arith.constant 3 : i32
          %add3A_402 = arith.addi %mul3A_400, %add3A_401 : i32
          %swap3A_403 = arith.constant 0 : i32
          %swap3A_404 = arith.index_cast %swap3A_403 : i32 to index
          %swap3A_405 = arith.index_cast %add3A_402 : i32 to index
          %swap3A_406 = arith.constant 0 : index
          %swap3A_407 = tpu.vector_load %arg9[%swap3A_404, %swap3A_405, %swap3A_406] {strides = array<i32>} : memref<2x128x128xf32, #tpu.memory_space<vmem>>, vector<1x1x16xf32>,
          %swap3A_408 = vector.shape_cast %swap3A_407 : vector<1x1x16xf32> to vector<16xf32>
          %swap3A_409 = vector.shape_cast %get3A_398 : vector<16xf32> to vector<1x1x16xf32>
          tpu.vector_store %arg9[%swap3A_404, %swap3A_405, %swap3A_406], %swap3A_409 {strides = array<i32>} : memref<2x128x128xf32, #tpu.memory_space<vmem>>, vector<1x1x16xf32>,
          %mul3A_410 = arith.constant 8 : i32
          %mul3A_411 = arith.muli %scan3A_310, %mul3A_410 : i32
          %add3A_412 = arith.constant 3 : i32
          %add3A_413 = arith.addi %mul3A_411, %add3A_412 : i32
          %swap3A_414 = arith.constant 0 : i32
          %swap3A_415 = arith.index_cast %swap3A_414 : i32 to index
          %swap3A_416 = arith.index_cast %add3A_413 : i32 to index
          %swap3A_417 = arith.constant 16 : index
          %swap3A_418 = tpu.vector_load %arg9[%swap3A_415, %swap3A_416, %swap3A_417] {strides = array<i32>} : memref<2x128x128xf32, #tpu.memory_space<vmem>>, vector<1x1x16xf32>,
          %swap3A_419 = vector.shape_cast %swap3A_418 : vector<1x1x16xf32> to vector<16xf32>
          %swap3A_420 = vector.shape_cast %select_n3A : vector<16xf32> to vector<1x1x16xf32>
          tpu.vector_store %arg9[%swap3A_415, %swap3A_416, %swap3A_417], %swap3A_420 {strides = array<i32>} : memref<2x128x128xf32, #tpu.memory_space<vmem>>, vector<1x1x16xf32>,
          %get3A_421 = arith.constant 0 : i32
          %get3A_422 = arith.index_cast %get3A_421 : i32 to index
          %get3A_423 = arith.index_cast %scan3A_310 : i32 to index
          %get3A_424 = arith.constant 64 : index
          %get3A_425 = tpu.vector_load %arg8[%get3A_422, %get3A_423, %get3A_424] {strides = array<i32>} : memref<2x16x128xf32, #tpu.memory_space<vmem>>, vector<1x1x16xf32>,
          %get3A_426 = vector.shape_cast %get3A_425 : vector<1x1x16xf32> to vector<16xf32>
          %mul3A_427 = arith.constant 8 : i32
          %mul3A_428 = arith.muli %scan3A_310, %mul3A_427 : i32
          %add3A_429 = arith.constant 4 : i32
          %add3A_430 = arith.addi %mul3A_428, %add3A_429 : i32
          %swap3A_431 = arith.constant 0 : i32
          %swap3A_432 = arith.index_cast %swap3A_431 : i32 to index
          %swap3A_433 = arith.index_cast %add3A_430 : i32 to index
          %swap3A_434 = arith.constant 0 : index
          %swap3A_435 = tpu.vector_load %arg9[%swap3A_432, %swap3A_433, %swap3A_434] {strides = array<i32>} : memref<2x128x128xf32, #tpu.memory_space<vmem>>, vector<1x1x16xf32>,
          %swap3A_436 = vector.shape_cast %swap3A_435 : vector<1x1x16xf32> to vector<16xf32>
          %swap3A_437 = vector.shape_cast %get3A_426 : vector<16xf32> to vector<1x1x16xf32>
          tpu.vector_store %arg9[%swap3A_432, %swap3A_433, %swap3A_434], %swap3A_437 {strides = array<i32>} : memref<2x128x128xf32, #tpu.memory_space<vmem>>, vector<1x1x16xf32>,
          %mul3A_438 = arith.constant 8 : i32
          %mul3A_439 = arith.muli %scan3A_310, %mul3A_438 : i32
          %add3A_440 = arith.constant 4 : i32
          %add3A_441 = arith.addi %mul3A_439, %add3A_440 : i32
          %swap3A_442 = arith.constant 0 : i32
          %swap3A_443 = arith.index_cast %swap3A_442 : i32 to index
          %swap3A_444 = arith.index_cast %add3A_441 : i32 to index
          %swap3A_445 = arith.constant 16 : index
          %swap3A_446 = tpu.vector_load %arg9[%swap3A_443, %swap3A_444, %swap3A_445] {strides = array<i32>} : memref<2x128x128xf32, #tpu.memory_space<vmem>>, vector<1x1x16xf32>,
          %swap3A_447 = vector.shape_cast %swap3A_446 : vector<1x1x16xf32> to vector<16xf32>
          %swap3A_448 = vector.shape_cast %select_n3A : vector<16xf32> to vector<1x1x16xf32>
          tpu.vector_store %arg9[%swap3A_443, %swap3A_444, %swap3A_445], %swap3A_448 {strides = array<i32>} : memref<2x128x128xf32, #tpu.memory_space<vmem>>, vector<1x1x16xf32>,
          %get3A_449 = arith.constant 0 : i32
          %get3A_450 = arith.index_cast %get3A_449 : i32 to index
          %get3A_451 = arith.index_cast %scan3A_310 : i32 to index
          %get3A_452 = arith.constant 80 : index
          %get3A_453 = tpu.vector_load %arg8[%get3A_450, %get3A_451, %get3A_452] {strides = array<i32>} : memref<2x16x128xf32, #tpu.memory_space<vmem>>, vector<1x1x16xf32>,
          %get3A_454 = vector.shape_cast %get3A_453 : vector<1x1x16xf32> to vector<16xf32>
          %mul3A_455 = arith.constant 8 : i32
          %mul3A_456 = arith.muli %scan3A_310, %mul3A_455 : i32
          %add3A_457 = arith.constant 5 : i32
          %add3A_458 = arith.addi %mul3A_456, %add3A_457 : i32
          %swap3A_459 = arith.constant 0 : i32
          %swap3A_460 = arith.index_cast %swap3A_459 : i32 to index
          %swap3A_461 = arith.index_cast %add3A_458 : i32 to index
          %swap3A_462 = arith.constant 0 : index
          %swap3A_463 = tpu.vector_load %arg9[%swap3A_460, %swap3A_461, %swap3A_462] {strides = array<i32>} : memref<2x128x128xf32, #tpu.memory_space<vmem>>, vector<1x1x16xf32>,
          %swap3A_464 = vector.shape_cast %swap3A_463 : vector<1x1x16xf32> to vector<16xf32>
          %swap3A_465 = vector.shape_cast %get3A_454 : vector<16xf32> to vector<1x1x16xf32>
          tpu.vector_store %arg9[%swap3A_460, %swap3A_461, %swap3A_462], %swap3A_465 {strides = array<i32>} : memref<2x128x128xf32, #tpu.memory_space<vmem>>, vector<1x1x16xf32>,
          %mul3A_466 = arith.constant 8 : i32
          %mul3A_467 = arith.muli %scan3A_310, %mul3A_466 : i32
          %add3A_468 = arith.constant 5 : i32
          %add3A_469 = arith.addi %mul3A_467, %add3A_468 : i32
          %swap3A_470 = arith.constant 0 : i32
          %swap3A_471 = arith.index_cast %swap3A_470 : i32 to index
          %swap3A_472 = arith.index_cast %add3A_469 : i32 to index
          %swap3A_473 = arith.constant 16 : index
          %swap3A_474 = tpu.vector_load %arg9[%swap3A_471, %swap3A_472, %swap3A_473] {strides = array<i32>} : memref<2x128x128xf32, #tpu.memory_space<vmem>>, vector<1x1x16xf32>,
          %swap3A_475 = vector.shape_cast %swap3A_474 : vector<1x1x16xf32> to vector<16xf32>
          %swap3A_476 = vector.shape_cast %select_n3A : vector<16xf32> to vector<1x1x16xf32>
          tpu.vector_store %arg9[%swap3A_471, %swap3A_472, %swap3A_473], %swap3A_476 {strides = array<i32>} : memref<2x128x128xf32, #tpu.memory_space<vmem>>, vector<1x1x16xf32>,
          %get3A_477 = arith.constant 0 : i32
          %get3A_478 = arith.index_cast %get3A_477 : i32 to index
          %get3A_479 = arith.index_cast %scan3A_310 : i32 to index
          %get3A_480 = arith.constant 96 : index
          %get3A_481 = tpu.vector_load %arg8[%get3A_478, %get3A_479, %get3A_480] {strides = array<i32>} : memref<2x16x128xf32, #tpu.memory_space<vmem>>, vector<1x1x16xf32>,
          %get3A_482 = vector.shape_cast %get3A_481 : vector<1x1x16xf32> to vector<16xf32>
          %mul3A_483 = arith.constant 8 : i32
          %mul3A_484 = arith.muli %scan3A_310, %mul3A_483 : i32
          %add3A_485 = arith.constant 6 : i32
          %add3A_486 = arith.addi %mul3A_484, %add3A_485 : i32
          %swap3A_487 = arith.constant 0 : i32
          %swap3A_488 = arith.index_cast %swap3A_487 : i32 to index
          %swap3A_489 = arith.index_cast %add3A_486 : i32 to index
          %swap3A_490 = arith.constant 0 : index
          %swap3A_491 = tpu.vector_load %arg9[%swap3A_488, %swap3A_489, %swap3A_490] {strides = array<i32>} : memref<2x128x128xf32, #tpu.memory_space<vmem>>, vector<1x1x16xf32>,
          %swap3A_492 = vector.shape_cast %swap3A_491 : vector<1x1x16xf32> to vector<16xf32>
          %swap3A_493 = vector.shape_cast %get3A_482 : vector<16xf32> to vector<1x1x16xf32>
          tpu.vector_store %arg9[%swap3A_488, %swap3A_489, %swap3A_490], %swap3A_493 {strides = array<i32>} : memref<2x128x128xf32, #tpu.memory_space<vmem>>, vector<1x1x16xf32>,
          %mul3A_494 = arith.constant 8 : i32
          %mul3A_495 = arith.muli %scan3A_310, %mul3A_494 : i32
          %add3A_496 = arith.constant 6 : i32
          %add3A_497 = arith.addi %mul3A_495, %add3A_496 : i32
          %swap3A_498 = arith.constant 0 : i32
          %swap3A_499 = arith.index_cast %swap3A_498 : i32 to index
          %swap3A_500 = arith.index_cast %add3A_497 : i32 to index
          %swap3A_501 = arith.constant 16 : index
          %swap3A_502 = tpu.vector_load %arg9[%swap3A_499, %swap3A_500, %swap3A_501] {strides = array<i32>} : memref<2x128x128xf32, #tpu.memory_space<vmem>>, vector<1x1x16xf32>,
          %swap3A_503 = vector.shape_cast %swap3A_502 : vector<1x1x16xf32> to vector<16xf32>
          %swap3A_504 = vector.shape_cast %select_n3A : vector<16xf32> to vector<1x1x16xf32>
          tpu.vector_store %arg9[%swap3A_499, %swap3A_500, %swap3A_501], %swap3A_504 {strides = array<i32>} : memref<2x128x128xf32, #tpu.memory_space<vmem>>, vector<1x1x16xf32>,
          %get3A_505 = arith.constant 0 : i32
          %get3A_506 = arith.index_cast %get3A_505 : i32 to index
          %get3A_507 = arith.index_cast %scan3A_310 : i32 to index
          %get3A_508 = arith.constant 112 : index
          %get3A_509 = tpu.vector_load %arg8[%get3A_506, %get3A_507, %get3A_508] {strides = array<i32>} : memref<2x16x128xf32, #tpu.memory_space<vmem>>, vector<1x1x16xf32>,
          %get3A_510 = vector.shape_cast %get3A_509 : vector<1x1x16xf32> to vector<16xf32>
          %mul3A_511 = arith.constant 8 : i32
          %mul3A_512 = arith.muli %scan3A_310, %mul3A_511 : i32
          %add3A_513 = arith.constant 7 : i32
          %add3A_514 = arith.addi %mul3A_512, %add3A_513 : i32
          %swap3A_515 = arith.constant 0 : i32
          %swap3A_516 = arith.index_cast %swap3A_515 : i32 to index
          %swap3A_517 = arith.index_cast %add3A_514 : i32 to index
          %swap3A_518 = arith.constant 0 : index
          %swap3A_519 = tpu.vector_load %arg9[%swap3A_516, %swap3A_517, %swap3A_518] {strides = array<i32>} : memref<2x128x128xf32, #tpu.memory_space<vmem>>, vector<1x1x16xf32>,
          %swap3A_520 = vector.shape_cast %swap3A_519 : vector<1x1x16xf32> to vector<16xf32>
          %swap3A_521 = vector.shape_cast %get3A_510 : vector<16xf32> to vector<1x1x16xf32>
          tpu.vector_store %arg9[%swap3A_516, %swap3A_517, %swap3A_518], %swap3A_521 {strides = array<i32>} : memref<2x128x128xf32, #tpu.memory_space<vmem>>, vector<1x1x16xf32>,
          %mul3A_522 = arith.constant 8 : i32
          %mul3A_523 = arith.muli %scan3A_310, %mul3A_522 : i32
          %add3A_524 = arith.constant 7 : i32
          %add3A_525 = arith.addi %mul3A_523, %add3A_524 : i32
          %swap3A_526 = arith.constant 0 : i32
          %swap3A_527 = arith.index_cast %swap3A_526 : i32 to index
          %swap3A_528 = arith.index_cast %add3A_525 : i32 to index
          %swap3A_529 = arith.constant 16 : index
          %swap3A_530 = tpu.vector_load %arg9[%swap3A_527, %swap3A_528, %swap3A_529] {strides = array<i32>} : memref<2x128x128xf32, #tpu.memory_space<vmem>>, vector<1x1x16xf32>,
          %swap3A_531 = vector.shape_cast %swap3A_530 : vector<1x1x16xf32> to vector<16xf32>
          %swap3A_532 = vector.shape_cast %select_n3A : vector<16xf32> to vector<1x1x16xf32>
          tpu.vector_store %arg9[%swap3A_527, %swap3A_528, %swap3A_529], %swap3A_532 {strides = array<i32>} : memref<2x128x128xf32, #tpu.memory_space<vmem>>, vector<1x1x16xf32>,
        }
        %scan3A_297 = arith.constant 16 : i32
        %dma_start3A_298 = arith.constant 0 : i32
        %dma_start3A_299 = arith.constant 0 : i32
        %dma_start3A_300 = arith.constant 0 : i32
        %dma_start3A_301 = arith.constant 0 : i32
        %dma_start3A_302 = tpu.memref_slice %arg9[%dma_start3A_298, %dma_start3A_300, %dma_start3A_301] : memref<2x128x128xf32, #tpu.memory_space<vmem>> -> memref<1x128x128xf32, #tpu.memory_space<vmem>>
        %dma_start3A_303 = tpu.memref_squeeze %dma_start3A_302 : memref<1x128x128xf32, #tpu.memory_space<vmem>> -> memref<128x128xf32, #tpu.memory_space<vmem>>
        %dma_start3A_304 = arith.constant 0 : i32
        %dma_start3A_305 = tpu.memref_slice %arg7[%dma_start3A_299, %dma_start3A_304] : memref<2x128xi32, #tpu.memory_space<vmem>> -> memref<1x128xi32, #tpu.memory_space<vmem>>
        %dma_start3A_306 = tpu.memref_squeeze %dma_start3A_305 : memref<1x128xi32, #tpu.memory_space<vmem>> -> memref<128xi32, #tpu.memory_space<vmem>>
        %dma_start3A_307 = arith.constant 0 : i32
        %dma_start3A_308 = arith.constant 0 : i32
        %dma_start3A_309 = tpu.memref_slice %arg11[%dma_start3A_307, %dma_start3A_308] : memref<10000x128xf32, #tpu.memory_space<vmem_shared>> -> memref<10000x128xf32, #tpu.memory_space<vmem_shared>>
        tpu.enqueue_indirect_dma source(%dma_start3A_303 : memref<128x128xf32, #tpu.memory_space<vmem>>) target(%dma_start3A_309 : memref<10000x128xf32, #tpu.memory_space<vmem_shared>>) offsets(%dma_start3A_306 : memref<128xi32, #tpu.memory_space<vmem>>) semaphore(%arg14 : memref<!tpu.dma_semaphore, #tpu.memory_space<semaphore_mem>>) {add = true}
      } else {
      }
      %mul3A_245 = arith.constant 2 : i32
      %mul3A_246 = arith.muli %scan3A_228, %mul3A_245 : i32
      %add3A_247 = arith.constant 1 : i32
      %add3A_248 = arith.addi %mul3A_246, %add3A_247 : i32
      %mul3A_249 = arith.constant 32 : i32
      %mul3A_250 = arith.muli %add3A_248, %mul3A_249 : i32
      %add3A_251 = arith.addi %add3A, %mul3A_250 : i32
      %add3A_252 = arith.constant 32 : i32
      %add3A_253 = arith.addi %add3A_251, %add3A_252 : i32
      %lt3A_254 = arith.constant 2500 : i32
      %lt3A_255 = arith.cmpi slt, %add3A_253, %lt3A_254 : i32
      %convert_element_type3A_256 = arith.extui %lt3A_255 : i1 to i32
      %cond3A_257 = arith.constant 0 : i32
      %cond3A_258 = arith.cmpi ne, %convert_element_type3A_256, %cond3A_257 : i32
      scf.if %cond3A_258 {
        %ge3A = arith.constant 1 : i32
        %ge3A_264 = arith.cmpi sge, %add3A_248, %ge3A : i32
        %convert_element_type3A_265 = arith.extui %ge3A_264 : i1 to i32
        %cond3A_266 = arith.constant 0 : i32
        %cond3A_267 = arith.cmpi ne, %convert_element_type3A_265, %cond3A_266 : i32
        scf.if %cond3A_267 {
          %dma_wait3A_296 = arith.constant 0 : i32
          %dma_wait3A_297 = arith.constant 0 : i32
          %dma_wait3A_298 = arith.constant 0 : i32
          %dma_wait3A_299 = arith.constant 0 : i32
          %dma_wait3A_300 = tpu.memref_slice %arg9[%dma_wait3A_296, %dma_wait3A_298, %dma_wait3A_299] : memref<2x128x128xf32, #tpu.memory_space<vmem>> -> memref<1x128x128xf32, #tpu.memory_space<vmem>>
          %dma_wait3A_301 = tpu.memref_squeeze %dma_wait3A_300 : memref<1x128x128xf32, #tpu.memory_space<vmem>> -> memref<128x128xf32, #tpu.memory_space<vmem>>
          %dma_wait3A_302 = arith.constant 0 : i32
          %dma_wait3A_303 = tpu.memref_slice %arg7[%dma_wait3A_297, %dma_wait3A_302] : memref<2x128xi32, #tpu.memory_space<vmem>> -> memref<1x128xi32, #tpu.memory_space<vmem>>
          %dma_wait3A_304 = tpu.memref_squeeze %dma_wait3A_303 : memref<1x128xi32, #tpu.memory_space<vmem>> -> memref<128xi32, #tpu.memory_space<vmem>>
          %dma_wait3A_305 = arith.constant 0 : i32
          %dma_wait3A_306 = arith.constant 0 : i32
          %dma_wait3A_307 = tpu.memref_slice %arg11[%dma_wait3A_305, %dma_wait3A_306] : memref<10000x128xf32, #tpu.memory_space<vmem_shared>> -> memref<10000x128xf32, #tpu.memory_space<vmem_shared>>
          tpu.wait_indirect_dma semaphore(%arg14 : memref<!tpu.dma_semaphore, #tpu.memory_space<semaphore_mem>>) src(%dma_wait3A_301 : memref<128x128xf32, #tpu.memory_space<vmem>>) dst(%dma_wait3A_307 : memref<10000x128xf32, #tpu.memory_space<vmem_shared>>)
        } else {
        }
        %mul3A_268 = arith.constant 128 : i32
        %mul3A_269 = arith.muli %add3A_253, %mul3A_268 : i32
        %multiple_of3A_270 = tpu.assume_multiple %mul3A_269, 128 : i32
        %mul3A_271 = arith.constant 16 : i32
        %mul3A_272 = arith.muli %add3A_253, %mul3A_271 : i32
        %multiple_of3A_273 = tpu.assume_multiple %mul3A_272, 16 : i32
        %dma_start3A_274 = arith.constant 0 : i32
        %dma_start3A_275 = arith.constant 0 : i32
        %dma_start3A_276 = tpu.memref_slice %arg7[%dma_start3A_274, %dma_start3A_275] : memref<2x128xi32, #tpu.memory_space<vmem>> -> memref<1x128xi32, #tpu.memory_space<vmem>>
        %dma_start3A_277 = tpu.memref_squeeze %dma_start3A_276 : memref<1x128xi32, #tpu.memory_space<vmem>> -> memref<128xi32, #tpu.memory_space<vmem>>
        %dma_start3A_278 = tpu.memref_slice %arg3[%multiple_of3A_270] : memref<320000xi32, #tpu.memory_space<hbm>> -> memref<128xi32, #tpu.memory_space<hbm>>
        %dma_start3A_279 = arith.constant 0 : i32
        %dma_start3A_280 = tpu.memref_slice %arg7[%dma_start3A_274, %dma_start3A_279] : memref<2x128xi32, #tpu.memory_space<vmem>> -> memref<1x128xi32, #tpu.memory_space<vmem>>
        %dma_start3A_281 = tpu.memref_squeeze %dma_start3A_280 : memref<1x128xi32, #tpu.memory_space<vmem>> -> memref<128xi32, #tpu.memory_space<vmem>>
        %dma_start3A_282 = tpu.memref_slice %arg3[%multiple_of3A_270] : memref<320000xi32, #tpu.memory_space<hbm>> -> memref<128xi32, #tpu.memory_space<hbm>>
        tpu.enqueue_dma source(%dma_start3A_282 : memref<128xi32, #tpu.memory_space<hbm>>) target(%dma_start3A_281 : memref<128xi32, #tpu.memory_space<vmem>>) target_semaphore(%arg12 : memref<!tpu.dma_semaphore, #tpu.memory_space<semaphore_mem>>)
        %dma_start3A_283 = arith.constant 0 : i32
        %dma_start3A_284 = arith.constant 0 : i32
        %dma_start3A_285 = arith.constant 0 : i32
        %dma_start3A_286 = tpu.memref_slice %arg8[%dma_start3A_283, %dma_start3A_284, %dma_start3A_285] : memref<2x16x128xf32, #tpu.memory_space<vmem>> -> memref<1x16x128xf32, #tpu.memory_space<vmem>>
        %dma_start3A_287 = tpu.memref_squeeze %dma_start3A_286 : memref<1x16x128xf32, #tpu.memory_space<vmem>> -> memref<16x128xf32, #tpu.memory_space<vmem>>
        %dma_start3A_288 = arith.constant 0 : i32
        %dma_start3A_289 = tpu.memref_slice %arg2[%multiple_of3A_273, %dma_start3A_288] : memref<40000x128xf32, #tpu.memory_space<hbm>> -> memref<16x128xf32, #tpu.memory_space<hbm>>
        %dma_start3A_290 = arith.constant 0 : i32
        %dma_start3A_291 = arith.constant 0 : i32
        %dma_start3A_292 = tpu.memref_slice %arg8[%dma_start3A_283, %dma_start3A_290, %dma_start3A_291] : memref<2x16x128xf32, #tpu.memory_space<vmem>> -> memref<1x16x128xf32, #tpu.memory_space<vmem>>
        %dma_start3A_293 = tpu.memref_squeeze %dma_start3A_292 : memref<1x16x128xf32, #tpu.memory_space<vmem>> -> memref<16x128xf32, #tpu.memory_space<vmem>>
        %dma_start3A_294 = arith.constant 0 : i32
        %dma_start3A_295 = tpu.memref_slice %arg2[%multiple_of3A_273, %dma_start3A_294] : memref<40000x128xf32, #tpu.memory_space<hbm>> -> memref<16x128xf32, #tpu.memory_space<hbm>>
        tpu.enqueue_dma source(%dma_start3A_295 : memref<16x128xf32, #tpu.memory_space<hbm>>) target(%dma_start3A_293 : memref<16x128xf32, #tpu.memory_space<vmem>>) target_semaphore(%arg12 : memref<!tpu.dma_semaphore, #tpu.memory_space<semaphore_mem>>)
      } else {
      }
      %lt3A_259 = arith.constant 2500 : i32
      %lt3A_260 = arith.cmpi slt, %add3A_251, %lt3A_259 : i32
      %convert_element_type3A_261 = arith.extui %lt3A_260 : i1 to i32
      %cond3A_262 = arith.constant 0 : i32
      %cond3A_263 = arith.cmpi ne, %convert_element_type3A_261, %cond3A_262 : i32
      scf.if %cond3A_263 {
        %mul3A_264 = arith.constant 128 : i32
        %mul3A_265 = arith.muli %add3A_251, %mul3A_264 : i32
        %multiple_of3A_266 = tpu.assume_multiple %mul3A_265, 128 : i32
        %mul3A_267 = arith.constant 16 : i32
        %mul3A_268 = arith.muli %add3A_251, %mul3A_267 : i32
        %multiple_of3A_269 = tpu.assume_multiple %mul3A_268, 16 : i32
        %dma_wait3A_270 = arith.constant 1 : i32
        %dma_wait3A_271 = arith.constant 0 : i32
        %dma_wait3A_272 = tpu.memref_slice %arg7[%dma_wait3A_270, %dma_wait3A_271] : memref<2x128xi32, #tpu.memory_space<vmem>> -> memref<1x128xi32, #tpu.memory_space<vmem>>
        %dma_wait3A_273 = tpu.memref_squeeze %dma_wait3A_272 : memref<1x128xi32, #tpu.memory_space<vmem>> -> memref<128xi32, #tpu.memory_space<vmem>>
        %dma_wait3A_274 = tpu.memref_slice %arg3[%multiple_of3A_266] : memref<320000xi32, #tpu.memory_space<hbm>> -> memref<128xi32, #tpu.memory_space<hbm>>
        %dma_wait3A_275 = arith.constant 0 : i32
        %dma_wait3A_276 = tpu.memref_slice %arg7[%dma_wait3A_270, %dma_wait3A_275] : memref<2x128xi32, #tpu.memory_space<vmem>> -> memref<1x128xi32, #tpu.memory_space<vmem>>
        %dma_wait3A_277 = tpu.memref_squeeze %dma_wait3A_276 : memref<1x128xi32, #tpu.memory_space<vmem>> -> memref<128xi32, #tpu.memory_space<vmem>>
        %dma_wait3A_278 = tpu.memref_slice %arg3[%multiple_of3A_266] : memref<320000xi32, #tpu.memory_space<hbm>> -> memref<128xi32, #tpu.memory_space<hbm>>
        tpu.wait_dma2 semaphore(%arg13 : memref<!tpu.dma_semaphore, #tpu.memory_space<semaphore_mem>>) src(%dma_wait3A_278 : memref<128xi32, #tpu.memory_space<hbm>>) dst(%dma_wait3A_277 : memref<128xi32, #tpu.memory_space<vmem>>)
        %dma_wait3A_279 = arith.constant 1 : i32
        %dma_wait3A_280 = arith.constant 0 : i32
        %dma_wait3A_281 = arith.constant 0 : i32
        %dma_wait3A_282 = tpu.memref_slice %arg8[%dma_wait3A_279, %dma_wait3A_280, %dma_wait3A_281] : memref<2x16x128xf32, #tpu.memory_space<vmem>> -> memref<1x16x128xf32, #tpu.memory_space<vmem>>
        %dma_wait3A_283 = tpu.memref_squeeze %dma_wait3A_282 : memref<1x16x128xf32, #tpu.memory_space<vmem>> -> memref<16x128xf32, #tpu.memory_space<vmem>>
        %dma_wait3A_284 = arith.constant 0 : i32
        %dma_wait3A_285 = tpu.memref_slice %arg2[%multiple_of3A_269, %dma_wait3A_284] : memref<40000x128xf32, #tpu.memory_space<hbm>> -> memref<16x128xf32, #tpu.memory_space<hbm>>
        %dma_wait3A_286 = arith.constant 0 : i32
        %dma_wait3A_287 = arith.constant 0 : i32
        %dma_wait3A_288 = tpu.memref_slice %arg8[%dma_wait3A_279, %dma_wait3A_286, %dma_wait3A_287] : memref<2x16x128xf32, #tpu.memory_space<vmem>> -> memref<1x16x128xf32, #tpu.memory_space<vmem>>
        %dma_wait3A_289 = tpu.memref_squeeze %dma_wait3A_288 : memref<1x16x128xf32, #tpu.memory_space<vmem>> -> memref<16x128xf32, #tpu.memory_space<vmem>>
        %dma_wait3A_290 = arith.constant 0 : i32
        %dma_wait3A_291 = tpu.memref_slice %arg2[%multiple_of3A_269, %dma_wait3A_290] : memref<40000x128xf32, #tpu.memory_space<hbm>> -> memref<16x128xf32, #tpu.memory_space<hbm>>
        tpu.wait_dma2 semaphore(%arg13 : memref<!tpu.dma_semaphore, #tpu.memory_space<semaphore_mem>>) src(%dma_wait3A_291 : memref<16x128xf32, #tpu.memory_space<hbm>>) dst(%dma_wait3A_289 : memref<16x128xf32, #tpu.memory_space<vmem>>)
        %scan3A_292 = arith.constant 0 : i32
        %scan3A_293 = arith.constant 0 : i32
        %scan3A_294 = arith.constant 16 : i32
        %scan3A_295 = arith.addi %scan3A_293, %scan3A_294 : i32
        %scan3A_296 = arith.constant 1 : i32
        scf.for %scan3A_310 = %scan3A_293 to %scan3A_295 step %scan3A_296  : i32 {
          %get3A = arith.constant 1 : i32
          %get3A_311 = arith.index_cast %get3A : i32 to index
          %get3A_312 = arith.index_cast %scan3A_310 : i32 to index
          %get3A_313 = arith.constant 0 : index
          %get3A_314 = tpu.vector_load %arg8[%get3A_311, %get3A_312, %get3A_313] {strides = array<i32>} : memref<2x16x128xf32, #tpu.memory_space<vmem>>, vector<1x1x16xf32>,
          %get3A_315 = vector.shape_cast %get3A_314 : vector<1x1x16xf32> to vector<16xf32>
          %mul3A_316 = arith.constant 8 : i32
          %mul3A_317 = arith.muli %scan3A_310, %mul3A_316 : i32
          %add3A_318 = arith.constant 0 : i32
          %add3A_319 = arith.addi %mul3A_317, %add3A_318 : i32
          %swap3A = arith.constant 1 : i32
          %swap3A_320 = arith.index_cast %swap3A : i32 to index
          %swap3A_321 = arith.index_cast %add3A_319 : i32 to index
          %swap3A_322 = arith.constant 0 : index
          %swap3A_323 = tpu.vector_load %arg9[%swap3A_320, %swap3A_321, %swap3A_322] {strides = array<i32>} : memref<2x128x128xf32, #tpu.memory_space<vmem>>, vector<1x1x16xf32>,
          %swap3A_324 = vector.shape_cast %swap3A_323 : vector<1x1x16xf32> to vector<16xf32>
          %swap3A_325 = vector.shape_cast %get3A_315 : vector<16xf32> to vector<1x1x16xf32>
          tpu.vector_store %arg9[%swap3A_320, %swap3A_321, %swap3A_322], %swap3A_325 {strides = array<i32>} : memref<2x128x128xf32, #tpu.memory_space<vmem>>, vector<1x1x16xf32>,
          %mul3A_326 = arith.constant 8 : i32
          %mul3A_327 = arith.muli %scan3A_310, %mul3A_326 : i32
          %add3A_328 = arith.constant 0 : i32
          %add3A_329 = arith.addi %mul3A_327, %add3A_328 : i32
          %swap3A_330 = arith.constant 1 : i32
          %swap3A_331 = arith.index_cast %swap3A_330 : i32 to index
          %swap3A_332 = arith.index_cast %add3A_329 : i32 to index
          %swap3A_333 = arith.constant 16 : index
          %swap3A_334 = tpu.vector_load %arg9[%swap3A_331, %swap3A_332, %swap3A_333] {strides = array<i32>} : memref<2x128x128xf32, #tpu.memory_space<vmem>>, vector<1x1x16xf32>,
          %swap3A_335 = vector.shape_cast %swap3A_334 : vector<1x1x16xf32> to vector<16xf32>
          %swap3A_336 = vector.shape_cast %select_n3A : vector<16xf32> to vector<1x1x16xf32>
          tpu.vector_store %arg9[%swap3A_331, %swap3A_332, %swap3A_333], %swap3A_336 {strides = array<i32>} : memref<2x128x128xf32, #tpu.memory_space<vmem>>, vector<1x1x16xf32>,
          %get3A_337 = arith.constant 1 : i32
          %get3A_338 = arith.index_cast %get3A_337 : i32 to index
          %get3A_339 = arith.index_cast %scan3A_310 : i32 to index
          %get3A_340 = arith.constant 16 : index
          %get3A_341 = tpu.vector_load %arg8[%get3A_338, %get3A_339, %get3A_340] {strides = array<i32>} : memref<2x16x128xf32, #tpu.memory_space<vmem>>, vector<1x1x16xf32>,
          %get3A_342 = vector.shape_cast %get3A_341 : vector<1x1x16xf32> to vector<16xf32>
          %mul3A_343 = arith.constant 8 : i32
          %mul3A_344 = arith.muli %scan3A_310, %mul3A_343 : i32
          %add3A_345 = arith.constant 1 : i32
          %add3A_346 = arith.addi %mul3A_344, %add3A_345 : i32
          %swap3A_347 = arith.constant 1 : i32
          %swap3A_348 = arith.index_cast %swap3A_347 : i32 to index
          %swap3A_349 = arith.index_cast %add3A_346 : i32 to index
          %swap3A_350 = arith.constant 0 : index
          %swap3A_351 = tpu.vector_load %arg9[%swap3A_348, %swap3A_349, %swap3A_350] {strides = array<i32>} : memref<2x128x128xf32, #tpu.memory_space<vmem>>, vector<1x1x16xf32>,
          %swap3A_352 = vector.shape_cast %swap3A_351 : vector<1x1x16xf32> to vector<16xf32>
          %swap3A_353 = vector.shape_cast %get3A_342 : vector<16xf32> to vector<1x1x16xf32>
          tpu.vector_store %arg9[%swap3A_348, %swap3A_349, %swap3A_350], %swap3A_353 {strides = array<i32>} : memref<2x128x128xf32, #tpu.memory_space<vmem>>, vector<1x1x16xf32>,
          %mul3A_354 = arith.constant 8 : i32
          %mul3A_355 = arith.muli %scan3A_310, %mul3A_354 : i32
          %add3A_356 = arith.constant 1 : i32
          %add3A_357 = arith.addi %mul3A_355, %add3A_356 : i32
          %swap3A_358 = arith.constant 1 : i32
          %swap3A_359 = arith.index_cast %swap3A_358 : i32 to index
          %swap3A_360 = arith.index_cast %add3A_357 : i32 to index
          %swap3A_361 = arith.constant 16 : index
          %swap3A_362 = tpu.vector_load %arg9[%swap3A_359, %swap3A_360, %swap3A_361] {strides = array<i32>} : memref<2x128x128xf32, #tpu.memory_space<vmem>>, vector<1x1x16xf32>,
          %swap3A_363 = vector.shape_cast %swap3A_362 : vector<1x1x16xf32> to vector<16xf32>
          %swap3A_364 = vector.shape_cast %select_n3A : vector<16xf32> to vector<1x1x16xf32>
          tpu.vector_store %arg9[%swap3A_359, %swap3A_360, %swap3A_361], %swap3A_364 {strides = array<i32>} : memref<2x128x128xf32, #tpu.memory_space<vmem>>, vector<1x1x16xf32>,
          %get3A_365 = arith.constant 1 : i32
          %get3A_366 = arith.index_cast %get3A_365 : i32 to index
          %get3A_367 = arith.index_cast %scan3A_310 : i32 to index
          %get3A_368 = arith.constant 32 : index
          %get3A_369 = tpu.vector_load %arg8[%get3A_366, %get3A_367, %get3A_368] {strides = array<i32>} : memref<2x16x128xf32, #tpu.memory_space<vmem>>, vector<1x1x16xf32>,
          %get3A_370 = vector.shape_cast %get3A_369 : vector<1x1x16xf32> to vector<16xf32>
          %mul3A_371 = arith.constant 8 : i32
          %mul3A_372 = arith.muli %scan3A_310, %mul3A_371 : i32
          %add3A_373 = arith.constant 2 : i32
          %add3A_374 = arith.addi %mul3A_372, %add3A_373 : i32
          %swap3A_375 = arith.constant 1 : i32
          %swap3A_376 = arith.index_cast %swap3A_375 : i32 to index
          %swap3A_377 = arith.index_cast %add3A_374 : i32 to index
          %swap3A_378 = arith.constant 0 : index
          %swap3A_379 = tpu.vector_load %arg9[%swap3A_376, %swap3A_377, %swap3A_378] {strides = array<i32>} : memref<2x128x128xf32, #tpu.memory_space<vmem>>, vector<1x1x16xf32>,
          %swap3A_380 = vector.shape_cast %swap3A_379 : vector<1x1x16xf32> to vector<16xf32>
          %swap3A_381 = vector.shape_cast %get3A_370 : vector<16xf32> to vector<1x1x16xf32>
          tpu.vector_store %arg9[%swap3A_376, %swap3A_377, %swap3A_378], %swap3A_381 {strides = array<i32>} : memref<2x128x128xf32, #tpu.memory_space<vmem>>, vector<1x1x16xf32>,
          %mul3A_382 = arith.constant 8 : i32
          %mul3A_383 = arith.muli %scan3A_310, %mul3A_382 : i32
          %add3A_384 = arith.constant 2 : i32
          %add3A_385 = arith.addi %mul3A_383, %add3A_384 : i32
          %swap3A_386 = arith.constant 1 : i32
          %swap3A_387 = arith.index_cast %swap3A_386 : i32 to index
          %swap3A_388 = arith.index_cast %add3A_385 : i32 to index
          %swap3A_389 = arith.constant 16 : index
          %swap3A_390 = tpu.vector_load %arg9[%swap3A_387, %swap3A_388, %swap3A_389] {strides = array<i32>} : memref<2x128x128xf32, #tpu.memory_space<vmem>>, vector<1x1x16xf32>,
          %swap3A_391 = vector.shape_cast %swap3A_390 : vector<1x1x16xf32> to vector<16xf32>
          %swap3A_392 = vector.shape_cast %select_n3A : vector<16xf32> to vector<1x1x16xf32>
          tpu.vector_store %arg9[%swap3A_387, %swap3A_388, %swap3A_389], %swap3A_392 {strides = array<i32>} : memref<2x128x128xf32, #tpu.memory_space<vmem>>, vector<1x1x16xf32>,
          %get3A_393 = arith.constant 1 : i32
          %get3A_394 = arith.index_cast %get3A_393 : i32 to index
          %get3A_395 = arith.index_cast %scan3A_310 : i32 to index
          %get3A_396 = arith.constant 48 : index
          %get3A_397 = tpu.vector_load %arg8[%get3A_394, %get3A_395, %get3A_396] {strides = array<i32>} : memref<2x16x128xf32, #tpu.memory_space<vmem>>, vector<1x1x16xf32>,
          %get3A_398 = vector.shape_cast %get3A_397 : vector<1x1x16xf32> to vector<16xf32>
          %mul3A_399 = arith.constant 8 : i32
          %mul3A_400 = arith.muli %scan3A_310, %mul3A_399 : i32
          %add3A_401 = arith.constant 3 : i32
          %add3A_402 = arith.addi %mul3A_400, %add3A_401 : i32
          %swap3A_403 = arith.constant 1 : i32
          %swap3A_404 = arith.index_cast %swap3A_403 : i32 to index
          %swap3A_405 = arith.index_cast %add3A_402 : i32 to index
          %swap3A_406 = arith.constant 0 : index
          %swap3A_407 = tpu.vector_load %arg9[%swap3A_404, %swap3A_405, %swap3A_406] {strides = array<i32>} : memref<2x128x128xf32, #tpu.memory_space<vmem>>, vector<1x1x16xf32>,
          %swap3A_408 = vector.shape_cast %swap3A_407 : vector<1x1x16xf32> to vector<16xf32>
          %swap3A_409 = vector.shape_cast %get3A_398 : vector<16xf32> to vector<1x1x16xf32>
          tpu.vector_store %arg9[%swap3A_404, %swap3A_405, %swap3A_406], %swap3A_409 {strides = array<i32>} : memref<2x128x128xf32, #tpu.memory_space<vmem>>, vector<1x1x16xf32>,
          %mul3A_410 = arith.constant 8 : i32
          %mul3A_411 = arith.muli %scan3A_310, %mul3A_410 : i32
          %add3A_412 = arith.constant 3 : i32
          %add3A_413 = arith.addi %mul3A_411, %add3A_412 : i32
          %swap3A_414 = arith.constant 1 : i32
          %swap3A_415 = arith.index_cast %swap3A_414 : i32 to index
          %swap3A_416 = arith.index_cast %add3A_413 : i32 to index
          %swap3A_417 = arith.constant 16 : index
          %swap3A_418 = tpu.vector_load %arg9[%swap3A_415, %swap3A_416, %swap3A_417] {strides = array<i32>} : memref<2x128x128xf32, #tpu.memory_space<vmem>>, vector<1x1x16xf32>,
          %swap3A_419 = vector.shape_cast %swap3A_418 : vector<1x1x16xf32> to vector<16xf32>
          %swap3A_420 = vector.shape_cast %select_n3A : vector<16xf32> to vector<1x1x16xf32>
          tpu.vector_store %arg9[%swap3A_415, %swap3A_416, %swap3A_417], %swap3A_420 {strides = array<i32>} : memref<2x128x128xf32, #tpu.memory_space<vmem>>, vector<1x1x16xf32>,
          %get3A_421 = arith.constant 1 : i32
          %get3A_422 = arith.index_cast %get3A_421 : i32 to index
          %get3A_423 = arith.index_cast %scan3A_310 : i32 to index
          %get3A_424 = arith.constant 64 : index
          %get3A_425 = tpu.vector_load %arg8[%get3A_422, %get3A_423, %get3A_424] {strides = array<i32>} : memref<2x16x128xf32, #tpu.memory_space<vmem>>, vector<1x1x16xf32>,
          %get3A_426 = vector.shape_cast %get3A_425 : vector<1x1x16xf32> to vector<16xf32>
          %mul3A_427 = arith.constant 8 : i32
          %mul3A_428 = arith.muli %scan3A_310, %mul3A_427 : i32
          %add3A_429 = arith.constant 4 : i32
          %add3A_430 = arith.addi %mul3A_428, %add3A_429 : i32
          %swap3A_431 = arith.constant 1 : i32
          %swap3A_432 = arith.index_cast %swap3A_431 : i32 to index
          %swap3A_433 = arith.index_cast %add3A_430 : i32 to index
          %swap3A_434 = arith.constant 0 : index
          %swap3A_435 = tpu.vector_load %arg9[%swap3A_432, %swap3A_433, %swap3A_434] {strides = array<i32>} : memref<2x128x128xf32, #tpu.memory_space<vmem>>, vector<1x1x16xf32>,
          %swap3A_436 = vector.shape_cast %swap3A_435 : vector<1x1x16xf32> to vector<16xf32>
          %swap3A_437 = vector.shape_cast %get3A_426 : vector<16xf32> to vector<1x1x16xf32>
          tpu.vector_store %arg9[%swap3A_432, %swap3A_433, %swap3A_434], %swap3A_437 {strides = array<i32>} : memref<2x128x128xf32, #tpu.memory_space<vmem>>, vector<1x1x16xf32>,
          %mul3A_438 = arith.constant 8 : i32
          %mul3A_439 = arith.muli %scan3A_310, %mul3A_438 : i32
          %add3A_440 = arith.constant 4 : i32
          %add3A_441 = arith.addi %mul3A_439, %add3A_440 : i32
          %swap3A_442 = arith.constant 1 : i32
          %swap3A_443 = arith.index_cast %swap3A_442 : i32 to index
          %swap3A_444 = arith.index_cast %add3A_441 : i32 to index
          %swap3A_445 = arith.constant 16 : index
          %swap3A_446 = tpu.vector_load %arg9[%swap3A_443, %swap3A_444, %swap3A_445] {strides = array<i32>} : memref<2x128x128xf32, #tpu.memory_space<vmem>>, vector<1x1x16xf32>,
          %swap3A_447 = vector.shape_cast %swap3A_446 : vector<1x1x16xf32> to vector<16xf32>
          %swap3A_448 = vector.shape_cast %select_n3A : vector<16xf32> to vector<1x1x16xf32>
          tpu.vector_store %arg9[%swap3A_443, %swap3A_444, %swap3A_445], %swap3A_448 {strides = array<i32>} : memref<2x128x128xf32, #tpu.memory_space<vmem>>, vector<1x1x16xf32>,
          %get3A_449 = arith.constant 1 : i32
          %get3A_450 = arith.index_cast %get3A_449 : i32 to index
          %get3A_451 = arith.index_cast %scan3A_310 : i32 to index
          %get3A_452 = arith.constant 80 : index
          %get3A_453 = tpu.vector_load %arg8[%get3A_450, %get3A_451, %get3A_452] {strides = array<i32>} : memref<2x16x128xf32, #tpu.memory_space<vmem>>, vector<1x1x16xf32>,
          %get3A_454 = vector.shape_cast %get3A_453 : vector<1x1x16xf32> to vector<16xf32>
          %mul3A_455 = arith.constant 8 : i32
          %mul3A_456 = arith.muli %scan3A_310, %mul3A_455 : i32
          %add3A_457 = arith.constant 5 : i32
          %add3A_458 = arith.addi %mul3A_456, %add3A_457 : i32
          %swap3A_459 = arith.constant 1 : i32
          %swap3A_460 = arith.index_cast %swap3A_459 : i32 to index
          %swap3A_461 = arith.index_cast %add3A_458 : i32 to index
          %swap3A_462 = arith.constant 0 : index
          %swap3A_463 = tpu.vector_load %arg9[%swap3A_460, %swap3A_461, %swap3A_462] {strides = array<i32>} : memref<2x128x128xf32, #tpu.memory_space<vmem>>, vector<1x1x16xf32>,
          %swap3A_464 = vector.shape_cast %swap3A_463 : vector<1x1x16xf32> to vector<16xf32>
          %swap3A_465 = vector.shape_cast %get3A_454 : vector<16xf32> to vector<1x1x16xf32>
          tpu.vector_store %arg9[%swap3A_460, %swap3A_461, %swap3A_462], %swap3A_465 {strides = array<i32>} : memref<2x128x128xf32, #tpu.memory_space<vmem>>, vector<1x1x16xf32>,
          %mul3A_466 = arith.constant 8 : i32
          %mul3A_467 = arith.muli %scan3A_310, %mul3A_466 : i32
          %add3A_468 = arith.constant 5 : i32
          %add3A_469 = arith.addi %mul3A_467, %add3A_468 : i32
          %swap3A_470 = arith.constant 1 : i32
          %swap3A_471 = arith.index_cast %swap3A_470 : i32 to index
          %swap3A_472 = arith.index_cast %add3A_469 : i32 to index
          %swap3A_473 = arith.constant 16 : index
          %swap3A_474 = tpu.vector_load %arg9[%swap3A_471, %swap3A_472, %swap3A_473] {strides = array<i32>} : memref<2x128x128xf32, #tpu.memory_space<vmem>>, vector<1x1x16xf32>,
          %swap3A_475 = vector.shape_cast %swap3A_474 : vector<1x1x16xf32> to vector<16xf32>
          %swap3A_476 = vector.shape_cast %select_n3A : vector<16xf32> to vector<1x1x16xf32>
          tpu.vector_store %arg9[%swap3A_471, %swap3A_472, %swap3A_473], %swap3A_476 {strides = array<i32>} : memref<2x128x128xf32, #tpu.memory_space<vmem>>, vector<1x1x16xf32>,
          %get3A_477 = arith.constant 1 : i32
          %get3A_478 = arith.index_cast %get3A_477 : i32 to index
          %get3A_479 = arith.index_cast %scan3A_310 : i32 to index
          %get3A_480 = arith.constant 96 : index
          %get3A_481 = tpu.vector_load %arg8[%get3A_478, %get3A_479, %get3A_480] {strides = array<i32>} : memref<2x16x128xf32, #tpu.memory_space<vmem>>, vector<1x1x16xf32>,
          %get3A_482 = vector.shape_cast %get3A_481 : vector<1x1x16xf32> to vector<16xf32>
          %mul3A_483 = arith.constant 8 : i32
          %mul3A_484 = arith.muli %scan3A_310, %mul3A_483 : i32
          %add3A_485 = arith.constant 6 : i32
          %add3A_486 = arith.addi %mul3A_484, %add3A_485 : i32
          %swap3A_487 = arith.constant 1 : i32
          %swap3A_488 = arith.index_cast %swap3A_487 : i32 to index
          %swap3A_489 = arith.index_cast %add3A_486 : i32 to index
          %swap3A_490 = arith.constant 0 : index
          %swap3A_491 = tpu.vector_load %arg9[%swap3A_488, %swap3A_489, %swap3A_490] {strides = array<i32>} : memref<2x128x128xf32, #tpu.memory_space<vmem>>, vector<1x1x16xf32>,
          %swap3A_492 = vector.shape_cast %swap3A_491 : vector<1x1x16xf32> to vector<16xf32>
          %swap3A_493 = vector.shape_cast %get3A_482 : vector<16xf32> to vector<1x1x16xf32>
          tpu.vector_store %arg9[%swap3A_488, %swap3A_489, %swap3A_490], %swap3A_493 {strides = array<i32>} : memref<2x128x128xf32, #tpu.memory_space<vmem>>, vector<1x1x16xf32>,
          %mul3A_494 = arith.constant 8 : i32
          %mul3A_495 = arith.muli %scan3A_310, %mul3A_494 : i32
          %add3A_496 = arith.constant 6 : i32
          %add3A_497 = arith.addi %mul3A_495, %add3A_496 : i32
          %swap3A_498 = arith.constant 1 : i32
          %swap3A_499 = arith.index_cast %swap3A_498 : i32 to index
          %swap3A_500 = arith.index_cast %add3A_497 : i32 to index
          %swap3A_501 = arith.constant 16 : index
          %swap3A_502 = tpu.vector_load %arg9[%swap3A_499, %swap3A_500, %swap3A_501] {strides = array<i32>} : memref<2x128x128xf32, #tpu.memory_space<vmem>>, vector<1x1x16xf32>,
          %swap3A_503 = vector.shape_cast %swap3A_502 : vector<1x1x16xf32> to vector<16xf32>
          %swap3A_504 = vector.shape_cast %select_n3A : vector<16xf32> to vector<1x1x16xf32>
          tpu.vector_store %arg9[%swap3A_499, %swap3A_500, %swap3A_501], %swap3A_504 {strides = array<i32>} : memref<2x128x128xf32, #tpu.memory_space<vmem>>, vector<1x1x16xf32>,
          %get3A_505 = arith.constant 1 : i32
          %get3A_506 = arith.index_cast %get3A_505 : i32 to index
          %get3A_507 = arith.index_cast %scan3A_310 : i32 to index
          %get3A_508 = arith.constant 112 : index
          %get3A_509 = tpu.vector_load %arg8[%get3A_506, %get3A_507, %get3A_508] {strides = array<i32>} : memref<2x16x128xf32, #tpu.memory_space<vmem>>, vector<1x1x16xf32>,
          %get3A_510 = vector.shape_cast %get3A_509 : vector<1x1x16xf32> to vector<16xf32>
          %mul3A_511 = arith.constant 8 : i32
          %mul3A_512 = arith.muli %scan3A_310, %mul3A_511 : i32
          %add3A_513 = arith.constant 7 : i32
          %add3A_514 = arith.addi %mul3A_512, %add3A_513 : i32
          %swap3A_515 = arith.constant 1 : i32
          %swap3A_516 = arith.index_cast %swap3A_515 : i32 to index
          %swap3A_517 = arith.index_cast %add3A_514 : i32 to index
          %swap3A_518 = arith.constant 0 : index
          %swap3A_519 = tpu.vector_load %arg9[%swap3A_516, %swap3A_517, %swap3A_518] {strides = array<i32>} : memref<2x128x128xf32, #tpu.memory_space<vmem>>, vector<1x1x16xf32>,
          %swap3A_520 = vector.shape_cast %swap3A_519 : vector<1x1x16xf32> to vector<16xf32>
          %swap3A_521 = vector.shape_cast %get3A_510 : vector<16xf32> to vector<1x1x16xf32>
          tpu.vector_store %arg9[%swap3A_516, %swap3A_517, %swap3A_518], %swap3A_521 {strides = array<i32>} : memref<2x128x128xf32, #tpu.memory_space<vmem>>, vector<1x1x16xf32>,
          %mul3A_522 = arith.constant 8 : i32
          %mul3A_523 = arith.muli %scan3A_310, %mul3A_522 : i32
          %add3A_524 = arith.constant 7 : i32
          %add3A_525 = arith.addi %mul3A_523, %add3A_524 : i32
          %swap3A_526 = arith.constant 1 : i32
          %swap3A_527 = arith.index_cast %swap3A_526 : i32 to index
          %swap3A_528 = arith.index_cast %add3A_525 : i32 to index
          %swap3A_529 = arith.constant 16 : index
          %swap3A_530 = tpu.vector_load %arg9[%swap3A_527, %swap3A_528, %swap3A_529] {strides = array<i32>} : memref<2x128x128xf32, #tpu.memory_space<vmem>>, vector<1x1x16xf32>,
          %swap3A_531 = vector.shape_cast %swap3A_530 : vector<1x1x16xf32> to vector<16xf32>
          %swap3A_532 = vector.shape_cast %select_n3A : vector<16xf32> to vector<1x1x16xf32>
          tpu.vector_store %arg9[%swap3A_527, %swap3A_528, %swap3A_529], %swap3A_532 {strides = array<i32>} : memref<2x128x128xf32, #tpu.memory_space<vmem>>, vector<1x1x16xf32>,
        }
        %scan3A_297 = arith.constant 16 : i32
        %dma_start3A_298 = arith.constant 1 : i32
        %dma_start3A_299 = arith.constant 1 : i32
        %dma_start3A_300 = arith.constant 0 : i32
        %dma_start3A_301 = arith.constant 0 : i32
        %dma_start3A_302 = tpu.memref_slice %arg9[%dma_start3A_298, %dma_start3A_300, %dma_start3A_301] : memref<2x128x128xf32, #tpu.memory_space<vmem>> -> memref<1x128x128xf32, #tpu.memory_space<vmem>>
        %dma_start3A_303 = tpu.memref_squeeze %dma_start3A_302 : memref<1x128x128xf32, #tpu.memory_space<vmem>> -> memref<128x128xf32, #tpu.memory_space<vmem>>
        %dma_start3A_304 = arith.constant 0 : i32
        %dma_start3A_305 = tpu.memref_slice %arg7[%dma_start3A_299, %dma_start3A_304] : memref<2x128xi32, #tpu.memory_space<vmem>> -> memref<1x128xi32, #tpu.memory_space<vmem>>
        %dma_start3A_306 = tpu.memref_squeeze %dma_start3A_305 : memref<1x128xi32, #tpu.memory_space<vmem>> -> memref<128xi32, #tpu.memory_space<vmem>>
        %dma_start3A_307 = arith.constant 0 : i32
        %dma_start3A_308 = arith.constant 0 : i32
        %dma_start3A_309 = tpu.memref_slice %arg11[%dma_start3A_307, %dma_start3A_308] : memref<10000x128xf32, #tpu.memory_space<vmem_shared>> -> memref<10000x128xf32, #tpu.memory_space<vmem_shared>>
        tpu.enqueue_indirect_dma source(%dma_start3A_303 : memref<128x128xf32, #tpu.memory_space<vmem>>) target(%dma_start3A_309 : memref<10000x128xf32, #tpu.memory_space<vmem_shared>>) offsets(%dma_start3A_306 : memref<128xi32, #tpu.memory_space<vmem>>) semaphore(%arg15 : memref<!tpu.dma_semaphore, #tpu.memory_space<semaphore_mem>>) {add = true}
      } else {
      }
    }
    %scan3A_192 = arith.constant 40 : i32
    %dma_wait3A_193 = arith.constant 0 : i32
    %dma_wait3A_194 = arith.constant 0 : i32
    %dma_wait3A_195 = arith.constant 0 : i32
    %dma_wait3A_196 = arith.constant 0 : i32
    %dma_wait3A_197 = tpu.memref_slice %arg9[%dma_wait3A_193, %dma_wait3A_195, %dma_wait3A_196] : memref<2x128x128xf32, #tpu.memory_space<vmem>> -> memref<1x128x128xf32, #tpu.memory_space<vmem>>
    %dma_wait3A_198 = tpu.memref_squeeze %dma_wait3A_197 : memref<1x128x128xf32, #tpu.memory_space<vmem>> -> memref<128x128xf32, #tpu.memory_space<vmem>>
    %dma_wait3A_199 = arith.constant 0 : i32
    %dma_wait3A_200 = tpu.memref_slice %arg7[%dma_wait3A_194, %dma_wait3A_199] : memref<2x128xi32, #tpu.memory_space<vmem>> -> memref<1x128xi32, #tpu.memory_space<vmem>>
    %dma_wait3A_201 = tpu.memref_squeeze %dma_wait3A_200 : memref<1x128xi32, #tpu.memory_space<vmem>> -> memref<128xi32, #tpu.memory_space<vmem>>
    %dma_wait3A_202 = arith.constant 0 : i32
    %dma_wait3A_203 = arith.constant 0 : i32
    %dma_wait3A_204 = tpu.memref_slice %arg11[%dma_wait3A_202, %dma_wait3A_203] : memref<10000x128xf32, #tpu.memory_space<vmem_shared>> -> memref<10000x128xf32, #tpu.memory_space<vmem_shared>>
    tpu.wait_indirect_dma semaphore(%arg14 : memref<!tpu.dma_semaphore, #tpu.memory_space<semaphore_mem>>) src(%dma_wait3A_198 : memref<128x128xf32, #tpu.memory_space<vmem>>) dst(%dma_wait3A_204 : memref<10000x128xf32, #tpu.memory_space<vmem_shared>>)
    %dma_wait3A_205 = arith.constant 1 : i32
    %dma_wait3A_206 = arith.constant 1 : i32
    %dma_wait3A_207 = arith.constant 0 : i32
    %dma_wait3A_208 = arith.constant 0 : i32
    %dma_wait3A_209 = tpu.memref_slice %arg9[%dma_wait3A_205, %dma_wait3A_207, %dma_wait3A_208] : memref<2x128x128xf32, #tpu.memory_space<vmem>> -> memref<1x128x128xf32, #tpu.memory_space<vmem>>
    %dma_wait3A_210 = tpu.memref_squeeze %dma_wait3A_209 : memref<1x128x128xf32, #tpu.memory_space<vmem>> -> memref<128x128xf32, #tpu.memory_space<vmem>>
    %dma_wait3A_211 = arith.constant 0 : i32
    %dma_wait3A_212 = tpu.memref_slice %arg7[%dma_wait3A_206, %dma_wait3A_211] : memref<2x128xi32, #tpu.memory_space<vmem>> -> memref<1x128xi32, #tpu.memory_space<vmem>>
    %dma_wait3A_213 = tpu.memref_squeeze %dma_wait3A_212 : memref<1x128xi32, #tpu.memory_space<vmem>> -> memref<128xi32, #tpu.memory_space<vmem>>
    %dma_wait3A_214 = arith.constant 0 : i32
    %dma_wait3A_215 = arith.constant 0 : i32
    %dma_wait3A_216 = tpu.memref_slice %arg11[%dma_wait3A_214, %dma_wait3A_215] : memref<10000x128xf32, #tpu.memory_space<vmem_shared>> -> memref<10000x128xf32, #tpu.memory_space<vmem_shared>>
    tpu.wait_indirect_dma semaphore(%arg15 : memref<!tpu.dma_semaphore, #tpu.memory_space<semaphore_mem>>) src(%dma_wait3A_210 : memref<128x128xf32, #tpu.memory_space<vmem>>) dst(%dma_wait3A_216 : memref<10000x128xf32, #tpu.memory_space<vmem_shared>>)
    %barrier3A_217 = arith.constant 0 : index
    tpu.barrier barrier_id(%barrier3A_217)
    %while3A_218 = arith.constant 0 : i32
    %while3A_219 = arith.constant 0 : i32
    %while3A_220 = arith.subi %select_n3A_30, %while3A_219 : i32
    %while3A_221 = arith.addi %while3A_219, %while3A_220 : i32
    %while3A_222 = arith.constant 1 : i32
    %while3A_223 = arith.divsi %while3A_220, %while3A_222 : i32
    %while3A_224 = arith.muli %while3A_223, %while3A_222 : i32
    %while3A_225 = arith.addi %while3A_219, %while3A_224 : i32
    %while3A_226 = arith.constant 1 : i32
    scf.for %while3A_228 = %while3A_219 to %while3A_225 step %while3A_226  : i32 {
      %mul3A_229 = arith.constant 16 : i32
      %mul3A_230 = arith.muli %while3A_228, %mul3A_229 : i32
      %add3A_231 = arith.addi %arg1, %mul3A_230 : i32
      %mul3A_232 = arith.constant 80 : i32
      %mul3A_233 = arith.muli %add3A_231, %mul3A_232 : i32
      %multiple_of3A_234 = tpu.assume_multiple %mul3A_233, 80 : i32
      %mul3A_235 = arith.constant 10000 : i32
      %mul3A_236 = arith.muli %arg0, %mul3A_235 : i32
      %mul3A_237 = arith.constant 16 : i32
      %mul3A_238 = arith.muli %while3A_228, %mul3A_237 : i32
      %add3A_239 = arith.addi %arg1, %mul3A_238 : i32
      %mul3A_240 = arith.constant 80 : i32
      %mul3A_241 = arith.muli %add3A_239, %mul3A_240 : i32
      %add3A_242 = arith.addi %mul3A_236, %mul3A_241 : i32
      %multiple_of3A_243 = tpu.assume_multiple %add3A_242, 80 : i32
      "tpu.region"() ({
        %run_scoped3A = tpu.sem_alloc : memref<!tpu.dma_semaphore, #tpu.memory_space<semaphore_mem>>
        %dma_start3A_244 = arith.constant 0 : i32
        %dma_start3A_245 = tpu.memref_slice %arg6[%multiple_of3A_243, %dma_start3A_244] : memref<20000x128xf32, #tpu.memory_space<hbm>> -> memref<80x128xf32, #tpu.memory_space<hbm>>
        %dma_start3A_246 = arith.constant 0 : i32
        %dma_start3A_247 = tpu.memref_slice %arg11[%multiple_of3A_234, %dma_start3A_246] : memref<10000x128xf32, #tpu.memory_space<vmem_shared>> -> memref<80x128xf32, #tpu.memory_space<vmem_shared>>
        tpu.enqueue_dma source(%dma_start3A_247 : memref<80x128xf32, #tpu.memory_space<vmem_shared>>) target(%dma_start3A_245 : memref<80x128xf32, #tpu.memory_space<hbm>>) target_semaphore(%run_scoped3A : memref<!tpu.dma_semaphore, #tpu.memory_space<semaphore_mem>>)
        %dma_wait3A_248 = arith.constant 0 : i32
        %dma_wait3A_249 = tpu.memref_slice %arg6[%multiple_of3A_243, %dma_wait3A_248] : memref<20000x128xf32, #tpu.memory_space<hbm>> -> memref<80x128xf32, #tpu.memory_space<hbm>>
        %dma_wait3A_250 = arith.constant 0 : i32
        %dma_wait3A_251 = tpu.memref_slice %arg11[%multiple_of3A_234, %dma_wait3A_250] : memref<10000x128xf32, #tpu.memory_space<vmem_shared>> -> memref<80x128xf32, #tpu.memory_space<vmem_shared>>
        tpu.wait_dma2 semaphore(%run_scoped3A : memref<!tpu.dma_semaphore, #tpu.memory_space<semaphore_mem>>) src(%dma_wait3A_251 : memref<80x128xf32, #tpu.memory_space<vmem_shared>>) dst(%dma_wait3A_249 : memref<80x128xf32, #tpu.memory_space<hbm>>)
        tpu.yield
      }) : () -> ()
    }
    %while3A_227 = arith.constant 1 : i32
    scf.for %while3A_228 = %while3A_225 to %while3A_221 step %while3A_227  : i32 {
      %mul3A_229 = arith.constant 16 : i32
      %mul3A_230 = arith.muli %while3A_228, %mul3A_229 : i32
      %add3A_231 = arith.addi %arg1, %mul3A_230 : i32
      %mul3A_232 = arith.constant 80 : i32
      %mul3A_233 = arith.muli %add3A_231, %mul3A_232 : i32
      %multiple_of3A_234 = tpu.assume_multiple %mul3A_233, 80 : i32
      %mul3A_235 = arith.constant 10000 : i32
      %mul3A_236 = arith.muli %arg0, %mul3A_235 : i32
      %mul3A_237 = arith.constant 16 : i32
      %mul3A_238 = arith.muli %while3A_228, %mul3A_237 : i32
      %add3A_239 = arith.addi %arg1, %mul3A_238 : i32
      %mul3A_240 = arith.constant 80 : i32
      %mul3A_241 = arith.muli %add3A_239, %mul3A_240 : i32
      %add3A_242 = arith.addi %mul3A_236, %mul3A_241 : i32
      %multiple_of3A_243 = tpu.assume_multiple %add3A_242, 80 : i32
      "tpu.region"() ({
        %run_scoped3A = tpu.sem_alloc : memref<!tpu.dma_semaphore, #tpu.memory_space<semaphore_mem>>
        %dma_start3A_244 = arith.constant 0 : i32
        %dma_start3A_245 = tpu.memref_slice %arg6[%multiple_of3A_243, %dma_start3A_244] : memref<20000x128xf32, #tpu.memory_space<hbm>> -> memref<80x128xf32, #tpu.memory_space<hbm>>
        %dma_start3A_246 = arith.constant 0 : i32
        %dma_start3A_247 = tpu.memref_slice %arg11[%multiple_of3A_234, %dma_start3A_246] : memref<10000x128xf32, #tpu.memory_space<vmem_shared>> -> memref<80x128xf32, #tpu.memory_space<vmem_shared>>
        tpu.enqueue_dma source(%dma_start3A_247 : memref<80x128xf32, #tpu.memory_space<vmem_shared>>) target(%dma_start3A_245 : memref<80x128xf32, #tpu.memory_space<hbm>>) target_semaphore(%run_scoped3A : memref<!tpu.dma_semaphore, #tpu.memory_space<semaphore_mem>>)
        %dma_wait3A_248 = arith.constant 0 : i32
        %dma_wait3A_249 = tpu.memref_slice %arg6[%multiple_of3A_243, %dma_wait3A_248] : memref<20000x128xf32, #tpu.memory_space<hbm>> -> memref<80x128xf32, #tpu.memory_space<hbm>>
        %dma_wait3A_250 = arith.constant 0 : i32
        %dma_wait3A_251 = tpu.memref_slice %arg11[%multiple_of3A_234, %dma_wait3A_250] : memref<10000x128xf32, #tpu.memory_space<vmem_shared>> -> memref<80x128xf32, #tpu.memory_space<vmem_shared>>
        tpu.wait_dma2 semaphore(%run_scoped3A : memref<!tpu.dma_semaphore, #tpu.memory_space<semaphore_mem>>) src(%dma_wait3A_251 : memref<80x128xf32, #tpu.memory_space<vmem_shared>>) dst(%dma_wait3A_249 : memref<80x128xf32, #tpu.memory_space<hbm>>)
        tpu.yield
      }) : () -> ()
    }
    return
  }
}

#map = affine_map<(d0, d1) -> (0, 0)>
#map1 = affine_map<(d0, d1) -> (0)>
module attributes {stable_mosaic.version = 14 : i64} {
  func.func @_k4a_body(%arg0: i32, %arg1: i32, %arg2: memref<10000x128xf32, #tpu.memory_space<hbm>>, %arg3: memref<320000xi32, #tpu.memory_space<hbm>>, %arg4: memref<320000xi32, #tpu.memory_space<hbm>>, %arg5: memref<20000x128xf32, #tpu.memory_space<hbm>>, %arg6: memref<2x128xi32, #tpu.memory_space<vmem>>, %arg7: memref<2x128xi32, #tpu.memory_space<vmem>>, %arg8: memref<2x128x128xf32, #tpu.memory_space<vmem>>, %arg9: memref<80x128xf32, #tpu.memory_space<vmem>>, %arg10: memref<10000x128xf32, #tpu.memory_space<vmem_shared>>, %arg11: memref<!tpu.dma_semaphore, #tpu.memory_space<semaphore_mem>>, %arg12: memref<!tpu.dma_semaphore, #tpu.memory_space<semaphore_mem>>, %arg13: memref<!tpu.dma_semaphore, #tpu.memory_space<semaphore_mem>>, %arg14: memref<!tpu.dma_semaphore, #tpu.memory_space<semaphore_mem>>) attributes {dimension_semantics = [#tpu.dimension_semantics<core_parallel>, #tpu.dimension_semantics<subcore_parallel>], iteration_bounds = array<i64: 2, 16>, scalar_prefetch = 0 : i64, scratch_operands = 9 : i64, tpu.core_type = #tpu.core_type<sc_vector_subcore>, window_params = [{transform_indices = #map}, {transform_indices = #map1}, {transform_indices = #map1}, {transform_indices = #map}]} {
    %mul3A = arith.constant 2 : i32
    %mul3A_0 = arith.muli %arg1, %mul3A : i32
    %add3A = arith.addi %mul3A_0, %arg0 : i32
    %broadcast_in_dim3A = arith.constant 0.000000e+00 : f32
    %broadcast_in_dim3A_1 = vector.broadcast %broadcast_in_dim3A : f32 to vector<16xf32>
    %sub3A = arith.constant 125 : i32
    %sub3A_2 = arith.subi %sub3A, %arg1 : i32
    %add3A_3 = arith.constant 16 : i32
    %add3A_4 = arith.addi %sub3A_2, %add3A_3 : i32
    %sub3A_5 = arith.constant 1 : i32
    %sub3A_6 = arith.subi %add3A_4, %sub3A_5 : i32
    %jit3A = arith.constant 16 : i32
    %div3A = arith.divsi %sub3A_6, %jit3A : i32
    %sign3A = arith.constant 0 : i32
    %sign3A_7 = arith.cmpi sgt, %sub3A_6, %sign3A : i32
    %sign3A_8 = arith.extui %sign3A_7 : i1 to i32
    %sign3A_9 = arith.constant 0 : i32
    %sign3A_10 = arith.cmpi slt, %sub3A_6, %sign3A_9 : i32
    %sign3A_11 = arith.extui %sign3A_10 : i1 to i32
    %sign3A_12 = arith.subi %sign3A_8, %sign3A_11 : i32
    %sign3A_13 = arith.constant 0 : i32
    %sign3A_14 = arith.cmpi sgt, %jit3A, %sign3A_13 : i32
    %sign3A_15 = arith.extui %sign3A_14 : i1 to i32
    %sign3A_16 = arith.constant 0 : i32
    %sign3A_17 = arith.cmpi slt, %jit3A, %sign3A_16 : i32
    %sign3A_18 = arith.extui %sign3A_17 : i1 to i32
    %sign3A_19 = arith.subi %sign3A_15, %sign3A_18 : i32
    %ne3A = arith.cmpi ne, %sign3A_12, %sign3A_19 : i32
    %rem3A = arith.remsi %sub3A_6, %jit3A : i32
    %ne3A_20 = arith.constant 0 : i32
    %ne3A_21 = arith.cmpi ne, %rem3A, %ne3A_20 : i32
    %and3A = arith.andi %ne3A, %ne3A_21 : i1
    %sub3A_22 = arith.constant 1 : i32
    %sub3A_23 = arith.subi %div3A, %sub3A_22 : i32
    %select_n3A = arith.select %and3A, %sub3A_23, %div3A : i32
    %scan3A = arith.constant 0 : i32
    %scan3A_24 = arith.constant 0 : i32
    %scan3A_25 = arith.constant 80 : i32
    %scan3A_26 = arith.addi %scan3A_24, %scan3A_25 : i32
    %scan3A_27 = arith.constant 1 : i32
    scf.for %scan3A_92 = %scan3A_24 to %scan3A_26 step %scan3A_27  : i32 {
      %swap3A = arith.index_cast %scan3A_92 : i32 to index
      %swap3A_93 = arith.constant 0 : index
      %swap3A_94 = tpu.vector_load %arg9[%swap3A, %swap3A_93] {strides = array<i32>} : memref<80x128xf32, #tpu.memory_space<vmem>>, vector<1x16xf32>,
      %swap3A_95 = vector.shape_cast %swap3A_94 : vector<1x16xf32> to vector<16xf32>
      %swap3A_96 = vector.shape_cast %broadcast_in_dim3A_1 : vector<16xf32> to vector<1x16xf32>
      tpu.vector_store %arg9[%swap3A, %swap3A_93], %swap3A_96 {strides = array<i32>} : memref<80x128xf32, #tpu.memory_space<vmem>>, vector<1x16xf32>,
      %swap3A_97 = arith.index_cast %scan3A_92 : i32 to index
      %swap3A_98 = arith.constant 16 : index
      %swap3A_99 = tpu.vector_load %arg9[%swap3A_97, %swap3A_98] {strides = array<i32>} : memref<80x128xf32, #tpu.memory_space<vmem>>, vector<1x16xf32>,
      %swap3A_100 = vector.shape_cast %swap3A_99 : vector<1x16xf32> to vector<16xf32>
      %swap3A_101 = vector.shape_cast %broadcast_in_dim3A_1 : vector<16xf32> to vector<1x16xf32>
      tpu.vector_store %arg9[%swap3A_97, %swap3A_98], %swap3A_101 {strides = array<i32>} : memref<80x128xf32, #tpu.memory_space<vmem>>, vector<1x16xf32>,
      %swap3A_102 = arith.index_cast %scan3A_92 : i32 to index
      %swap3A_103 = arith.constant 32 : index
      %swap3A_104 = tpu.vector_load %arg9[%swap3A_102, %swap3A_103] {strides = array<i32>} : memref<80x128xf32, #tpu.memory_space<vmem>>, vector<1x16xf32>,
      %swap3A_105 = vector.shape_cast %swap3A_104 : vector<1x16xf32> to vector<16xf32>
      %swap3A_106 = vector.shape_cast %broadcast_in_dim3A_1 : vector<16xf32> to vector<1x16xf32>
      tpu.vector_store %arg9[%swap3A_102, %swap3A_103], %swap3A_106 {strides = array<i32>} : memref<80x128xf32, #tpu.memory_space<vmem>>, vector<1x16xf32>,
      %swap3A_107 = arith.index_cast %scan3A_92 : i32 to index
      %swap3A_108 = arith.constant 48 : index
      %swap3A_109 = tpu.vector_load %arg9[%swap3A_107, %swap3A_108] {strides = array<i32>} : memref<80x128xf32, #tpu.memory_space<vmem>>, vector<1x16xf32>,
      %swap3A_110 = vector.shape_cast %swap3A_109 : vector<1x16xf32> to vector<16xf32>
      %swap3A_111 = vector.shape_cast %broadcast_in_dim3A_1 : vector<16xf32> to vector<1x16xf32>
      tpu.vector_store %arg9[%swap3A_107, %swap3A_108], %swap3A_111 {strides = array<i32>} : memref<80x128xf32, #tpu.memory_space<vmem>>, vector<1x16xf32>,
      %swap3A_112 = arith.index_cast %scan3A_92 : i32 to index
      %swap3A_113 = arith.constant 64 : index
      %swap3A_114 = tpu.vector_load %arg9[%swap3A_112, %swap3A_113] {strides = array<i32>} : memref<80x128xf32, #tpu.memory_space<vmem>>, vector<1x16xf32>,
      %swap3A_115 = vector.shape_cast %swap3A_114 : vector<1x16xf32> to vector<16xf32>
      %swap3A_116 = vector.shape_cast %broadcast_in_dim3A_1 : vector<16xf32> to vector<1x16xf32>
      tpu.vector_store %arg9[%swap3A_112, %swap3A_113], %swap3A_116 {strides = array<i32>} : memref<80x128xf32, #tpu.memory_space<vmem>>, vector<1x16xf32>,
      %swap3A_117 = arith.index_cast %scan3A_92 : i32 to index
      %swap3A_118 = arith.constant 80 : index
      %swap3A_119 = tpu.vector_load %arg9[%swap3A_117, %swap3A_118] {strides = array<i32>} : memref<80x128xf32, #tpu.memory_space<vmem>>, vector<1x16xf32>,
      %swap3A_120 = vector.shape_cast %swap3A_119 : vector<1x16xf32> to vector<16xf32>
      %swap3A_121 = vector.shape_cast %broadcast_in_dim3A_1 : vector<16xf32> to vector<1x16xf32>
      tpu.vector_store %arg9[%swap3A_117, %swap3A_118], %swap3A_121 {strides = array<i32>} : memref<80x128xf32, #tpu.memory_space<vmem>>, vector<1x16xf32>,
      %swap3A_122 = arith.index_cast %scan3A_92 : i32 to index
      %swap3A_123 = arith.constant 96 : index
      %swap3A_124 = tpu.vector_load %arg9[%swap3A_122, %swap3A_123] {strides = array<i32>} : memref<80x128xf32, #tpu.memory_space<vmem>>, vector<1x16xf32>,
      %swap3A_125 = vector.shape_cast %swap3A_124 : vector<1x16xf32> to vector<16xf32>
      %swap3A_126 = vector.shape_cast %broadcast_in_dim3A_1 : vector<16xf32> to vector<1x16xf32>
      tpu.vector_store %arg9[%swap3A_122, %swap3A_123], %swap3A_126 {strides = array<i32>} : memref<80x128xf32, #tpu.memory_space<vmem>>, vector<1x16xf32>,
      %swap3A_127 = arith.index_cast %scan3A_92 : i32 to index
      %swap3A_128 = arith.constant 112 : index
      %swap3A_129 = tpu.vector_load %arg9[%swap3A_127, %swap3A_128] {strides = array<i32>} : memref<80x128xf32, #tpu.memory_space<vmem>>, vector<1x16xf32>,
      %swap3A_130 = vector.shape_cast %swap3A_129 : vector<1x16xf32> to vector<16xf32>
      %swap3A_131 = vector.shape_cast %broadcast_in_dim3A_1 : vector<16xf32> to vector<1x16xf32>
      tpu.vector_store %arg9[%swap3A_127, %swap3A_128], %swap3A_131 {strides = array<i32>} : memref<80x128xf32, #tpu.memory_space<vmem>>, vector<1x16xf32>,
    }
    %scan3A_28 = arith.constant 80 : i32
    %while3A = arith.constant 0 : i32
    %while3A_29 = arith.constant 0 : i32
    %while3A_30 = arith.subi %select_n3A, %while3A_29 : i32
    %while3A_31 = arith.addi %while3A_29, %while3A_30 : i32
    %while3A_32 = arith.constant 1 : i32
    %while3A_33 = arith.divsi %while3A_30, %while3A_32 : i32
    %while3A_34 = arith.muli %while3A_33, %while3A_32 : i32
    %while3A_35 = arith.addi %while3A_29, %while3A_34 : i32
    %while3A_36 = arith.constant 1 : i32
    scf.for %while3A_92 = %while3A_29 to %while3A_35 step %while3A_36  : i32 {
      %mul3A_93 = arith.constant 16 : i32
      %mul3A_94 = arith.muli %while3A_92, %mul3A_93 : i32
      %add3A_95 = arith.addi %arg1, %mul3A_94 : i32
      %mul3A_96 = arith.constant 80 : i32
      %mul3A_97 = arith.muli %add3A_95, %mul3A_96 : i32
      %multiple_of3A_98 = tpu.assume_multiple %mul3A_97, 80 : i32
      "tpu.region"() ({
        %run_scoped3A_99 = tpu.sem_alloc : memref<!tpu.dma_semaphore, #tpu.memory_space<semaphore_mem>>
        %dma_start3A_100 = arith.constant 0 : i32
        %dma_start3A_101 = tpu.memref_slice %arg10[%multiple_of3A_98, %dma_start3A_100] : memref<10000x128xf32, #tpu.memory_space<vmem_shared>> -> memref<80x128xf32, #tpu.memory_space<vmem_shared>>
        %dma_start3A_102 = arith.constant 0 : i32
        %dma_start3A_103 = tpu.memref_slice %arg10[%multiple_of3A_98, %dma_start3A_102] : memref<10000x128xf32, #tpu.memory_space<vmem_shared>> -> memref<80x128xf32, #tpu.memory_space<vmem_shared>>
        tpu.enqueue_dma source(%arg9 : memref<80x128xf32, #tpu.memory_space<vmem>>) target(%dma_start3A_103 : memref<80x128xf32, #tpu.memory_space<vmem_shared>>) target_semaphore(%run_scoped3A_99 : memref<!tpu.dma_semaphore, #tpu.memory_space<semaphore_mem>>)
        %dma_wait3A_104 = arith.constant 0 : i32
        %dma_wait3A_105 = tpu.memref_slice %arg10[%multiple_of3A_98, %dma_wait3A_104] : memref<10000x128xf32, #tpu.memory_space<vmem_shared>> -> memref<80x128xf32, #tpu.memory_space<vmem_shared>>
        %dma_wait3A_106 = arith.constant 0 : i32
        %dma_wait3A_107 = tpu.memref_slice %arg10[%multiple_of3A_98, %dma_wait3A_106] : memref<10000x128xf32, #tpu.memory_space<vmem_shared>> -> memref<80x128xf32, #tpu.memory_space<vmem_shared>>
        tpu.wait_dma2 semaphore(%run_scoped3A_99 : memref<!tpu.dma_semaphore, #tpu.memory_space<semaphore_mem>>) src(%arg9 : memref<80x128xf32, #tpu.memory_space<vmem>>) dst(%dma_wait3A_107 : memref<80x128xf32, #tpu.memory_space<vmem_shared>>)
        tpu.yield
      }) : () -> ()
    }
    %while3A_37 = arith.constant 1 : i32
    scf.for %while3A_92 = %while3A_35 to %while3A_31 step %while3A_37  : i32 {
      %mul3A_93 = arith.constant 16 : i32
      %mul3A_94 = arith.muli %while3A_92, %mul3A_93 : i32
      %add3A_95 = arith.addi %arg1, %mul3A_94 : i32
      %mul3A_96 = arith.constant 80 : i32
      %mul3A_97 = arith.muli %add3A_95, %mul3A_96 : i32
      %multiple_of3A_98 = tpu.assume_multiple %mul3A_97, 80 : i32
      "tpu.region"() ({
        %run_scoped3A_99 = tpu.sem_alloc : memref<!tpu.dma_semaphore, #tpu.memory_space<semaphore_mem>>
        %dma_start3A_100 = arith.constant 0 : i32
        %dma_start3A_101 = tpu.memref_slice %arg10[%multiple_of3A_98, %dma_start3A_100] : memref<10000x128xf32, #tpu.memory_space<vmem_shared>> -> memref<80x128xf32, #tpu.memory_space<vmem_shared>>
        %dma_start3A_102 = arith.constant 0 : i32
        %dma_start3A_103 = tpu.memref_slice %arg10[%multiple_of3A_98, %dma_start3A_102] : memref<10000x128xf32, #tpu.memory_space<vmem_shared>> -> memref<80x128xf32, #tpu.memory_space<vmem_shared>>
        tpu.enqueue_dma source(%arg9 : memref<80x128xf32, #tpu.memory_space<vmem>>) target(%dma_start3A_103 : memref<80x128xf32, #tpu.memory_space<vmem_shared>>) target_semaphore(%run_scoped3A_99 : memref<!tpu.dma_semaphore, #tpu.memory_space<semaphore_mem>>)
        %dma_wait3A_104 = arith.constant 0 : i32
        %dma_wait3A_105 = tpu.memref_slice %arg10[%multiple_of3A_98, %dma_wait3A_104] : memref<10000x128xf32, #tpu.memory_space<vmem_shared>> -> memref<80x128xf32, #tpu.memory_space<vmem_shared>>
        %dma_wait3A_106 = arith.constant 0 : i32
        %dma_wait3A_107 = tpu.memref_slice %arg10[%multiple_of3A_98, %dma_wait3A_106] : memref<10000x128xf32, #tpu.memory_space<vmem_shared>> -> memref<80x128xf32, #tpu.memory_space<vmem_shared>>
        tpu.wait_dma2 semaphore(%run_scoped3A_99 : memref<!tpu.dma_semaphore, #tpu.memory_space<semaphore_mem>>) src(%arg9 : memref<80x128xf32, #tpu.memory_space<vmem>>) dst(%dma_wait3A_107 : memref<80x128xf32, #tpu.memory_space<vmem_shared>>)
        tpu.yield
      }) : () -> ()
    }
    %barrier3A = arith.constant 0 : index
    tpu.barrier barrier_id(%barrier3A)
    %mul3A_38 = arith.constant 128 : i32
    %mul3A_39 = arith.muli %add3A, %mul3A_38 : i32
    %multiple_of3A = tpu.assume_multiple %mul3A_39, 128 : i32
    %run_scoped3A = arith.constant 0 : i32
    "tpu.region"() ({
      %run_scoped3A_92 = tpu.sem_alloc : memref<!tpu.dma_semaphore, #tpu.memory_space<semaphore_mem>>
      %dma_start3A_93 = arith.constant 0 : i32
      %dma_start3A_94 = tpu.memref_slice %arg6[%run_scoped3A, %dma_start3A_93] : memref<2x128xi32, #tpu.memory_space<vmem>> -> memref<1x128xi32, #tpu.memory_space<vmem>>
      %dma_start3A_95 = tpu.memref_squeeze %dma_start3A_94 : memref<1x128xi32, #tpu.memory_space<vmem>> -> memref<128xi32, #tpu.memory_space<vmem>>
      %dma_start3A_96 = tpu.memref_slice %arg3[%multiple_of3A] : memref<320000xi32, #tpu.memory_space<hbm>> -> memref<128xi32, #tpu.memory_space<hbm>>
      %dma_start3A_97 = arith.constant 0 : i32
      %dma_start3A_98 = tpu.memref_slice %arg6[%run_scoped3A, %dma_start3A_97] : memref<2x128xi32, #tpu.memory_space<vmem>> -> memref<1x128xi32, #tpu.memory_space<vmem>>
      %dma_start3A_99 = tpu.memref_squeeze %dma_start3A_98 : memref<1x128xi32, #tpu.memory_space<vmem>> -> memref<128xi32, #tpu.memory_space<vmem>>
      %dma_start3A_100 = tpu.memref_slice %arg3[%multiple_of3A] : memref<320000xi32, #tpu.memory_space<hbm>> -> memref<128xi32, #tpu.memory_space<hbm>>
      tpu.enqueue_dma source(%dma_start3A_100 : memref<128xi32, #tpu.memory_space<hbm>>) target(%dma_start3A_99 : memref<128xi32, #tpu.memory_space<vmem>>) target_semaphore(%run_scoped3A_92 : memref<!tpu.dma_semaphore, #tpu.memory_space<semaphore_mem>>)
      %dma_wait3A_101 = arith.constant 0 : i32
      %dma_wait3A_102 = tpu.memref_slice %arg6[%run_scoped3A, %dma_wait3A_101] : memref<2x128xi32, #tpu.memory_space<vmem>> -> memref<1x128xi32, #tpu.memory_space<vmem>>
      %dma_wait3A_103 = tpu.memref_squeeze %dma_wait3A_102 : memref<1x128xi32, #tpu.memory_space<vmem>> -> memref<128xi32, #tpu.memory_space<vmem>>
      %dma_wait3A_104 = tpu.memref_slice %arg3[%multiple_of3A] : memref<320000xi32, #tpu.memory_space<hbm>> -> memref<128xi32, #tpu.memory_space<hbm>>
      %dma_wait3A_105 = arith.constant 0 : i32
      %dma_wait3A_106 = tpu.memref_slice %arg6[%run_scoped3A, %dma_wait3A_105] : memref<2x128xi32, #tpu.memory_space<vmem>> -> memref<1x128xi32, #tpu.memory_space<vmem>>
      %dma_wait3A_107 = tpu.memref_squeeze %dma_wait3A_106 : memref<1x128xi32, #tpu.memory_space<vmem>> -> memref<128xi32, #tpu.memory_space<vmem>>
      %dma_wait3A_108 = tpu.memref_slice %arg3[%multiple_of3A] : memref<320000xi32, #tpu.memory_space<hbm>> -> memref<128xi32, #tpu.memory_space<hbm>>
      tpu.wait_dma2 semaphore(%run_scoped3A_92 : memref<!tpu.dma_semaphore, #tpu.memory_space<semaphore_mem>>) src(%dma_wait3A_108 : memref<128xi32, #tpu.memory_space<hbm>>) dst(%dma_wait3A_107 : memref<128xi32, #tpu.memory_space<vmem>>)
      tpu.yield
    }) : () -> ()
    %run_scoped3A_40 = arith.constant 0 : i32
    "tpu.region"() ({
      %run_scoped3A_92 = tpu.sem_alloc : memref<!tpu.dma_semaphore, #tpu.memory_space<semaphore_mem>>
      %dma_start3A_93 = arith.constant 0 : i32
      %dma_start3A_94 = tpu.memref_slice %arg7[%run_scoped3A_40, %dma_start3A_93] : memref<2x128xi32, #tpu.memory_space<vmem>> -> memref<1x128xi32, #tpu.memory_space<vmem>>
      %dma_start3A_95 = tpu.memref_squeeze %dma_start3A_94 : memref<1x128xi32, #tpu.memory_space<vmem>> -> memref<128xi32, #tpu.memory_space<vmem>>
      %dma_start3A_96 = tpu.memref_slice %arg4[%multiple_of3A] : memref<320000xi32, #tpu.memory_space<hbm>> -> memref<128xi32, #tpu.memory_space<hbm>>
      %dma_start3A_97 = arith.constant 0 : i32
      %dma_start3A_98 = tpu.memref_slice %arg7[%run_scoped3A_40, %dma_start3A_97] : memref<2x128xi32, #tpu.memory_space<vmem>> -> memref<1x128xi32, #tpu.memory_space<vmem>>
      %dma_start3A_99 = tpu.memref_squeeze %dma_start3A_98 : memref<1x128xi32, #tpu.memory_space<vmem>> -> memref<128xi32, #tpu.memory_space<vmem>>
      %dma_start3A_100 = tpu.memref_slice %arg4[%multiple_of3A] : memref<320000xi32, #tpu.memory_space<hbm>> -> memref<128xi32, #tpu.memory_space<hbm>>
      tpu.enqueue_dma source(%dma_start3A_100 : memref<128xi32, #tpu.memory_space<hbm>>) target(%dma_start3A_99 : memref<128xi32, #tpu.memory_space<vmem>>) target_semaphore(%run_scoped3A_92 : memref<!tpu.dma_semaphore, #tpu.memory_space<semaphore_mem>>)
      %dma_wait3A_101 = arith.constant 0 : i32
      %dma_wait3A_102 = tpu.memref_slice %arg7[%run_scoped3A_40, %dma_wait3A_101] : memref<2x128xi32, #tpu.memory_space<vmem>> -> memref<1x128xi32, #tpu.memory_space<vmem>>
      %dma_wait3A_103 = tpu.memref_squeeze %dma_wait3A_102 : memref<1x128xi32, #tpu.memory_space<vmem>> -> memref<128xi32, #tpu.memory_space<vmem>>
      %dma_wait3A_104 = tpu.memref_slice %arg4[%multiple_of3A] : memref<320000xi32, #tpu.memory_space<hbm>> -> memref<128xi32, #tpu.memory_space<hbm>>
      %dma_wait3A_105 = arith.constant 0 : i32
      %dma_wait3A_106 = tpu.memref_slice %arg7[%run_scoped3A_40, %dma_wait3A_105] : memref<2x128xi32, #tpu.memory_space<vmem>> -> memref<1x128xi32, #tpu.memory_space<vmem>>
      %dma_wait3A_107 = tpu.memref_squeeze %dma_wait3A_106 : memref<1x128xi32, #tpu.memory_space<vmem>> -> memref<128xi32, #tpu.memory_space<vmem>>
      %dma_wait3A_108 = tpu.memref_slice %arg4[%multiple_of3A] : memref<320000xi32, #tpu.memory_space<hbm>> -> memref<128xi32, #tpu.memory_space<hbm>>
      tpu.wait_dma2 semaphore(%run_scoped3A_92 : memref<!tpu.dma_semaphore, #tpu.memory_space<semaphore_mem>>) src(%dma_wait3A_108 : memref<128xi32, #tpu.memory_space<hbm>>) dst(%dma_wait3A_107 : memref<128xi32, #tpu.memory_space<vmem>>)
      tpu.yield
    }) : () -> ()
    %dma_start3A = arith.constant 0 : i32
    %dma_start3A_41 = arith.constant 0 : i32
    %dma_start3A_42 = arith.constant 0 : i32
    %dma_start3A_43 = arith.constant 0 : i32
    %dma_start3A_44 = tpu.memref_slice %arg8[%dma_start3A_41, %dma_start3A_42, %dma_start3A_43] : memref<2x128x128xf32, #tpu.memory_space<vmem>> -> memref<1x128x128xf32, #tpu.memory_space<vmem>>
    %dma_start3A_45 = tpu.memref_squeeze %dma_start3A_44 : memref<1x128x128xf32, #tpu.memory_space<vmem>> -> memref<128x128xf32, #tpu.memory_space<vmem>>
    %dma_start3A_46 = arith.constant 0 : i32
    %dma_start3A_47 = tpu.memref_slice %arg6[%dma_start3A, %dma_start3A_46] : memref<2x128xi32, #tpu.memory_space<vmem>> -> memref<1x128xi32, #tpu.memory_space<vmem>>
    %dma_start3A_48 = tpu.memref_squeeze %dma_start3A_47 : memref<1x128xi32, #tpu.memory_space<vmem>> -> memref<128xi32, #tpu.memory_space<vmem>>
    %dma_start3A_49 = arith.constant 0 : i32
    %dma_start3A_50 = arith.constant 0 : i32
    %dma_start3A_51 = tpu.memref_slice %arg2[%dma_start3A_49, %dma_start3A_50] : memref<10000x128xf32, #tpu.memory_space<hbm>> -> memref<10000x128xf32, #tpu.memory_space<hbm>>
    tpu.enqueue_indirect_dma source(%dma_start3A_51 : memref<10000x128xf32, #tpu.memory_space<hbm>>) target(%dma_start3A_45 : memref<128x128xf32, #tpu.memory_space<vmem>>) offsets(%dma_start3A_48 : memref<128xi32, #tpu.memory_space<vmem>>) semaphore(%arg11 : memref<!tpu.dma_semaphore, #tpu.memory_space<semaphore_mem>>)
    %scan3A_52 = arith.constant 0 : i32
    %scan3A_53 = arith.constant 0 : i32
    %scan3A_54 = arith.constant 40 : i32
    %scan3A_55 = arith.addi %scan3A_53, %scan3A_54 : i32
    %scan3A_56 = arith.constant 1 : i32
    scf.for %scan3A_92 = %scan3A_53 to %scan3A_55 step %scan3A_56  : i32 {
      %mul3A_93 = arith.constant 2 : i32
      %mul3A_94 = arith.muli %scan3A_92, %mul3A_93 : i32
      %add3A_95 = arith.constant 0 : i32
      %add3A_96 = arith.addi %mul3A_94, %add3A_95 : i32
      %mul3A_97 = arith.constant 32 : i32
      %mul3A_98 = arith.muli %add3A_96, %mul3A_97 : i32
      %add3A_99 = arith.addi %add3A, %mul3A_98 : i32
      %add3A_100 = arith.constant 32 : i32
      %add3A_101 = arith.addi %add3A_99, %add3A_100 : i32
      %lt3A = arith.constant 2500 : i32
      %lt3A_102 = arith.cmpi slt, %add3A_101, %lt3A : i32
      %convert_element_type3A = arith.extui %lt3A_102 : i1 to i32
      %cond3A = arith.constant 0 : i32
      %cond3A_103 = arith.cmpi ne, %convert_element_type3A, %cond3A : i32
      scf.if %cond3A_103 {
        %ge3A = arith.constant 1 : i32
        %ge3A_128 = arith.cmpi sge, %add3A_96, %ge3A : i32
        %convert_element_type3A_129 = arith.extui %ge3A_128 : i1 to i32
        %cond3A_130 = arith.constant 0 : i32
        %cond3A_131 = arith.cmpi ne, %convert_element_type3A_129, %cond3A_130 : i32
        scf.if %cond3A_131 {
          %dma_wait3A_149 = arith.constant 1 : i32
          %dma_wait3A_150 = arith.constant 1 : i32
          %dma_wait3A_151 = arith.constant 0 : i32
          %dma_wait3A_152 = arith.constant 0 : i32
          %dma_wait3A_153 = tpu.memref_slice %arg8[%dma_wait3A_149, %dma_wait3A_151, %dma_wait3A_152] : memref<2x128x128xf32, #tpu.memory_space<vmem>> -> memref<1x128x128xf32, #tpu.memory_space<vmem>>
          %dma_wait3A_154 = tpu.memref_squeeze %dma_wait3A_153 : memref<1x128x128xf32, #tpu.memory_space<vmem>> -> memref<128x128xf32, #tpu.memory_space<vmem>>
          %dma_wait3A_155 = arith.constant 0 : i32
          %dma_wait3A_156 = tpu.memref_slice %arg7[%dma_wait3A_150, %dma_wait3A_155] : memref<2x128xi32, #tpu.memory_space<vmem>> -> memref<1x128xi32, #tpu.memory_space<vmem>>
          %dma_wait3A_157 = tpu.memref_squeeze %dma_wait3A_156 : memref<1x128xi32, #tpu.memory_space<vmem>> -> memref<128xi32, #tpu.memory_space<vmem>>
          %dma_wait3A_158 = arith.constant 0 : i32
          %dma_wait3A_159 = arith.constant 0 : i32
          %dma_wait3A_160 = tpu.memref_slice %arg10[%dma_wait3A_158, %dma_wait3A_159] : memref<10000x128xf32, #tpu.memory_space<vmem_shared>> -> memref<10000x128xf32, #tpu.memory_space<vmem_shared>>
          tpu.wait_indirect_dma semaphore(%arg14 : memref<!tpu.dma_semaphore, #tpu.memory_space<semaphore_mem>>) src(%dma_wait3A_154 : memref<128x128xf32, #tpu.memory_space<vmem>>) dst(%dma_wait3A_160 : memref<10000x128xf32, #tpu.memory_space<vmem_shared>>)
        } else {
        }
        %mul3A_132 = arith.constant 128 : i32
        %mul3A_133 = arith.muli %add3A_101, %mul3A_132 : i32
        %multiple_of3A_134 = tpu.assume_multiple %mul3A_133, 128 : i32
        %run_scoped3A_135 = arith.constant 1 : i32
        "tpu.region"() ({
          %run_scoped3A_149 = tpu.sem_alloc : memref<!tpu.dma_semaphore, #tpu.memory_space<semaphore_mem>>
          %dma_start3A_150 = arith.constant 0 : i32
          %dma_start3A_151 = tpu.memref_slice %arg6[%run_scoped3A_135, %dma_start3A_150] : memref<2x128xi32, #tpu.memory_space<vmem>> -> memref<1x128xi32, #tpu.memory_space<vmem>>
          %dma_start3A_152 = tpu.memref_squeeze %dma_start3A_151 : memref<1x128xi32, #tpu.memory_space<vmem>> -> memref<128xi32, #tpu.memory_space<vmem>>
          %dma_start3A_153 = tpu.memref_slice %arg3[%multiple_of3A_134] : memref<320000xi32, #tpu.memory_space<hbm>> -> memref<128xi32, #tpu.memory_space<hbm>>
          %dma_start3A_154 = arith.constant 0 : i32
          %dma_start3A_155 = tpu.memref_slice %arg6[%run_scoped3A_135, %dma_start3A_154] : memref<2x128xi32, #tpu.memory_space<vmem>> -> memref<1x128xi32, #tpu.memory_space<vmem>>
          %dma_start3A_156 = tpu.memref_squeeze %dma_start3A_155 : memref<1x128xi32, #tpu.memory_space<vmem>> -> memref<128xi32, #tpu.memory_space<vmem>>
          %dma_start3A_157 = tpu.memref_slice %arg3[%multiple_of3A_134] : memref<320000xi32, #tpu.memory_space<hbm>> -> memref<128xi32, #tpu.memory_space<hbm>>
          tpu.enqueue_dma source(%dma_start3A_157 : memref<128xi32, #tpu.memory_space<hbm>>) target(%dma_start3A_156 : memref<128xi32, #tpu.memory_space<vmem>>) target_semaphore(%run_scoped3A_149 : memref<!tpu.dma_semaphore, #tpu.memory_space<semaphore_mem>>)
          %dma_wait3A_158 = arith.constant 0 : i32
          %dma_wait3A_159 = tpu.memref_slice %arg6[%run_scoped3A_135, %dma_wait3A_158] : memref<2x128xi32, #tpu.memory_space<vmem>> -> memref<1x128xi32, #tpu.memory_space<vmem>>
          %dma_wait3A_160 = tpu.memref_squeeze %dma_wait3A_159 : memref<1x128xi32, #tpu.memory_space<vmem>> -> memref<128xi32, #tpu.memory_space<vmem>>
          %dma_wait3A_161 = tpu.memref_slice %arg3[%multiple_of3A_134] : memref<320000xi32, #tpu.memory_space<hbm>> -> memref<128xi32, #tpu.memory_space<hbm>>
          %dma_wait3A_162 = arith.constant 0 : i32
          %dma_wait3A_163 = tpu.memref_slice %arg6[%run_scoped3A_135, %dma_wait3A_162] : memref<2x128xi32, #tpu.memory_space<vmem>> -> memref<1x128xi32, #tpu.memory_space<vmem>>
          %dma_wait3A_164 = tpu.memref_squeeze %dma_wait3A_163 : memref<1x128xi32, #tpu.memory_space<vmem>> -> memref<128xi32, #tpu.memory_space<vmem>>
          %dma_wait3A_165 = tpu.memref_slice %arg3[%multiple_of3A_134] : memref<320000xi32, #tpu.memory_space<hbm>> -> memref<128xi32, #tpu.memory_space<hbm>>
          tpu.wait_dma2 semaphore(%run_scoped3A_149 : memref<!tpu.dma_semaphore, #tpu.memory_space<semaphore_mem>>) src(%dma_wait3A_165 : memref<128xi32, #tpu.memory_space<hbm>>) dst(%dma_wait3A_164 : memref<128xi32, #tpu.memory_space<vmem>>)
          tpu.yield
        }) : () -> ()
        %run_scoped3A_136 = arith.constant 1 : i32
        "tpu.region"() ({
          %run_scoped3A_149 = tpu.sem_alloc : memref<!tpu.dma_semaphore, #tpu.memory_space<semaphore_mem>>
          %dma_start3A_150 = arith.constant 0 : i32
          %dma_start3A_151 = tpu.memref_slice %arg7[%run_scoped3A_136, %dma_start3A_150] : memref<2x128xi32, #tpu.memory_space<vmem>> -> memref<1x128xi32, #tpu.memory_space<vmem>>
          %dma_start3A_152 = tpu.memref_squeeze %dma_start3A_151 : memref<1x128xi32, #tpu.memory_space<vmem>> -> memref<128xi32, #tpu.memory_space<vmem>>
          %dma_start3A_153 = tpu.memref_slice %arg4[%multiple_of3A_134] : memref<320000xi32, #tpu.memory_space<hbm>> -> memref<128xi32, #tpu.memory_space<hbm>>
          %dma_start3A_154 = arith.constant 0 : i32
          %dma_start3A_155 = tpu.memref_slice %arg7[%run_scoped3A_136, %dma_start3A_154] : memref<2x128xi32, #tpu.memory_space<vmem>> -> memref<1x128xi32, #tpu.memory_space<vmem>>
          %dma_start3A_156 = tpu.memref_squeeze %dma_start3A_155 : memref<1x128xi32, #tpu.memory_space<vmem>> -> memref<128xi32, #tpu.memory_space<vmem>>
          %dma_start3A_157 = tpu.memref_slice %arg4[%multiple_of3A_134] : memref<320000xi32, #tpu.memory_space<hbm>> -> memref<128xi32, #tpu.memory_space<hbm>>
          tpu.enqueue_dma source(%dma_start3A_157 : memref<128xi32, #tpu.memory_space<hbm>>) target(%dma_start3A_156 : memref<128xi32, #tpu.memory_space<vmem>>) target_semaphore(%run_scoped3A_149 : memref<!tpu.dma_semaphore, #tpu.memory_space<semaphore_mem>>)
          %dma_wait3A_158 = arith.constant 0 : i32
          %dma_wait3A_159 = tpu.memref_slice %arg7[%run_scoped3A_136, %dma_wait3A_158] : memref<2x128xi32, #tpu.memory_space<vmem>> -> memref<1x128xi32, #tpu.memory_space<vmem>>
          %dma_wait3A_160 = tpu.memref_squeeze %dma_wait3A_159 : memref<1x128xi32, #tpu.memory_space<vmem>> -> memref<128xi32, #tpu.memory_space<vmem>>
          %dma_wait3A_161 = tpu.memref_slice %arg4[%multiple_of3A_134] : memref<320000xi32, #tpu.memory_space<hbm>> -> memref<128xi32, #tpu.memory_space<hbm>>
          %dma_wait3A_162 = arith.constant 0 : i32
          %dma_wait3A_163 = tpu.memref_slice %arg7[%run_scoped3A_136, %dma_wait3A_162] : memref<2x128xi32, #tpu.memory_space<vmem>> -> memref<1x128xi32, #tpu.memory_space<vmem>>
          %dma_wait3A_164 = tpu.memref_squeeze %dma_wait3A_163 : memref<1x128xi32, #tpu.memory_space<vmem>> -> memref<128xi32, #tpu.memory_space<vmem>>
          %dma_wait3A_165 = tpu.memref_slice %arg4[%multiple_of3A_134] : memref<320000xi32, #tpu.memory_space<hbm>> -> memref<128xi32, #tpu.memory_space<hbm>>
          tpu.wait_dma2 semaphore(%run_scoped3A_149 : memref<!tpu.dma_semaphore, #tpu.memory_space<semaphore_mem>>) src(%dma_wait3A_165 : memref<128xi32, #tpu.memory_space<hbm>>) dst(%dma_wait3A_164 : memref<128xi32, #tpu.memory_space<vmem>>)
          tpu.yield
        }) : () -> ()
        %dma_start3A_137 = arith.constant 1 : i32
        %dma_start3A_138 = arith.constant 1 : i32
        %dma_start3A_139 = arith.constant 0 : i32
        %dma_start3A_140 = arith.constant 0 : i32
        %dma_start3A_141 = tpu.memref_slice %arg8[%dma_start3A_138, %dma_start3A_139, %dma_start3A_140] : memref<2x128x128xf32, #tpu.memory_space<vmem>> -> memref<1x128x128xf32, #tpu.memory_space<vmem>>
        %dma_start3A_142 = tpu.memref_squeeze %dma_start3A_141 : memref<1x128x128xf32, #tpu.memory_space<vmem>> -> memref<128x128xf32, #tpu.memory_space<vmem>>
        %dma_start3A_143 = arith.constant 0 : i32
        %dma_start3A_144 = tpu.memref_slice %arg6[%dma_start3A_137, %dma_start3A_143] : memref<2x128xi32, #tpu.memory_space<vmem>> -> memref<1x128xi32, #tpu.memory_space<vmem>>
        %dma_start3A_145 = tpu.memref_squeeze %dma_start3A_144 : memref<1x128xi32, #tpu.memory_space<vmem>> -> memref<128xi32, #tpu.memory_space<vmem>>
        %dma_start3A_146 = arith.constant 0 : i32
        %dma_start3A_147 = arith.constant 0 : i32
        %dma_start3A_148 = tpu.memref_slice %arg2[%dma_start3A_146, %dma_start3A_147] : memref<10000x128xf32, #tpu.memory_space<hbm>> -> memref<10000x128xf32, #tpu.memory_space<hbm>>
        tpu.enqueue_indirect_dma source(%dma_start3A_148 : memref<10000x128xf32, #tpu.memory_space<hbm>>) target(%dma_start3A_142 : memref<128x128xf32, #tpu.memory_space<vmem>>) offsets(%dma_start3A_145 : memref<128xi32, #tpu.memory_space<vmem>>) semaphore(%arg12 : memref<!tpu.dma_semaphore, #tpu.memory_space<semaphore_mem>>)
      } else {
      }
      %lt3A_104 = arith.constant 2500 : i32
      %lt3A_105 = arith.cmpi slt, %add3A_99, %lt3A_104 : i32
      %convert_element_type3A_106 = arith.extui %lt3A_105 : i1 to i32
      %cond3A_107 = arith.constant 0 : i32
      %cond3A_108 = arith.cmpi ne, %convert_element_type3A_106, %cond3A_107 : i32
      scf.if %cond3A_108 {
        %dma_wait3A_128 = arith.constant 0 : i32
        %dma_wait3A_129 = arith.constant 0 : i32
        %dma_wait3A_130 = arith.constant 0 : i32
        %dma_wait3A_131 = arith.constant 0 : i32
        %dma_wait3A_132 = tpu.memref_slice %arg8[%dma_wait3A_129, %dma_wait3A_130, %dma_wait3A_131] : memref<2x128x128xf32, #tpu.memory_space<vmem>> -> memref<1x128x128xf32, #tpu.memory_space<vmem>>
        %dma_wait3A_133 = tpu.memref_squeeze %dma_wait3A_132 : memref<1x128x128xf32, #tpu.memory_space<vmem>> -> memref<128x128xf32, #tpu.memory_space<vmem>>
        %dma_wait3A_134 = arith.constant 0 : i32
        %dma_wait3A_135 = tpu.memref_slice %arg6[%dma_wait3A_128, %dma_wait3A_134] : memref<2x128xi32, #tpu.memory_space<vmem>> -> memref<1x128xi32, #tpu.memory_space<vmem>>
        %dma_wait3A_136 = tpu.memref_squeeze %dma_wait3A_135 : memref<1x128xi32, #tpu.memory_space<vmem>> -> memref<128xi32, #tpu.memory_space<vmem>>
        %dma_wait3A_137 = arith.constant 0 : i32
        %dma_wait3A_138 = arith.constant 0 : i32
        %dma_wait3A_139 = tpu.memref_slice %arg2[%dma_wait3A_137, %dma_wait3A_138] : memref<10000x128xf32, #tpu.memory_space<hbm>> -> memref<10000x128xf32, #tpu.memory_space<hbm>>
        tpu.wait_indirect_dma semaphore(%arg11 : memref<!tpu.dma_semaphore, #tpu.memory_space<semaphore_mem>>) src(%dma_wait3A_139 : memref<10000x128xf32, #tpu.memory_space<hbm>>) dst(%dma_wait3A_133 : memref<128x128xf32, #tpu.memory_space<vmem>>)
        %dma_start3A_140 = arith.constant 0 : i32
        %dma_start3A_141 = arith.constant 0 : i32
        %dma_start3A_142 = arith.constant 0 : i32
        %dma_start3A_143 = arith.constant 0 : i32
        %dma_start3A_144 = tpu.memref_slice %arg8[%dma_start3A_140, %dma_start3A_142, %dma_start3A_143] : memref<2x128x128xf32, #tpu.memory_space<vmem>> -> memref<1x128x128xf32, #tpu.memory_space<vmem>>
        %dma_start3A_145 = tpu.memref_squeeze %dma_start3A_144 : memref<1x128x128xf32, #tpu.memory_space<vmem>> -> memref<128x128xf32, #tpu.memory_space<vmem>>
        %dma_start3A_146 = arith.constant 0 : i32
        %dma_start3A_147 = tpu.memref_slice %arg7[%dma_start3A_141, %dma_start3A_146] : memref<2x128xi32, #tpu.memory_space<vmem>> -> memref<1x128xi32, #tpu.memory_space<vmem>>
        %dma_start3A_148 = tpu.memref_squeeze %dma_start3A_147 : memref<1x128xi32, #tpu.memory_space<vmem>> -> memref<128xi32, #tpu.memory_space<vmem>>
        %dma_start3A_149 = arith.constant 0 : i32
        %dma_start3A_150 = arith.constant 0 : i32
        %dma_start3A_151 = tpu.memref_slice %arg10[%dma_start3A_149, %dma_start3A_150] : memref<10000x128xf32, #tpu.memory_space<vmem_shared>> -> memref<10000x128xf32, #tpu.memory_space<vmem_shared>>
        tpu.enqueue_indirect_dma source(%dma_start3A_145 : memref<128x128xf32, #tpu.memory_space<vmem>>) target(%dma_start3A_151 : memref<10000x128xf32, #tpu.memory_space<vmem_shared>>) offsets(%dma_start3A_148 : memref<128xi32, #tpu.memory_space<vmem>>) semaphore(%arg13 : memref<!tpu.dma_semaphore, #tpu.memory_space<semaphore_mem>>) {add = true}
      } else {
      }
      %mul3A_109 = arith.constant 2 : i32
      %mul3A_110 = arith.muli %scan3A_92, %mul3A_109 : i32
      %add3A_111 = arith.constant 1 : i32
      %add3A_112 = arith.addi %mul3A_110, %add3A_111 : i32
      %mul3A_113 = arith.constant 32 : i32
      %mul3A_114 = arith.muli %add3A_112, %mul3A_113 : i32
      %add3A_115 = arith.addi %add3A, %mul3A_114 : i32
      %add3A_116 = arith.constant 32 : i32
      %add3A_117 = arith.addi %add3A_115, %add3A_116 : i32
      %lt3A_118 = arith.constant 2500 : i32
      %lt3A_119 = arith.cmpi slt, %add3A_117, %lt3A_118 : i32
      %convert_element_type3A_120 = arith.extui %lt3A_119 : i1 to i32
      %cond3A_121 = arith.constant 0 : i32
      %cond3A_122 = arith.cmpi ne, %convert_element_type3A_120, %cond3A_121 : i32
      scf.if %cond3A_122 {
        %ge3A = arith.constant 1 : i32
        %ge3A_128 = arith.cmpi sge, %add3A_112, %ge3A : i32
        %convert_element_type3A_129 = arith.extui %ge3A_128 : i1 to i32
        %cond3A_130 = arith.constant 0 : i32
        %cond3A_131 = arith.cmpi ne, %convert_element_type3A_129, %cond3A_130 : i32
        scf.if %cond3A_131 {
          %dma_wait3A_149 = arith.constant 0 : i32
          %dma_wait3A_150 = arith.constant 0 : i32
          %dma_wait3A_151 = arith.constant 0 : i32
          %dma_wait3A_152 = arith.constant 0 : i32
          %dma_wait3A_153 = tpu.memref_slice %arg8[%dma_wait3A_149, %dma_wait3A_151, %dma_wait3A_152] : memref<2x128x128xf32, #tpu.memory_space<vmem>> -> memref<1x128x128xf32, #tpu.memory_space<vmem>>
          %dma_wait3A_154 = tpu.memref_squeeze %dma_wait3A_153 : memref<1x128x128xf32, #tpu.memory_space<vmem>> -> memref<128x128xf32, #tpu.memory_space<vmem>>
          %dma_wait3A_155 = arith.constant 0 : i32
          %dma_wait3A_156 = tpu.memref_slice %arg7[%dma_wait3A_150, %dma_wait3A_155] : memref<2x128xi32, #tpu.memory_space<vmem>> -> memref<1x128xi32, #tpu.memory_space<vmem>>
          %dma_wait3A_157 = tpu.memref_squeeze %dma_wait3A_156 : memref<1x128xi32, #tpu.memory_space<vmem>> -> memref<128xi32, #tpu.memory_space<vmem>>
          %dma_wait3A_158 = arith.constant 0 : i32
          %dma_wait3A_159 = arith.constant 0 : i32
          %dma_wait3A_160 = tpu.memref_slice %arg10[%dma_wait3A_158, %dma_wait3A_159] : memref<10000x128xf32, #tpu.memory_space<vmem_shared>> -> memref<10000x128xf32, #tpu.memory_space<vmem_shared>>
          tpu.wait_indirect_dma semaphore(%arg13 : memref<!tpu.dma_semaphore, #tpu.memory_space<semaphore_mem>>) src(%dma_wait3A_154 : memref<128x128xf32, #tpu.memory_space<vmem>>) dst(%dma_wait3A_160 : memref<10000x128xf32, #tpu.memory_space<vmem_shared>>)
        } else {
        }
        %mul3A_132 = arith.constant 128 : i32
        %mul3A_133 = arith.muli %add3A_117, %mul3A_132 : i32
        %multiple_of3A_134 = tpu.assume_multiple %mul3A_133, 128 : i32
        %run_scoped3A_135 = arith.constant 0 : i32
        "tpu.region"() ({
          %run_scoped3A_149 = tpu.sem_alloc : memref<!tpu.dma_semaphore, #tpu.memory_space<semaphore_mem>>
          %dma_start3A_150 = arith.constant 0 : i32
          %dma_start3A_151 = tpu.memref_slice %arg6[%run_scoped3A_135, %dma_start3A_150] : memref<2x128xi32, #tpu.memory_space<vmem>> -> memref<1x128xi32, #tpu.memory_space<vmem>>
          %dma_start3A_152 = tpu.memref_squeeze %dma_start3A_151 : memref<1x128xi32, #tpu.memory_space<vmem>> -> memref<128xi32, #tpu.memory_space<vmem>>
          %dma_start3A_153 = tpu.memref_slice %arg3[%multiple_of3A_134] : memref<320000xi32, #tpu.memory_space<hbm>> -> memref<128xi32, #tpu.memory_space<hbm>>
          %dma_start3A_154 = arith.constant 0 : i32
          %dma_start3A_155 = tpu.memref_slice %arg6[%run_scoped3A_135, %dma_start3A_154] : memref<2x128xi32, #tpu.memory_space<vmem>> -> memref<1x128xi32, #tpu.memory_space<vmem>>
          %dma_start3A_156 = tpu.memref_squeeze %dma_start3A_155 : memref<1x128xi32, #tpu.memory_space<vmem>> -> memref<128xi32, #tpu.memory_space<vmem>>
          %dma_start3A_157 = tpu.memref_slice %arg3[%multiple_of3A_134] : memref<320000xi32, #tpu.memory_space<hbm>> -> memref<128xi32, #tpu.memory_space<hbm>>
          tpu.enqueue_dma source(%dma_start3A_157 : memref<128xi32, #tpu.memory_space<hbm>>) target(%dma_start3A_156 : memref<128xi32, #tpu.memory_space<vmem>>) target_semaphore(%run_scoped3A_149 : memref<!tpu.dma_semaphore, #tpu.memory_space<semaphore_mem>>)
          %dma_wait3A_158 = arith.constant 0 : i32
          %dma_wait3A_159 = tpu.memref_slice %arg6[%run_scoped3A_135, %dma_wait3A_158] : memref<2x128xi32, #tpu.memory_space<vmem>> -> memref<1x128xi32, #tpu.memory_space<vmem>>
          %dma_wait3A_160 = tpu.memref_squeeze %dma_wait3A_159 : memref<1x128xi32, #tpu.memory_space<vmem>> -> memref<128xi32, #tpu.memory_space<vmem>>
          %dma_wait3A_161 = tpu.memref_slice %arg3[%multiple_of3A_134] : memref<320000xi32, #tpu.memory_space<hbm>> -> memref<128xi32, #tpu.memory_space<hbm>>
          %dma_wait3A_162 = arith.constant 0 : i32
          %dma_wait3A_163 = tpu.memref_slice %arg6[%run_scoped3A_135, %dma_wait3A_162] : memref<2x128xi32, #tpu.memory_space<vmem>> -> memref<1x128xi32, #tpu.memory_space<vmem>>
          %dma_wait3A_164 = tpu.memref_squeeze %dma_wait3A_163 : memref<1x128xi32, #tpu.memory_space<vmem>> -> memref<128xi32, #tpu.memory_space<vmem>>
          %dma_wait3A_165 = tpu.memref_slice %arg3[%multiple_of3A_134] : memref<320000xi32, #tpu.memory_space<hbm>> -> memref<128xi32, #tpu.memory_space<hbm>>
          tpu.wait_dma2 semaphore(%run_scoped3A_149 : memref<!tpu.dma_semaphore, #tpu.memory_space<semaphore_mem>>) src(%dma_wait3A_165 : memref<128xi32, #tpu.memory_space<hbm>>) dst(%dma_wait3A_164 : memref<128xi32, #tpu.memory_space<vmem>>)
          tpu.yield
        }) : () -> ()
        %run_scoped3A_136 = arith.constant 0 : i32
        "tpu.region"() ({
          %run_scoped3A_149 = tpu.sem_alloc : memref<!tpu.dma_semaphore, #tpu.memory_space<semaphore_mem>>
          %dma_start3A_150 = arith.constant 0 : i32
          %dma_start3A_151 = tpu.memref_slice %arg7[%run_scoped3A_136, %dma_start3A_150] : memref<2x128xi32, #tpu.memory_space<vmem>> -> memref<1x128xi32, #tpu.memory_space<vmem>>
          %dma_start3A_152 = tpu.memref_squeeze %dma_start3A_151 : memref<1x128xi32, #tpu.memory_space<vmem>> -> memref<128xi32, #tpu.memory_space<vmem>>
          %dma_start3A_153 = tpu.memref_slice %arg4[%multiple_of3A_134] : memref<320000xi32, #tpu.memory_space<hbm>> -> memref<128xi32, #tpu.memory_space<hbm>>
          %dma_start3A_154 = arith.constant 0 : i32
          %dma_start3A_155 = tpu.memref_slice %arg7[%run_scoped3A_136, %dma_start3A_154] : memref<2x128xi32, #tpu.memory_space<vmem>> -> memref<1x128xi32, #tpu.memory_space<vmem>>
          %dma_start3A_156 = tpu.memref_squeeze %dma_start3A_155 : memref<1x128xi32, #tpu.memory_space<vmem>> -> memref<128xi32, #tpu.memory_space<vmem>>
          %dma_start3A_157 = tpu.memref_slice %arg4[%multiple_of3A_134] : memref<320000xi32, #tpu.memory_space<hbm>> -> memref<128xi32, #tpu.memory_space<hbm>>
          tpu.enqueue_dma source(%dma_start3A_157 : memref<128xi32, #tpu.memory_space<hbm>>) target(%dma_start3A_156 : memref<128xi32, #tpu.memory_space<vmem>>) target_semaphore(%run_scoped3A_149 : memref<!tpu.dma_semaphore, #tpu.memory_space<semaphore_mem>>)
          %dma_wait3A_158 = arith.constant 0 : i32
          %dma_wait3A_159 = tpu.memref_slice %arg7[%run_scoped3A_136, %dma_wait3A_158] : memref<2x128xi32, #tpu.memory_space<vmem>> -> memref<1x128xi32, #tpu.memory_space<vmem>>
          %dma_wait3A_160 = tpu.memref_squeeze %dma_wait3A_159 : memref<1x128xi32, #tpu.memory_space<vmem>> -> memref<128xi32, #tpu.memory_space<vmem>>
          %dma_wait3A_161 = tpu.memref_slice %arg4[%multiple_of3A_134] : memref<320000xi32, #tpu.memory_space<hbm>> -> memref<128xi32, #tpu.memory_space<hbm>>
          %dma_wait3A_162 = arith.constant 0 : i32
          %dma_wait3A_163 = tpu.memref_slice %arg7[%run_scoped3A_136, %dma_wait3A_162] : memref<2x128xi32, #tpu.memory_space<vmem>> -> memref<1x128xi32, #tpu.memory_space<vmem>>
          %dma_wait3A_164 = tpu.memref_squeeze %dma_wait3A_163 : memref<1x128xi32, #tpu.memory_space<vmem>> -> memref<128xi32, #tpu.memory_space<vmem>>
          %dma_wait3A_165 = tpu.memref_slice %arg4[%multiple_of3A_134] : memref<320000xi32, #tpu.memory_space<hbm>> -> memref<128xi32, #tpu.memory_space<hbm>>
          tpu.wait_dma2 semaphore(%run_scoped3A_149 : memref<!tpu.dma_semaphore, #tpu.memory_space<semaphore_mem>>) src(%dma_wait3A_165 : memref<128xi32, #tpu.memory_space<hbm>>) dst(%dma_wait3A_164 : memref<128xi32, #tpu.memory_space<vmem>>)
          tpu.yield
        }) : () -> ()
        %dma_start3A_137 = arith.constant 0 : i32
        %dma_start3A_138 = arith.constant 0 : i32
        %dma_start3A_139 = arith.constant 0 : i32
        %dma_start3A_140 = arith.constant 0 : i32
        %dma_start3A_141 = tpu.memref_slice %arg8[%dma_start3A_138, %dma_start3A_139, %dma_start3A_140] : memref<2x128x128xf32, #tpu.memory_space<vmem>> -> memref<1x128x128xf32, #tpu.memory_space<vmem>>
        %dma_start3A_142 = tpu.memref_squeeze %dma_start3A_141 : memref<1x128x128xf32, #tpu.memory_space<vmem>> -> memref<128x128xf32, #tpu.memory_space<vmem>>
        %dma_start3A_143 = arith.constant 0 : i32
        %dma_start3A_144 = tpu.memref_slice %arg6[%dma_start3A_137, %dma_start3A_143] : memref<2x128xi32, #tpu.memory_space<vmem>> -> memref<1x128xi32, #tpu.memory_space<vmem>>
        %dma_start3A_145 = tpu.memref_squeeze %dma_start3A_144 : memref<1x128xi32, #tpu.memory_space<vmem>> -> memref<128xi32, #tpu.memory_space<vmem>>
        %dma_start3A_146 = arith.constant 0 : i32
        %dma_start3A_147 = arith.constant 0 : i32
        %dma_start3A_148 = tpu.memref_slice %arg2[%dma_start3A_146, %dma_start3A_147] : memref<10000x128xf32, #tpu.memory_space<hbm>> -> memref<10000x128xf32, #tpu.memory_space<hbm>>
        tpu.enqueue_indirect_dma source(%dma_start3A_148 : memref<10000x128xf32, #tpu.memory_space<hbm>>) target(%dma_start3A_142 : memref<128x128xf32, #tpu.memory_space<vmem>>) offsets(%dma_start3A_145 : memref<128xi32, #tpu.memory_space<vmem>>) semaphore(%arg11 : memref<!tpu.dma_semaphore, #tpu.memory_space<semaphore_mem>>)
      } else {
      }
      %lt3A_123 = arith.constant 2500 : i32
      %lt3A_124 = arith.cmpi slt, %add3A_115, %lt3A_123 : i32
      %convert_element_type3A_125 = arith.extui %lt3A_124 : i1 to i32
      %cond3A_126 = arith.constant 0 : i32
      %cond3A_127 = arith.cmpi ne, %convert_element_type3A_125, %cond3A_126 : i32
      scf.if %cond3A_127 {
        %dma_wait3A_128 = arith.constant 1 : i32
        %dma_wait3A_129 = arith.constant 1 : i32
        %dma_wait3A_130 = arith.constant 0 : i32
        %dma_wait3A_131 = arith.constant 0 : i32
        %dma_wait3A_132 = tpu.memref_slice %arg8[%dma_wait3A_129, %dma_wait3A_130, %dma_wait3A_131] : memref<2x128x128xf32, #tpu.memory_space<vmem>> -> memref<1x128x128xf32, #tpu.memory_space<vmem>>
        %dma_wait3A_133 = tpu.memref_squeeze %dma_wait3A_132 : memref<1x128x128xf32, #tpu.memory_space<vmem>> -> memref<128x128xf32, #tpu.memory_space<vmem>>
        %dma_wait3A_134 = arith.constant 0 : i32
        %dma_wait3A_135 = tpu.memref_slice %arg6[%dma_wait3A_128, %dma_wait3A_134] : memref<2x128xi32, #tpu.memory_space<vmem>> -> memref<1x128xi32, #tpu.memory_space<vmem>>
        %dma_wait3A_136 = tpu.memref_squeeze %dma_wait3A_135 : memref<1x128xi32, #tpu.memory_space<vmem>> -> memref<128xi32, #tpu.memory_space<vmem>>
        %dma_wait3A_137 = arith.constant 0 : i32
        %dma_wait3A_138 = arith.constant 0 : i32
        %dma_wait3A_139 = tpu.memref_slice %arg2[%dma_wait3A_137, %dma_wait3A_138] : memref<10000x128xf32, #tpu.memory_space<hbm>> -> memref<10000x128xf32, #tpu.memory_space<hbm>>
        tpu.wait_indirect_dma semaphore(%arg12 : memref<!tpu.dma_semaphore, #tpu.memory_space<semaphore_mem>>) src(%dma_wait3A_139 : memref<10000x128xf32, #tpu.memory_space<hbm>>) dst(%dma_wait3A_133 : memref<128x128xf32, #tpu.memory_space<vmem>>)
        %dma_start3A_140 = arith.constant 1 : i32
        %dma_start3A_141 = arith.constant 1 : i32
        %dma_start3A_142 = arith.constant 0 : i32
        %dma_start3A_143 = arith.constant 0 : i32
        %dma_start3A_144 = tpu.memref_slice %arg8[%dma_start3A_140, %dma_start3A_142, %dma_start3A_143] : memref<2x128x128xf32, #tpu.memory_space<vmem>> -> memref<1x128x128xf32, #tpu.memory_space<vmem>>
        %dma_start3A_145 = tpu.memref_squeeze %dma_start3A_144 : memref<1x128x128xf32, #tpu.memory_space<vmem>> -> memref<128x128xf32, #tpu.memory_space<vmem>>
        %dma_start3A_146 = arith.constant 0 : i32
        %dma_start3A_147 = tpu.memref_slice %arg7[%dma_start3A_141, %dma_start3A_146] : memref<2x128xi32, #tpu.memory_space<vmem>> -> memref<1x128xi32, #tpu.memory_space<vmem>>
        %dma_start3A_148 = tpu.memref_squeeze %dma_start3A_147 : memref<1x128xi32, #tpu.memory_space<vmem>> -> memref<128xi32, #tpu.memory_space<vmem>>
        %dma_start3A_149 = arith.constant 0 : i32
        %dma_start3A_150 = arith.constant 0 : i32
        %dma_start3A_151 = tpu.memref_slice %arg10[%dma_start3A_149, %dma_start3A_150] : memref<10000x128xf32, #tpu.memory_space<vmem_shared>> -> memref<10000x128xf32, #tpu.memory_space<vmem_shared>>
        tpu.enqueue_indirect_dma source(%dma_start3A_145 : memref<128x128xf32, #tpu.memory_space<vmem>>) target(%dma_start3A_151 : memref<10000x128xf32, #tpu.memory_space<vmem_shared>>) offsets(%dma_start3A_148 : memref<128xi32, #tpu.memory_space<vmem>>) semaphore(%arg14 : memref<!tpu.dma_semaphore, #tpu.memory_space<semaphore_mem>>) {add = true}
      } else {
      }
    }
    %scan3A_57 = arith.constant 40 : i32
    %dma_wait3A = arith.constant 0 : i32
    %dma_wait3A_58 = arith.constant 0 : i32
    %dma_wait3A_59 = arith.constant 0 : i32
    %dma_wait3A_60 = arith.constant 0 : i32
    %dma_wait3A_61 = tpu.memref_slice %arg8[%dma_wait3A, %dma_wait3A_59, %dma_wait3A_60] : memref<2x128x128xf32, #tpu.memory_space<vmem>> -> memref<1x128x128xf32, #tpu.memory_space<vmem>>
    %dma_wait3A_62 = tpu.memref_squeeze %dma_wait3A_61 : memref<1x128x128xf32, #tpu.memory_space<vmem>> -> memref<128x128xf32, #tpu.memory_space<vmem>>
    %dma_wait3A_63 = arith.constant 0 : i32
    %dma_wait3A_64 = tpu.memref_slice %arg7[%dma_wait3A_58, %dma_wait3A_63] : memref<2x128xi32, #tpu.memory_space<vmem>> -> memref<1x128xi32, #tpu.memory_space<vmem>>
    %dma_wait3A_65 = tpu.memref_squeeze %dma_wait3A_64 : memref<1x128xi32, #tpu.memory_space<vmem>> -> memref<128xi32, #tpu.memory_space<vmem>>
    %dma_wait3A_66 = arith.constant 0 : i32
    %dma_wait3A_67 = arith.constant 0 : i32
    %dma_wait3A_68 = tpu.memref_slice %arg10[%dma_wait3A_66, %dma_wait3A_67] : memref<10000x128xf32, #tpu.memory_space<vmem_shared>> -> memref<10000x128xf32, #tpu.memory_space<vmem_shared>>
    tpu.wait_indirect_dma semaphore(%arg13 : memref<!tpu.dma_semaphore, #tpu.memory_space<semaphore_mem>>) src(%dma_wait3A_62 : memref<128x128xf32, #tpu.memory_space<vmem>>) dst(%dma_wait3A_68 : memref<10000x128xf32, #tpu.memory_space<vmem_shared>>)
    %dma_wait3A_69 = arith.constant 1 : i32
    %dma_wait3A_70 = arith.constant 1 : i32
    %dma_wait3A_71 = arith.constant 0 : i32
    %dma_wait3A_72 = arith.constant 0 : i32
    %dma_wait3A_73 = tpu.memref_slice %arg8[%dma_wait3A_69, %dma_wait3A_71, %dma_wait3A_72] : memref<2x128x128xf32, #tpu.memory_space<vmem>> -> memref<1x128x128xf32, #tpu.memory_space<vmem>>
    %dma_wait3A_74 = tpu.memref_squeeze %dma_wait3A_73 : memref<1x128x128xf32, #tpu.memory_space<vmem>> -> memref<128x128xf32, #tpu.memory_space<vmem>>
    %dma_wait3A_75 = arith.constant 0 : i32
    %dma_wait3A_76 = tpu.memref_slice %arg7[%dma_wait3A_70, %dma_wait3A_75] : memref<2x128xi32, #tpu.memory_space<vmem>> -> memref<1x128xi32, #tpu.memory_space<vmem>>
    %dma_wait3A_77 = tpu.memref_squeeze %dma_wait3A_76 : memref<1x128xi32, #tpu.memory_space<vmem>> -> memref<128xi32, #tpu.memory_space<vmem>>
    %dma_wait3A_78 = arith.constant 0 : i32
    %dma_wait3A_79 = arith.constant 0 : i32
    %dma_wait3A_80 = tpu.memref_slice %arg10[%dma_wait3A_78, %dma_wait3A_79] : memref<10000x128xf32, #tpu.memory_space<vmem_shared>> -> memref<10000x128xf32, #tpu.memory_space<vmem_shared>>
    tpu.wait_indirect_dma semaphore(%arg14 : memref<!tpu.dma_semaphore, #tpu.memory_space<semaphore_mem>>) src(%dma_wait3A_74 : memref<128x128xf32, #tpu.memory_space<vmem>>) dst(%dma_wait3A_80 : memref<10000x128xf32, #tpu.memory_space<vmem_shared>>)
    %barrier3A_81 = arith.constant 0 : index
    tpu.barrier barrier_id(%barrier3A_81)
    %while3A_82 = arith.constant 0 : i32
    %while3A_83 = arith.constant 0 : i32
    %while3A_84 = arith.subi %select_n3A, %while3A_83 : i32
    %while3A_85 = arith.addi %while3A_83, %while3A_84 : i32
    %while3A_86 = arith.constant 1 : i32
    %while3A_87 = arith.divsi %while3A_84, %while3A_86 : i32
    %while3A_88 = arith.muli %while3A_87, %while3A_86 : i32
    %while3A_89 = arith.addi %while3A_83, %while3A_88 : i32
    %while3A_90 = arith.constant 1 : i32
    scf.for %while3A_92 = %while3A_83 to %while3A_89 step %while3A_90  : i32 {
      %mul3A_93 = arith.constant 16 : i32
      %mul3A_94 = arith.muli %while3A_92, %mul3A_93 : i32
      %add3A_95 = arith.addi %arg1, %mul3A_94 : i32
      %mul3A_96 = arith.constant 80 : i32
      %mul3A_97 = arith.muli %add3A_95, %mul3A_96 : i32
      %multiple_of3A_98 = tpu.assume_multiple %mul3A_97, 80 : i32
      %mul3A_99 = arith.constant 10000 : i32
      %mul3A_100 = arith.muli %arg0, %mul3A_99 : i32
      %mul3A_101 = arith.constant 16 : i32
      %mul3A_102 = arith.muli %while3A_92, %mul3A_101 : i32
      %add3A_103 = arith.addi %arg1, %mul3A_102 : i32
      %mul3A_104 = arith.constant 80 : i32
      %mul3A_105 = arith.muli %add3A_103, %mul3A_104 : i32
      %add3A_106 = arith.addi %mul3A_100, %mul3A_105 : i32
      %multiple_of3A_107 = tpu.assume_multiple %add3A_106, 80 : i32
      "tpu.region"() ({
        %run_scoped3A_108 = tpu.sem_alloc : memref<!tpu.dma_semaphore, #tpu.memory_space<semaphore_mem>>
        %dma_start3A_109 = arith.constant 0 : i32
        %dma_start3A_110 = tpu.memref_slice %arg5[%multiple_of3A_107, %dma_start3A_109] : memref<20000x128xf32, #tpu.memory_space<hbm>> -> memref<80x128xf32, #tpu.memory_space<hbm>>
        %dma_start3A_111 = arith.constant 0 : i32
        %dma_start3A_112 = tpu.memref_slice %arg10[%multiple_of3A_98, %dma_start3A_111] : memref<10000x128xf32, #tpu.memory_space<vmem_shared>> -> memref<80x128xf32, #tpu.memory_space<vmem_shared>>
        tpu.enqueue_dma source(%dma_start3A_112 : memref<80x128xf32, #tpu.memory_space<vmem_shared>>) target(%dma_start3A_110 : memref<80x128xf32, #tpu.memory_space<hbm>>) target_semaphore(%run_scoped3A_108 : memref<!tpu.dma_semaphore, #tpu.memory_space<semaphore_mem>>)
        %dma_wait3A_113 = arith.constant 0 : i32
        %dma_wait3A_114 = tpu.memref_slice %arg5[%multiple_of3A_107, %dma_wait3A_113] : memref<20000x128xf32, #tpu.memory_space<hbm>> -> memref<80x128xf32, #tpu.memory_space<hbm>>
        %dma_wait3A_115 = arith.constant 0 : i32
        %dma_wait3A_116 = tpu.memref_slice %arg10[%multiple_of3A_98, %dma_wait3A_115] : memref<10000x128xf32, #tpu.memory_space<vmem_shared>> -> memref<80x128xf32, #tpu.memory_space<vmem_shared>>
        tpu.wait_dma2 semaphore(%run_scoped3A_108 : memref<!tpu.dma_semaphore, #tpu.memory_space<semaphore_mem>>) src(%dma_wait3A_116 : memref<80x128xf32, #tpu.memory_space<vmem_shared>>) dst(%dma_wait3A_114 : memref<80x128xf32, #tpu.memory_space<hbm>>)
        tpu.yield
      }) : () -> ()
    }
    %while3A_91 = arith.constant 1 : i32
    scf.for %while3A_92 = %while3A_89 to %while3A_85 step %while3A_91  : i32 {
      %mul3A_93 = arith.constant 16 : i32
      %mul3A_94 = arith.muli %while3A_92, %mul3A_93 : i32
      %add3A_95 = arith.addi %arg1, %mul3A_94 : i32
      %mul3A_96 = arith.constant 80 : i32
      %mul3A_97 = arith.muli %add3A_95, %mul3A_96 : i32
      %multiple_of3A_98 = tpu.assume_multiple %mul3A_97, 80 : i32
      %mul3A_99 = arith.constant 10000 : i32
      %mul3A_100 = arith.muli %arg0, %mul3A_99 : i32
      %mul3A_101 = arith.constant 16 : i32
      %mul3A_102 = arith.muli %while3A_92, %mul3A_101 : i32
      %add3A_103 = arith.addi %arg1, %mul3A_102 : i32
      %mul3A_104 = arith.constant 80 : i32
      %mul3A_105 = arith.muli %add3A_103, %mul3A_104 : i32
      %add3A_106 = arith.addi %mul3A_100, %mul3A_105 : i32
      %multiple_of3A_107 = tpu.assume_multiple %add3A_106, 80 : i32
      "tpu.region"() ({
        %run_scoped3A_108 = tpu.sem_alloc : memref<!tpu.dma_semaphore, #tpu.memory_space<semaphore_mem>>
        %dma_start3A_109 = arith.constant 0 : i32
        %dma_start3A_110 = tpu.memref_slice %arg5[%multiple_of3A_107, %dma_start3A_109] : memref<20000x128xf32, #tpu.memory_space<hbm>> -> memref<80x128xf32, #tpu.memory_space<hbm>>
        %dma_start3A_111 = arith.constant 0 : i32
        %dma_start3A_112 = tpu.memref_slice %arg10[%multiple_of3A_98, %dma_start3A_111] : memref<10000x128xf32, #tpu.memory_space<vmem_shared>> -> memref<80x128xf32, #tpu.memory_space<vmem_shared>>
        tpu.enqueue_dma source(%dma_start3A_112 : memref<80x128xf32, #tpu.memory_space<vmem_shared>>) target(%dma_start3A_110 : memref<80x128xf32, #tpu.memory_space<hbm>>) target_semaphore(%run_scoped3A_108 : memref<!tpu.dma_semaphore, #tpu.memory_space<semaphore_mem>>)
        %dma_wait3A_113 = arith.constant 0 : i32
        %dma_wait3A_114 = tpu.memref_slice %arg5[%multiple_of3A_107, %dma_wait3A_113] : memref<20000x128xf32, #tpu.memory_space<hbm>> -> memref<80x128xf32, #tpu.memory_space<hbm>>
        %dma_wait3A_115 = arith.constant 0 : i32
        %dma_wait3A_116 = tpu.memref_slice %arg10[%multiple_of3A_98, %dma_wait3A_115] : memref<10000x128xf32, #tpu.memory_space<vmem_shared>> -> memref<80x128xf32, #tpu.memory_space<vmem_shared>>
        tpu.wait_dma2 semaphore(%run_scoped3A_108 : memref<!tpu.dma_semaphore, #tpu.memory_space<semaphore_mem>>) src(%dma_wait3A_116 : memref<80x128xf32, #tpu.memory_space<vmem_shared>>) dst(%dma_wait3A_114 : memref<80x128xf32, #tpu.memory_space<hbm>>)
        tpu.yield
      }) : () -> ()
    }
    return
  }
}

module attributes {stable_mosaic.version = 14 : i64} {
  func.func @_k1_body(%arg0: i32, %arg1: memref<1000x128xf32, #tpu.memory_space<vmem>>, %arg2: memref<1000x16xi32, #tpu.memory_space<vmem>>, %arg3: memref<16x32xf32, #tpu.memory_space<vmem>>, %arg4: memref<128x128xf32, #tpu.memory_space<vmem>>, %arg5: memref<128x128xf32, #tpu.memory_space<vmem>>, %arg6: memref<32x128xf32, #tpu.memory_space<vmem>>, %arg7: memref<1x128xf32, #tpu.memory_space<vmem>>, %arg8: memref<1000x128xf32, #tpu.memory_space<vmem>>, %arg9: memref<1000x128xf32, #tpu.memory_space<vmem>>) attributes {dimension_semantics = [#tpu.dimension_semantics<arbitrary>], iteration_bounds = array<i64: 10>, scalar_prefetch = 0 : i64, scratch_operands = 0 : i64, tpu.core_type = #tpu.core_type<tc>, window_params = [{transform_indices = @transform_0, window_bounds = array<i64: 1000, 128>}, {transform_indices = @transform_1, window_bounds = array<i64: 1000, 16>}, {pipeline_mode = #tpu.pipeline_mode<synchronous>, transform_indices = @transform_2, window_bounds = array<i64: 16, 32>}, {pipeline_mode = #tpu.pipeline_mode<synchronous>, transform_indices = @transform_3, window_bounds = array<i64: 128, 128>}, {pipeline_mode = #tpu.pipeline_mode<synchronous>, transform_indices = @transform_4, window_bounds = array<i64: 128, 128>}, {pipeline_mode = #tpu.pipeline_mode<synchronous>, transform_indices = @transform_5, window_bounds = array<i64: 32, 128>}, {pipeline_mode = #tpu.pipeline_mode<synchronous>, transform_indices = @transform_6, window_bounds = array<i64: 1, 128>}, {transform_indices = @transform_7, window_bounds = array<i64: 1000, 128>}, {transform_indices = @transform_8, window_bounds = array<i64: 1000, 128>}]} {
    %get3A = arith.constant 0 : index
    %get3A_0 = arith.constant 0 : index
    %get3A_1 = vector.load %arg1[%get3A, %get3A_0] : memref<1000x128xf32, #tpu.memory_space<vmem>>, vector<1000x128xf32>
    %get3A_2 = arith.constant 0 : index
    %get3A_3 = arith.constant 0 : index
    %get3A_4 = vector.load %arg3[%get3A_2, %get3A_3] : memref<16x32xf32, #tpu.memory_space<vmem>>, vector<16x32xf32>
    %get3A_5 = arith.constant 0 : index
    %get3A_6 = arith.constant 0 : index
    %get3A_7 = vector.load %arg6[%get3A_5, %get3A_6] : memref<32x128xf32, #tpu.memory_space<vmem>>, vector<32x128xf32>
    %dot_general3A = arith.constant dense<0.000000e+00> : vector<16x128xf32>
    %dot_general3A_8 = tpu.matmul %get3A_4, %get3A_7, %dot_general3A {dimension_numbers = #tpu.dot_dimension_numbers<[1], [0], [0], [1], [0, 0, 1, 1], [], []>, transpose_lhs_hint = false} : vector<16x32xf32>, vector<32x128xf32>, vector<16x128xf32> -> vector<16x128xf32>
    %iota3A = tpu.iota {dimensions = array<i32: 1>} : vector<1000x16xi32>
    %get3A_9 = arith.constant 0 : index
    %get3A_10 = arith.constant 0 : index
    %get3A_11 = vector.load %arg2[%get3A_9, %get3A_10] : memref<1000x16xi32, #tpu.memory_space<vmem>>, vector<1000x16xi32>
    %eq3A = arith.cmpi eq, %get3A_11, %iota3A : vector<1000x16xi32>
    %convert_element_type3A = arith.extui %eq3A : vector<1000x16xi1> to vector<1000x16xi32>
    %convert_element_type3A_12 = arith.sitofp %convert_element_type3A : vector<1000x16xi32> to vector<1000x16xf32>
    %get3A_13 = arith.constant 0 : index
    %get3A_14 = arith.constant 0 : index
    %get3A_15 = vector.load %arg4[%get3A_13, %get3A_14] : memref<128x128xf32, #tpu.memory_space<vmem>>, vector<128x128xf32>
    %dot_general3A_16 = arith.constant dense<0.000000e+00> : vector<1000x128xf32>
    %dot_general3A_17 = tpu.matmul %get3A_1, %get3A_15, %dot_general3A_16 {dimension_numbers = #tpu.dot_dimension_numbers<[1], [0], [0], [1], [0, 0, 1, 1], [], []>, transpose_lhs_hint = false} : vector<1000x128xf32>, vector<128x128xf32>, vector<1000x128xf32> -> vector<1000x128xf32>
    %dot_general3A_18 = arith.constant dense<0.000000e+00> : vector<1000x128xf32>
    %dot_general3A_19 = tpu.matmul %convert_element_type3A_12, %dot_general3A_8, %dot_general3A_18 {dimension_numbers = #tpu.dot_dimension_numbers<[1], [0], [0], [1], [0, 0, 1, 1], [], []>, transpose_lhs_hint = false} : vector<1000x16xf32>, vector<16x128xf32>, vector<1000x128xf32> -> vector<1000x128xf32>
    %add3A = arith.addf %dot_general3A_17, %dot_general3A_19 : vector<1000x128xf32>
    %get3A_20 = arith.constant 0 : index
    %get3A_21 = arith.constant 0 : index
    %get3A_22 = vector.load %arg7[%get3A_20, %get3A_21] : memref<1x128xf32, #tpu.memory_space<vmem>>, vector<1x128xf32>
    %add3A_23 = vector.broadcast %get3A_22 : vector<1x128xf32> to vector<1000x128xf32>
    %add3A_24 = arith.addf %add3A, %add3A_23 : vector<1000x128xf32>
    %swap3A = arith.constant 0 : index
    %swap3A_25 = arith.constant 0 : index
    %swap3A_26 = vector.load %arg8[%swap3A, %swap3A_25] : memref<1000x128xf32, #tpu.memory_space<vmem>>, vector<1000x128xf32>
    tpu.vector_store %arg8[%swap3A, %swap3A_25], %add3A_24 {strides = array<i32>} : memref<1000x128xf32, #tpu.memory_space<vmem>>, vector<1000x128xf32>,
    %get3A_27 = arith.constant 0 : index
    %get3A_28 = arith.constant 0 : index
    %get3A_29 = vector.load %arg5[%get3A_27, %get3A_28] : memref<128x128xf32, #tpu.memory_space<vmem>>, vector<128x128xf32>
    %dot_general3A_30 = arith.constant dense<0.000000e+00> : vector<1000x128xf32>
    %dot_general3A_31 = tpu.matmul %get3A_1, %get3A_29, %dot_general3A_30 {dimension_numbers = #tpu.dot_dimension_numbers<[1], [0], [0], [1], [0, 0, 1, 1], [], []>, transpose_lhs_hint = false} : vector<1000x128xf32>, vector<128x128xf32>, vector<1000x128xf32> -> vector<1000x128xf32>
    %swap3A_32 = arith.constant 0 : index
    %swap3A_33 = arith.constant 0 : index
    %swap3A_34 = vector.load %arg9[%swap3A_32, %swap3A_33] : memref<1000x128xf32, #tpu.memory_space<vmem>>, vector<1000x128xf32>
    tpu.vector_store %arg9[%swap3A_32, %swap3A_33], %dot_general3A_31 {strides = array<i32>} : memref<1000x128xf32, #tpu.memory_space<vmem>>, vector<1000x128xf32>,
    return
  }
  func.func @transform_0(%arg0: i32) -> (i32, i32) {
    %c0_i32 = arith.constant 0 : i32
    %c0_i32_0 = arith.constant 0 : i32
    return %arg0, %c0_i32 : i32, i32
  }
  func.func @transform_1(%arg0: i32) -> (i32, i32) {
    %c0_i32 = arith.constant 0 : i32
    %c0_i32_0 = arith.constant 0 : i32
    return %arg0, %c0_i32 : i32, i32
  }
  func.func @transform_2(%arg0: i32) -> (i32, i32) {
    %c0_i32 = arith.constant 0 : i32
    %c0_i32_0 = arith.constant 0 : i32
    %c0_i32_1 = arith.constant 0 : i32
    return %c0_i32, %c0_i32_0 : i32, i32
  }
  func.func @transform_3(%arg0: i32) -> (i32, i32) {
    %c0_i32 = arith.constant 0 : i32
    %c0_i32_0 = arith.constant 0 : i32
    %c0_i32_1 = arith.constant 0 : i32
    return %c0_i32, %c0_i32_0 : i32, i32
  }
  func.func @transform_4(%arg0: i32) -> (i32, i32) {
    %c0_i32 = arith.constant 0 : i32
    %c0_i32_0 = arith.constant 0 : i32
    %c0_i32_1 = arith.constant 0 : i32
    return %c0_i32, %c0_i32_0 : i32, i32
  }
  func.func @transform_5(%arg0: i32) -> (i32, i32) {
    %c0_i32 = arith.constant 0 : i32
    %c0_i32_0 = arith.constant 0 : i32
    %c0_i32_1 = arith.constant 0 : i32
    return %c0_i32, %c0_i32_0 : i32, i32
  }
  func.func @transform_6(%arg0: i32) -> (i32, i32) {
    %c0_i32 = arith.constant 0 : i32
    %c0_i32_0 = arith.constant 0 : i32
    %c0_i32_1 = arith.constant 0 : i32
    return %c0_i32, %c0_i32_0 : i32, i32
  }
  func.func @transform_7(%arg0: i32) -> (i32, i32) {
    %c0_i32 = arith.constant 0 : i32
    %c0_i32_0 = arith.constant 0 : i32
    return %arg0, %c0_i32 : i32, i32
  }
  func.func @transform_8(%arg0: i32) -> (i32, i32) {
    %c0_i32 = arith.constant 0 : i32
    %c0_i32_0 = arith.constant 0 : i32
    return %arg0, %c0_i32 : i32, i32
  }
}

module attributes {stable_mosaic.version = 14 : i64} {
  func.func @_k3_body(%arg0: i32, %arg1: memref<2000x128xf32, #tpu.memory_space<vmem>>, %arg2: memref<2000x16xf32, #tpu.memory_space<vmem>>, %arg3: memref<16x128xf32, #tpu.memory_space<vmem>>, %arg4: memref<128x16xf32, #tpu.memory_space<vmem>>, %arg5: memref<1x16xf32, #tpu.memory_space<vmem>>, %arg6: memref<2000x16xf32, #tpu.memory_space<vmem>>) attributes {dimension_semantics = [#tpu.dimension_semantics<arbitrary>], iteration_bounds = array<i64: 160>, scalar_prefetch = 0 : i64, scratch_operands = 0 : i64, tpu.core_type = #tpu.core_type<tc>, window_params = [{transform_indices = @transform_0, window_bounds = array<i64: 2000, 128>}, {transform_indices = @transform_1, window_bounds = array<i64: 2000, 16>}, {pipeline_mode = #tpu.pipeline_mode<synchronous>, transform_indices = @transform_2, window_bounds = array<i64: 16, 128>}, {pipeline_mode = #tpu.pipeline_mode<synchronous>, transform_indices = @transform_3, window_bounds = array<i64: 128, 16>}, {pipeline_mode = #tpu.pipeline_mode<synchronous>, transform_indices = @transform_4, window_bounds = array<i64: 1, 16>}, {transform_indices = @transform_5, window_bounds = array<i64: 2000, 16>}]} {
    %get3A = arith.constant 0 : index
    %get3A_0 = arith.constant 0 : index
    %get3A_1 = vector.load %arg1[%get3A, %get3A_0] : memref<2000x128xf32, #tpu.memory_space<vmem>>, vector<2000x128xf32>
    %get3A_2 = arith.constant 0 : index
    %get3A_3 = arith.constant 0 : index
    %get3A_4 = vector.load %arg2[%get3A_2, %get3A_3] : memref<2000x16xf32, #tpu.memory_space<vmem>>, vector<2000x16xf32>
    %get3A_5 = arith.constant 0 : index
    %get3A_6 = arith.constant 0 : index
    %get3A_7 = vector.load %arg3[%get3A_5, %get3A_6] : memref<16x128xf32, #tpu.memory_space<vmem>>, vector<16x128xf32>
    %dot_general3A = arith.constant dense<0.000000e+00> : vector<2000x128xf32>
    %dot_general3A_8 = tpu.matmul %get3A_4, %get3A_7, %dot_general3A {dimension_numbers = #tpu.dot_dimension_numbers<[1], [0], [0], [1], [0, 0, 1, 1], [], []>, transpose_lhs_hint = false} : vector<2000x16xf32>, vector<16x128xf32>, vector<2000x128xf32> -> vector<2000x128xf32>
    %add3A = arith.addf %get3A_1, %dot_general3A_8 : vector<2000x128xf32>
    %max3A = arith.constant 0.000000e+00 : f32
    %max3A_9 = vector.broadcast %max3A : f32 to vector<2000x128xf32>
    %max3A_10 = arith.maximumf %add3A, %max3A_9 : vector<2000x128xf32>
    %get3A_11 = arith.constant 0 : index
    %get3A_12 = arith.constant 0 : index
    %get3A_13 = vector.load %arg4[%get3A_11, %get3A_12] : memref<128x16xf32, #tpu.memory_space<vmem>>, vector<128x16xf32>
    %dot_general3A_14 = arith.constant dense<0.000000e+00> : vector<2000x16xf32>
    %dot_general3A_15 = tpu.matmul %max3A_10, %get3A_13, %dot_general3A_14 {dimension_numbers = #tpu.dot_dimension_numbers<[1], [0], [0], [1], [0, 0, 1, 1], [], []>, transpose_lhs_hint = false} : vector<2000x128xf32>, vector<128x16xf32>, vector<2000x16xf32> -> vector<2000x16xf32>
    %get3A_16 = arith.constant 0 : index
    %get3A_17 = arith.constant 0 : index
    %get3A_18 = vector.load %arg5[%get3A_16, %get3A_17] : memref<1x16xf32, #tpu.memory_space<vmem>>, vector<1x16xf32>
    %add3A_19 = vector.broadcast %get3A_18 : vector<1x16xf32> to vector<2000x16xf32>
    %add3A_20 = arith.addf %dot_general3A_15, %add3A_19 : vector<2000x16xf32>
    %swap3A = arith.constant 0 : index
    %swap3A_21 = arith.constant 0 : index
    %swap3A_22 = vector.load %arg6[%swap3A, %swap3A_21] : memref<2000x16xf32, #tpu.memory_space<vmem>>, vector<2000x16xf32>
    tpu.vector_store %arg6[%swap3A, %swap3A_21], %add3A_20 {strides = array<i32>} : memref<2000x16xf32, #tpu.memory_space<vmem>>, vector<2000x16xf32>,
    return
  }
  func.func @transform_0(%arg0: i32) -> (i32, i32) {
    %c0_i32 = arith.constant 0 : i32
    %c0_i32_0 = arith.constant 0 : i32
    return %arg0, %c0_i32 : i32, i32
  }
  func.func @transform_1(%arg0: i32) -> (i32, i32) {
    %c0_i32 = arith.constant 0 : i32
    %c0_i32_0 = arith.constant 0 : i32
    return %arg0, %c0_i32 : i32, i32
  }
  func.func @transform_2(%arg0: i32) -> (i32, i32) {
    %c0_i32 = arith.constant 0 : i32
    %c0_i32_0 = arith.constant 0 : i32
    %c0_i32_1 = arith.constant 0 : i32
    return %c0_i32, %c0_i32_0 : i32, i32
  }
  func.func @transform_3(%arg0: i32) -> (i32, i32) {
    %c0_i32 = arith.constant 0 : i32
    %c0_i32_0 = arith.constant 0 : i32
    %c0_i32_1 = arith.constant 0 : i32
    return %c0_i32, %c0_i32_0 : i32, i32
  }
  func.func @transform_4(%arg0: i32) -> (i32, i32) {
    %c0_i32 = arith.constant 0 : i32
    %c0_i32_0 = arith.constant 0 : i32
    %c0_i32_1 = arith.constant 0 : i32
    return %c0_i32, %c0_i32_0 : i32, i32
  }
  func.func @transform_5(%arg0: i32) -> (i32, i32) {
    %c0_i32 = arith.constant 0 : i32
    %c0_i32_0 = arith.constant 0 : i32
    return %arg0, %c0_i32 : i32, i32
  }
}

module attributes {stable_mosaic.version = 14 : i64} {
  func.func @_k5_body(%arg0: i32, %arg1: memref<1000x128xf32, #tpu.memory_space<vmem>>, %arg2: memref<1000x16xi32, #tpu.memory_space<vmem>>, %arg3: memref<16x32xf32, #tpu.memory_space<vmem>>, %arg4: memref<1000x128xf32, #tpu.memory_space<vmem>>, %arg5: memref<1000x128xf32, #tpu.memory_space<vmem>>, %arg6: memref<1000x128xf32, #tpu.memory_space<vmem>>, %arg7: memref<1000x128xf32, #tpu.memory_space<vmem>>, %arg8: memref<1000x128xf32, #tpu.memory_space<vmem>>, %arg9: memref<1000x128xf32, #tpu.memory_space<vmem>>, %arg10: memref<128x128xf32, #tpu.memory_space<vmem>>, %arg11: memref<16x128xf32, #tpu.memory_space<vmem>>, %arg12: memref<1x128xf32, #tpu.memory_space<vmem>>, %arg13: memref<128x128xf32, #tpu.memory_space<vmem>>, %arg14: memref<1x128xf32, #tpu.memory_space<vmem>>, %arg15: memref<128x128xf32, #tpu.memory_space<vmem>>, %arg16: memref<128x128xf32, #tpu.memory_space<vmem>>, %arg17: memref<32x128xf32, #tpu.memory_space<vmem>>, %arg18: memref<1x128xf32, #tpu.memory_space<vmem>>, %arg19: memref<128x128xf32, #tpu.memory_space<vmem>>, %arg20: memref<1x128xf32, #tpu.memory_space<vmem>>, %arg21: memref<32x128xf32, #tpu.memory_space<vmem>>, %arg22: memref<128x128xf32, #tpu.memory_space<vmem>>, %arg23: memref<16x128xf32, #tpu.memory_space<vmem>>, %arg24: memref<1x128xf32, #tpu.memory_space<vmem>>, %arg25: memref<128x32xf32, #tpu.memory_space<vmem>>, %arg26: memref<1x32xf32, #tpu.memory_space<vmem>>, %arg27: memref<1000x128xf32, #tpu.memory_space<vmem>>, %arg28: memref<16x32xf32, #tpu.memory_space<vmem>>, %arg29: memref<16x128xf32, #tpu.memory_space<vmem>>, %arg30: memref<16x16xf32, #tpu.memory_space<vmem>>, %arg31: memref<16x16xf32, #tpu.memory_space<vmem>>, %arg32: memref<16x16xf32, #tpu.memory_space<vmem>>) attributes {dimension_semantics = [#tpu.dimension_semantics<arbitrary>], iteration_bounds = array<i64: 10>, scalar_prefetch = 0 : i64, scratch_operands = 4 : i64, tpu.core_type = #tpu.core_type<tc>, window_params = [{transform_indices = @transform_0, window_bounds = array<i64: 1000, 128>}, {transform_indices = @transform_1, window_bounds = array<i64: 1000, 16>}, {pipeline_mode = #tpu.pipeline_mode<synchronous>, transform_indices = @transform_2, window_bounds = array<i64: 16, 32>}, {transform_indices = @transform_3, window_bounds = array<i64: 1000, 128>}, {transform_indices = @transform_4, window_bounds = array<i64: 1000, 128>}, {transform_indices = @transform_5, window_bounds = array<i64: 1000, 128>}, {transform_indices = @transform_6, window_bounds = array<i64: 1000, 128>}, {transform_indices = @transform_7, window_bounds = array<i64: 1000, 128>}, {transform_indices = @transform_8, window_bounds = array<i64: 1000, 128>}, {pipeline_mode = #tpu.pipeline_mode<synchronous>, transform_indices = @transform_9, window_bounds = array<i64: 128, 128>}, {pipeline_mode = #tpu.pipeline_mode<synchronous>, transform_indices = @transform_10, window_bounds = array<i64: 16, 128>}, {pipeline_mode = #tpu.pipeline_mode<synchronous>, transform_indices = @transform_11, window_bounds = array<i64: 1, 128>}, {pipeline_mode = #tpu.pipeline_mode<synchronous>, transform_indices = @transform_12, window_bounds = array<i64: 128, 128>}, {pipeline_mode = #tpu.pipeline_mode<synchronous>, transform_indices = @transform_13, window_bounds = array<i64: 1, 128>}, {pipeline_mode = #tpu.pipeline_mode<synchronous>, transform_indices = @transform_14, window_bounds = array<i64: 128, 128>}, {pipeline_mode = #tpu.pipeline_mode<synchronous>, transform_indices = @transform_15, window_bounds = array<i64: 128, 128>}, {pipeline_mode = #tpu.pipeline_mode<synchronous>, transform_indices = @transform_16, window_bounds = array<i64: 32, 128>}, {pipeline_mode = #tpu.pipeline_mode<synchronous>, transform_indices = @transform_17, window_bounds = array<i64: 1, 128>}, {pipeline_mode = #tpu.pipeline_mode<synchronous>, transform_indices = @transform_18, window_bounds = array<i64: 128, 128>}, {pipeline_mode = #tpu.pipeline_mode<synchronous>, transform_indices = @transform_19, window_bounds = array<i64: 1, 128>}, {pipeline_mode = #tpu.pipeline_mode<synchronous>, transform_indices = @transform_20, window_bounds = array<i64: 32, 128>}, {pipeline_mode = #tpu.pipeline_mode<synchronous>, transform_indices = @transform_21, window_bounds = array<i64: 128, 128>}, {pipeline_mode = #tpu.pipeline_mode<synchronous>, transform_indices = @transform_22, window_bounds = array<i64: 16, 128>}, {pipeline_mode = #tpu.pipeline_mode<synchronous>, transform_indices = @transform_23, window_bounds = array<i64: 1, 128>}, {pipeline_mode = #tpu.pipeline_mode<synchronous>, transform_indices = @transform_24, window_bounds = array<i64: 128, 32>}, {pipeline_mode = #tpu.pipeline_mode<synchronous>, transform_indices = @transform_25, window_bounds = array<i64: 1, 32>}, {transform_indices = @transform_26, window_bounds = array<i64: 1000, 128>}, {pipeline_mode = #tpu.pipeline_mode<synchronous>, transform_indices = @transform_27, window_bounds = array<i64: 16, 32>}]} {
    %iota3A = tpu.iota {dimensions = array<i32: 1>} : vector<1000x16xi32>
    %get3A = arith.constant 0 : index
    %get3A_0 = arith.constant 0 : index
    %get3A_1 = vector.load %arg2[%get3A, %get3A_0] : memref<1000x16xi32, #tpu.memory_space<vmem>>, vector<1000x16xi32>
    %eq3A = arith.cmpi eq, %get3A_1, %iota3A : vector<1000x16xi32>
    %convert_element_type3A = arith.extui %eq3A : vector<1000x16xi1> to vector<1000x16xi32>
    %convert_element_type3A_2 = arith.sitofp %convert_element_type3A : vector<1000x16xi32> to vector<1000x16xf32>
    %get3A_3 = arith.constant 0 : index
    %get3A_4 = arith.constant 0 : index
    %get3A_5 = vector.load %arg4[%get3A_3, %get3A_4] : memref<1000x128xf32, #tpu.memory_space<vmem>>, vector<1000x128xf32>
    %get3A_6 = arith.constant 0 : index
    %get3A_7 = arith.constant 0 : index
    %get3A_8 = vector.load %arg5[%get3A_6, %get3A_7] : memref<1000x128xf32, #tpu.memory_space<vmem>>, vector<1000x128xf32>
    %add3A = arith.addf %get3A_5, %get3A_8 : vector<1000x128xf32>
    %get3A_9 = arith.constant 0 : index
    %get3A_10 = arith.constant 0 : index
    %get3A_11 = vector.load %arg6[%get3A_9, %get3A_10] : memref<1000x128xf32, #tpu.memory_space<vmem>>, vector<1000x128xf32>
    %get3A_12 = arith.constant 0 : index
    %get3A_13 = arith.constant 0 : index
    %get3A_14 = vector.load %arg7[%get3A_12, %get3A_13] : memref<1000x128xf32, #tpu.memory_space<vmem>>, vector<1000x128xf32>
    %add3A_15 = arith.addf %get3A_11, %get3A_14 : vector<1000x128xf32>
    %get3A_16 = arith.constant 0 : index
    %get3A_17 = arith.constant 0 : index
    %get3A_18 = vector.load %arg8[%get3A_16, %get3A_17] : memref<1000x128xf32, #tpu.memory_space<vmem>>, vector<1000x128xf32>
    %get3A_19 = arith.constant 0 : index
    %get3A_20 = arith.constant 0 : index
    %get3A_21 = vector.load %arg9[%get3A_19, %get3A_20] : memref<1000x128xf32, #tpu.memory_space<vmem>>, vector<1000x128xf32>
    %add3A_22 = arith.addf %get3A_18, %get3A_21 : vector<1000x128xf32>
    %slice3A = vector.extract_strided_slice %add3A_15 {offsets = [0, 0], sizes = [1000, 16], strides = [1, 1]} : vector<1000x128xf32> to vector<1000x16xf32>
    %slice3A_23 = vector.extract_strided_slice %add3A_22 {offsets = [0, 0], sizes = [1000, 16], strides = [1, 1]} : vector<1000x128xf32> to vector<1000x16xf32>
    %slice3A_24 = vector.extract_strided_slice %add3A_22 {offsets = [0, 16], sizes = [1000, 16], strides = [1, 1]} : vector<1000x128xf32> to vector<1000x16xf32>
    %get3A_25 = arith.constant 0 : index
    %get3A_26 = arith.constant 0 : index
    %get3A_27 = vector.load %arg10[%get3A_25, %get3A_26] : memref<128x128xf32, #tpu.memory_space<vmem>>, vector<128x128xf32>
    %dot_general3A = arith.constant dense<0.000000e+00> : vector<1000x128xf32>
    %dot_general3A_28 = tpu.matmul %add3A, %get3A_27, %dot_general3A {dimension_numbers = #tpu.dot_dimension_numbers<[1], [0], [0], [1], [0, 0, 1, 1], [], []>, transpose_lhs_hint = false} : vector<1000x128xf32>, vector<128x128xf32>, vector<1000x128xf32> -> vector<1000x128xf32>
    %get3A_29 = arith.constant 0 : index
    %get3A_30 = arith.constant 0 : index
    %get3A_31 = vector.load %arg11[%get3A_29, %get3A_30] : memref<16x128xf32, #tpu.memory_space<vmem>>, vector<16x128xf32>
    %dot_general3A_32 = arith.constant dense<0.000000e+00> : vector<1000x128xf32>
    %dot_general3A_33 = tpu.matmul %slice3A, %get3A_31, %dot_general3A_32 {dimension_numbers = #tpu.dot_dimension_numbers<[1], [0], [0], [1], [0, 0, 1, 1], [], []>, transpose_lhs_hint = false} : vector<1000x16xf32>, vector<16x128xf32>, vector<1000x128xf32> -> vector<1000x128xf32>
    %add3A_34 = arith.addf %dot_general3A_28, %dot_general3A_33 : vector<1000x128xf32>
    %get3A_35 = arith.constant 0 : index
    %get3A_36 = arith.constant 0 : index
    %get3A_37 = vector.load %arg12[%get3A_35, %get3A_36] : memref<1x128xf32, #tpu.memory_space<vmem>>, vector<1x128xf32>
    %add3A_38 = vector.broadcast %get3A_37 : vector<1x128xf32> to vector<1000x128xf32>
    %add3A_39 = arith.addf %add3A_34, %add3A_38 : vector<1000x128xf32>
    %max3A = arith.constant 0.000000e+00 : f32
    %max3A_40 = vector.broadcast %max3A : f32 to vector<1000x128xf32>
    %max3A_41 = arith.maximumf %add3A_39, %max3A_40 : vector<1000x128xf32>
    %get3A_42 = arith.constant 0 : index
    %get3A_43 = arith.constant 0 : index
    %get3A_44 = vector.load %arg13[%get3A_42, %get3A_43] : memref<128x128xf32, #tpu.memory_space<vmem>>, vector<128x128xf32>
    %dot_general3A_45 = arith.constant dense<0.000000e+00> : vector<1000x128xf32>
    %dot_general3A_46 = tpu.matmul %max3A_41, %get3A_44, %dot_general3A_45 {dimension_numbers = #tpu.dot_dimension_numbers<[1], [0], [0], [1], [0, 0, 1, 1], [], []>, transpose_lhs_hint = false} : vector<1000x128xf32>, vector<128x128xf32>, vector<1000x128xf32> -> vector<1000x128xf32>
    %get3A_47 = arith.constant 0 : index
    %get3A_48 = arith.constant 0 : index
    %get3A_49 = vector.load %arg14[%get3A_47, %get3A_48] : memref<1x128xf32, #tpu.memory_space<vmem>>, vector<1x128xf32>
    %add3A_50 = vector.broadcast %get3A_49 : vector<1x128xf32> to vector<1000x128xf32>
    %add3A_51 = arith.addf %dot_general3A_46, %add3A_50 : vector<1000x128xf32>
    %get3A_52 = arith.constant 0 : index
    %get3A_53 = arith.constant 0 : index
    %get3A_54 = vector.load %arg3[%get3A_52, %get3A_53] : memref<16x32xf32, #tpu.memory_space<vmem>>, vector<16x32xf32>
    %get3A_55 = arith.constant 0 : index
    %get3A_56 = arith.constant 0 : index
    %get3A_57 = vector.load %arg17[%get3A_55, %get3A_56] : memref<32x128xf32, #tpu.memory_space<vmem>>, vector<32x128xf32>
    %dot_general3A_58 = arith.constant dense<0.000000e+00> : vector<16x128xf32>
    %dot_general3A_59 = tpu.matmul %get3A_54, %get3A_57, %dot_general3A_58 {dimension_numbers = #tpu.dot_dimension_numbers<[1], [0], [0], [1], [0, 0, 1, 1], [], []>, transpose_lhs_hint = false} : vector<16x32xf32>, vector<32x128xf32>, vector<16x128xf32> -> vector<16x128xf32>
    %get3A_60 = arith.constant 0 : index
    %get3A_61 = arith.constant 0 : index
    %get3A_62 = vector.load %arg1[%get3A_60, %get3A_61] : memref<1000x128xf32, #tpu.memory_space<vmem>>, vector<1000x128xf32>
    %get3A_63 = arith.constant 0 : index
    %get3A_64 = arith.constant 0 : index
    %get3A_65 = vector.load %arg15[%get3A_63, %get3A_64] : memref<128x128xf32, #tpu.memory_space<vmem>>, vector<128x128xf32>
    %dot_general3A_66 = arith.constant dense<0.000000e+00> : vector<1000x128xf32>
    %dot_general3A_67 = tpu.matmul %get3A_62, %get3A_65, %dot_general3A_66 {dimension_numbers = #tpu.dot_dimension_numbers<[1], [0], [0], [1], [0, 0, 1, 1], [], []>, transpose_lhs_hint = false} : vector<1000x128xf32>, vector<128x128xf32>, vector<1000x128xf32> -> vector<1000x128xf32>
    %get3A_68 = arith.constant 0 : index
    %get3A_69 = arith.constant 0 : index
    %get3A_70 = vector.load %arg16[%get3A_68, %get3A_69] : memref<128x128xf32, #tpu.memory_space<vmem>>, vector<128x128xf32>
    %dot_general3A_71 = arith.constant dense<0.000000e+00> : vector<1000x128xf32>
    %dot_general3A_72 = tpu.matmul %add3A_51, %get3A_70, %dot_general3A_71 {dimension_numbers = #tpu.dot_dimension_numbers<[1], [0], [0], [1], [0, 0, 1, 1], [], []>, transpose_lhs_hint = false} : vector<1000x128xf32>, vector<128x128xf32>, vector<1000x128xf32> -> vector<1000x128xf32>
    %add3A_73 = arith.addf %dot_general3A_67, %dot_general3A_72 : vector<1000x128xf32>
    %dot_general3A_74 = arith.constant dense<0.000000e+00> : vector<1000x128xf32>
    %dot_general3A_75 = tpu.matmul %convert_element_type3A_2, %dot_general3A_59, %dot_general3A_74 {dimension_numbers = #tpu.dot_dimension_numbers<[1], [0], [0], [1], [0, 0, 1, 1], [], []>, transpose_lhs_hint = false} : vector<1000x16xf32>, vector<16x128xf32>, vector<1000x128xf32> -> vector<1000x128xf32>
    %add3A_76 = arith.addf %add3A_73, %dot_general3A_75 : vector<1000x128xf32>
    %get3A_77 = arith.constant 0 : index
    %get3A_78 = arith.constant 0 : index
    %get3A_79 = vector.load %arg18[%get3A_77, %get3A_78] : memref<1x128xf32, #tpu.memory_space<vmem>>, vector<1x128xf32>
    %add3A_80 = vector.broadcast %get3A_79 : vector<1x128xf32> to vector<1000x128xf32>
    %add3A_81 = arith.addf %add3A_76, %add3A_80 : vector<1000x128xf32>
    %max3A_82 = arith.constant 0.000000e+00 : f32
    %max3A_83 = vector.broadcast %max3A_82 : f32 to vector<1000x128xf32>
    %max3A_84 = arith.maximumf %add3A_81, %max3A_83 : vector<1000x128xf32>
    %get3A_85 = arith.constant 0 : index
    %get3A_86 = arith.constant 0 : index
    %get3A_87 = vector.load %arg19[%get3A_85, %get3A_86] : memref<128x128xf32, #tpu.memory_space<vmem>>, vector<128x128xf32>
    %dot_general3A_88 = arith.constant dense<0.000000e+00> : vector<1000x128xf32>
    %dot_general3A_89 = tpu.matmul %max3A_84, %get3A_87, %dot_general3A_88 {dimension_numbers = #tpu.dot_dimension_numbers<[1], [0], [0], [1], [0, 0, 1, 1], [], []>, transpose_lhs_hint = false} : vector<1000x128xf32>, vector<128x128xf32>, vector<1000x128xf32> -> vector<1000x128xf32>
    %get3A_90 = arith.constant 0 : index
    %get3A_91 = arith.constant 0 : index
    %get3A_92 = vector.load %arg20[%get3A_90, %get3A_91] : memref<1x128xf32, #tpu.memory_space<vmem>>, vector<1x128xf32>
    %add3A_93 = vector.broadcast %get3A_92 : vector<1x128xf32> to vector<1000x128xf32>
    %add3A_94 = arith.addf %dot_general3A_89, %add3A_93 : vector<1000x128xf32>
    %swap3A = arith.constant 0 : index
    %swap3A_95 = arith.constant 0 : index
    %swap3A_96 = vector.load %arg27[%swap3A, %swap3A_95] : memref<1000x128xf32, #tpu.memory_space<vmem>>, vector<1000x128xf32>
    tpu.vector_store %arg27[%swap3A, %swap3A_95], %add3A_94 {strides = array<i32>} : memref<1000x128xf32, #tpu.memory_space<vmem>>, vector<1000x128xf32>,
    %eq3A_97 = arith.constant 0 : i32
    %eq3A_98 = arith.cmpi eq, %arg0, %eq3A_97 : i32
    %convert_element_type3A_99 = arith.extui %eq3A_98 : i1 to i32
    %cond3A = arith.constant 0 : i32
    %cond3A_100 = arith.cmpi ne, %convert_element_type3A_99, %cond3A : i32
    scf.if %cond3A_100 {
      %broadcast_in_dim3A_143 = arith.constant 0.000000e+00 : f32
      %broadcast_in_dim3A_144 = vector.broadcast %broadcast_in_dim3A_143 : f32 to vector<16x128xf32>
      %swap3A_145 = arith.constant 0 : index
      %swap3A_146 = arith.constant 0 : index
      %swap3A_147 = vector.load %arg29[%swap3A_145, %swap3A_146] : memref<16x128xf32, #tpu.memory_space<vmem>>, vector<16x128xf32>
      tpu.vector_store %arg29[%swap3A_145, %swap3A_146], %broadcast_in_dim3A_144 {strides = array<i32>} : memref<16x128xf32, #tpu.memory_space<vmem>>, vector<16x128xf32>,
      %broadcast_in_dim3A_148 = arith.constant 0.000000e+00 : f32
      %broadcast_in_dim3A_149 = vector.broadcast %broadcast_in_dim3A_148 : f32 to vector<16x16xf32>
      %swap3A_150 = arith.constant 0 : index
      %swap3A_151 = arith.constant 0 : index
      %swap3A_152 = vector.load %arg30[%swap3A_150, %swap3A_151] : memref<16x16xf32, #tpu.memory_space<vmem>>, vector<16x16xf32>
      tpu.vector_store %arg30[%swap3A_150, %swap3A_151], %broadcast_in_dim3A_149 {strides = array<i32>} : memref<16x16xf32, #tpu.memory_space<vmem>>, vector<16x16xf32>,
      %broadcast_in_dim3A_153 = arith.constant 0.000000e+00 : f32
      %broadcast_in_dim3A_154 = vector.broadcast %broadcast_in_dim3A_153 : f32 to vector<16x16xf32>
      %swap3A_155 = arith.constant 0 : index
      %swap3A_156 = arith.constant 0 : index
      %swap3A_157 = vector.load %arg31[%swap3A_155, %swap3A_156] : memref<16x16xf32, #tpu.memory_space<vmem>>, vector<16x16xf32>
      tpu.vector_store %arg31[%swap3A_155, %swap3A_156], %broadcast_in_dim3A_154 {strides = array<i32>} : memref<16x16xf32, #tpu.memory_space<vmem>>, vector<16x16xf32>,
      %broadcast_in_dim3A_158 = arith.constant 0.000000e+00 : f32
      %broadcast_in_dim3A_159 = vector.broadcast %broadcast_in_dim3A_158 : f32 to vector<16x16xf32>
      %swap3A_160 = arith.constant 0 : index
      %swap3A_161 = arith.constant 0 : index
      %swap3A_162 = vector.load %arg32[%swap3A_160, %swap3A_161] : memref<16x16xf32, #tpu.memory_space<vmem>>, vector<16x16xf32>
      tpu.vector_store %arg32[%swap3A_160, %swap3A_161], %broadcast_in_dim3A_159 {strides = array<i32>} : memref<16x16xf32, #tpu.memory_space<vmem>>, vector<16x16xf32>,
    } else {
    }
    %get3A_101 = arith.constant 0 : index
    %get3A_102 = arith.constant 0 : index
    %get3A_103 = vector.load %arg29[%get3A_101, %get3A_102] : memref<16x128xf32, #tpu.memory_space<vmem>>, vector<16x128xf32>
    %dot_general3A_104 = arith.constant dense<0.000000e+00> : vector<16x128xf32>
    %dot_general3A_105 = tpu.matmul %convert_element_type3A_2, %add3A_94, %dot_general3A_104 {dimension_numbers = #tpu.dot_dimension_numbers<[0], [0], [1], [1], [0, 1, 1, 1], [], []>, transpose_lhs_hint = false} : vector<1000x16xf32>, vector<1000x128xf32>, vector<16x128xf32> -> vector<16x128xf32>
    %add3A_106 = arith.addf %get3A_103, %dot_general3A_105 : vector<16x128xf32>
    %swap3A_107 = arith.constant 0 : index
    %swap3A_108 = arith.constant 0 : index
    %swap3A_109 = vector.load %arg29[%swap3A_107, %swap3A_108] : memref<16x128xf32, #tpu.memory_space<vmem>>, vector<16x128xf32>
    tpu.vector_store %arg29[%swap3A_107, %swap3A_108], %add3A_106 {strides = array<i32>} : memref<16x128xf32, #tpu.memory_space<vmem>>, vector<16x128xf32>,
    %get3A_110 = arith.constant 0 : index
    %get3A_111 = arith.constant 0 : index
    %get3A_112 = vector.load %arg30[%get3A_110, %get3A_111] : memref<16x16xf32, #tpu.memory_space<vmem>>, vector<16x16xf32>
    %dot_general3A_113 = arith.constant dense<0.000000e+00> : vector<16x16xf32>
    %dot_general3A_114 = tpu.matmul %convert_element_type3A_2, %slice3A_23, %dot_general3A_113 {dimension_numbers = #tpu.dot_dimension_numbers<[0], [0], [1], [1], [0, 1, 1, 1], [], []>, transpose_lhs_hint = false} : vector<1000x16xf32>, vector<1000x16xf32>, vector<16x16xf32> -> vector<16x16xf32>
    %add3A_115 = arith.addf %get3A_112, %dot_general3A_114 : vector<16x16xf32>
    %swap3A_116 = arith.constant 0 : index
    %swap3A_117 = arith.constant 0 : index
    %swap3A_118 = vector.load %arg30[%swap3A_116, %swap3A_117] : memref<16x16xf32, #tpu.memory_space<vmem>>, vector<16x16xf32>
    tpu.vector_store %arg30[%swap3A_116, %swap3A_117], %add3A_115 {strides = array<i32>} : memref<16x16xf32, #tpu.memory_space<vmem>>, vector<16x16xf32>,
    %get3A_119 = arith.constant 0 : index
    %get3A_120 = arith.constant 0 : index
    %get3A_121 = vector.load %arg31[%get3A_119, %get3A_120] : memref<16x16xf32, #tpu.memory_space<vmem>>, vector<16x16xf32>
    %dot_general3A_122 = arith.constant dense<0.000000e+00> : vector<16x16xf32>
    %dot_general3A_123 = tpu.matmul %convert_element_type3A_2, %slice3A_24, %dot_general3A_122 {dimension_numbers = #tpu.dot_dimension_numbers<[0], [0], [1], [1], [0, 1, 1, 1], [], []>, transpose_lhs_hint = false} : vector<1000x16xf32>, vector<1000x16xf32>, vector<16x16xf32> -> vector<16x16xf32>
    %add3A_124 = arith.addf %get3A_121, %dot_general3A_123 : vector<16x16xf32>
    %swap3A_125 = arith.constant 0 : index
    %swap3A_126 = arith.constant 0 : index
    %swap3A_127 = vector.load %arg31[%swap3A_125, %swap3A_126] : memref<16x16xf32, #tpu.memory_space<vmem>>, vector<16x16xf32>
    tpu.vector_store %arg31[%swap3A_125, %swap3A_126], %add3A_124 {strides = array<i32>} : memref<16x16xf32, #tpu.memory_space<vmem>>, vector<16x16xf32>,
    %get3A_128 = arith.constant 0 : index
    %get3A_129 = arith.constant 0 : index
    %get3A_130 = vector.load %arg32[%get3A_128, %get3A_129] : memref<16x16xf32, #tpu.memory_space<vmem>>, vector<16x16xf32>
    %broadcast_in_dim3A = arith.constant 1.000000e+00 : f32
    %broadcast_in_dim3A_131 = vector.broadcast %broadcast_in_dim3A : f32 to vector<1000x16xf32>
    %dot_general3A_132 = arith.constant dense<0.000000e+00> : vector<16x16xf32>
    %dot_general3A_133 = tpu.matmul %convert_element_type3A_2, %broadcast_in_dim3A_131, %dot_general3A_132 {dimension_numbers = #tpu.dot_dimension_numbers<[0], [0], [1], [1], [0, 1, 1, 1], [], []>, transpose_lhs_hint = false} : vector<1000x16xf32>, vector<1000x16xf32>, vector<16x16xf32> -> vector<16x16xf32>
    %add3A_134 = arith.addf %get3A_130, %dot_general3A_133 : vector<16x16xf32>
    %swap3A_135 = arith.constant 0 : index
    %swap3A_136 = arith.constant 0 : index
    %swap3A_137 = vector.load %arg32[%swap3A_135, %swap3A_136] : memref<16x16xf32, #tpu.memory_space<vmem>>, vector<16x16xf32>
    tpu.vector_store %arg32[%swap3A_135, %swap3A_136], %add3A_134 {strides = array<i32>} : memref<16x16xf32, #tpu.memory_space<vmem>>, vector<16x16xf32>,
    %eq3A_138 = arith.constant 9 : i32
    %eq3A_139 = arith.cmpi eq, %arg0, %eq3A_138 : i32
    %convert_element_type3A_140 = arith.extui %eq3A_139 : i1 to i32
    %cond3A_141 = arith.constant 0 : i32
    %cond3A_142 = arith.cmpi ne, %convert_element_type3A_140, %cond3A_141 : i32
    scf.if %cond3A_142 {
      %get3A_143 = arith.constant 0 : index
      %get3A_144 = arith.constant 0 : index
      %get3A_145 = vector.load %arg32[%get3A_143, %get3A_144] : memref<16x16xf32, #tpu.memory_space<vmem>>, vector<16x1xf32>
      %max3A_146 = arith.constant 1.000000e+00 : f32
      %max3A_147 = vector.broadcast %max3A_146 : f32 to vector<16x1xf32>
      %max3A_148 = arith.maximumf %get3A_145, %max3A_147 : vector<16x1xf32>
      %get3A_149 = arith.constant 0 : index
      %get3A_150 = arith.constant 0 : index
      %get3A_151 = vector.load %arg29[%get3A_149, %get3A_150] : memref<16x128xf32, #tpu.memory_space<vmem>>, vector<16x128xf32>
      %div3A = vector.broadcast %max3A_148 : vector<16x1xf32> to vector<16x128xf32>
      %div3A_152 = arith.divf %get3A_151, %div3A : vector<16x128xf32>
      %get3A_153 = arith.constant 0 : index
      %get3A_154 = arith.constant 0 : index
      %get3A_155 = vector.load %arg31[%get3A_153, %get3A_154] : memref<16x16xf32, #tpu.memory_space<vmem>>, vector<16x1xf32>
      %max3A_156 = arith.constant 1.000000e+00 : f32
      %max3A_157 = vector.broadcast %max3A_156 : f32 to vector<16x1xf32>
      %max3A_158 = arith.maximumf %get3A_155, %max3A_157 : vector<16x1xf32>
      %get3A_159 = arith.constant 0 : index
      %get3A_160 = arith.constant 0 : index
      %get3A_161 = vector.load %arg30[%get3A_159, %get3A_160] : memref<16x16xf32, #tpu.memory_space<vmem>>, vector<16x16xf32>
      %div3A_162 = vector.broadcast %max3A_158 : vector<16x1xf32> to vector<16x16xf32>
      %div3A_163 = arith.divf %get3A_161, %div3A_162 : vector<16x16xf32>
      %get3A_164 = arith.constant 0 : index
      %get3A_165 = arith.constant 0 : index
      %get3A_166 = vector.load %arg3[%get3A_164, %get3A_165] : memref<16x32xf32, #tpu.memory_space<vmem>>, vector<16x32xf32>
      %get3A_167 = arith.constant 0 : index
      %get3A_168 = arith.constant 0 : index
      %get3A_169 = vector.load %arg21[%get3A_167, %get3A_168] : memref<32x128xf32, #tpu.memory_space<vmem>>, vector<32x128xf32>
      %dot_general3A_170 = arith.constant dense<0.000000e+00> : vector<16x128xf32>
      %dot_general3A_171 = tpu.matmul %get3A_166, %get3A_169, %dot_general3A_170 {dimension_numbers = #tpu.dot_dimension_numbers<[1], [0], [0], [1], [0, 0, 1, 1], [], []>, transpose_lhs_hint = false} : vector<16x32xf32>, vector<32x128xf32>, vector<16x128xf32> -> vector<16x128xf32>
      %get3A_172 = arith.constant 0 : index
      %get3A_173 = arith.constant 0 : index
      %get3A_174 = vector.load %arg22[%get3A_172, %get3A_173] : memref<128x128xf32, #tpu.memory_space<vmem>>, vector<128x128xf32>
      %dot_general3A_175 = arith.constant dense<0.000000e+00> : vector<16x128xf32>
      %dot_general3A_176 = tpu.matmul %div3A_152, %get3A_174, %dot_general3A_175 {dimension_numbers = #tpu.dot_dimension_numbers<[1], [0], [0], [1], [0, 0, 1, 1], [], []>, transpose_lhs_hint = false} : vector<16x128xf32>, vector<128x128xf32>, vector<16x128xf32> -> vector<16x128xf32>
      %add3A_177 = arith.addf %dot_general3A_171, %dot_general3A_176 : vector<16x128xf32>
      %get3A_178 = arith.constant 0 : index
      %get3A_179 = arith.constant 0 : index
      %get3A_180 = vector.load %arg23[%get3A_178, %get3A_179] : memref<16x128xf32, #tpu.memory_space<vmem>>, vector<16x128xf32>
      %dot_general3A_181 = arith.constant dense<0.000000e+00> : vector<16x128xf32>
      %dot_general3A_182 = tpu.matmul %div3A_163, %get3A_180, %dot_general3A_181 {dimension_numbers = #tpu.dot_dimension_numbers<[1], [0], [0], [1], [0, 0, 1, 1], [], []>, transpose_lhs_hint = false} : vector<16x16xf32>, vector<16x128xf32>, vector<16x128xf32> -> vector<16x128xf32>
      %add3A_183 = arith.addf %add3A_177, %dot_general3A_182 : vector<16x128xf32>
      %get3A_184 = arith.constant 0 : index
      %get3A_185 = arith.constant 0 : index
      %get3A_186 = vector.load %arg24[%get3A_184, %get3A_185] : memref<1x128xf32, #tpu.memory_space<vmem>>, vector<1x128xf32>
      %add3A_187 = vector.broadcast %get3A_186 : vector<1x128xf32> to vector<16x128xf32>
      %add3A_188 = arith.addf %add3A_183, %add3A_187 : vector<16x128xf32>
      %max3A_189 = arith.constant 0.000000e+00 : f32
      %max3A_190 = vector.broadcast %max3A_189 : f32 to vector<16x128xf32>
      %max3A_191 = arith.maximumf %add3A_188, %max3A_190 : vector<16x128xf32>
      %get3A_192 = arith.constant 0 : index
      %get3A_193 = arith.constant 0 : index
      %get3A_194 = vector.load %arg25[%get3A_192, %get3A_193] : memref<128x32xf32, #tpu.memory_space<vmem>>, vector<128x32xf32>
      %dot_general3A_195 = arith.constant dense<0.000000e+00> : vector<16x32xf32>
      %dot_general3A_196 = tpu.matmul %max3A_191, %get3A_194, %dot_general3A_195 {dimension_numbers = #tpu.dot_dimension_numbers<[1], [0], [0], [1], [0, 0, 1, 1], [], []>, transpose_lhs_hint = false} : vector<16x128xf32>, vector<128x32xf32>, vector<16x32xf32> -> vector<16x32xf32>
      %get3A_197 = arith.constant 0 : index
      %get3A_198 = arith.constant 0 : index
      %get3A_199 = vector.load %arg26[%get3A_197, %get3A_198] : memref<1x32xf32, #tpu.memory_space<vmem>>, vector<1x32xf32>
      %add3A_200 = vector.broadcast %get3A_199 : vector<1x32xf32> to vector<16x32xf32>
      %add3A_201 = arith.addf %dot_general3A_196, %add3A_200 : vector<16x32xf32>
      %swap3A_202 = arith.constant 0 : index
      %swap3A_203 = arith.constant 0 : index
      %swap3A_204 = vector.load %arg28[%swap3A_202, %swap3A_203] : memref<16x32xf32, #tpu.memory_space<vmem>>, vector<16x32xf32>
      tpu.vector_store %arg28[%swap3A_202, %swap3A_203], %add3A_201 {strides = array<i32>} : memref<16x32xf32, #tpu.memory_space<vmem>>, vector<16x32xf32>,
    } else {
    }
    return
  }
  func.func @transform_0(%arg0: i32) -> (i32, i32) {
    %c0_i32 = arith.constant 0 : i32
    %c0_i32_0 = arith.constant 0 : i32
    return %arg0, %c0_i32 : i32, i32
  }
  func.func @transform_1(%arg0: i32) -> (i32, i32) {
    %c0_i32 = arith.constant 0 : i32
    %c0_i32_0 = arith.constant 0 : i32
    return %arg0, %c0_i32 : i32, i32
  }
  func.func @transform_2(%arg0: i32) -> (i32, i32) {
    %c0_i32 = arith.constant 0 : i32
    %c0_i32_0 = arith.constant 0 : i32
    %c0_i32_1 = arith.constant 0 : i32
    return %c0_i32, %c0_i32_0 : i32, i32
  }
  func.func @transform_3(%arg0: i32) -> (i32, i32) {
    %c0_i32 = arith.constant 0 : i32
    %c0_i32_0 = arith.constant 0 : i32
    return %arg0, %c0_i32 : i32, i32
  }
  func.func @transform_4(%arg0: i32) -> (i32, i32) {
    %add3A = arith.constant 10 : i32
    %add3A_0 = arith.addi %arg0, %add3A : i32
    %c0_i32 = arith.constant 0 : i32
    %c0_i32_1 = arith.constant 0 : i32
    return %add3A_0, %c0_i32 : i32, i32
  }
  func.func @transform_5(%arg0: i32) -> (i32, i32) {
    %c0_i32 = arith.constant 0 : i32
    %c0_i32_0 = arith.constant 0 : i32
    return %arg0, %c0_i32 : i32, i32
  }
  func.func @transform_6(%arg0: i32) -> (i32, i32) {
    %add3A = arith.constant 10 : i32
    %add3A_0 = arith.addi %arg0, %add3A : i32
    %c0_i32 = arith.constant 0 : i32
    %c0_i32_1 = arith.constant 0 : i32
    return %add3A_0, %c0_i32 : i32, i32
  }
  func.func @transform_7(%arg0: i32) -> (i32, i32) {
    %c0_i32 = arith.constant 0 : i32
    %c0_i32_0 = arith.constant 0 : i32
    return %arg0, %c0_i32 : i32, i32
  }
  func.func @transform_8(%arg0: i32) -> (i32, i32) {
    %add3A = arith.constant 10 : i32
    %add3A_0 = arith.addi %arg0, %add3A : i32
    %c0_i32 = arith.constant 0 : i32
    %c0_i32_1 = arith.constant 0 : i32
    return %add3A_0, %c0_i32 : i32, i32
  }
  func.func @transform_9(%arg0: i32) -> (i32, i32) {
    %c0_i32 = arith.constant 0 : i32
    %c0_i32_0 = arith.constant 0 : i32
    %c0_i32_1 = arith.constant 0 : i32
    return %c0_i32, %c0_i32_0 : i32, i32
  }
  func.func @transform_10(%arg0: i32) -> (i32, i32) {
    %c0_i32 = arith.constant 0 : i32
    %c0_i32_0 = arith.constant 0 : i32
    %c0_i32_1 = arith.constant 0 : i32
    return %c0_i32, %c0_i32_0 : i32, i32
  }
  func.func @transform_11(%arg0: i32) -> (i32, i32) {
    %c0_i32 = arith.constant 0 : i32
    %c0_i32_0 = arith.constant 0 : i32
    %c0_i32_1 = arith.constant 0 : i32
    return %c0_i32, %c0_i32_0 : i32, i32
  }
  func.func @transform_12(%arg0: i32) -> (i32, i32) {
    %c0_i32 = arith.constant 0 : i32
    %c0_i32_0 = arith.constant 0 : i32
    %c0_i32_1 = arith.constant 0 : i32
    return %c0_i32, %c0_i32_0 : i32, i32
  }
  func.func @transform_13(%arg0: i32) -> (i32, i32) {
    %c0_i32 = arith.constant 0 : i32
    %c0_i32_0 = arith.constant 0 : i32
    %c0_i32_1 = arith.constant 0 : i32
    return %c0_i32, %c0_i32_0 : i32, i32
  }
  func.func @transform_14(%arg0: i32) -> (i32, i32) {
    %c0_i32 = arith.constant 0 : i32
    %c0_i32_0 = arith.constant 0 : i32
    %c0_i32_1 = arith.constant 0 : i32
    return %c0_i32, %c0_i32_0 : i32, i32
  }
  func.func @transform_15(%arg0: i32) -> (i32, i32) {
    %c0_i32 = arith.constant 0 : i32
    %c0_i32_0 = arith.constant 0 : i32
    %c0_i32_1 = arith.constant 0 : i32
    return %c0_i32, %c0_i32_0 : i32, i32
  }
  func.func @transform_16(%arg0: i32) -> (i32, i32) {
    %c0_i32 = arith.constant 0 : i32
    %c0_i32_0 = arith.constant 0 : i32
    %c0_i32_1 = arith.constant 0 : i32
    return %c0_i32, %c0_i32_0 : i32, i32
  }
  func.func @transform_17(%arg0: i32) -> (i32, i32) {
    %c0_i32 = arith.constant 0 : i32
    %c0_i32_0 = arith.constant 0 : i32
    %c0_i32_1 = arith.constant 0 : i32
    return %c0_i32, %c0_i32_0 : i32, i32
  }
  func.func @transform_18(%arg0: i32) -> (i32, i32) {
    %c0_i32 = arith.constant 0 : i32
    %c0_i32_0 = arith.constant 0 : i32
    %c0_i32_1 = arith.constant 0 : i32
    return %c0_i32, %c0_i32_0 : i32, i32
  }
  func.func @transform_19(%arg0: i32) -> (i32, i32) {
    %c0_i32 = arith.constant 0 : i32
    %c0_i32_0 = arith.constant 0 : i32
    %c0_i32_1 = arith.constant 0 : i32
    return %c0_i32, %c0_i32_0 : i32, i32
  }
  func.func @transform_20(%arg0: i32) -> (i32, i32) {
    %c0_i32 = arith.constant 0 : i32
    %c0_i32_0 = arith.constant 0 : i32
    %c0_i32_1 = arith.constant 0 : i32
    return %c0_i32, %c0_i32_0 : i32, i32
  }
  func.func @transform_21(%arg0: i32) -> (i32, i32) {
    %c0_i32 = arith.constant 0 : i32
    %c0_i32_0 = arith.constant 0 : i32
    %c0_i32_1 = arith.constant 0 : i32
    return %c0_i32, %c0_i32_0 : i32, i32
  }
  func.func @transform_22(%arg0: i32) -> (i32, i32) {
    %c0_i32 = arith.constant 0 : i32
    %c0_i32_0 = arith.constant 0 : i32
    %c0_i32_1 = arith.constant 0 : i32
    return %c0_i32, %c0_i32_0 : i32, i32
  }
  func.func @transform_23(%arg0: i32) -> (i32, i32) {
    %c0_i32 = arith.constant 0 : i32
    %c0_i32_0 = arith.constant 0 : i32
    %c0_i32_1 = arith.constant 0 : i32
    return %c0_i32, %c0_i32_0 : i32, i32
  }
  func.func @transform_24(%arg0: i32) -> (i32, i32) {
    %c0_i32 = arith.constant 0 : i32
    %c0_i32_0 = arith.constant 0 : i32
    %c0_i32_1 = arith.constant 0 : i32
    return %c0_i32, %c0_i32_0 : i32, i32
  }
  func.func @transform_25(%arg0: i32) -> (i32, i32) {
    %c0_i32 = arith.constant 0 : i32
    %c0_i32_0 = arith.constant 0 : i32
    %c0_i32_1 = arith.constant 0 : i32
    return %c0_i32, %c0_i32_0 : i32, i32
  }
  func.func @transform_26(%arg0: i32) -> (i32, i32) {
    %c0_i32 = arith.constant 0 : i32
    %c0_i32_0 = arith.constant 0 : i32
    return %arg0, %c0_i32 : i32, i32
  }
  func.func @transform_27(%arg0: i32) -> (i32, i32) {
    %c0_i32 = arith.constant 0 : i32
    %c0_i32_0 = arith.constant 0 : i32
    %c0_i32_1 = arith.constant 0 : i32
    return %c0_i32, %c0_i32_0 : i32, i32
  }
}

</mosaic_0001>

<sc_bundles>
// kernel: kernel.11.cloned.1.call-start
scs
__scs_entry_jumppad:
0x0: {  	(pc) =	sbr.rel $0x88, $3  }
0x1: {  	(tag) =	ssettag $0x0;
	lr =	simm.s32 $0x1  }
0x2: {  	[smem:$0x3F8C] =	sst lr;
	_ =	strace $0xD0000000  }
0x3: {  	_ = 	snop  }
0x4: {  	_ = 	snop  }
0x5: {  	_ = 	snop  }
0x6: {  	_ = 	snop  }
0x7: {  	_ = 	snop  }
__scs_overlays_trampoline_lowered:
0x8: {  	[smem:$0x3F9B] =	sst s0  }
0x9: {  	[smem:$0x3F9C] =	sst s1  }
0xa: {  	[smem:$0x3F9D] =	sst s2  }
0xb: {  	[smem:$0x3F9E] =	sst s3  }
0xc: {  	[smem:$0x3F9F] =	sst s4  }
0xd: {  	[smem:$0x3FA0] =	sst s5  }
0xe: {  	[smem:$0x3FA1] =	sst s6  }
0xf: {  	[smem:$0x3FA2] =	sst s7  }
0x10: {  	[smem:$0x3FA3] =	sst s8  }
0x11: {  	[smem:$0x3FA4] =	sst s9;
	s0 =	simm.s32 @!p0 $0x0  }
0x12: {  	s1 =	sld [smem:$0x3F8A];
	s0 =	simm.s32 @p0 $0x1  }
0x13: {  	[smem:$0x3FA5] =	sst s0;
	s0 =	simm.s32 @!p1 $0x0  }
0x14: {  	s2 =	sld [smem:$0x3F89];
	s0 =	simm.s32 @p1 $0x1  }
0x15: {  	[smem:$0x3FA6] =	sst s0;
	s0 =	simm.s32 @!p2 $0x0  }
0x16: {  	s3 =	sld [smem:$0x3FDB];
	s0 =	simm.s32 @p2 $0x1  }
0x17: {  	s4 =	simm.s32 $0x1BF5;
	[smem:$0x3FA8] =	sst s0  }
0x18: {  	s0 =	sld [smem:$0x3F8B];
	_ =	swait.ge [sflag:s4], $0x0  }
0x19: {  	s7 =	sld [smem:$0x3F8C]  }
0x1a: {  	s8 =	sadd.s32 $0xFFFFE003, lr  }
0x1b: {  	s9 =	sadd.s32 $0xFFFFFEF7, lr;
	s5 =	simm.s32 $0xFFFFFFFF;
	p2 =	slt.u32 s8, $0xFFFFF086  }
0x1c: {  	p1 =	slt.u32 s9, $0xF7A;
	s5 =	simm.s32 @!p2 $0x0  }
0x1d: {  	s5 =	simm.s32 @p1 $0x1;
	p0 =	seq.s32 s7, s2  }
0x1e: {  	s7 =	smul.u32 @!p0 $0xF7A, s2;
	p2 =	seq.s32 @!p0 s5, $0x0  }
0x1f: {  	s9 =	smul.u32 $0xF7A, s1;
	s8 =	simm.s32 @!p0 $0x1BF5;
	p2 =	por !p2, p0  }
0x20: {  	[sflag:s8] =	ssyncset.s32 @!p0 $0xFFFFF086;
	s6 =	sadd.s32 @!p0 s3, s7;
	s7 =	simm.s32 @!p0 $0x108  }
0x21: {  	s3 =	sadd.s32 s3, s9;
	s6 =	sadd.s32 @!p0 $0x88, s6;
	s7 =	simm.s32 @p2 $0x1082  }
0x22: {  	[simem:s7], [sflag:s8] =	dma.local @!p0 [hbm:s6], $0xF7A  }
0x23: {  	s9 =	sor.u32 $0xD0000000, s2;
	s6 =	simm.s32 $0x108;
	_ =	swait.ge @!p0 [sflag:s8], $0x0  }
0x24: {  	s3 =	sadd.s32 $0x88, s3;
	s6 =	simm.s32 @!p1 $0x1082;
	[sflag:s4] =	ssyncset.s32 $0xFFFFF086  }
0x25: {  	[simem:s6], [sflag:s4] =	dma.local [hbm:s3], $0xF7A  }
0x26: {  	[smem:$0x3F8C] =	sst s1;
	(tag) =	ssettag s2;
	_ =	strace s9  }
0x27: {  	s1 =	sld [smem:$0x3F9C]  }
0x28: {  	s2 =	sld [smem:$0x3F9D]  }
0x29: {  	s4 =	sld [smem:$0x3F9F]  }
0x2a: {  	p0 =	seq.s32 s5, $0x0;
	s5 =	sld [smem:$0x3FA0]  }
0x2b: {  	s6 =	sld [smem:$0x3FA1]  }
0x2c: {  	s7 =	sld [smem:$0x3FA2]  }
0x2d: {  	s3 =	simm.s32 $0x108;
	s8 =	sld [smem:$0x3FA3]  }
0x2e: {  	s3 =	simm.s32 @!p0 $0x1082;
	s9 =	sld [smem:$0x3FA4]  }
0x2f: {  	lr =	sadd.s32 s0, s3;
	s0 =	sld [smem:$0x3F9B]  }
0x30: {  	s3 =	sld [smem:$0x3F9E]  }
0x31: {  	[smem:$0x3FA7] =	sst s10  }
0x32: {  	s10 =	sld [smem:$0x3FA5];
	_ =	sdelay $0x3  }
0x33: {  	p0 =	seq.s32 s10, $0x1;
	s10 =	sld [smem:$0x3FA7];
	_ =	sdelay $0x3  }
0x34: {  	[smem:$0x3FA7] =	sst s10  }
0x35: {  	s10 =	sld [smem:$0x3FA6];
	_ =	sdelay $0x3  }
0x36: {  	p1 =	seq.s32 s10, $0x1;
	s10 =	sld [smem:$0x3FA7];
	_ =	sdelay $0x3  }
0x37: {  	[smem:$0x3FA7] =	sst s10  }
0x38: {  	s10 =	sld [smem:$0x3FA8]  }
0x39: {  	_ = 	snop;
	(pc) =	sbr.ind lr, $3  }
0x3a: {  	_ = 	snop  }
0x3b: {  	_ = 	snop  }
0x3c: {  	p2 =	seq.s32 s10, $0x1;
	s10 =	sld [smem:$0x3FA7]  }
0x3d: {  	_ =	shalt  }
0x3e: {  	_ =	shalt  }
0x3f: {  	_ =	shalt  }
0x40: {  	_ =	shalt  }
0x41: {  	_ =	shalt  }
0x42: {  	_ =	shalt  }
0x43: {  	_ =	shalt  }
0x44: {  	_ =	shalt  }
0x45: {  	_ =	shalt  }
0x46: {  	_ =	shalt  }
0x47: {  	_ =	shalt  }
0x48: {  	_ =	shalt  }
0x49: {  	_ =	shalt  }
0x4a: {  	_ =	shalt  }
0x4b: {  	_ =	shalt  }
0x4c: {  	_ =	shalt  }
0x4d: {  	_ =	shalt  }
0x4e: {  	_ =	shalt  }
0x4f: {  	_ =	shalt  }
0x50: {  	_ =	shalt  }
0x51: {  	_ =	shalt  }
0x52: {  	_ =	shalt  }
0x53: {  	_ =	shalt  }
0x54: {  	_ =	shalt  }
0x55: {  	_ =	shalt  }
0x56: {  	_ =	shalt  }
0x57: {  	_ =	shalt  }
0x58: {  	_ =	shalt  }
0x59: {  	_ =	shalt  }
0x5a: {  	_ =	shalt  }
0x5b: {  	_ =	shalt  }
0x5c: {  	_ =	shalt  }
0x5d: {  	_ =	shalt  }
0x5e: {  	_ =	shalt  }
0x5f: {  	_ =	shalt  }
0x60: {  	_ =	shalt  }
0x61: {  	_ =	shalt  }
0x62: {  	_ =	shalt  }
0x63: {  	_ =	shalt  }
0x64: {  	_ =	shalt  }
0x65: {  	_ =	shalt  }
0x66: {  	_ =	shalt  }
0x67: {  	_ =	shalt  }
0x68: {  	_ =	shalt  }
0x69: {  	_ =	shalt  }
0x6a: {  	_ =	shalt  }
0x6b: {  	_ =	shalt  }
0x6c: {  	_ =	shalt  }
0x6d: {  	_ =	shalt  }
0x6e: {  	_ =	shalt  }
0x6f: {  	_ =	shalt  }
0x70: {  	_ =	shalt  }
0x71: {  	_ =	shalt  }
0x72: {  	_ =	shalt  }
0x73: {  	_ =	shalt  }
0x74: {  	_ =	shalt  }
0x75: {  	_ =	shalt  }
0x76: {  	_ =	shalt  }
0x77: {  	_ =	shalt  }
0x78: {  	_ =	shalt  }
0x79: {  	_ =	shalt  }
0x7a: {  	_ =	shalt  }
0x7b: {  	_ =	shalt  }
0x7c: {  	_ =	shalt  }
0x7d: {  	_ =	shalt  }
0x7e: {  	_ =	shalt  }
0x7f: {  	_ =	shalt  }
0x80: {  	_ =	shalt  }
0x81: {  	_ =	shalt  }
0x82: {  	_ =	shalt  }
0x83: {  	_ =	shalt  }
0x84: {  	_ =	shalt  }
0x85: {  	_ =	shalt  }
0x86: {  	_ =	shalt  }
0x87: {  	_ =	shalt  }
.Lfunc_end0:
.L_simem_size_0:
called_computation.1_lowered:
.L_overlay_start_0:
0x88: {  	s2 =	sld [smem:$0x3FD9]  }
0x89: {  	s3 =	sld [smem:$0x3FFE];
	_ =	sdelay $0x1  }
0x8a: {  	s1 =	srdreg.scid  }
0x8b: {  	s0 =	sand.u32 $0x1, s1  }
0x8c: {  	s14 =	sshll.u32 s0, $0xA;
	s2 =	sadd.s32 s3, s2  }
0x8d: {  	s2 =	sadd.s32 s2, s14  }
0x8e: {  	[smem:$0x3FB3] =	sst s2  }
0x8f: {  	_ = 	snop  }
0x90: {  	s2 =	sld [smem:$0x3FD0];
	_ =	sdelay $0x2  }
0x91: {  	s15 =	simm.s32 $0xB;
	s4 =	simm.s32 $0x10  }
0x92: {  	[smem:s4], [sflag:s15] =	dma.local [hbm:s2], $0x1  }
0x93: {  	_ =	swait.eq [sflag:s15], $0x1  }
0x94: {  	[sflag:s15] =	ssyncset.done $0x0  }
0x95: {  	[sflag:s15] =	ssyncadd.s32 $0xFFFFFFFF  }
0x96: {  	s16 =	sld [smem:$0x11];
	(tm) =	ssettm $0x1  }
0x97: {  	s17 =	sld [smem:$0x3FFB];
	_ =	sdelay $0x3  }
0x98: {  	_ =	strace s17  }
0x99: {  	s3 =	sld [smem:$0x3FFC];
	_ =	sdelay $0x3  }
0x9a: {  	_ =	strace s3  }
0x9b: {  	s3 =	sld [smem:$0x3FFD];
	_ =	sdelay $0x3  }
0x9c: {  	_ =	strace s3  }
0x9d: {  	_ =	strace $0x8FFFFFFF  }
0x9e: {  	s18 =	sld [smem:$0x3FDB];
	_ =	sdelay $0x1  }
0x9f: {  	s19 =	simm.s32 $_scs_section_size  }
0xa0: {  	s5 =	simm.s32 $_size__tile_overlayer_lowered;
	s6 =	simm.s32 $_tile_overlayer_lowered  }
0xa1: {  	s22 =	simm.s32 $0x1BFF;
	s21 =	sshll.u32 s6, $0x1;
	s3 =	sadd.s32 s19, s18  }
0xa2: {  	s7 =	simm.s32 $0x0;
	s20 =	sshll.u32 s5, $0x1;
	s5 =	sadd.s32 s21, s3  }
0xa3: {  	[timem:s7], [sflag:s22] =	dma.local [hbm:s5], s20  }
0xa4: {  	_ =	swait.ge [sflag:s22], s20  }
0xa5: {  	s4 =	ssub.s32 $0x0, s20;
	[sflag:s22] =	ssyncset.done $0x0  }
0xa6: {  	[sflag:s22] =	ssyncadd.s32 s4;
	_ =	sdelay $0x1  }
0xa7: {  	s23 =	simm.s32 $0x1B8B  }
0xa8: {  	_ =	swait.ge [sflag:s23], $0x1  }
0xa9: {  	[sflag:s23] =	ssyncset.done $0x0  }
0xaa: {  	s25 =	simm.s32 $0x1B8E;
	s24 =	sld [smem:$0x3FFE];
	[sflag:s23] =	ssyncadd.s32 $0xFFFFFFFF  }
0xab: {  	s26 =	simm.s32 $execute0_lowered;
	[smem:$0x3FD2] =	sst s25  }
0xac: {  	s5 =	sshll.u32 s26, $0x1;
	_ =	strace $0x80000046;
	[dreg:$0x1] =	wrdreg $0xFFFFFFFF  }
0xad: {  	s28 =	simm.s32 $_size_execute0_lowered;
	s3 =	sadd.s32 s3, s5;
	[dreg:$0x0] =	wrdreg $0x0  }
0xae: {  	s5 =	sshll.u32 s28, $0x1;
	[dreg:$0x2] =	wrdreg s3  }
0xaf: {  	[dreg:$0x3] =	wrdreg s5  }
0xb0: {  	[dreg:$0x4] =	wrdreg $0xC0  }
0xb1: {  	_ =	task [dreg:s7], $0x5FFFF  }
0xb2: {  	[dreg:$0x1] =	wrdreg $0xFFFFFFFF  }
0xb3: {  	[dreg:$0x0] =	wrdreg $0x60  }
0xb4: {  	[dreg:$0x2] =	wrdreg s16  }
0xb5: {  	[dreg:$0x3] =	wrdreg s24  }
0xb6: {  	[dreg:$0x4] =	wrdreg $0xA  }
0xb7: {  	_ =	task.clear_ibuf [dreg:s7], $0x5FFFF;
	_ =	strace $0x90000046  }
0xb8: {  	s29 =	simm.s32 $0xA;
	_ =	strace $0x80000048  }
0xb9: {  	_ =	swait.ge [sflag:s29], $0x1  }
0xba: {  	[sflag:s29] =	ssyncadd.s32 $0xFFFFFFFF  }
0xbb: {  	_ =	strace $0x90000048  }
0xbc: {  	_ =	sfence  }
0xbd: {  	s30 =	sld [smem:$0x0];
	_ =	sdelay $0x2  }
0xbe: {  	s31 =	sshll.u32 s1, $0xD;
	s1 =	sshrl.u32 s1, $0x2  }
0xbf: {  	s3 =	sand.u32 $0x4000, s31;
	s1 =	sadd.s32 s1, s30  }
0xc0: {  	s0 =	sor.u32 s3, s0;
	s1 =	sshll.u32 s1, $0x11  }
0xc1: {  	s0 =	sor.u32 s1, s0  }
0xc2: {  	s0 =	sadd.s32 $0x8F2B, s0  }
0xc3: {  	[sflag:s0] =	ssyncadd.remote.s32 $0x1  }
0xc4: {  	_ =	sfence.sel $0xFFFF  }
0xc5: {  	[dreg:$0x0] =	wrdreg $0xFFFFFFFF;
	(pc) =	sbr.abs _section_cstart, $3  }
0xc6: {  	[dreg:$0x1] =	wrdreg $0xFFFFFFFF  }
0xc7: {  	_ =	task.clear_ibuf [dreg:s7], $0x2FFFF;
	_ =	strace $0x9FFFFFFF  }
0xc8: {  	(tm) =	ssettm $0x7FFFFFFF  }
0xc9: {  	_ =	shalt  }
tec
execute0_lowered:
.L_overlay_start_1:
0x0: {  	(tag) =	ssettag $0x1  }
0x1: {  	s1 =	rddreg [dreg:$0x0]  }
0x2: {  	s8 =	rddreg [dreg:$0x1]  }
0x3: {  	s3 =	simm.s32 $0x0;
	s5 =	srdreg.scid;
	s0 =	stileid.u32  }
0x4: {  	s13 =	simm.s32 $0x100;
	s14 =	simm.s32 $0x80;
	s15 =	simm.s32 $0x200  }
0x5: {  	s16 =	simm.s32 $0x8200;
	s17 =	simm.s32 $0x1;
	s18 =	simm.s32 $0x3  }
0x6: {  	s19 =	simm.s32 $0x5;
	s20 =	simm.s32 $0x2;
	s21 =	simm.s32 $0x4  }
0x7: {  	s22 =	simm.s32 $0x4200;
	s23 =	simm.s32 $0x6;
	s24 =	simm.s32 $0x0  }
0x8: {  	[smem:$0x7FF] =	sst s3;
	s4 =	sadd.s32 $0x1A400, s8;
	s6 =	sand.u32 $0x1, s5  }
.Ltmp0:
0x9: {  	s7 =	sshll.u32 s0, $0x1;
	s5 =	sadd.s32 $0x10600, s8;
	(pc) =	sbr.rel .LBB2_1-.Ltmp0, $4  }
0xa: {  	_ =	strace $0x80000047;
	s9 =	ssub.s32 $0x2, s6;
	s6 =	sor.u32 s6, s7  }
0xb: {  	s7 =	sadd.s32 $0x6800, s8;
	s10 =	sshrl.u32 s9, $0x1;
	s11 =	sshll.u32 s6, $0x4  }
0xc: {  	s8 =	sadd.s32 $0x41600, s8;
	s12 =	ssub.s32 s9, s10;
	s9 =	sadd.s32 s5, s11  }
0xd: {  	s10 =	sadd.s32 s7, s11;
	s11 =	smax.u32 s12, $0x1;
	s12 =	simm.s32 $0x7  }
.LBB2_12:
0xe: {  	s24 =	sadd.s32 $0x1, s24  }
0xf: {  	_ =	swait.ge [sflag:s19], $0x4000;
	p0 =	sne.s32 s24, s11  }
.Ltmp1:
0x10: {  	[sflag:s19] =	ssyncset.done $0x0;
	(pc) =	sbr.rel @!p0 .LBB2_13-.Ltmp1, $4  }
0x11: {  	[sflag:s19] =	ssyncadd.s32 $0xFFFFC000  }
0x12: {  	_ =	swait.ge [sflag:s23], $0x4000  }
0x13: {  	[sflag:s23] =	ssyncset.done $0x0  }
0x14: {  	[sflag:s23] =	ssyncadd.s32 $0xFFFFC000  }
.LBB2_1:
0x15: {  	[tilespmem:s3], [sflag:$0x7] =	stream.linear.gather [hbm4b:s9+s3], $0x80, $0x38;
	[tilespmem:$0x10200] =	vst v63  }
0x16: {  	_ =	swait.ge [sflag:s12], $0x80  }
0x17: {  	[sflag:s12] =	ssyncset.done $0x0  }
0x18: {  	[sflag:s12] =	ssyncadd.s32 $0xFFFFFF80  }
0x19: {  	[tilespmem:s13], [sflag:$0x7] =	stream.linear.gather [hbm4b:s10+s3], $0x80, $0x38;
	[tilespmem:$0x10200] =	vst v63  }
0x1a: {  	_ =	swait.ge [sflag:s12], $0x80  }
.Ltmp2:
0x1b: {  	[sflag:s12] =	ssyncset.done $0x0;
	(pc) =	sbr.rel .LBB2_2-.Ltmp2, $4  }
0x1c: {  	[sflag:s12] =	ssyncadd.s32 $0xFFFFFF80  }
0x1d: {  	[tilespmem:s15], [sflag:$0x1] =	stream.indirect.gather [hbm4b:s1+s14], $0x80, s3, s14, $0xb8;
	[tilespmem:$0x10200] =	vst v63  }
0x1e: {  	s25 =	simm.s32 $0x0  }
0x1f: {  	[tilespmem:s16], [sflag:$0x3] =	stream.indirect.gather [hbm4b:s4+s14], $0x80, s13, s14, $0xb8;
	[tilespmem:$0x10200] =	vst v63  }
.LBB2_11:
0x20: {  	s25 =	sadd.s32 $0x1, s25  }
0x21: {  	p0 =	sne.s32 s25, $0x28  }
.Ltmp3:
0x22: {  	_ = 	snop;
	(pc) =	sbr.rel @!p0 .LBB2_12-.Ltmp3, $1  }
0x23: {  	_ =	sdelay $0x3  }
.LBB2_2:
0x24: {  	s26 =	sshll.u32 s25, $0x6  }
0x25: {  	s28 =	sor.u32 s6, s26  }
0x26: {  	s26 =	sor.u32 $0x20, s28  }
0x27: {  	p0 =	sgt.u32 s26, $0x9C3  }
0x28: {  	p1 =	seq.s32 @!p0 s25, $0x0  }
0x29: {  	p1 =	por p1, p0  }
0x2a: {  	s29 =	simm.s32 @!p1 $0x6  }
0x2b: {  	_ =	swait.ge @!p1 [sflag:s29], $0x4000  }
0x2c: {  	[sflag:s29] =	ssyncset.done @!p1 $0x0  }
0x2d: {  	[sflag:s29] =	ssyncadd.s32 @!p1 $0xFFFFC000;
	s29 =	sshll.u32 @!p0 s26, $0x4  }
0x2e: {  	s31 =	simm.s32 @!p0 $0x0;
	s0 =	simm.s32 @!p0 $0x80;
	s30 =	sadd.s32 @!p0 s5, s29  }
0x2f: {  	[tilespmem:s0], [sflag:$0x7] =	stream.linear.gather @!p0 [hbm4b:s30+s31], $0x80, $0x38;
	[tilespmem:$0x10200] =	vst v63  }
0x30: {  	s30 =	simm.s32 @!p0 $0x7  }
0x31: {  	_ =	swait.ge @!p0 [sflag:s30], $0x80  }
0x32: {  	[sflag:s30] =	ssyncset.done @!p0 $0x0  }
0x33: {  	s2 =	simm.s32 @!p0 $0x180;
	s29 =	sadd.s32 @!p0 s7, s29;
	[sflag:s30] =	ssyncadd.s32 @!p0 $0xFFFFFF80  }
0x34: {  	[tilespmem:s2], [sflag:$0x7] =	stream.linear.gather @!p0 [hbm4b:s29+s31], $0x80, $0x38;
	[tilespmem:$0x10200] =	vst v63  }
0x35: {  	p1 =	sgt.u32 s28, $0x9C3;
	_ =	swait.ge @!p0 [sflag:s30], $0x80  }
.Ltmp4:
0x36: {  	[sflag:s30] =	ssyncset.done @!p0 $0x0;
	(pc) =	sbr.rel @p1 .LBB2_11-.Ltmp4, $4  }
0x37: {  	s29 =	simm.s32 @!p0 $0x4200;
	[sflag:s30] =	ssyncadd.s32 @!p0 $0xFFFFFF80  }
0x38: {  	[tilespmem:s29], [sflag:$0x2] =	stream.indirect.gather @!p0 [hbm4b:s1+s0], $0x80, s0, s0, $0xb8;
	[tilespmem:$0x10200] =	vst v63  }
0x39: {  	s29 =	simm.s32 @!p0 $0xC200  }
0x3a: {  	[tilespmem:s29], [sflag:$0x4] =	stream.indirect.gather @!p0 [hbm4b:s4+s0], $0x80, s2, s0, $0xb8;
	[tilespmem:$0x10200] =	vst v63  }
0x3b: {  	_ =	swait.ge [sflag:s17], $0x4000  }
0x3c: {  	[sflag:s17] =	ssyncset.done $0x0  }
0x3d: {  	[sflag:s17] =	ssyncadd.s32 $0xFFFFC000  }
0x3e: {  	_ =	swait.ge [sflag:s18], $0x4000  }
0x3f: {  	[sflag:s18] =	ssyncset.done $0x0  }
0x40: {  	s29 =	simm.s32 $0x0;
	[sflag:s18] =	ssyncadd.s32 $0xFFFFC000  }
0x41: {  	v7 =	vld [tilespmem:s29+$0x8200]  }
0x42: {  	v11 =	vld [tilespmem:s29+$0x8210]  }
0x43: {  	v5 =	vld [tilespmem:s29+$0x8220]  }
0x44: {  	v4 =	vld [tilespmem:s29+$0x8230]  }
0x45: {  	v3 =	vld [tilespmem:s29+$0x8240]  }
0x46: {  	v2 =	vld [tilespmem:s29+$0x8250]  }
0x47: {  	v1 =	vld [tilespmem:s29+$0x8260]  }
0x48: {  	v0 =	vld [tilespmem:s29+$0x8270]  }
0x49: {  	v12 =	vld [tilespmem:s29+$0x200]  }
0x4a: {  	v13 =	vld [tilespmem:s29+$0x210]  }
0x4b: {  	v10 =	vld [tilespmem:s29+$0x220]  }
0x4c: {  	v9 =	vld [tilespmem:s29+$0x230]  }
0x4d: {  	v8 =	vld [tilespmem:s29+$0x240]  }
0x4e: {  	v6 =	vld [tilespmem:s29+$0x250];
	v12 =	vadd.f32 v7, v12  }
0x4f: {  	s30 =	simm.s32 $0x200;
	v11 =	vadd.f32 v11, v13;
	v7 =	vld [tilespmem:s29+$0x260]  }
.LBB2_4:
0x50: {  	s0 =	sshra.s32 s30, $0x2;
	p1 =	sne.s32 s30, $0xFE00;
	[tilespmem:s29+$0x200] =	vst v12;
	v5 =	vadd.f32 v5, v10;
	v10 =	vld [tilespmem:s29+$0x270]  }
0x51: {  	v12 =	vld [tilespmem:s0+$0x8200];
	[tilespmem:s29+$0x210] =	vst v11;
	v4 =	vadd.f32 v4, v9  }
0x52: {  	v11 =	vld [tilespmem:s0+$0x8210];
	[tilespmem:s29+$0x220] =	vst v5;
	v3 =	vadd.f32 v3, v8  }
0x53: {  	v5 =	vld [tilespmem:s0+$0x8220];
	[tilespmem:s29+$0x230] =	vst v4;
	v2 =	vadd.f32 v2, v6  }
0x54: {  	v4 =	vld [tilespmem:s0+$0x8230];
	[tilespmem:s29+$0x240] =	vst v3;
	v1 =	vadd.f32 v1, v7  }
0x55: {  	v3 =	vld [tilespmem:s0+$0x8240];
	[tilespmem:s29+$0x250] =	vst v2;
	v0 =	vadd.f32 v0, v10  }
0x56: {  	v2 =	vld [tilespmem:s0+$0x8250];
	[tilespmem:s29+$0x260] =	vst v1  }
0x57: {  	v1 =	vld [tilespmem:s0+$0x8260];
	[tilespmem:s29+$0x270] =	vst v0;
	s29 =	smov.u32 s0  }
0x58: {  	v0 =	vld [tilespmem:s29+$0x8270]  }
0x59: {  	v6 =	vld [tilespmem:s29+$0x200]  }
0x5a: {  	v7 =	vld [tilespmem:s29+$0x210]  }
.Ltmp5:
0x5b: {  	v10 =	vld [tilespmem:s29+$0x220];
	(pc) =	sbr.rel @p1 .LBB2_4-.Ltmp5, $4  }
0x5c: {  	v9 =	vld [tilespmem:s29+$0x230]  }
0x5d: {  	v8 =	vld [tilespmem:s29+$0x240]  }
0x5e: {  	v12 =	vadd.f32 v12, v6;
	v6 =	vld [tilespmem:s29+$0x250]  }
0x5f: {  	s30 =	sadd.s32 $0x200, s30;
	v11 =	vadd.f32 v11, v7;
	v7 =	vld [tilespmem:s29+$0x260]  }
0x60: {  	[tilespmem:s29+$0x200] =	vst v12;
	v5 =	vadd.f32 v5, v10;
	v63 =	vld [tilespmem:s29+$0x270]  }
0x61: {  	[tilespmem:s29+$0x210] =	vst v11;
	v4 =	vadd.f32 v4, v9  }
0x62: {  	[tilespmem:s29+$0x220] =	vst v5;
	v3 =	vadd.f32 v3, v8  }
0x63: {  	p1 =	sgt.u32 s26, $0x9A3;
	[tilespmem:s29+$0x230] =	vst v4;
	v2 =	vadd.f32 v2, v6  }
.Ltmp6:
0x64: {  	[tilespmem:s29+$0x240] =	vst v3;
	v1 =	vadd.f32 v1, v7;
	(pc) =	sbr.rel @p1 .LBB2_7-.Ltmp6, $4  }
0x65: {  	[tilespmem:s29+$0x250] =	vst v2;
	v0 =	vadd.f32 v0, v63  }
0x66: {  	s0 =	sshll.u32 s28, $0xB;
	[tilespmem:s29+$0x260] =	vst v1  }
0x67: {  	s0 =	sadd.s32 s8, s0;
	[tilespmem:s29+$0x270] =	vst v0  }
0x68: {  	[hbm4b:s0+s3] =	stream.linear.scatter [tilespmem:s15], [sflag:$0x5], $0x4000, $0x38;
	[tilespmem:$0x10200] =	vst v63  }
0x69: {  	_ =	swait.ge [sflag:s19], $0x4000;
	s0 =	sshll.u32 s26, $0x4  }
0x6a: {  	[sflag:s19] =	ssyncset.done $0x0;
	s0 =	sadd.s32 $0x200, s0  }
0x6b: {  	[sflag:s19] =	ssyncadd.s32 $0xFFFFC000;
	s2 =	sadd.s32 s5, s0  }
0x6c: {  	[tilespmem:s3], [sflag:$0x7] =	stream.linear.gather [hbm4b:s2+s3], $0x80, $0x38;
	[tilespmem:$0x10200] =	vst v63  }
0x6d: {  	_ =	swait.ge [sflag:s12], $0x80  }
0x6e: {  	[sflag:s12] =	ssyncset.done $0x0  }
0x6f: {  	s0 =	sadd.s32 s7, s0;
	[sflag:s12] =	ssyncadd.s32 $0xFFFFFF80  }
0x70: {  	[tilespmem:s13], [sflag:$0x7] =	stream.linear.gather [hbm4b:s0+s3], $0x80, $0x38;
	[tilespmem:$0x10200] =	vst v63  }
0x71: {  	_ =	swait.ge [sflag:s12], $0x80  }
.Ltmp7:
0x72: {  	[sflag:s12] =	ssyncset.done $0x0;
	(pc) =	sbr.rel .LBB2_8-.Ltmp7, $4  }
0x73: {  	[sflag:s12] =	ssyncadd.s32 $0xFFFFFF80  }
0x74: {  	[tilespmem:s15], [sflag:$0x1] =	stream.indirect.gather [hbm4b:s1+s14], $0x80, s3, s14, $0xb8;
	[tilespmem:$0x10200] =	vst v63  }
0x75: {  	_ = 	snop  }
0x76: {  	[tilespmem:s16], [sflag:$0x3] =	stream.indirect.gather [hbm4b:s4+s14], $0x80, s13, s14, $0xb8;
	[tilespmem:$0x10200] =	vst v63  }
.LBB2_7:
.Ltmp8:
0x77: {  	(pc) =	sbr.rel @p0 .LBB2_11-.Ltmp8, $1  }
0x78: {  	_ =	sdelay $0x3  }
.LBB2_8:
0x79: {  	_ =	swait.ge [sflag:s20], $0x4000  }
0x7a: {  	[sflag:s20] =	ssyncset.done $0x0  }
0x7b: {  	[sflag:s20] =	ssyncadd.s32 $0xFFFFC000  }
0x7c: {  	_ =	swait.ge [sflag:s21], $0x4000  }
0x7d: {  	[sflag:s21] =	ssyncset.done $0x0  }
0x7e: {  	s28 =	simm.s32 $0x0;
	[sflag:s21] =	ssyncadd.s32 $0xFFFFC000  }
0x7f: {  	v7 =	vld [tilespmem:s28+$0xC200]  }
0x80: {  	v11 =	vld [tilespmem:s28+$0xC210]  }
0x81: {  	v5 =	vld [tilespmem:s28+$0xC220]  }
0x82: {  	v4 =	vld [tilespmem:s28+$0xC230]  }
0x83: {  	v3 =	vld [tilespmem:s28+$0xC240]  }
0x84: {  	v2 =	vld [tilespmem:s28+$0xC250]  }
0x85: {  	v1 =	vld [tilespmem:s28+$0xC260]  }
0x86: {  	v0 =	vld [tilespmem:s28+$0xC270]  }
0x87: {  	v12 =	vld [tilespmem:s28+$0x4200]  }
0x88: {  	v13 =	vld [tilespmem:s28+$0x4210]  }
0x89: {  	v10 =	vld [tilespmem:s28+$0x4220]  }
0x8a: {  	v9 =	vld [tilespmem:s28+$0x4230]  }
0x8b: {  	v8 =	vld [tilespmem:s28+$0x4240]  }
0x8c: {  	v6 =	vld [tilespmem:s28+$0x4250];
	v12 =	vadd.f32 v7, v12  }
0x8d: {  	s29 =	simm.s32 $0x200;
	v11 =	vadd.f32 v11, v13;
	v7 =	vld [tilespmem:s28+$0x4260]  }
.LBB2_9:
0x8e: {  	s0 =	sshra.s32 s29, $0x2;
	p0 =	sne.s32 s29, $0xFE00;
	[tilespmem:s28+$0x4200] =	vst v12;
	v5 =	vadd.f32 v5, v10;
	v10 =	vld [tilespmem:s28+$0x4270]  }
0x8f: {  	v12 =	vld [tilespmem:s0+$0xC200];
	[tilespmem:s28+$0x4210] =	vst v11;
	v4 =	vadd.f32 v4, v9  }
0x90: {  	v11 =	vld [tilespmem:s0+$0xC210];
	[tilespmem:s28+$0x4220] =	vst v5;
	v3 =	vadd.f32 v3, v8  }
0x91: {  	v5 =	vld [tilespmem:s0+$0xC220];
	[tilespmem:s28+$0x4230] =	vst v4;
	v2 =	vadd.f32 v2, v6  }
0x92: {  	v4 =	vld [tilespmem:s0+$0xC230];
	[tilespmem:s28+$0x4240] =	vst v3;
	v1 =	vadd.f32 v1, v7  }
0x93: {  	v3 =	vld [tilespmem:s0+$0xC240];
	[tilespmem:s28+$0x4250] =	vst v2;
	v0 =	vadd.f32 v0, v10  }
0x94: {  	v2 =	vld [tilespmem:s0+$0xC250];
	[tilespmem:s28+$0x4260] =	vst v1  }
0x95: {  	v1 =	vld [tilespmem:s0+$0xC260];
	[tilespmem:s28+$0x4270] =	vst v0;
	s28 =	smov.u32 s0  }
0x96: {  	v0 =	vld [tilespmem:s28+$0xC270]  }
0x97: {  	v6 =	vld [tilespmem:s28+$0x4200]  }
0x98: {  	v7 =	vld [tilespmem:s28+$0x4210]  }
.Ltmp9:
0x99: {  	v10 =	vld [tilespmem:s28+$0x4220];
	(pc) =	sbr.rel @p0 .LBB2_9-.Ltmp9, $4  }
0x9a: {  	v9 =	vld [tilespmem:s28+$0x4230]  }
0x9b: {  	v8 =	vld [tilespmem:s28+$0x4240]  }
0x9c: {  	v12 =	vadd.f32 v12, v6;
	v6 =	vld [tilespmem:s28+$0x4250]  }
0x9d: {  	s29 =	sadd.s32 $0x200, s29;
	v11 =	vadd.f32 v11, v7;
	v7 =	vld [tilespmem:s28+$0x4260]  }
0x9e: {  	[tilespmem:s28+$0x4200] =	vst v12;
	v5 =	vadd.f32 v5, v10;
	v63 =	vld [tilespmem:s28+$0x4270]  }
0x9f: {  	[tilespmem:s28+$0x4210] =	vst v11;
	v4 =	vadd.f32 v4, v9  }
0xa0: {  	[tilespmem:s28+$0x4220] =	vst v5;
	v3 =	vadd.f32 v3, v8  }
0xa1: {  	[tilespmem:s28+$0x4230] =	vst v4;
	v2 =	vadd.f32 v2, v6  }
.Ltmp10:
0xa2: {  	[tilespmem:s28+$0x4240] =	vst v3;
	v1 =	vadd.f32 v1, v7;
	(pc) =	sbr.rel .LBB2_11-.Ltmp10, $4  }
0xa3: {  	[tilespmem:s28+$0x4250] =	vst v2;
	v0 =	vadd.f32 v0, v63  }
0xa4: {  	s0 =	sshll.u32 s26, $0xB;
	[tilespmem:s28+$0x4260] =	vst v1  }
0xa5: {  	s0 =	sadd.s32 s8, s0;
	[tilespmem:s28+$0x4270] =	vst v0  }
0xa6: {  	[hbm4b:s0+s3] =	stream.linear.scatter [tilespmem:s22], [sflag:$0x6], $0x4000, $0x38;
	[tilespmem:$0x10200] =	vst v63  }
.LBB2_13:
0xa7: {  	_ =	sfence.sel $0x180000  }
0xa8: {  	[bflag:$0x0] =	sbarrier.arrive $0xFFFF  }
0xa9: {  	_ =	strace $0x90000047  }
0xaa: {  	s0 =	stileid.u32;
	[bflag:$0x2] =	sbarrier.arrive $0xFFFF  }
0xab: {  	p0 =	sne.s32 s0, $0x0;
	s0 =	rddreg [dreg:$0x2]  }
0xac: {  	s0 =	sadd.s32 @!p0 $0x100000, s0  }
0xad: {  	[sflag:s0] =	ssyncadd.tile.s32 @!p0 $0x1;
	_ =	shalt  }
.Lfunc_end2:
_tile_overlayer_lowered:
.L_overlay_start_2:
0xae: {  	(tag) =	ssettag $0x2  }
0xaf: {  	s0 =	rddreg [dreg:$0x0];
	s2 =	stileid.u32  }
0xb0: {  	s1 =	rddreg [dreg:$0x1];
	p0 =	sne.s32 s2, $0x0  }
0xb1: {  	s3 =	rddreg [dreg:$0x2];
	[bflag:$0x3] =	sbarrier.arrive $0xFFFF;
	s2 =	simm.s32 @!p0 $0x1C07  }
0xb2: {  	[timem:s3], [sflag:s2] =	dma.local @!p0 [hbm:s0], s1  }
0xb3: {  	s0 =	simm.s32 @!p0 $0x7  }
0xb4: {  	_ =	swait.ge @!p0 [sflag:s0], s1  }
0xb5: {  	s1 =	ssub.s32 @!p0 $0x0, s1;
	[sflag:s0] =	ssyncset.done @!p0 $0x0  }
0xb6: {  	[sflag:s0] =	ssyncadd.s32 @!p0 s1  }
0xb7: {  	[bflag:$0x3] =	sbarrier.arrive $0xFFFF  }
0xb8: {  	_ =	shalt  }

// kernel: kernel.14.cloned.1.call-start
scs
__scs_entry_jumppad:
0x0: {  	(pc) =	sbr.rel $0x88, $3  }
0x1: {  	(tag) =	ssettag $0x0;
	lr =	simm.s32 $0x1  }
0x2: {  	[smem:$0x3F8C] =	sst lr;
	_ =	strace $0xD0000000  }
0x3: {  	_ = 	snop  }
0x4: {  	_ = 	snop  }
0x5: {  	_ = 	snop  }
0x6: {  	_ = 	snop  }
0x7: {  	_ = 	snop  }
__scs_overlays_trampoline_lowered:
0x8: {  	[smem:$0x3F9B] =	sst s0  }
0x9: {  	[smem:$0x3F9C] =	sst s1  }
0xa: {  	[smem:$0x3F9D] =	sst s2  }
0xb: {  	[smem:$0x3F9E] =	sst s3  }
0xc: {  	[smem:$0x3F9F] =	sst s4  }
0xd: {  	[smem:$0x3FA0] =	sst s5  }
0xe: {  	[smem:$0x3FA1] =	sst s6  }
0xf: {  	[smem:$0x3FA2] =	sst s7  }
0x10: {  	[smem:$0x3FA3] =	sst s8  }
0x11: {  	[smem:$0x3FA4] =	sst s9;
	s0 =	simm.s32 @!p0 $0x0  }
0x12: {  	s1 =	sld [smem:$0x3F8A];
	s0 =	simm.s32 @p0 $0x1  }
0x13: {  	[smem:$0x3FA5] =	sst s0;
	s0 =	simm.s32 @!p1 $0x0  }
0x14: {  	s2 =	sld [smem:$0x3F89];
	s0 =	simm.s32 @p1 $0x1  }
0x15: {  	[smem:$0x3FA6] =	sst s0;
	s0 =	simm.s32 @!p2 $0x0  }
0x16: {  	s3 =	sld [smem:$0x3FDB];
	s0 =	simm.s32 @p2 $0x1  }
0x17: {  	s4 =	simm.s32 $0x1BF5;
	[smem:$0x3FA8] =	sst s0  }
0x18: {  	s0 =	sld [smem:$0x3F8B];
	_ =	swait.ge [sflag:s4], $0x0  }
0x19: {  	s7 =	sld [smem:$0x3F8C]  }
0x1a: {  	s8 =	sadd.s32 $0xFFFFE003, lr  }
0x1b: {  	s9 =	sadd.s32 $0xFFFFFEF7, lr;
	s5 =	simm.s32 $0xFFFFFFFF;
	p2 =	slt.u32 s8, $0xFFFFF086  }
0x1c: {  	p1 =	slt.u32 s9, $0xF7A;
	s5 =	simm.s32 @!p2 $0x0  }
0x1d: {  	s5 =	simm.s32 @p1 $0x1;
	p0 =	seq.s32 s7, s2  }
0x1e: {  	s7 =	smul.u32 @!p0 $0xF7A, s2;
	p2 =	seq.s32 @!p0 s5, $0x0  }
0x1f: {  	s9 =	smul.u32 $0xF7A, s1;
	s8 =	simm.s32 @!p0 $0x1BF5;
	p2 =	por !p2, p0  }
0x20: {  	[sflag:s8] =	ssyncset.s32 @!p0 $0xFFFFF086;
	s6 =	sadd.s32 @!p0 s3, s7;
	s7 =	simm.s32 @!p0 $0x108  }
0x21: {  	s3 =	sadd.s32 s3, s9;
	s6 =	sadd.s32 @!p0 $0x88, s6;
	s7 =	simm.s32 @p2 $0x1082  }
0x22: {  	[simem:s7], [sflag:s8] =	dma.local @!p0 [hbm:s6], $0xF7A  }
0x23: {  	s9 =	sor.u32 $0xD0000000, s2;
	s6 =	simm.s32 $0x108;
	_ =	swait.ge @!p0 [sflag:s8], $0x0  }
0x24: {  	s3 =	sadd.s32 $0x88, s3;
	s6 =	simm.s32 @!p1 $0x1082;
	[sflag:s4] =	ssyncset.s32 $0xFFFFF086  }
0x25: {  	[simem:s6], [sflag:s4] =	dma.local [hbm:s3], $0xF7A  }
0x26: {  	[smem:$0x3F8C] =	sst s1;
	(tag) =	ssettag s2;
	_ =	strace s9  }
0x27: {  	s1 =	sld [smem:$0x3F9C]  }
0x28: {  	s2 =	sld [smem:$0x3F9D]  }
0x29: {  	s4 =	sld [smem:$0x3F9F]  }
0x2a: {  	p0 =	seq.s32 s5, $0x0;
	s5 =	sld [smem:$0x3FA0]  }
0x2b: {  	s6 =	sld [smem:$0x3FA1]  }
0x2c: {  	s7 =	sld [smem:$0x3FA2]  }
0x2d: {  	s3 =	simm.s32 $0x108;
	s8 =	sld [smem:$0x3FA3]  }
0x2e: {  	s3 =	simm.s32 @!p0 $0x1082;
	s9 =	sld [smem:$0x3FA4]  }
0x2f: {  	lr =	sadd.s32 s0, s3;
	s0 =	sld [smem:$0x3F9B]  }
0x30: {  	s3 =	sld [smem:$0x3F9E]  }
0x31: {  	[smem:$0x3FA7] =	sst s10  }
0x32: {  	s10 =	sld [smem:$0x3FA5];
	_ =	sdelay $0x3  }
0x33: {  	p0 =	seq.s32 s10, $0x1;
	s10 =	sld [smem:$0x3FA7];
	_ =	sdelay $0x3  }
0x34: {  	[smem:$0x3FA7] =	sst s10  }
0x35: {  	s10 =	sld [smem:$0x3FA6];
	_ =	sdelay $0x3  }
0x36: {  	p1 =	seq.s32 s10, $0x1;
	s10 =	sld [smem:$0x3FA7];
	_ =	sdelay $0x3  }
0x37: {  	[smem:$0x3FA7] =	sst s10  }
0x38: {  	s10 =	sld [smem:$0x3FA8]  }
0x39: {  	_ = 	snop;
	(pc) =	sbr.ind lr, $3  }
0x3a: {  	_ = 	snop  }
0x3b: {  	_ = 	snop  }
0x3c: {  	p2 =	seq.s32 s10, $0x1;
	s10 =	sld [smem:$0x3FA7]  }
0x3d: {  	_ =	shalt  }
0x3e: {  	_ =	shalt  }
0x3f: {  	_ =	shalt  }
0x40: {  	_ =	shalt  }
0x41: {  	_ =	shalt  }
0x42: {  	_ =	shalt  }
0x43: {  	_ =	shalt  }
0x44: {  	_ =	shalt  }
0x45: {  	_ =	shalt  }
0x46: {  	_ =	shalt  }
0x47: {  	_ =	shalt  }
0x48: {  	_ =	shalt  }
0x49: {  	_ =	shalt  }
0x4a: {  	_ =	shalt  }
0x4b: {  	_ =	shalt  }
0x4c: {  	_ =	shalt  }
0x4d: {  	_ =	shalt  }
0x4e: {  	_ =	shalt  }
0x4f: {  	_ =	shalt  }
0x50: {  	_ =	shalt  }
0x51: {  	_ =	shalt  }
0x52: {  	_ =	shalt  }
0x53: {  	_ =	shalt  }
0x54: {  	_ =	shalt  }
0x55: {  	_ =	shalt  }
0x56: {  	_ =	shalt  }
0x57: {  	_ =	shalt  }
0x58: {  	_ =	shalt  }
0x59: {  	_ =	shalt  }
0x5a: {  	_ =	shalt  }
0x5b: {  	_ =	shalt  }
0x5c: {  	_ =	shalt  }
0x5d: {  	_ =	shalt  }
0x5e: {  	_ =	shalt  }
0x5f: {  	_ =	shalt  }
0x60: {  	_ =	shalt  }
0x61: {  	_ =	shalt  }
0x62: {  	_ =	shalt  }
0x63: {  	_ =	shalt  }
0x64: {  	_ =	shalt  }
0x65: {  	_ =	shalt  }
0x66: {  	_ =	shalt  }
0x67: {  	_ =	shalt  }
0x68: {  	_ =	shalt  }
0x69: {  	_ =	shalt  }
0x6a: {  	_ =	shalt  }
0x6b: {  	_ =	shalt  }
0x6c: {  	_ =	shalt  }
0x6d: {  	_ =	shalt  }
0x6e: {  	_ =	shalt  }
0x6f: {  	_ =	shalt  }
0x70: {  	_ =	shalt  }
0x71: {  	_ =	shalt  }
0x72: {  	_ =	shalt  }
0x73: {  	_ =	shalt  }
0x74: {  	_ =	shalt  }
0x75: {  	_ =	shalt  }
0x76: {  	_ =	shalt  }
0x77: {  	_ =	shalt  }
0x78: {  	_ =	shalt  }
0x79: {  	_ =	shalt  }
0x7a: {  	_ =	shalt  }
0x7b: {  	_ =	shalt  }
0x7c: {  	_ =	shalt  }
0x7d: {  	_ =	shalt  }
0x7e: {  	_ =	shalt  }
0x7f: {  	_ =	shalt  }
0x80: {  	_ =	shalt  }
0x81: {  	_ =	shalt  }
0x82: {  	_ =	shalt  }
0x83: {  	_ =	shalt  }
0x84: {  	_ =	shalt  }
0x85: {  	_ =	shalt  }
0x86: {  	_ =	shalt  }
0x87: {  	_ =	shalt  }
.Lfunc_end0:
.L_simem_size_0:
called_computation.2_lowered:
.L_overlay_start_0:
0x88: {  	s2 =	sld [smem:$0x3FD9]  }
0x89: {  	s3 =	sld [smem:$0x3FFE];
	_ =	sdelay $0x1  }
0x8a: {  	s1 =	srdreg.scid  }
0x8b: {  	s0 =	sand.u32 $0x1, s1  }
0x8c: {  	s17 =	sshll.u32 s0, $0xA;
	s2 =	sadd.s32 s3, s2  }
0x8d: {  	s2 =	sadd.s32 s2, s17  }
0x8e: {  	[smem:$0x3FB3] =	sst s2  }
0x8f: {  	_ = 	snop  }
0x90: {  	(tm) =	ssettm $0x1  }
0x91: {  	s18 =	sld [smem:$0x3FFB];
	_ =	sdelay $0x3  }
0x92: {  	_ =	strace s18  }
0x93: {  	s2 =	sld [smem:$0x3FFC];
	_ =	sdelay $0x3  }
0x94: {  	_ =	strace s2  }
0x95: {  	s2 =	sld [smem:$0x3FFD];
	_ =	sdelay $0x3  }
0x96: {  	_ =	strace s2  }
0x97: {  	_ =	strace $0x8FFFFFFF  }
0x98: {  	s19 =	sld [smem:$0x3FDB];
	_ =	sdelay $0x1  }
0x99: {  	s20 =	simm.s32 $_scs_section_size  }
0x9a: {  	s4 =	simm.s32 $_size__tile_overlayer_lowered;
	s5 =	simm.s32 $_tile_overlayer_lowered  }
0x9b: {  	s6 =	simm.s32 $0x1BFF;
	s21 =	sshll.u32 s5, $0x1;
	s3 =	sadd.s32 s20, s19  }
0x9c: {  	s22 =	simm.s32 $0x0;
	s4 =	sshll.u32 s4, $0x1;
	s5 =	sadd.s32 s21, s3  }
0x9d: {  	[timem:s22], [sflag:s6] =	dma.local [hbm:s5], s4  }
0x9e: {  	_ =	swait.ge [sflag:s6], s4  }
0x9f: {  	s4 =	ssub.s32 $0x0, s4;
	[sflag:s6] =	ssyncset.done $0x0  }
0xa0: {  	[sflag:s6] =	ssyncadd.s32 s4;
	_ =	sdelay $0x1  }
0xa1: {  	s23 =	simm.s32 $0x1B8B  }
0xa2: {  	_ =	swait.ge [sflag:s23], $0x1  }
0xa3: {  	[sflag:s23] =	ssyncset.done $0x0  }
0xa4: {  	[sflag:s23] =	ssyncadd.s32 $0xFFFFFFFF  }
0xa5: {  	s4 =	sld [smem:$0x0]  }
0xa6: {  	s5 =	sand.u32 $0xFFFFFFFE, s1  }
0xa7: {  	p0 =	sne.s32 s1, s5  }
0xa8: {  	s5 =	sshll.u32 @p0 s5, $0xE  }
0xa9: {  	s5 =	sadd.s32 @p0 $0x11B8D, s5;
	s6 =	sshll.u32 @p0 s4, $0x11  }
0xaa: {  	s5 =	sor.u32 @p0 s6, s5  }
0xab: {  	[sflag:s5] =	ssyncadd.remote.s32 @p0 $0x1;
	_ =	sdelay $0x1  }
0xac: {  	s5 =	simm.s32 @p0 $0x1B8D  }
0xad: {  	_ =	swait.eq @p0 [sflag:s5], $0x1  }
0xae: {  	[sflag:s5] =	ssyncadd.s32 @p0 $0xFFFFFFFF  }
0xaf: {  	s6 =	sshll.u32 @!p0 s1, $0xE  }
0xb0: {  	s6 =	sor.u32 @!p0 $0x4000, s6;
	s5 =	simm.s32 @!p0 $0x1B8D  }
0xb1: {  	s4 =	sshll.u32 @!p0 s4, $0x11;
	s6 =	sadd.s32 @!p0 $0x11B8D, s6;
	_ =	swait.eq @!p0 [sflag:s5], $0x1  }
0xb2: {  	s4 =	sor.u32 @!p0 s4, s6;
	[sflag:s5] =	ssyncadd.s32 @!p0 $0xFFFFFFFF  }
0xb3: {  	s25 =	simm.s32 $0x1B8E;
	s24 =	sld [smem:$0x3FFE];
	[sflag:s4] =	ssyncadd.remote.s32 @!p0 $0x1  }
0xb4: {  	s26 =	simm.s32 $execute0_lowered;
	[smem:$0x3FD2] =	sst s25  }
0xb5: {  	s5 =	sshll.u32 s26, $0x1;
	_ =	strace $0x8000004C;
	[dreg:$0x1] =	wrdreg $0xFFFFFFFF  }
0xb6: {  	s28 =	simm.s32 $_size_execute0_lowered;
	s3 =	sadd.s32 s3, s5;
	[dreg:$0x0] =	wrdreg $0x0  }
0xb7: {  	s5 =	sshll.u32 s28, $0x1;
	[dreg:$0x2] =	wrdreg s3  }
0xb8: {  	[dreg:$0x3] =	wrdreg s5  }
0xb9: {  	[dreg:$0x4] =	wrdreg $0xC0  }
0xba: {  	_ =	task [dreg:s22], $0x5FFFF  }
0xbb: {  	[dreg:$0x1] =	wrdreg $0xFFFFFFFF  }
0xbc: {  	[dreg:$0x0] =	wrdreg $0x60  }
0xbd: {  	[dreg:$0x2] =	wrdreg s24  }
0xbe: {  	[dreg:$0x3] =	wrdreg $0xB9000  }
0xbf: {  	[dreg:$0x4] =	wrdreg $0xA  }
0xc0: {  	_ =	task.clear_ibuf [dreg:s22], $0x5FFFF;
	_ =	strace $0x9000004C  }
0xc1: {  	s29 =	simm.s32 $0xA;
	_ =	strace $0x8000004E  }
0xc2: {  	_ =	swait.ge [sflag:s29], $0x1  }
0xc3: {  	[sflag:s29] =	ssyncadd.s32 $0xFFFFFFFF  }
0xc4: {  	_ =	strace $0x9000004E  }
0xc5: {  	_ =	sfence  }
0xc6: {  	s30 =	sld [smem:$0x0];
	_ =	sdelay $0x2  }
0xc7: {  	s31 =	sshll.u32 s1, $0xD;
	s1 =	sshrl.u32 s1, $0x2  }
0xc8: {  	s4 =	sand.u32 $0x4000, s31;
	s1 =	sadd.s32 s1, s30  }
0xc9: {  	s0 =	sor.u32 s4, s0;
	s1 =	sshll.u32 s1, $0x11  }
0xca: {  	s0 =	sor.u32 s1, s0  }
0xcb: {  	s0 =	sadd.s32 $0x8F2B, s0  }
0xcc: {  	[sflag:s0] =	ssyncadd.remote.s32 $0x1  }
0xcd: {  	_ =	sfence.sel $0xFFFF  }
0xce: {  	[dreg:$0x0] =	wrdreg $0xFFFFFFFF;
	(pc) =	sbr.abs _section_cstart, $3  }
0xcf: {  	[dreg:$0x1] =	wrdreg $0xFFFFFFFF  }
0xd0: {  	_ =	task.clear_ibuf [dreg:s22], $0x2FFFF;
	_ =	strace $0x9FFFFFFF  }
0xd1: {  	(tm) =	ssettm $0x7FFFFFFF  }
tec
execute0_lowered:
.L_overlay_start_1:
0x0: {  	(tag) =	ssettag $0x1  }
0x1: {  	s0 =	rddreg [dreg:$0x0]  }
0x2: {  	s1 =	rddreg [dreg:$0x1];
	s2 =	simm.s32 $0x0;
	s4 =	srdreg.scid  }
0x3: {  	s13 =	stileid.u32;
	s16 =	simm.s32 $0x9100;
	s17 =	simm.s32 $0x5  }
0x4: {  	s18 =	simm.s32 $0x100;
	s19 =	simm.s32 $0x1;
	s20 =	simm.s32 $0x80  }
0x5: {  	s21 =	simm.s32 $0x1100;
	s22 =	simm.s32 $0x3;
	s23 =	simm.s32 $0x2  }
0x6: {  	s24 =	simm.s32 $0x5100;
	s25 =	simm.s32 $0x4;
	[smem:$0x7FF] =	sst s2  }
0x7: {  	s3 =	sadd.s32 $0x571800, s0;
	s4 =	sand.u32 $0x1, s4;
	s5 =	sadd.s32 $0x10600, s0  }
0x8: {  	s6 =	sadd.s32 $0x6800, s0;
	s26 =	sshll.u32 s13, $0x1;
	s11 =	smul.u32 $0xA000, s13  }
0x9: {  	s28 =	ssub.s32 $0x8C, s13;
	s7 =	smul.u32 $0x27100, s4;
	s8 =	ssub.s32 $0x2, s4  }
0xa: {  	s13 =	smul.u32 $0x500, s13;
	_ =	strace $0x8000004D;
	s9 =	sshrl.u32 s8, $0x1  }
0xb: {  	s31 =	sshrl.u32 s11, $0x2;
	s0 =	sadd.s32 s7, s0;
	s9 =	ssub.s32 s8, s9  }
0xc: {  	s7 =	sor.u32 s4, s26;
	s8 =	sshrl.u32 s28, $0x4;
	s26 =	simm.s32 $0x0  }
0xd: {  	s12 =	sshll.u32 s7, $0x4;
	s10 =	sshll.u32 s7, $0x8;
	s0 =	sadd.s32 s13, s0  }
0xe: {  	s13 =	sadd.s32 s31, s1;
	s29 =	sadd.s32 s6, s12;
	s10 =	sadd.s32 s3, s10  }
0xf: {  	v0 =	vimm.f32 $0.0e+00;
	vm0 =	vcmask $0x300;
	s30 =	sadd.s32 s5, s12;
	s12 =	smax.u32 s9, $0x1;
	[dreg:$0x3] =	wrdreg s29  }
0x10: {  	v1 =	vsel vm0, $0x3F800000, v0;
	s14 =	sadd.s32 $0x60DC00, s0;
	s15 =	sadd.s32 $0x65BE00, s0;
	[dreg:$0x4] =	wrdreg s30  }
.LBB2_1:
0x11: {  	s0 =	simm.s32 $0x0;
	s4 =	simm.s32 $0x200  }
.LBB2_2:
0x12: {  	p0 =	sne.s32 s4, $0x9E00;
	[tilespmem:s0+$0x9170] =	vst v0  }
0x13: {  	[tilespmem:s0+$0x9100] =	vst v0  }
0x14: {  	[tilespmem:s0+$0x9110] =	vst v0  }
.Ltmp0:
0x15: {  	[tilespmem:s0+$0x9120] =	vst v0;
	(pc) =	sbr.rel @p0 .LBB2_2-.Ltmp0, $4  }
0x16: {  	[tilespmem:s0+$0x9130] =	vst v0  }
0x17: {  	[tilespmem:s0+$0x9140] =	vst v0  }
0x18: {  	[tilespmem:s0+$0x9150] =	vst v0  }
0x19: {  	[tilespmem:s0+$0x9160] =	vst v0;
	s0 =	sshra.s32 s4, $0x2;
	s4 =	sadd.s32 $0x200, s4  }
0x1a: {  	[tilespmem:s0+$0x9170] =	vst v0  }
0x1b: {  	[tilespmem:s0+$0x9100] =	vst v0  }
0x1c: {  	[tilespmem:s0+$0x9110] =	vst v0  }
0x1d: {  	[tilespmem:s0+$0x9120] =	vst v0  }
0x1e: {  	[tilespmem:s0+$0x9130] =	vst v0  }
0x1f: {  	[tilespmem:s0+$0x9140] =	vst v0  }
0x20: {  	[tilespmem:s0+$0x9150] =	vst v0  }
0x21: {  	[tilespmem:s0+$0x9160] =	vst v0;
	s0 =	simm.s32 $0x0;
	s4 =	simm.s32 $0x200  }
.LBB2_4:
0x22: {  	p0 =	sne.s32 s4, $0xFE00;
	[tilespmem:s0+$0x5170] =	vst v0  }
0x23: {  	[tilespmem:s0+$0x1100] =	vst v0  }
0x24: {  	[tilespmem:s0+$0x1110] =	vst v0  }
0x25: {  	[tilespmem:s0+$0x1120] =	vst v0  }
0x26: {  	[tilespmem:s0+$0x1130] =	vst v0  }
0x27: {  	[tilespmem:s0+$0x1140] =	vst v0  }
0x28: {  	[tilespmem:s0+$0x1150] =	vst v0  }
0x29: {  	[tilespmem:s0+$0x1160] =	vst v0  }
0x2a: {  	[tilespmem:s0+$0x1170] =	vst v0  }
0x2b: {  	[tilespmem:s0+$0x5100] =	vst v0  }
0x2c: {  	[tilespmem:s0+$0x5110] =	vst v0  }
.Ltmp1:
0x2d: {  	[tilespmem:s0+$0x5120] =	vst v0;
	(pc) =	sbr.rel @p0 .LBB2_4-.Ltmp1, $4  }
0x2e: {  	[tilespmem:s0+$0x5130] =	vst v0  }
0x2f: {  	[tilespmem:s0+$0x5140] =	vst v0  }
0x30: {  	[tilespmem:s0+$0x5150] =	vst v0  }
0x31: {  	[tilespmem:s0+$0x5160] =	vst v0;
	s0 =	sshra.s32 s4, $0x2;
	s4 =	sadd.s32 $0x200, s4  }
0x32: {  	[tilespmem:s0+$0x5170] =	vst v0  }
0x33: {  	[tilespmem:s0+$0x1100] =	vst v0  }
0x34: {  	[tilespmem:s0+$0x1110] =	vst v0  }
0x35: {  	[tilespmem:s0+$0x1120] =	vst v0  }
0x36: {  	[tilespmem:s0+$0x1130] =	vst v0  }
0x37: {  	[tilespmem:s0+$0x1140] =	vst v0  }
0x38: {  	[tilespmem:s0+$0x1150] =	vst v0  }
0x39: {  	[tilespmem:s0+$0x1160] =	vst v0  }
0x3a: {  	[tilespmem:s0+$0x1170] =	vst v0  }
0x3b: {  	[tilespmem:s0+$0x5100] =	vst v0  }
0x3c: {  	[tilespmem:s0+$0x5110] =	vst v0  }
0x3d: {  	[tilespmem:s0+$0x5120] =	vst v0  }
0x3e: {  	[tilespmem:s0+$0x5130] =	vst v0  }
0x3f: {  	[tilespmem:s0+$0x5140] =	vst v0;
	p0 =	sne.s32 s8, $0x1  }
.Ltmp2:
0x40: {  	[tilespmem:s0+$0x5150] =	vst v0;
	(pc) =	sbr.rel @!p0 .LBB2_7-.Ltmp2, $4  }
0x41: {  	[tilespmem:s0+$0x5160] =	vst v0  }
0x42: {  	[spmem:s13] =	stream.linear.scatter [tilespmem:s16], [sflag:$0x5], $0x2800, $0x38;
	[tilespmem:$0x1F180] =	vst v63  }
0x43: {  	_ =	swait.ge [sflag:s17], $0x2800  }
0x44: {  	s0 =	sadd.s32 $0xFFFFFFFF, s8;
	s4 =	smov.u32 s13;
	[sflag:s17] =	ssyncset.done $0x0  }
.LBB2_6:
0x45: {  	p1 =	sne.s32 s0, $0x1;
	[sflag:s17] =	ssyncadd.s32 $0xFFFFD800;
	s4 =	sadd.s32 $0x28000, s4  }
.Ltmp3:
0x46: {  	s0 =	sadd.s32 $0xFFFFFFFF, s0;
	(pc) =	sbr.rel @p1 .LBB2_6-.Ltmp3, $4  }
0x47: {  	_ = 	snop  }
0x48: {  	[spmem:s4] =	stream.linear.scatter [tilespmem:s16], [sflag:$0x5], $0x2800, $0x38;
	[tilespmem:$0x1F180] =	vst v63  }
0x49: {  	_ =	swait.ge [sflag:s17], $0x2800  }
0x4a: {  	[sflag:s17] =	ssyncset.done $0x0  }
.LBB2_7:
0x4b: {  	[sflag:s17] =	ssyncadd.s32 $0xFFFFD800  }
.Ltmp4:
0x4c: {  	[bflag:$0x0] =	sbarrier.arrive $0xFFFF;
	(pc) =	sbr.rel .LBB2_8-.Ltmp4, $4  }
0x4d: {  	s28 =	simm.s32 $0x0;
	s0 =	rddreg [dreg:$0x3]  }
0x4e: {  	[tilespmem:s28], [sflag:$0x1] =	stream.linear.gather [hbm4b:s0+s28], $0x80, $0x38;
	[tilespmem:$0x1F180] =	vst v63  }
0x4f: {  	_ = 	snop  }
0x50: {  	[tilespmem:s18], [sflag:$0x1] =	stream.linear.gather [hbm4b:s10+s28], $0x800, $0x38;
	[tilespmem:$0x1F180] =	vst v63  }
.LBB2_17:
0x51: {  	s28 =	sadd.s32 $0x1, s28  }
0x52: {  	p1 =	sne.s32 s28, $0x28  }
.Ltmp5:
0x53: {  	_ = 	snop;
	(pc) =	sbr.rel @!p1 .LBB2_18-.Ltmp5, $1  }
0x54: {  	_ =	sdelay $0x3  }
.LBB2_8:
0x55: {  	s0 =	sshll.u32 s28, $0x6  }
0x56: {  	s29 =	sor.u32 s7, s0  }
0x57: {  	s30 =	sor.u32 $0x20, s29  }
0x58: {  	p1 =	sgt.u32 s30, $0x9C3  }
0x59: {  	p2 =	seq.s32 @!p1 s28, $0x0  }
0x5a: {  	p2 =	por p2, p1  }
0x5b: {  	s0 =	simm.s32 @!p2 $0x4  }
0x5c: {  	_ =	swait.ge @!p2 [sflag:s0], $0x4000  }
0x5d: {  	s4 =	simm.s32 @!p1 $0x0;
	[sflag:s0] =	ssyncset.done @!p2 $0x0  }
0x5e: {  	[sflag:s0] =	ssyncadd.s32 @!p2 $0xFFFFC000;
	s0 =	sshll.u32 @!p1 s30, $0x4;
	p2 =	sgt.u32 s29, $0x9C3  }
.Ltmp6:
0x5f: {  	s9 =	simm.s32 @!p1 $0x80;
	s0 =	sadd.s32 @!p1 s6, s0;
	(pc) =	sbr.rel @p2 .LBB2_17-.Ltmp6, $4  }
0x60: {  	[tilespmem:s9], [sflag:$0x2] =	stream.linear.gather @!p1 [hbm4b:s0+s4], $0x80, $0x38;
	[tilespmem:$0x1F180] =	vst v63  }
0x61: {  	s0 =	sshll.u32 @!p1 s30, $0x8  }
0x62: {  	s9 =	simm.s32 @!p1 $0x900;
	s0 =	sadd.s32 @!p1 s3, s0  }
0x63: {  	[tilespmem:s9], [sflag:$0x2] =	stream.linear.gather @!p1 [hbm4b:s0+s4], $0x800, $0x38;
	[tilespmem:$0x1F180] =	vst v63  }
0x64: {  	_ =	swait.ge [sflag:s19], $0x80  }
0x65: {  	[sflag:s19] =	ssyncset.done $0x0  }
0x66: {  	[sflag:s19] =	ssyncadd.s32 $0xFFFFFF80  }
0x67: {  	_ =	swait.ge [sflag:s19], $0x800  }
0x68: {  	s0 =	simm.s32 $0x1300;
	[sflag:s19] =	ssyncset.done $0x0  }
0x69: {  	s4 =	simm.s32 $0x0;
	s9 =	simm.s32 $0x200;
	[sflag:s19] =	ssyncadd.s32 $0xFFFFF800  }
.LBB2_10:
0x6a: {  	p2 =	sne.s32 s9, $0x1E00;
	v2 =	vld [tilespmem:s4+$0x100];
	[tilespmem:s0+$0xFFFFFE10] =	vst v0;
	_ =	sdelay $0x4  }
0x6b: {  	[tilespmem:s0+$0xFFFFFE00] =	vst v2  }
0x6c: {  	v2 =	vld [tilespmem:s4+$0x110];
	_ =	sdelay $0x3  }
0x6d: {  	[tilespmem:s0+$0xFFFFFE90] =	vst v0  }
0x6e: {  	[tilespmem:s0+$0xFFFFFE80] =	vst v2  }
0x6f: {  	v2 =	vld [tilespmem:s4+$0x120];
	_ =	sdelay $0x3  }
0x70: {  	[tilespmem:s0+$0xFFFFFF10] =	vst v0  }
0x71: {  	[tilespmem:s0+$0xFFFFFF00] =	vst v2  }
0x72: {  	v2 =	vld [tilespmem:s4+$0x130];
	_ =	sdelay $0x3  }
0x73: {  	[tilespmem:s0+$0xFFFFFF90] =	vst v0  }
0x74: {  	[tilespmem:s0+$0xFFFFFF80] =	vst v2  }
0x75: {  	v2 =	vld [tilespmem:s4+$0x140];
	_ =	sdelay $0x3  }
0x76: {  	[tilespmem:s0+$0x10] =	vst v0  }
0x77: {  	[tilespmem:s0+$0x0] =	vst v2  }
0x78: {  	v2 =	vld [tilespmem:s4+$0x150];
	_ =	sdelay $0x3  }
0x79: {  	[tilespmem:s0+$0x90] =	vst v0  }
0x7a: {  	[tilespmem:s0+$0x80] =	vst v2  }
0x7b: {  	v2 =	vld [tilespmem:s4+$0x160];
	_ =	sdelay $0x3  }
0x7c: {  	[tilespmem:s0+$0x110] =	vst v0  }
0x7d: {  	[tilespmem:s0+$0x100] =	vst v2  }
0x7e: {  	v2 =	vld [tilespmem:s4+$0x170];
	[tilespmem:s0+$0x190] =	vst v0  }
.Ltmp7:
0x7f: {  	(pc) =	sbr.rel @p2 .LBB2_10-.Ltmp7, $2  }
0x80: {  	_ =	sdelay $0x2  }
0x81: {  	s4 =	sshra.s32 s9, $0x2;
	s9 =	sadd.s32 $0x200, s9;
	[tilespmem:s0+$0x180] =	vst v2;
	s0 =	sadd.s32 $0x400, s0  }
0x82: {  	v2 =	vld [tilespmem:s4+$0x100];
	_ =	sdelay $0x3  }
0x83: {  	[tilespmem:s0+$0xFFFFFE10] =	vst v0  }
0x84: {  	[tilespmem:s0+$0xFFFFFE00] =	vst v2  }
0x85: {  	v2 =	vld [tilespmem:s4+$0x110];
	_ =	sdelay $0x3  }
0x86: {  	[tilespmem:s0+$0xFFFFFE90] =	vst v0  }
0x87: {  	[tilespmem:s0+$0xFFFFFE80] =	vst v2  }
0x88: {  	v2 =	vld [tilespmem:s4+$0x120];
	_ =	sdelay $0x3  }
0x89: {  	[tilespmem:s0+$0xFFFFFF10] =	vst v0  }
0x8a: {  	[tilespmem:s0+$0xFFFFFF00] =	vst v2  }
0x8b: {  	v2 =	vld [tilespmem:s4+$0x130];
	_ =	sdelay $0x3  }
0x8c: {  	[tilespmem:s0+$0xFFFFFF90] =	vst v0  }
0x8d: {  	[tilespmem:s0+$0xFFFFFF80] =	vst v2  }
0x8e: {  	v2 =	vld [tilespmem:s4+$0x140];
	_ =	sdelay $0x3  }
0x8f: {  	[tilespmem:s0+$0x10] =	vst v0  }
0x90: {  	[tilespmem:s0+$0x0] =	vst v2  }
0x91: {  	v2 =	vld [tilespmem:s4+$0x150];
	_ =	sdelay $0x3  }
0x92: {  	[tilespmem:s0+$0x90] =	vst v0  }
0x93: {  	[tilespmem:s0+$0x80] =	vst v2  }
0x94: {  	v2 =	vld [tilespmem:s4+$0x160];
	_ =	sdelay $0x3  }
0x95: {  	[tilespmem:s0+$0x110] =	vst v0  }
0x96: {  	[tilespmem:s0+$0x100] =	vst v2  }
0x97: {  	v2 =	vld [tilespmem:s4+$0x170]  }
0x98: {  	p2 =	sgt.u32 s30, $0x9A3  }
.Ltmp8:
0x99: {  	_ = 	snop;
	(pc) =	sbr.rel @p2 .LBB2_13-.Ltmp8, $4  }
0x9a: {  	_ = 	snop  }
0x9b: {  	[tilespmem:s0+$0x190] =	vst v0  }
0x9c: {  	[tilespmem:s0+$0x180] =	vst v2  }
0x9d: {  	[spmem:s1] =	stream.indirect.scatter.add.f32 [tilespmem:s21], [sflag:$0x3], $0x80, s2, s20, $0xb8;
	[tilespmem:$0x1F180] =	vst v63  }
0x9e: {  	s0 =	sadd.s32 $0x40, s29;
	_ =	swait.ge [sflag:s22], $0x4000  }
.Ltmp9:
0x9f: {  	[sflag:s22] =	ssyncset.done $0x0;
	s4 =	sshll.u32 s0, $0x4;
	(pc) =	sbr.rel .LBB2_14-.Ltmp9, $4  }
0xa0: {  	s0 =	sshll.u32 s0, $0x8;
	[sflag:s22] =	ssyncadd.s32 $0xFFFFC000;
	s4 =	sadd.s32 s6, s4  }
0xa1: {  	[tilespmem:s2], [sflag:$0x1] =	stream.linear.gather [hbm4b:s4+s2], $0x80, $0x38;
	[tilespmem:$0x1F180] =	vst v63  }
0xa2: {  	s0 =	sadd.s32 s3, s0  }
0xa3: {  	[tilespmem:s18], [sflag:$0x1] =	stream.linear.gather [hbm4b:s0+s2], $0x800, $0x38;
	[tilespmem:$0x1F180] =	vst v63  }
.LBB2_13:
.Ltmp10:
0xa4: {  	(pc) =	sbr.rel @p1 .LBB2_17-.Ltmp10, $1  }
0xa5: {  	_ =	sdelay $0x3  }
.LBB2_14:
0xa6: {  	_ =	swait.ge [sflag:s23], $0x80  }
0xa7: {  	[sflag:s23] =	ssyncset.done $0x0  }
0xa8: {  	[sflag:s23] =	ssyncadd.s32 $0xFFFFFF80  }
0xa9: {  	_ =	swait.ge [sflag:s23], $0x800  }
0xaa: {  	[sflag:s23] =	ssyncset.done $0x0  }
0xab: {  	s4 =	simm.s32 $0x970;
	s0 =	simm.s32 $0x0;
	[sflag:s23] =	ssyncadd.s32 $0xFFFFF800  }
0xac: {  	s9 =	simm.s32 $0x1000;
	v2 =	vld [tilespmem:s4+$0xFFFFFF90];
	[tilespmem:s0+$0x5110] =	vst v0  }
.LBB2_15:
0xad: {  	p1 =	sne.s32 s9, $0xF000;
	_ =	sdelay $0x3  }
0xae: {  	[tilespmem:s0+$0x5100] =	vst v2  }
0xaf: {  	v2 =	vld [tilespmem:s4+$0xFFFFFFA0];
	_ =	sdelay $0x3  }
0xb0: {  	[tilespmem:s0+$0x5190] =	vst v0  }
0xb1: {  	[tilespmem:s0+$0x5180] =	vst v2  }
0xb2: {  	v2 =	vld [tilespmem:s4+$0xFFFFFFB0];
	_ =	sdelay $0x3  }
0xb3: {  	[tilespmem:s0+$0x5210] =	vst v0  }
0xb4: {  	[tilespmem:s0+$0x5200] =	vst v2  }
0xb5: {  	v2 =	vld [tilespmem:s4+$0xFFFFFFC0];
	_ =	sdelay $0x3  }
0xb6: {  	[tilespmem:s0+$0x5290] =	vst v0  }
0xb7: {  	[tilespmem:s0+$0x5280] =	vst v2  }
0xb8: {  	v2 =	vld [tilespmem:s4+$0xFFFFFFD0];
	_ =	sdelay $0x3  }
0xb9: {  	[tilespmem:s0+$0x5310] =	vst v0  }
0xba: {  	[tilespmem:s0+$0x5300] =	vst v2  }
0xbb: {  	v2 =	vld [tilespmem:s4+$0xFFFFFFE0];
	_ =	sdelay $0x3  }
0xbc: {  	[tilespmem:s0+$0x5390] =	vst v0  }
0xbd: {  	[tilespmem:s0+$0x5380] =	vst v2  }
0xbe: {  	v2 =	vld [tilespmem:s4+$0xFFFFFFF0];
	_ =	sdelay $0x3  }
0xbf: {  	[tilespmem:s0+$0x5410] =	vst v0  }
0xc0: {  	[tilespmem:s0+$0x5400] =	vst v2  }
0xc1: {  	v2 =	vld [tilespmem:s4+$0x0];
	[tilespmem:s0+$0x5490] =	vst v0;
	_ =	sdelay $0x1  }
.Ltmp11:
0xc2: {  	(pc) =	sbr.rel @p1 .LBB2_15-.Ltmp11, $3  }
0xc3: {  	_ =	sdelay $0x1  }
0xc4: {  	s4 =	sadd.s32 $0x80, s4;
	[tilespmem:s0+$0x5480] =	vst v2;
	s0 =	sshra.s32 s9, $0x2  }
0xc5: {  	s9 =	sadd.s32 $0x1000, s9;
	v2 =	vld [tilespmem:s4+$0xFFFFFF90];
	[tilespmem:s0+$0x5110] =	vst v0  }
0xc6: {  	_ =	sdelay $0x3  }
0xc7: {  	[tilespmem:s0+$0x5100] =	vst v2  }
0xc8: {  	v2 =	vld [tilespmem:s4+$0xFFFFFFA0];
	_ =	sdelay $0x3  }
0xc9: {  	[tilespmem:s0+$0x5190] =	vst v0  }
0xca: {  	[tilespmem:s0+$0x5180] =	vst v2  }
0xcb: {  	v2 =	vld [tilespmem:s4+$0xFFFFFFB0];
	_ =	sdelay $0x3  }
0xcc: {  	[tilespmem:s0+$0x5210] =	vst v0  }
0xcd: {  	[tilespmem:s0+$0x5200] =	vst v2  }
0xce: {  	v2 =	vld [tilespmem:s4+$0xFFFFFFC0];
	_ =	sdelay $0x3  }
0xcf: {  	[tilespmem:s0+$0x5290] =	vst v0  }
0xd0: {  	[tilespmem:s0+$0x5280] =	vst v2  }
0xd1: {  	v2 =	vld [tilespmem:s4+$0xFFFFFFD0];
	_ =	sdelay $0x3  }
0xd2: {  	[tilespmem:s0+$0x5310] =	vst v0  }
0xd3: {  	[tilespmem:s0+$0x5300] =	vst v2  }
0xd4: {  	v2 =	vld [tilespmem:s4+$0xFFFFFFE0];
	_ =	sdelay $0x3  }
0xd5: {  	[tilespmem:s0+$0x5390] =	vst v0  }
0xd6: {  	[tilespmem:s0+$0x5380] =	vst v2  }
0xd7: {  	v2 =	vld [tilespmem:s4+$0xFFFFFFF0];
	_ =	sdelay $0x3  }
0xd8: {  	[tilespmem:s0+$0x5410] =	vst v0  }
0xd9: {  	[tilespmem:s0+$0x5400] =	vst v2  }
0xda: {  	v2 =	vld [tilespmem:s4+$0x0];
	_ =	sdelay $0x1  }
.Ltmp12:
0xdb: {  	_ = 	snop;
	(pc) =	sbr.rel .LBB2_17-.Ltmp12, $4  }
0xdc: {  	_ = 	snop  }
0xdd: {  	[tilespmem:s0+$0x5490] =	vst v0  }
0xde: {  	[tilespmem:s0+$0x5480] =	vst v2  }
0xdf: {  	[spmem:s1] =	stream.indirect.scatter.add.f32 [tilespmem:s24], [sflag:$0x4], $0x80, s20, s20, $0xb8;
	[tilespmem:$0x1F180] =	vst v63  }
.LBB2_18:
0xe0: {  	_ =	swait.ge [sflag:s22], $0x4000  }
0xe1: {  	[sflag:s22] =	ssyncset.done $0x0  }
0xe2: {  	[sflag:s22] =	ssyncadd.s32 $0xFFFFC000  }
0xe3: {  	_ =	swait.ge [sflag:s25], $0x4000  }
.Ltmp13:
0xe4: {  	s0 =	stileid.u32;
	[sflag:s25] =	ssyncset.done $0x0;
	(pc) =	sbr.rel @!p0 .LBB2_20-.Ltmp13, $4  }
0xe5: {  	s29 =	sshrl.u32 s13, $0x3;
	s0 =	sshll.u32 s0, $0x6;
	[sflag:s25] =	ssyncadd.s32 $0xFFFFC000  }
0xe6: {  	s4 =	sadd.s32 $0xFFFFFFFF, s8;
	s28 =	sor.u32 $0x1C05, s0;
	[bflag:$0x0] =	sbarrier.arrive $0xFFFF  }
0xe7: {  	[hbm:s14], [sflag:s28] =	dma.local [spmem:s29], $0x500  }
0xe8: {  	s9 =	sadd.s32 $0x5000, s14;
	s11 =	smov.u32 s13;
	_ =	swait.ge [sflag:s17], $0x500  }
.LBB2_19:
0xe9: {  	[sflag:s17] =	ssyncset.done $0x0  }
0xea: {  	s11 =	sadd.s32 $0x28000, s11;
	s28 =	sor.u32 $0x1C05, s0;
	p1 =	sne.s32 s4, $0x1  }
.Ltmp14:
0xeb: {  	s30 =	sshrl.u32 s11, $0x3;
	[sflag:s17] =	ssyncadd.s32 $0xFFFFFB00;
	(pc) =	sbr.rel @p1 .LBB2_19-.Ltmp14, $3  }
0xec: {  	[hbm:s9], [sflag:s28] =	dma.local [spmem:s30], $0x500  }
0xed: {  	s4 =	sadd.s32 $0xFFFFFFFF, s4;
	_ =	sdelay $0x1  }
0xee: {  	s9 =	sadd.s32 $0x5000, s9;
	_ =	swait.ge [sflag:s17], $0x500  }
.LBB2_20:
0xef: {  	[sflag:s17] =	ssyncset.done $0x0  }
.Ltmp15:
0xf0: {  	[sflag:s17] =	ssyncadd.s32 $0xFFFFFB00;
	(pc) =	sbr.rel @!p0 .LBB2_22-.Ltmp15, $4  }
0xf1: {  	[bflag:$0x0] =	sbarrier.arrive $0xFFFF  }
0xf2: {  	[spmem:s13] =	stream.linear.scatter [tilespmem:s16], [sflag:$0x5], $0x2800, $0x38;
	[tilespmem:$0x1F180] =	vst v63  }
0xf3: {  	_ =	swait.ge [sflag:s17], $0x2800  }
0xf4: {  	s0 =	sadd.s32 $0xFFFFFFFF, s8;
	s4 =	smov.u32 s13;
	[sflag:s17] =	ssyncset.done $0x0  }
.LBB2_21:
0xf5: {  	p1 =	sne.s32 s0, $0x1;
	[sflag:s17] =	ssyncadd.s32 $0xFFFFD800;
	s4 =	sadd.s32 $0x28000, s4  }
.Ltmp16:
0xf6: {  	s0 =	sadd.s32 $0xFFFFFFFF, s0;
	(pc) =	sbr.rel @p1 .LBB2_21-.Ltmp16, $4  }
0xf7: {  	_ = 	snop  }
0xf8: {  	[spmem:s4] =	stream.linear.scatter [tilespmem:s16], [sflag:$0x5], $0x2800, $0x38;
	[tilespmem:$0x1F180] =	vst v63  }
0xf9: {  	_ =	swait.ge [sflag:s17], $0x2800  }
0xfa: {  	[sflag:s17] =	ssyncset.done $0x0  }
.LBB2_22:
0xfb: {  	[sflag:s17] =	ssyncadd.s32 $0xFFFFD800  }
.Ltmp17:
0xfc: {  	[bflag:$0x0] =	sbarrier.arrive $0xFFFF;
	(pc) =	sbr.rel .LBB2_23-.Ltmp17, $4  }
0xfd: {  	s30 =	simm.s32 $0x0;
	s0 =	rddreg [dreg:$0x4]  }
0xfe: {  	[tilespmem:s30], [sflag:$0x1] =	stream.linear.gather [hbm4b:s0+s30], $0x80, $0x38;
	[tilespmem:$0x1F180] =	vst v63  }
0xff: {  	_ = 	snop  }
0x100: {  	[tilespmem:s18], [sflag:$0x1] =	stream.linear.gather [hbm4b:s10+s30], $0x800, $0x38;
	[tilespmem:$0x1F180] =	vst v63  }
.LBB2_32:
0x101: {  	s30 =	sadd.s32 $0x1, s30  }
0x102: {  	p1 =	sne.s32 s30, $0x28  }
.Ltmp18:
0x103: {  	_ = 	snop;
	(pc) =	sbr.rel @!p1 .LBB2_33-.Ltmp18, $1  }
0x104: {  	_ =	sdelay $0x3  }
.LBB2_23:
0x105: {  	s0 =	sshll.u32 s30, $0x6  }
0x106: {  	s31 =	sor.u32 s7, s0  }
0x107: {  	s0 =	sor.u32 $0x20, s31  }
0x108: {  	p1 =	sgt.u32 s0, $0x9C3  }
0x109: {  	p2 =	seq.s32 @!p1 s30, $0x0  }
0x10a: {  	p2 =	por p2, p1  }
0x10b: {  	s4 =	simm.s32 @!p2 $0x4  }
0x10c: {  	_ =	swait.ge @!p2 [sflag:s4], $0x4000  }
0x10d: {  	s9 =	simm.s32 @!p1 $0x0;
	[sflag:s4] =	ssyncset.done @!p2 $0x0  }
0x10e: {  	[sflag:s4] =	ssyncadd.s32 @!p2 $0xFFFFC000;
	s4 =	sshll.u32 @!p1 s0, $0x4;
	p2 =	sgt.u32 s31, $0x9C3  }
.Ltmp19:
0x10f: {  	s11 =	simm.s32 @!p1 $0x80;
	s4 =	sadd.s32 @!p1 s5, s4;
	(pc) =	sbr.rel @p2 .LBB2_32-.Ltmp19, $4  }
0x110: {  	[tilespmem:s11], [sflag:$0x2] =	stream.linear.gather @!p1 [hbm4b:s4+s9], $0x80, $0x38;
	[tilespmem:$0x1F180] =	vst v63  }
0x111: {  	s4 =	sshll.u32 @!p1 s0, $0x8  }
0x112: {  	s11 =	simm.s32 @!p1 $0x900;
	s4 =	sadd.s32 @!p1 s3, s4  }
0x113: {  	[tilespmem:s11], [sflag:$0x2] =	stream.linear.gather @!p1 [hbm4b:s4+s9], $0x800, $0x38;
	[tilespmem:$0x1F180] =	vst v63  }
0x114: {  	_ =	swait.ge [sflag:s19], $0x80  }
0x115: {  	[sflag:s19] =	ssyncset.done $0x0  }
0x116: {  	[sflag:s19] =	ssyncadd.s32 $0xFFFFFF80  }
0x117: {  	_ =	swait.ge [sflag:s19], $0x800  }
0x118: {  	s4 =	simm.s32 $0x1300;
	[sflag:s19] =	ssyncset.done $0x0  }
0x119: {  	s9 =	simm.s32 $0x0;
	s11 =	simm.s32 $0x200;
	[sflag:s19] =	ssyncadd.s32 $0xFFFFF800  }
.LBB2_25:
0x11a: {  	p2 =	sne.s32 s11, $0x1E00;
	v2 =	vld [tilespmem:s9+$0x100];
	[tilespmem:s4+$0xFFFFFE10] =	vst v1;
	_ =	sdelay $0x4  }
0x11b: {  	[tilespmem:s4+$0xFFFFFE00] =	vst v2  }
0x11c: {  	v2 =	vld [tilespmem:s9+$0x110];
	_ =	sdelay $0x3  }
0x11d: {  	[tilespmem:s4+$0xFFFFFE90] =	vst v1  }
0x11e: {  	[tilespmem:s4+$0xFFFFFE80] =	vst v2  }
0x11f: {  	v2 =	vld [tilespmem:s9+$0x120];
	_ =	sdelay $0x3  }
0x120: {  	[tilespmem:s4+$0xFFFFFF10] =	vst v1  }
0x121: {  	[tilespmem:s4+$0xFFFFFF00] =	vst v2  }
0x122: {  	v2 =	vld [tilespmem:s9+$0x130];
	_ =	sdelay $0x3  }
0x123: {  	[tilespmem:s4+$0xFFFFFF90] =	vst v1  }
0x124: {  	[tilespmem:s4+$0xFFFFFF80] =	vst v2  }
0x125: {  	v2 =	vld [tilespmem:s9+$0x140];
	_ =	sdelay $0x3  }
0x126: {  	[tilespmem:s4+$0x10] =	vst v1  }
0x127: {  	[tilespmem:s4+$0x0] =	vst v2  }
0x128: {  	v2 =	vld [tilespmem:s9+$0x150];
	_ =	sdelay $0x3  }
0x129: {  	[tilespmem:s4+$0x90] =	vst v1  }
0x12a: {  	[tilespmem:s4+$0x80] =	vst v2  }
0x12b: {  	v2 =	vld [tilespmem:s9+$0x160];
	_ =	sdelay $0x3  }
0x12c: {  	[tilespmem:s4+$0x110] =	vst v1  }
0x12d: {  	[tilespmem:s4+$0x100] =	vst v2  }
0x12e: {  	v2 =	vld [tilespmem:s9+$0x170];
	[tilespmem:s4+$0x190] =	vst v1  }
.Ltmp20:
0x12f: {  	(pc) =	sbr.rel @p2 .LBB2_25-.Ltmp20, $2  }
0x130: {  	_ =	sdelay $0x2  }
0x131: {  	s9 =	sshra.s32 s11, $0x2;
	s11 =	sadd.s32 $0x200, s11;
	[tilespmem:s4+$0x180] =	vst v2;
	s4 =	sadd.s32 $0x400, s4  }
0x132: {  	v2 =	vld [tilespmem:s9+$0x100];
	_ =	sdelay $0x3  }
0x133: {  	[tilespmem:s4+$0xFFFFFE10] =	vst v1  }
0x134: {  	[tilespmem:s4+$0xFFFFFE00] =	vst v2  }
0x135: {  	v2 =	vld [tilespmem:s9+$0x110];
	_ =	sdelay $0x3  }
0x136: {  	[tilespmem:s4+$0xFFFFFE90] =	vst v1  }
0x137: {  	[tilespmem:s4+$0xFFFFFE80] =	vst v2  }
0x138: {  	v2 =	vld [tilespmem:s9+$0x120];
	_ =	sdelay $0x3  }
0x139: {  	[tilespmem:s4+$0xFFFFFF10] =	vst v1  }
0x13a: {  	[tilespmem:s4+$0xFFFFFF00] =	vst v2  }
0x13b: {  	v2 =	vld [tilespmem:s9+$0x130];
	_ =	sdelay $0x3  }
0x13c: {  	[tilespmem:s4+$0xFFFFFF90] =	vst v1  }
0x13d: {  	[tilespmem:s4+$0xFFFFFF80] =	vst v2  }
0x13e: {  	v2 =	vld [tilespmem:s9+$0x140];
	_ =	sdelay $0x3  }
0x13f: {  	[tilespmem:s4+$0x10] =	vst v1  }
0x140: {  	[tilespmem:s4+$0x0] =	vst v2  }
0x141: {  	v2 =	vld [tilespmem:s9+$0x150];
	_ =	sdelay $0x3  }
0x142: {  	[tilespmem:s4+$0x90] =	vst v1  }
0x143: {  	[tilespmem:s4+$0x80] =	vst v2  }
0x144: {  	v2 =	vld [tilespmem:s9+$0x160];
	_ =	sdelay $0x3  }
0x145: {  	[tilespmem:s4+$0x110] =	vst v1  }
0x146: {  	[tilespmem:s4+$0x100] =	vst v2  }
0x147: {  	v2 =	vld [tilespmem:s9+$0x170]  }
0x148: {  	p2 =	sgt.u32 s0, $0x9A3  }
.Ltmp21:
0x149: {  	_ = 	snop;
	(pc) =	sbr.rel @p2 .LBB2_28-.Ltmp21, $4  }
0x14a: {  	_ = 	snop  }
0x14b: {  	[tilespmem:s4+$0x190] =	vst v1  }
0x14c: {  	[tilespmem:s4+$0x180] =	vst v2  }
0x14d: {  	[spmem:s1] =	stream.indirect.scatter.add.f32 [tilespmem:s21], [sflag:$0x3], $0x80, s2, s20, $0xb8;
	[tilespmem:$0x1F180] =	vst v63  }
0x14e: {  	s0 =	sadd.s32 $0x40, s31;
	_ =	swait.ge [sflag:s22], $0x4000  }
.Ltmp22:
0x14f: {  	[sflag:s22] =	ssyncset.done $0x0;
	s4 =	sshll.u32 s0, $0x4;
	(pc) =	sbr.rel .LBB2_29-.Ltmp22, $4  }
0x150: {  	s0 =	sshll.u32 s0, $0x8;
	[sflag:s22] =	ssyncadd.s32 $0xFFFFC000;
	s4 =	sadd.s32 s5, s4  }
0x151: {  	[tilespmem:s2], [sflag:$0x1] =	stream.linear.gather [hbm4b:s4+s2], $0x80, $0x38;
	[tilespmem:$0x1F180] =	vst v63  }
0x152: {  	s0 =	sadd.s32 s3, s0  }
0x153: {  	[tilespmem:s18], [sflag:$0x1] =	stream.linear.gather [hbm4b:s0+s2], $0x800, $0x38;
	[tilespmem:$0x1F180] =	vst v63  }
.LBB2_28:
.Ltmp23:
0x154: {  	(pc) =	sbr.rel @p1 .LBB2_32-.Ltmp23, $1  }
0x155: {  	_ =	sdelay $0x3  }
.LBB2_29:
0x156: {  	_ =	swait.ge [sflag:s23], $0x80  }
0x157: {  	[sflag:s23] =	ssyncset.done $0x0  }
0x158: {  	[sflag:s23] =	ssyncadd.s32 $0xFFFFFF80  }
0x159: {  	_ =	swait.ge [sflag:s23], $0x800  }
0x15a: {  	[sflag:s23] =	ssyncset.done $0x0  }
0x15b: {  	s4 =	simm.s32 $0x970;
	s0 =	simm.s32 $0x0;
	[sflag:s23] =	ssyncadd.s32 $0xFFFFF800  }
0x15c: {  	s9 =	simm.s32 $0x1000;
	v2 =	vld [tilespmem:s4+$0xFFFFFF90];
	[tilespmem:s0+$0x5110] =	vst v1  }
.LBB2_30:
0x15d: {  	p1 =	sne.s32 s9, $0xF000;
	_ =	sdelay $0x3  }
0x15e: {  	[tilespmem:s0+$0x5100] =	vst v2  }
0x15f: {  	v2 =	vld [tilespmem:s4+$0xFFFFFFA0];
	_ =	sdelay $0x3  }
0x160: {  	[tilespmem:s0+$0x5190] =	vst v1  }
0x161: {  	[tilespmem:s0+$0x5180] =	vst v2  }
0x162: {  	v2 =	vld [tilespmem:s4+$0xFFFFFFB0];
	_ =	sdelay $0x3  }
0x163: {  	[tilespmem:s0+$0x5210] =	vst v1  }
0x164: {  	[tilespmem:s0+$0x5200] =	vst v2  }
0x165: {  	v2 =	vld [tilespmem:s4+$0xFFFFFFC0];
	_ =	sdelay $0x3  }
0x166: {  	[tilespmem:s0+$0x5290] =	vst v1  }
0x167: {  	[tilespmem:s0+$0x5280] =	vst v2  }
0x168: {  	v2 =	vld [tilespmem:s4+$0xFFFFFFD0];
	_ =	sdelay $0x3  }
0x169: {  	[tilespmem:s0+$0x5310] =	vst v1  }
0x16a: {  	[tilespmem:s0+$0x5300] =	vst v2  }
0x16b: {  	v2 =	vld [tilespmem:s4+$0xFFFFFFE0];
	_ =	sdelay $0x3  }
0x16c: {  	[tilespmem:s0+$0x5390] =	vst v1  }
0x16d: {  	[tilespmem:s0+$0x5380] =	vst v2  }
0x16e: {  	v2 =	vld [tilespmem:s4+$0xFFFFFFF0];
	_ =	sdelay $0x3  }
0x16f: {  	[tilespmem:s0+$0x5410] =	vst v1  }
0x170: {  	[tilespmem:s0+$0x5400] =	vst v2  }
0x171: {  	v2 =	vld [tilespmem:s4+$0x0];
	[tilespmem:s0+$0x5490] =	vst v1;
	_ =	sdelay $0x1  }
.Ltmp24:
0x172: {  	(pc) =	sbr.rel @p1 .LBB2_30-.Ltmp24, $3  }
0x173: {  	_ =	sdelay $0x1  }
0x174: {  	s4 =	sadd.s32 $0x80, s4;
	[tilespmem:s0+$0x5480] =	vst v2;
	s0 =	sshra.s32 s9, $0x2  }
0x175: {  	s9 =	sadd.s32 $0x1000, s9;
	v2 =	vld [tilespmem:s4+$0xFFFFFF90];
	[tilespmem:s0+$0x5110] =	vst v1  }
0x176: {  	_ =	sdelay $0x3  }
0x177: {  	[tilespmem:s0+$0x5100] =	vst v2  }
0x178: {  	v2 =	vld [tilespmem:s4+$0xFFFFFFA0];
	_ =	sdelay $0x3  }
0x179: {  	[tilespmem:s0+$0x5190] =	vst v1  }
0x17a: {  	[tilespmem:s0+$0x5180] =	vst v2  }
0x17b: {  	v2 =	vld [tilespmem:s4+$0xFFFFFFB0];
	_ =	sdelay $0x3  }
0x17c: {  	[tilespmem:s0+$0x5210] =	vst v1  }
0x17d: {  	[tilespmem:s0+$0x5200] =	vst v2  }
0x17e: {  	v2 =	vld [tilespmem:s4+$0xFFFFFFC0];
	_ =	sdelay $0x3  }
0x17f: {  	[tilespmem:s0+$0x5290] =	vst v1  }
0x180: {  	[tilespmem:s0+$0x5280] =	vst v2  }
0x181: {  	v2 =	vld [tilespmem:s4+$0xFFFFFFD0];
	_ =	sdelay $0x3  }
0x182: {  	[tilespmem:s0+$0x5310] =	vst v1  }
0x183: {  	[tilespmem:s0+$0x5300] =	vst v2  }
0x184: {  	v2 =	vld [tilespmem:s4+$0xFFFFFFE0];
	_ =	sdelay $0x3  }
0x185: {  	[tilespmem:s0+$0x5390] =	vst v1  }
0x186: {  	[tilespmem:s0+$0x5380] =	vst v2  }
0x187: {  	v2 =	vld [tilespmem:s4+$0xFFFFFFF0];
	_ =	sdelay $0x3  }
0x188: {  	[tilespmem:s0+$0x5410] =	vst v1  }
0x189: {  	[tilespmem:s0+$0x5400] =	vst v2  }
0x18a: {  	v2 =	vld [tilespmem:s4+$0x0];
	_ =	sdelay $0x1  }
.Ltmp25:
0x18b: {  	_ = 	snop;
	(pc) =	sbr.rel .LBB2_32-.Ltmp25, $4  }
0x18c: {  	_ = 	snop  }
0x18d: {  	[tilespmem:s0+$0x5490] =	vst v1  }
0x18e: {  	[tilespmem:s0+$0x5480] =	vst v2  }
0x18f: {  	[spmem:s1] =	stream.indirect.scatter.add.f32 [tilespmem:s24], [sflag:$0x4], $0x80, s20, s20, $0xb8;
	[tilespmem:$0x1F180] =	vst v63  }
.LBB2_33:
0x190: {  	_ =	swait.ge [sflag:s22], $0x4000  }
0x191: {  	[sflag:s22] =	ssyncset.done $0x0  }
0x192: {  	[sflag:s22] =	ssyncadd.s32 $0xFFFFC000  }
0x193: {  	_ =	swait.ge [sflag:s25], $0x4000  }
0x194: {  	[sflag:s25] =	ssyncset.done $0x0  }
.Ltmp26:
0x195: {  	[sflag:s25] =	ssyncadd.s32 $0xFFFFC000;
	(pc) =	sbr.rel @!p0 .LBB2_35-.Ltmp26, $4  }
0x196: {  	[bflag:$0x0] =	sbarrier.arrive $0xFFFF  }
0x197: {  	[hbm:s15], [sflag:s28] =	dma.local [spmem:s29], $0x500  }
0x198: {  	s0 =	sadd.s32 $0xFFFFFFFF, s8;
	_ =	swait.ge [sflag:s17], $0x500  }
0x199: {  	s4 =	sadd.s32 $0x28000, s13;
	s9 =	smov.u32 s15;
	[sflag:s17] =	ssyncset.done $0x0  }
.LBB2_34:
0x19a: {  	s11 =	sshrl.u32 s4, $0x3  }
0x19b: {  	[sflag:s17] =	ssyncadd.s32 $0xFFFFFB00;
	s9 =	sadd.s32 $0x5000, s9;
	p0 =	sne.s32 s0, $0x1  }
0x19c: {  	[hbm:s9], [sflag:s28] =	dma.local [spmem:s11], $0x500  }
.Ltmp27:
0x19d: {  	_ = 	snop;
	(pc) =	sbr.rel @p0 .LBB2_34-.Ltmp27, $4  }
0x19e: {  	_ = 	snop  }
0x19f: {  	s0 =	sadd.s32 $0xFFFFFFFF, s0  }
0x1a0: {  	_ =	swait.ge [sflag:s17], $0x500  }
0x1a1: {  	s4 =	sadd.s32 $0x28000, s4;
	[sflag:s17] =	ssyncset.done $0x0  }
.LBB2_35:
0x1a2: {  	s26 =	sadd.s32 $0x1, s26  }
0x1a3: {  	p0 =	sne.s32 s26, s12  }
.Ltmp28:
0x1a4: {  	_ = 	snop;
	(pc) =	sbr.rel @p0 .LBB2_1-.Ltmp28, $2  }
0x1a5: {  	_ =	sdelay $0x2  }
0x1a6: {  	[sflag:s17] =	ssyncadd.s32 $0xFFFFFB00  }
0x1a7: {  	_ =	sfence.sel $0x180000  }
0x1a8: {  	[bflag:$0x0] =	sbarrier.arrive $0xFFFF  }
0x1a9: {  	_ =	strace $0x9000004D  }
0x1aa: {  	s0 =	stileid.u32;
	[bflag:$0x2] =	sbarrier.arrive $0xFFFF  }
0x1ab: {  	p0 =	sne.s32 s0, $0x0;
	s0 =	rddreg [dreg:$0x2]  }
0x1ac: {  	s0 =	sadd.s32 @!p0 $0x100000, s0  }
0x1ad: {  	[sflag:s0] =	ssyncadd.tile.s32 @!p0 $0x1;
	_ =	shalt  }
.Lfunc_end2:
_tile_overlayer_lowered:
.L_overlay_start_2:
0x1ae: {  	(tag) =	ssettag $0x2  }
0x1af: {  	s0 =	rddreg [dreg:$0x0];
	s2 =	stileid.u32  }
0x1b0: {  	s1 =	rddreg [dreg:$0x1];
	p0 =	sne.s32 s2, $0x0  }
0x1b1: {  	s3 =	rddreg [dreg:$0x2];
	[bflag:$0x3] =	sbarrier.arrive $0xFFFF;
	s2 =	simm.s32 @!p0 $0x1C05  }
0x1b2: {  	[timem:s3], [sflag:s2] =	dma.local @!p0 [hbm:s0], s1  }
0x1b3: {  	s0 =	simm.s32 @!p0 $0x5  }
0x1b4: {  	_ =	swait.ge @!p0 [sflag:s0], s1  }
0x1b5: {  	s1 =	ssub.s32 @!p0 $0x0, s1;
	[sflag:s0] =	ssyncset.done @!p0 $0x0  }
0x1b6: {  	[sflag:s0] =	ssyncadd.s32 @!p0 s1  }
0x1b7: {  	[bflag:$0x3] =	sbarrier.arrive $0xFFFF  }
0x1b8: {  	_ =	shalt  }

// kernel: kernel.8.cloned.1.call-start
scs
__scs_entry_jumppad:
0x0: {  	(pc) =	sbr.rel $0x88, $3  }
0x1: {  	(tag) =	ssettag $0x0;
	lr =	simm.s32 $0x1  }
0x2: {  	[smem:$0x3F8C] =	sst lr;
	_ =	strace $0xD0000000  }
0x3: {  	_ = 	snop  }
0x4: {  	_ = 	snop  }
0x5: {  	_ = 	snop  }
0x6: {  	_ = 	snop  }
0x7: {  	_ = 	snop  }
__scs_overlays_trampoline_lowered:
0x8: {  	[smem:$0x3F9B] =	sst s0  }
0x9: {  	[smem:$0x3F9C] =	sst s1  }
0xa: {  	[smem:$0x3F9D] =	sst s2  }
0xb: {  	[smem:$0x3F9E] =	sst s3  }
0xc: {  	[smem:$0x3F9F] =	sst s4  }
0xd: {  	[smem:$0x3FA0] =	sst s5  }
0xe: {  	[smem:$0x3FA1] =	sst s6  }
0xf: {  	[smem:$0x3FA2] =	sst s7  }
0x10: {  	[smem:$0x3FA3] =	sst s8  }
0x11: {  	[smem:$0x3FA4] =	sst s9;
	s0 =	simm.s32 @!p0 $0x0  }
0x12: {  	s1 =	sld [smem:$0x3F8A];
	s0 =	simm.s32 @p0 $0x1  }
0x13: {  	[smem:$0x3FA5] =	sst s0;
	s0 =	simm.s32 @!p1 $0x0  }
0x14: {  	s2 =	sld [smem:$0x3F89];
	s0 =	simm.s32 @p1 $0x1  }
0x15: {  	[smem:$0x3FA6] =	sst s0;
	s0 =	simm.s32 @!p2 $0x0  }
0x16: {  	s3 =	sld [smem:$0x3FDB];
	s0 =	simm.s32 @p2 $0x1  }
0x17: {  	s4 =	simm.s32 $0x1BF5;
	[smem:$0x3FA8] =	sst s0  }
0x18: {  	s0 =	sld [smem:$0x3F8B];
	_ =	swait.ge [sflag:s4], $0x0  }
0x19: {  	s7 =	sld [smem:$0x3F8C]  }
0x1a: {  	s8 =	sadd.s32 $0xFFFFE003, lr  }
0x1b: {  	s9 =	sadd.s32 $0xFFFFFEF7, lr;
	s5 =	simm.s32 $0xFFFFFFFF;
	p2 =	slt.u32 s8, $0xFFFFF086  }
0x1c: {  	p1 =	slt.u32 s9, $0xF7A;
	s5 =	simm.s32 @!p2 $0x0  }
0x1d: {  	s5 =	simm.s32 @p1 $0x1;
	p0 =	seq.s32 s7, s2  }
0x1e: {  	s7 =	smul.u32 @!p0 $0xF7A, s2;
	p2 =	seq.s32 @!p0 s5, $0x0  }
0x1f: {  	s9 =	smul.u32 $0xF7A, s1;
	s8 =	simm.s32 @!p0 $0x1BF5;
	p2 =	por !p2, p0  }
0x20: {  	[sflag:s8] =	ssyncset.s32 @!p0 $0xFFFFF086;
	s6 =	sadd.s32 @!p0 s3, s7;
	s7 =	simm.s32 @!p0 $0x108  }
0x21: {  	s3 =	sadd.s32 s3, s9;
	s6 =	sadd.s32 @!p0 $0x88, s6;
	s7 =	simm.s32 @p2 $0x1082  }
0x22: {  	[simem:s7], [sflag:s8] =	dma.local @!p0 [hbm:s6], $0xF7A  }
0x23: {  	s9 =	sor.u32 $0xD0000000, s2;
	s6 =	simm.s32 $0x108;
	_ =	swait.ge @!p0 [sflag:s8], $0x0  }
0x24: {  	s3 =	sadd.s32 $0x88, s3;
	s6 =	simm.s32 @!p1 $0x1082;
	[sflag:s4] =	ssyncset.s32 $0xFFFFF086  }
0x25: {  	[simem:s6], [sflag:s4] =	dma.local [hbm:s3], $0xF7A  }
0x26: {  	[smem:$0x3F8C] =	sst s1;
	(tag) =	ssettag s2;
	_ =	strace s9  }
0x27: {  	s1 =	sld [smem:$0x3F9C]  }
0x28: {  	s2 =	sld [smem:$0x3F9D]  }
0x29: {  	s4 =	sld [smem:$0x3F9F]  }
0x2a: {  	p0 =	seq.s32 s5, $0x0;
	s5 =	sld [smem:$0x3FA0]  }
0x2b: {  	s6 =	sld [smem:$0x3FA1]  }
0x2c: {  	s7 =	sld [smem:$0x3FA2]  }
0x2d: {  	s3 =	simm.s32 $0x108;
	s8 =	sld [smem:$0x3FA3]  }
0x2e: {  	s3 =	simm.s32 @!p0 $0x1082;
	s9 =	sld [smem:$0x3FA4]  }
0x2f: {  	lr =	sadd.s32 s0, s3;
	s0 =	sld [smem:$0x3F9B]  }
0x30: {  	s3 =	sld [smem:$0x3F9E]  }
0x31: {  	[smem:$0x3FA7] =	sst s10  }
0x32: {  	s10 =	sld [smem:$0x3FA5];
	_ =	sdelay $0x3  }
0x33: {  	p0 =	seq.s32 s10, $0x1;
	s10 =	sld [smem:$0x3FA7];
	_ =	sdelay $0x3  }
0x34: {  	[smem:$0x3FA7] =	sst s10  }
0x35: {  	s10 =	sld [smem:$0x3FA6];
	_ =	sdelay $0x3  }
0x36: {  	p1 =	seq.s32 s10, $0x1;
	s10 =	sld [smem:$0x3FA7];
	_ =	sdelay $0x3  }
0x37: {  	[smem:$0x3FA7] =	sst s10  }
0x38: {  	s10 =	sld [smem:$0x3FA8]  }
0x39: {  	_ = 	snop;
	(pc) =	sbr.ind lr, $3  }
0x3a: {  	_ = 	snop  }
0x3b: {  	_ = 	snop  }
0x3c: {  	p2 =	seq.s32 s10, $0x1;
	s10 =	sld [smem:$0x3FA7]  }
0x3d: {  	_ =	shalt  }
0x3e: {  	_ =	shalt  }
0x3f: {  	_ =	shalt  }
0x40: {  	_ =	shalt  }
0x41: {  	_ =	shalt  }
0x42: {  	_ =	shalt  }
0x43: {  	_ =	shalt  }
0x44: {  	_ =	shalt  }
0x45: {  	_ =	shalt  }
0x46: {  	_ =	shalt  }
0x47: {  	_ =	shalt  }
0x48: {  	_ =	shalt  }
0x49: {  	_ =	shalt  }
0x4a: {  	_ =	shalt  }
0x4b: {  	_ =	shalt  }
0x4c: {  	_ =	shalt  }
0x4d: {  	_ =	shalt  }
0x4e: {  	_ =	shalt  }
0x4f: {  	_ =	shalt  }
0x50: {  	_ =	shalt  }
0x51: {  	_ =	shalt  }
0x52: {  	_ =	shalt  }
0x53: {  	_ =	shalt  }
0x54: {  	_ =	shalt  }
0x55: {  	_ =	shalt  }
0x56: {  	_ =	shalt  }
0x57: {  	_ =	shalt  }
0x58: {  	_ =	shalt  }
0x59: {  	_ =	shalt  }
0x5a: {  	_ =	shalt  }
0x5b: {  	_ =	shalt  }
0x5c: {  	_ =	shalt  }
0x5d: {  	_ =	shalt  }
0x5e: {  	_ =	shalt  }
0x5f: {  	_ =	shalt  }
0x60: {  	_ =	shalt  }
0x61: {  	_ =	shalt  }
0x62: {  	_ =	shalt  }
0x63: {  	_ =	shalt  }
0x64: {  	_ =	shalt  }
0x65: {  	_ =	shalt  }
0x66: {  	_ =	shalt  }
0x67: {  	_ =	shalt  }
0x68: {  	_ =	shalt  }
0x69: {  	_ =	shalt  }
0x6a: {  	_ =	shalt  }
0x6b: {  	_ =	shalt  }
0x6c: {  	_ =	shalt  }
0x6d: {  	_ =	shalt  }
0x6e: {  	_ =	shalt  }
0x6f: {  	_ =	shalt  }
0x70: {  	_ =	shalt  }
0x71: {  	_ =	shalt  }
0x72: {  	_ =	shalt  }
0x73: {  	_ =	shalt  }
0x74: {  	_ =	shalt  }
0x75: {  	_ =	shalt  }
0x76: {  	_ =	shalt  }
0x77: {  	_ =	shalt  }
0x78: {  	_ =	shalt  }
0x79: {  	_ =	shalt  }
0x7a: {  	_ =	shalt  }
0x7b: {  	_ =	shalt  }
0x7c: {  	_ =	shalt  }
0x7d: {  	_ =	shalt  }
0x7e: {  	_ =	shalt  }
0x7f: {  	_ =	shalt  }
0x80: {  	_ =	shalt  }
0x81: {  	_ =	shalt  }
0x82: {  	_ =	shalt  }
0x83: {  	_ =	shalt  }
0x84: {  	_ =	shalt  }
0x85: {  	_ =	shalt  }
0x86: {  	_ =	shalt  }
0x87: {  	_ =	shalt  }
.Lfunc_end0:
.L_simem_size_0:
called_computation_lowered:
.L_overlay_start_0:
0x88: {  	s2 =	sld [smem:$0x3FD9]  }
0x89: {  	s3 =	sld [smem:$0x3FFE];
	_ =	sdelay $0x1  }
0x8a: {  	s1 =	srdreg.scid  }
0x8b: {  	s0 =	sand.u32 $0x1, s1  }
0x8c: {  	s17 =	sshll.u32 s0, $0xA;
	s2 =	sadd.s32 s3, s2  }
0x8d: {  	s2 =	sadd.s32 s2, s17  }
0x8e: {  	[smem:$0x3FB3] =	sst s2  }
0x8f: {  	_ = 	snop  }
0x90: {  	s18 =	sld [smem:$0x3FC9];
	(tm) =	ssettm $0x1  }
0x91: {  	s19 =	sld [smem:$0x3FFB];
	_ =	sdelay $0x3  }
0x92: {  	_ =	strace s19  }
0x93: {  	s2 =	sld [smem:$0x3FFC];
	_ =	sdelay $0x3  }
0x94: {  	_ =	strace s2  }
0x95: {  	s2 =	sld [smem:$0x3FFD];
	_ =	sdelay $0x3  }
0x96: {  	_ =	strace s2  }
0x97: {  	_ =	strace $0x8FFFFFFF  }
0x98: {  	s20 =	sld [smem:$0x3FDB];
	_ =	sdelay $0x1  }
0x99: {  	s4 =	simm.s32 $_scs_section_size  }
0x9a: {  	s5 =	simm.s32 $_size__tile_overlayer_lowered;
	s6 =	simm.s32 $_tile_overlayer_lowered  }
0x9b: {  	s7 =	simm.s32 $0x1BFF;
	s21 =	sshll.u32 s6, $0x1;
	s4 =	sadd.s32 s4, s20  }
0x9c: {  	s22 =	simm.s32 $0x0;
	s5 =	sshll.u32 s5, $0x1;
	s6 =	sadd.s32 s21, s4  }
0x9d: {  	[timem:s22], [sflag:s7] =	dma.local [hbm:s6], s5  }
0x9e: {  	_ =	swait.ge [sflag:s7], s5  }
0x9f: {  	s5 =	ssub.s32 $0x0, s5;
	[sflag:s7] =	ssyncset.done $0x0  }
0xa0: {  	[sflag:s7] =	ssyncadd.s32 s5;
	_ =	sdelay $0x1  }
0xa1: {  	s23 =	simm.s32 $0x1B8B  }
0xa2: {  	_ =	swait.ge [sflag:s23], $0x1  }
0xa3: {  	[sflag:s23] =	ssyncset.done $0x0  }
0xa4: {  	[sflag:s23] =	ssyncadd.s32 $0xFFFFFFFF  }
0xa5: {  	s5 =	sld [smem:$0x0]  }
0xa6: {  	s6 =	sand.u32 $0xFFFFFFFE, s1  }
0xa7: {  	p0 =	sne.s32 s1, s6  }
0xa8: {  	s6 =	sshll.u32 @p0 s6, $0xE  }
0xa9: {  	s6 =	sadd.s32 @p0 $0x11B8D, s6;
	s7 =	sshll.u32 @p0 s5, $0x11  }
0xaa: {  	s6 =	sor.u32 @p0 s7, s6  }
0xab: {  	[sflag:s6] =	ssyncadd.remote.s32 @p0 $0x1;
	_ =	sdelay $0x1  }
0xac: {  	s6 =	simm.s32 @p0 $0x1B8D  }
0xad: {  	_ =	swait.eq @p0 [sflag:s6], $0x1  }
0xae: {  	[sflag:s6] =	ssyncadd.s32 @p0 $0xFFFFFFFF  }
0xaf: {  	s7 =	sshll.u32 @!p0 s1, $0xE  }
0xb0: {  	s7 =	sor.u32 @!p0 $0x4000, s7;
	s6 =	simm.s32 @!p0 $0x1B8D  }
0xb1: {  	s5 =	sshll.u32 @!p0 s5, $0x11;
	s7 =	sadd.s32 @!p0 $0x11B8D, s7;
	_ =	swait.eq @!p0 [sflag:s6], $0x1  }
0xb2: {  	s5 =	sor.u32 @!p0 s5, s7;
	[sflag:s6] =	ssyncadd.s32 @!p0 $0xFFFFFFFF  }
0xb3: {  	s25 =	simm.s32 $0x1B8E;
	s24 =	sld [smem:$0x3FFE];
	[sflag:s5] =	ssyncadd.remote.s32 @!p0 $0x1  }
0xb4: {  	s26 =	simm.s32 $execute0_lowered;
	[smem:$0x3FD2] =	sst s25  }
0xb5: {  	s6 =	sshll.u32 s26, $0x1;
	_ =	strace $0x80000049;
	[dreg:$0x1] =	wrdreg $0xFFFFFFFF  }
0xb6: {  	s28 =	simm.s32 $_size_execute0_lowered;
	s4 =	sadd.s32 s4, s6;
	[dreg:$0x0] =	wrdreg $0x0  }
0xb7: {  	s6 =	sshll.u32 s28, $0x1;
	[dreg:$0x2] =	wrdreg s4  }
0xb8: {  	[dreg:$0x3] =	wrdreg s6  }
0xb9: {  	[dreg:$0x4] =	wrdreg $0xC0  }
0xba: {  	_ =	task [dreg:s22], $0x5FFFF  }
0xbb: {  	[dreg:$0x1] =	wrdreg $0xFFFFFFFF  }
0xbc: {  	[dreg:$0x0] =	wrdreg $0x60  }
0xbd: {  	[dreg:$0x2] =	wrdreg s18  }
0xbe: {  	[dreg:$0x3] =	wrdreg s24  }
0xbf: {  	[dreg:$0x4] =	wrdreg $0xAA000  }
0xc0: {  	[dreg:$0x5] =	wrdreg $0x9  }
0xc1: {  	_ =	task.clear_ibuf [dreg:s22], $0x6FFFF;
	_ =	strace $0x90000049  }
0xc2: {  	s29 =	simm.s32 $0x9;
	_ =	strace $0x8000004B  }
0xc3: {  	_ =	swait.ge [sflag:s29], $0x1  }
0xc4: {  	[sflag:s29] =	ssyncadd.s32 $0xFFFFFFFF  }
0xc5: {  	_ =	strace $0x9000004B  }
0xc6: {  	_ =	sfence  }
0xc7: {  	s30 =	sld [smem:$0x0];
	_ =	sdelay $0x2  }
0xc8: {  	s31 =	sshll.u32 s1, $0xD;
	s1 =	sshrl.u32 s1, $0x2  }
0xc9: {  	s4 =	sand.u32 $0x4000, s31;
	s1 =	sadd.s32 s1, s30  }
0xca: {  	s0 =	sor.u32 s4, s0;
	s1 =	sshll.u32 s1, $0x11  }
0xcb: {  	s0 =	sor.u32 s1, s0  }
0xcc: {  	s0 =	sadd.s32 $0x8F2B, s0  }
0xcd: {  	[sflag:s0] =	ssyncadd.remote.s32 $0x1  }
0xce: {  	_ =	sfence.sel $0xFFFF  }
0xcf: {  	[dreg:$0x0] =	wrdreg $0xFFFFFFFF;
	(pc) =	sbr.abs _section_cstart, $3  }
0xd0: {  	[dreg:$0x1] =	wrdreg $0xFFFFFFFF  }
0xd1: {  	_ =	task.clear_ibuf [dreg:s22], $0x2FFFF;
	_ =	strace $0x9FFFFFFF  }
0xd2: {  	(tm) =	ssettm $0x7FFFFFFF  }
0xd3: {  	_ =	shalt  }
tec
execute0_lowered:
.L_overlay_start_1:
0x0: {  	(tag) =	ssettag $0x1  }
0x1: {  	s1 =	rddreg [dreg:$0x0]  }
0x2: {  	s0 =	rddreg [dreg:$0x1]  }
0x3: {  	s2 =	rddreg [dreg:$0x2]  }
0x4: {  	s3 =	simm.s32 $0x0;
	s4 =	srdreg.scid;
	s8 =	stileid.u32  }
0x5: {  	s28 =	simm.s32 $0x2;
	s29 =	simm.s32 $0x4;
	s30 =	simm.s32 $0x0  }
0x6: {  	[smem:$0x7FF] =	sst s3;
	s4 =	sand.u32 $0x1, s4;
	s13 =	sadd.s32 $0x10600, s0  }
0x7: {  	s14 =	sadd.s32 $0x6800, s0;
	s6 =	sshll.u32 s8, $0x1;
	s17 =	smul.u32 $0xA000, s8  }
0x8: {  	s7 =	ssub.s32 $0x8C, s8;
	s26 =	sshll.u32 s8, $0x5;
	s18 =	smul.u32 $0x500, s8  }
0x9: {  	_ =	strace $0x8000004A;
	s5 =	smul.u32 $0x27100, s4;
	s19 =	ssub.s32 $0x2, s4  }
0xa: {  	s15 =	sor.u32 s4, s6;
	s25 =	sor.u32 $0x9C0, s6;
	s4 =	sshll.u32 s4, $0x4  }
0xb: {  	s20 =	sshrl.u32 s19, $0x1;
	s9 =	sshll.u32 s15, $0x4;
	s24 =	sshrl.u32 s17, $0x2  }
0xc: {  	p0 =	sgt.u32 s25, $0x9C3;
	s25 =	simm.s32 $0x1;
	s16 =	sadd.s32 s5, s0  }
0xd: {  	s0 =	ssub.s32 s19, s20;
	s5 =	sshrl.u32 s7, $0x4;
	s21 =	sadd.s32 s13, s9  }
0xe: {  	s22 =	sadd.s32 s14, s9;
	s23 =	sor.u32 $0x200, s9;
	s12 =	sor.u32 $0x400, s9  }
0xf: {  	s6 =	sadd.s32 s24, s2;
	s19 =	simm.s32 $0x5;
	[dreg:$0x4] =	wrdreg s21  }
0x10: {  	s20 =	simm.s32 $0x100;
	s24 =	simm.s32 $0x4200;
	[dreg:$0x5] =	wrdreg s22  }
0x11: {  	s0 =	smax.u32 s0, $0x1;
	s9 =	sadd.s32 s13, s23;
	s10 =	sadd.s32 s14, s23  }
0x12: {  	s11 =	sadd.s32 s13, s12;
	s12 =	sadd.s32 s14, s12;
	s14 =	sadd.s32 s26, s14  }
0x13: {  	s13 =	sadd.s32 s26, s13;
	s31 =	sadd.s32 s18, s16;
	s18 =	simm.s32 $0x8200  }
0x14: {  	s21 =	simm.s32 $0x80;
	s22 =	simm.s32 $0x200;
	s23 =	simm.s32 $0x180  }
0x15: {  	s26 =	simm.s32 $0x3;
	[dreg:$0x6] =	wrdreg s0;
	s0 =	sor.u32 $0x60, s15  }
0x16: {  	v0 =	vimm.f32 $0.0e+00;
	s15 =	sadd.s32 s4, s14;
	s16 =	sadd.s32 s4, s13;
	s17 =	sadd.s32 $0x523600, s31  }
.LBB2_1:
0x17: {  	s14 =	simm.s32 $0x0;
	s31 =	simm.s32 $0x200  }
.LBB2_2:
0x18: {  	p1 =	sne.s32 s31, $0x9E00;
	[tilespmem:s14+$0x8270] =	vst v0  }
0x19: {  	[tilespmem:s14+$0x8200] =	vst v0  }
0x1a: {  	[tilespmem:s14+$0x8210] =	vst v0  }
.Ltmp0:
0x1b: {  	[tilespmem:s14+$0x8220] =	vst v0;
	(pc) =	sbr.rel @p1 .LBB2_2-.Ltmp0, $4  }
0x1c: {  	[tilespmem:s14+$0x8230] =	vst v0  }
0x1d: {  	[tilespmem:s14+$0x8240] =	vst v0  }
0x1e: {  	[tilespmem:s14+$0x8250] =	vst v0  }
0x1f: {  	[tilespmem:s14+$0x8260] =	vst v0;
	s14 =	sshra.s32 s31, $0x2;
	s31 =	sadd.s32 $0x200, s31  }
0x20: {  	[tilespmem:s14+$0x8270] =	vst v0  }
0x21: {  	[tilespmem:s14+$0x8200] =	vst v0  }
0x22: {  	[tilespmem:s14+$0x8210] =	vst v0  }
0x23: {  	[tilespmem:s14+$0x8220] =	vst v0  }
0x24: {  	[tilespmem:s14+$0x8230] =	vst v0  }
0x25: {  	[tilespmem:s14+$0x8240] =	vst v0;
	p1 =	sne.s32 s5, $0x1  }
.Ltmp1:
0x26: {  	[tilespmem:s14+$0x8250] =	vst v0;
	(pc) =	sbr.rel @!p1 .LBB2_5-.Ltmp1, $4  }
0x27: {  	[tilespmem:s14+$0x8260] =	vst v0  }
0x28: {  	[spmem:s6] =	stream.linear.scatter [tilespmem:s18], [sflag:$0x5], $0x2800, $0x38;
	[tilespmem:$0x1E280] =	vst v63  }
0x29: {  	_ =	swait.ge [sflag:s19], $0x2800  }
0x2a: {  	s4 =	sadd.s32 $0xFFFFFFFF, s5;
	s13 =	smov.u32 s6;
	[sflag:s19] =	ssyncset.done $0x0  }
.LBB2_4:
0x2b: {  	p2 =	sne.s32 s4, $0x1;
	[sflag:s19] =	ssyncadd.s32 $0xFFFFD800;
	s13 =	sadd.s32 $0x28000, s13  }
.Ltmp2:
0x2c: {  	s4 =	sadd.s32 $0xFFFFFFFF, s4;
	(pc) =	sbr.rel @p2 .LBB2_4-.Ltmp2, $4  }
0x2d: {  	_ = 	snop  }
0x2e: {  	[spmem:s13] =	stream.linear.scatter [tilespmem:s18], [sflag:$0x5], $0x2800, $0x38;
	[tilespmem:$0x1E280] =	vst v63  }
0x2f: {  	_ =	swait.ge [sflag:s19], $0x2800  }
0x30: {  	[sflag:s19] =	ssyncset.done $0x0  }
.LBB2_5:
0x31: {  	[sflag:s19] =	ssyncadd.s32 $0xFFFFD800  }
0x32: {  	[bflag:$0x0] =	sbarrier.arrive $0xFFFF  }
0x33: {  	s4 =	simm.s32 $0x0;
	s7 =	rddreg [dreg:$0x4]  }
0x34: {  	[tilespmem:s4], [sflag:$0x5] =	stream.linear.gather [hbm4b:s7+s4], $0x80, $0x38;
	[tilespmem:$0x1E280] =	vst v63  }
0x35: {  	_ =	swait.ge [sflag:s19], $0x80  }
0x36: {  	[sflag:s19] =	ssyncset.done $0x0  }
0x37: {  	s8 =	rddreg [dreg:$0x5];
	[sflag:s19] =	ssyncadd.s32 $0xFFFFFF80  }
0x38: {  	[tilespmem:s20], [sflag:$0x5] =	stream.linear.gather [hbm4b:s8+s4], $0x80, $0x38;
	[tilespmem:$0x1E280] =	vst v63  }
0x39: {  	_ =	swait.ge [sflag:s19], $0x80  }
0x3a: {  	[sflag:s19] =	ssyncset.done $0x0  }
0x3b: {  	[sflag:s19] =	ssyncadd.s32 $0xFFFFFF80  }
0x3c: {  	[tilespmem:s22], [sflag:$0x1] =	stream.indirect.gather [hbm4b:s1+s21], $0x80, s4, s21, $0xb8;
	[tilespmem:$0x1E280] =	vst v63  }
0x3d: {  	_ = 	snop  }
0x3e: {  	[tilespmem:s21], [sflag:$0x5] =	stream.linear.gather [hbm4b:s9+s4], $0x80, $0x38;
	[tilespmem:$0x1E280] =	vst v63  }
0x3f: {  	_ =	swait.ge [sflag:s19], $0x80  }
0x40: {  	[sflag:s19] =	ssyncset.done $0x0  }
0x41: {  	[sflag:s19] =	ssyncadd.s32 $0xFFFFFF80  }
0x42: {  	[tilespmem:s23], [sflag:$0x5] =	stream.linear.gather [hbm4b:s10+s4], $0x80, $0x38;
	[tilespmem:$0x1E280] =	vst v63  }
0x43: {  	_ =	swait.ge [sflag:s19], $0x80  }
0x44: {  	[sflag:s19] =	ssyncset.done $0x0  }
0x45: {  	[sflag:s19] =	ssyncadd.s32 $0xFFFFFF80  }
0x46: {  	[tilespmem:s24], [sflag:$0x2] =	stream.indirect.gather [hbm4b:s1+s21], $0x80, s21, s21, $0xb8;
	[tilespmem:$0x1E280] =	vst v63  }
0x47: {  	_ =	swait.ge [sflag:s25], $0x4000  }
0x48: {  	[sflag:s25] =	ssyncset.done $0x0  }
0x49: {  	[sflag:s25] =	ssyncadd.s32 $0xFFFFC000  }
0x4a: {  	[spmem:s2] =	stream.indirect.scatter.add.f32 [tilespmem:s22], [sflag:$0x3], $0x80, s20, s21, $0xb8;
	[tilespmem:$0x1E280] =	vst v63  }
0x4b: {  	_ =	swait.ge [sflag:s26], $0x4000  }
0x4c: {  	[sflag:s26] =	ssyncset.done $0x0  }
0x4d: {  	[sflag:s26] =	ssyncadd.s32 $0xFFFFC000  }
0x4e: {  	[tilespmem:s4], [sflag:$0x5] =	stream.linear.gather [hbm4b:s11+s4], $0x80, $0x38;
	[tilespmem:$0x1E280] =	vst v63  }
0x4f: {  	_ =	swait.ge [sflag:s19], $0x80  }
0x50: {  	[sflag:s19] =	ssyncset.done $0x0  }
0x51: {  	[sflag:s19] =	ssyncadd.s32 $0xFFFFFF80  }
0x52: {  	[tilespmem:s20], [sflag:$0x5] =	stream.linear.gather [hbm4b:s12+s4], $0x80, $0x38;
	[tilespmem:$0x1E280] =	vst v63  }
0x53: {  	_ =	swait.ge [sflag:s19], $0x80  }
0x54: {  	[sflag:s19] =	ssyncset.done $0x0  }
0x55: {  	[sflag:s19] =	ssyncadd.s32 $0xFFFFFF80  }
0x56: {  	[tilespmem:s22], [sflag:$0x1] =	stream.indirect.gather [hbm4b:s1+s21], $0x80, s4, s21, $0xb8;
	[tilespmem:$0x1E280] =	vst v63  }
0x57: {  	_ =	swait.ge [sflag:s28], $0x4000  }
0x58: {  	[sflag:s28] =	ssyncset.done $0x0  }
0x59: {  	[sflag:s28] =	ssyncadd.s32 $0xFFFFC000  }
0x5a: {  	[spmem:s2] =	stream.indirect.scatter.add.f32 [tilespmem:s24], [sflag:$0x4], $0x80, s23, s21, $0xb8;
	[tilespmem:$0x1E280] =	vst v63  }
0x5b: {  	_ =	swait.ge [sflag:s29], $0x4000  }
0x5c: {  	s13 =	sadd.s32 $0x0, s16;
	[sflag:s29] =	ssyncset.done $0x0  }
0x5d: {  	s4 =	sadd.s32 $0x600, s13;
	[sflag:s29] =	ssyncadd.s32 $0xFFFFC000  }
0x5e: {  	[tilespmem:s21], [sflag:$0x5] =	stream.linear.gather [hbm4b:s4+s3], $0x80, $0x38;
	[tilespmem:$0x1E280] =	vst v63  }
0x5f: {  	_ =	swait.ge [sflag:s19], $0x80  }
0x60: {  	s14 =	sadd.s32 $0x0, s15;
	[sflag:s19] =	ssyncset.done $0x0  }
0x61: {  	s4 =	sadd.s32 $0x600, s14;
	[sflag:s19] =	ssyncadd.s32 $0xFFFFFF80  }
0x62: {  	[tilespmem:s23], [sflag:$0x5] =	stream.linear.gather [hbm4b:s4+s3], $0x80, $0x38;
	[tilespmem:$0x1E280] =	vst v63  }
0x63: {  	_ =	swait.ge [sflag:s19], $0x80  }
0x64: {  	[sflag:s19] =	ssyncset.done $0x0  }
0x65: {  	[sflag:s19] =	ssyncadd.s32 $0xFFFFFF80  }
0x66: {  	[tilespmem:s24], [sflag:$0x2] =	stream.indirect.gather [hbm4b:s1+s21], $0x80, s21, s21, $0xb8;
	[tilespmem:$0x1E280] =	vst v63  }
0x67: {  	_ =	swait.ge [sflag:s25], $0x4000  }
0x68: {  	p2 =	sgt.u32 s0, $0x9A3;
	[sflag:s25] =	ssyncset.done $0x0  }
0x69: {  	s4 =	simm.s32 @!p2 $0x3;
	[sflag:s25] =	ssyncadd.s32 $0xFFFFC000  }
0x6a: {  	[spmem:s2] =	stream.indirect.scatter.add.f32 [tilespmem:s22], [sflag:$0x3], $0x80, s20, s21, $0xb8;
	[tilespmem:$0x1E280] =	vst v63  }
0x6b: {  	s13 =	sadd.s32 @!p2 $0x0, s16;
	_ =	swait.ge @!p2 [sflag:s4], $0x4000  }
0x6c: {  	s13 =	sadd.s32 @!p2 $0x800, s13;
	[sflag:s4] =	ssyncset.done @!p2 $0x0  }
0x6d: {  	s14 =	simm.s32 @!p2 $0x0;
	[sflag:s4] =	ssyncadd.s32 @!p2 $0xFFFFC000;
	s4 =	simm.s32 @!p2 $0x5  }
0x6e: {  	[tilespmem:s14], [sflag:$0x5] =	stream.linear.gather @!p2 [hbm4b:s13+s14], $0x80, $0x38;
	[tilespmem:$0x1E280] =	vst v63  }
0x6f: {  	_ =	swait.ge @!p2 [sflag:s4], $0x80  }
0x70: {  	s13 =	sadd.s32 @!p2 $0x0, s15;
	[sflag:s4] =	ssyncset.done @!p2 $0x0  }
0x71: {  	s31 =	simm.s32 @!p2 $0x100;
	s13 =	sadd.s32 @!p2 $0x800, s13;
	[sflag:s4] =	ssyncadd.s32 @!p2 $0xFFFFFF80  }
0x72: {  	[tilespmem:s31], [sflag:$0x5] =	stream.linear.gather @!p2 [hbm4b:s13+s14], $0x80, $0x38;
	[tilespmem:$0x1E280] =	vst v63  }
0x73: {  	_ =	swait.ge @!p2 [sflag:s4], $0x80  }
0x74: {  	[sflag:s4] =	ssyncset.done @!p2 $0x0  }
0x75: {  	s13 =	simm.s32 @!p2 $0x200;
	[sflag:s4] =	ssyncadd.s32 @!p2 $0xFFFFFF80;
	s4 =	simm.s32 @!p2 $0x80  }
0x76: {  	[tilespmem:s13], [sflag:$0x1] =	stream.indirect.gather @!p2 [hbm4b:s1+s4], $0x80, s14, s4, $0xb8;
	[tilespmem:$0x1E280] =	vst v63  }
0x77: {  	_ =	swait.ge [sflag:s28], $0x4000  }
0x78: {  	s31 =	simm.s32 $0x400;
	s14 =	smov.u32 s0;
	[sflag:s28] =	ssyncset.done $0x0  }
.LBB2_6:
0x79: {  	[sflag:s28] =	ssyncadd.s32 $0xFFFFC000  }
0x7a: {  	s14 =	sadd.s32 $0x40, s14;
	s4 =	smov.u32 s31;
	s31 =	sadd.s32 $0x400, s31  }
0x7b: {  	[spmem:s2] =	stream.indirect.scatter.add.f32 [tilespmem:s24], [sflag:$0x4], $0x80, s23, s21, $0xb8;
	[tilespmem:$0x1E280] =	vst v63  }
0x7c: {  	s13 =	sadd.s32 s4, s16;
	p2 =	sne.s32 s31, $0x9800;
	_ =	swait.ge [sflag:s29], $0x4000  }
0x7d: {  	s13 =	sadd.s32 $0x600, s13;
	[sflag:s29] =	ssyncset.done $0x0  }
0x7e: {  	[sflag:s29] =	ssyncadd.s32 $0xFFFFC000  }
0x7f: {  	[tilespmem:s21], [sflag:$0x5] =	stream.linear.gather [hbm4b:s13+s3], $0x80, $0x38;
	[tilespmem:$0x1E280] =	vst v63  }
0x80: {  	s13 =	sadd.s32 s4, s15;
	_ =	swait.ge [sflag:s19], $0x80  }
0x81: {  	s13 =	sadd.s32 $0x600, s13;
	[sflag:s19] =	ssyncset.done $0x0  }
0x82: {  	[sflag:s19] =	ssyncadd.s32 $0xFFFFFF80  }
0x83: {  	[tilespmem:s23], [sflag:$0x5] =	stream.linear.gather [hbm4b:s13+s3], $0x80, $0x38;
	[tilespmem:$0x1E280] =	vst v63  }
0x84: {  	_ =	swait.ge [sflag:s19], $0x80  }
0x85: {  	[sflag:s19] =	ssyncset.done $0x0  }
0x86: {  	[sflag:s19] =	ssyncadd.s32 $0xFFFFFF80  }
0x87: {  	[tilespmem:s24], [sflag:$0x2] =	stream.indirect.gather [hbm4b:s1+s21], $0x80, s21, s21, $0xb8;
	[tilespmem:$0x1E280] =	vst v63  }
0x88: {  	_ =	swait.ge [sflag:s25], $0x4000  }
0x89: {  	p3 =	sgt.u32 s14, $0x9A3;
	[sflag:s25] =	ssyncset.done $0x0  }
0x8a: {  	s7 =	sadd.s32 @!p3 s4, s16;
	s13 =	simm.s32 @!p3 $0x3;
	[sflag:s25] =	ssyncadd.s32 $0xFFFFC000  }
0x8b: {  	[spmem:s2] =	stream.indirect.scatter.add.f32 [tilespmem:s22], [sflag:$0x3], $0x80, s20, s21, $0xb8;
	[tilespmem:$0x1E280] =	vst v63  }
0x8c: {  	s7 =	sadd.s32 @!p3 $0x800, s7;
	s4 =	sadd.s32 @!p3 s4, s15;
	_ =	swait.ge @!p3 [sflag:s13], $0x4000  }
0x8d: {  	s8 =	simm.s32 @!p3 $0x0;
	s4 =	sadd.s32 @!p3 $0x800, s4;
	[sflag:s13] =	ssyncset.done @!p3 $0x0  }
0x8e: {  	[sflag:s13] =	ssyncadd.s32 @!p3 $0xFFFFC000;
	s13 =	simm.s32 @!p3 $0x5  }
0x8f: {  	[tilespmem:s8], [sflag:$0x5] =	stream.linear.gather @!p3 [hbm4b:s7+s8], $0x80, $0x38;
	[tilespmem:$0x1E280] =	vst v63  }
0x90: {  	_ =	swait.ge @!p3 [sflag:s13], $0x80  }
0x91: {  	s7 =	simm.s32 @!p3 $0x100;
	[sflag:s13] =	ssyncset.done @!p3 $0x0  }
0x92: {  	[sflag:s13] =	ssyncadd.s32 @!p3 $0xFFFFFF80  }
0x93: {  	[tilespmem:s7], [sflag:$0x5] =	stream.linear.gather @!p3 [hbm4b:s4+s8], $0x80, $0x38;
	[tilespmem:$0x1E280] =	vst v63  }
0x94: {  	s4 =	simm.s32 @!p3 $0x200;
	_ =	swait.ge @!p3 [sflag:s13], $0x80  }
.Ltmp3:
0x95: {  	s7 =	simm.s32 @!p3 $0x80;
	[sflag:s13] =	ssyncset.done @!p3 $0x0;
	(pc) =	sbr.rel @p2 .LBB2_6-.Ltmp3, $4  }
0x96: {  	[sflag:s13] =	ssyncadd.s32 @!p3 $0xFFFFFF80  }
0x97: {  	[tilespmem:s4], [sflag:$0x1] =	stream.indirect.gather @!p3 [hbm4b:s1+s7], $0x80, s8, s7, $0xb8;
	[tilespmem:$0x1E280] =	vst v63  }
0x98: {  	_ =	swait.ge [sflag:s28], $0x4000  }
0x99: {  	[sflag:s28] =	ssyncset.done $0x0  }
0x9a: {  	[sflag:s28] =	ssyncadd.s32 $0xFFFFC000;
	s4 =	simm.s32 @!p0 $0x1  }
0x9b: {  	[spmem:s2] =	stream.indirect.scatter.add.f32 [tilespmem:s24], [sflag:$0x4], $0x80, s23, s21, $0xb8;
	[tilespmem:$0x1E280] =	vst v63  }
0x9c: {  	_ =	swait.ge @!p0 [sflag:s4], $0x4000  }
0x9d: {  	s7 =	simm.s32 @!p0 $0x100;
	[sflag:s4] =	ssyncset.done @!p0 $0x0  }
0x9e: {  	s8 =	simm.s32 @!p0 $0x200;
	[sflag:s4] =	ssyncadd.s32 @!p0 $0xFFFFC000;
	s4 =	simm.s32 @!p0 $0x80  }
0x9f: {  	[spmem:s2] =	stream.indirect.scatter.add.f32 @!p0 [tilespmem:s8], [sflag:$0x3], $0x80, s7, s4, $0xb8;
	[tilespmem:$0x1E280] =	vst v63  }
0xa0: {  	_ =	swait.ge [sflag:s26], $0x4000  }
0xa1: {  	[sflag:s26] =	ssyncset.done $0x0  }
0xa2: {  	[sflag:s26] =	ssyncadd.s32 $0xFFFFC000  }
0xa3: {  	_ =	swait.ge [sflag:s29], $0x4000  }
.Ltmp4:
0xa4: {  	s8 =	stileid.u32;
	[sflag:s29] =	ssyncset.done $0x0;
	(pc) =	sbr.rel @!p1 .LBB2_9-.Ltmp4, $4  }
0xa5: {  	s13 =	sshrl.u32 s6, $0x3;
	s4 =	sshll.u32 s8, $0x6;
	[sflag:s29] =	ssyncadd.s32 $0xFFFFC000  }
0xa6: {  	s31 =	sadd.s32 $0xFFFFFFFF, s5;
	s14 =	sor.u32 $0x1C05, s4;
	[bflag:$0x0] =	sbarrier.arrive $0xFFFF  }
0xa7: {  	[hbm:s17], [sflag:s14] =	dma.local [spmem:s13], $0x500  }
0xa8: {  	s4 =	sadd.s32 $0x5000, s17;
	s13 =	smov.u32 s6;
	_ =	swait.ge [sflag:s19], $0x500  }
.LBB2_8:
0xa9: {  	[sflag:s19] =	ssyncset.done $0x0;
	s13 =	sadd.s32 $0x28000, s13;
	p1 =	sne.s32 s31, $0x1  }
.Ltmp5:
0xaa: {  	s7 =	sshrl.u32 s13, $0x3;
	[sflag:s19] =	ssyncadd.s32 $0xFFFFFB00;
	(pc) =	sbr.rel @p1 .LBB2_8-.Ltmp5, $3  }
0xab: {  	[hbm:s4], [sflag:s14] =	dma.local [spmem:s7], $0x500  }
0xac: {  	s31 =	sadd.s32 $0xFFFFFFFF, s31;
	_ =	sdelay $0x1  }
0xad: {  	s4 =	sadd.s32 $0x5000, s4;
	_ =	swait.ge [sflag:s19], $0x500  }
.LBB2_9:
0xae: {  	s30 =	sadd.s32 $0x1, s30;
	s4 =	rddreg [dreg:$0x6]  }
0xaf: {  	p1 =	sne.s32 s30, s4  }
.Ltmp6:
0xb0: {  	_ = 	snop;
	(pc) =	sbr.rel @p1 .LBB2_1-.Ltmp6, $3  }
0xb1: {  	_ =	sdelay $0x1  }
0xb2: {  	[sflag:s19] =	ssyncset.done $0x0  }
0xb3: {  	[sflag:s19] =	ssyncadd.s32 $0xFFFFFB00  }
0xb4: {  	_ =	sfence.sel $0x180000  }
0xb5: {  	[bflag:$0x0] =	sbarrier.arrive $0xFFFF  }
0xb6: {  	_ =	strace $0x9000004A  }
0xb7: {  	s0 =	stileid.u32;
	[bflag:$0x2] =	sbarrier.arrive $0xFFFF  }
0xb8: {  	p0 =	sne.s32 s0, $0x0;
	s0 =	rddreg [dreg:$0x3]  }
0xb9: {  	s0 =	sadd.s32 @!p0 $0x100000, s0  }
0xba: {  	[sflag:s0] =	ssyncadd.tile.s32 @!p0 $0x1;
	_ =	shalt  }
.Lfunc_end2:
_tile_overlayer_lowered:
.L_overlay_start_2:
0xbb: {  	(tag) =	ssettag $0x2  }
0xbc: {  	s0 =	rddreg [dreg:$0x0];
	s2 =	stileid.u32  }
0xbd: {  	s1 =	rddreg [dreg:$0x1];
	p0 =	sne.s32 s2, $0x0  }
0xbe: {  	s3 =	rddreg [dreg:$0x2];
	[bflag:$0x3] =	sbarrier.arrive $0xFFFF;
	s2 =	simm.s32 @!p0 $0x1C05  }
0xbf: {  	[timem:s3], [sflag:s2] =	dma.local @!p0 [hbm:s0], s1  }
0xc0: {  	s0 =	simm.s32 @!p0 $0x5  }
0xc1: {  	_ =	swait.ge @!p0 [sflag:s0], s1  }
0xc2: {  	s1 =	ssub.s32 @!p0 $0x0, s1;
	[sflag:s0] =	ssyncset.done @!p0 $0x0  }
0xc3: {  	[sflag:s0] =	ssyncadd.s32 @!p0 s1  }
0xc4: {  	[bflag:$0x3] =	sbarrier.arrive $0xFFFF  }
0xc5: {  	_ =	shalt  }

</sc_bundles>
